<compile_context>
chip_gen: v7x
topology: tpu7x:2x2x1
jax: 0.10.2.dev20260603
libtpu: 0.0.44.dev20260713+nightly
codegen_flags: <defaults>
</compile_context>

<pallas_src>
import functools

import jax
import jax.numpy as jnp
from jax import lax
from jax.experimental import pallas as pl
from jax.experimental.pallas import tpu as pltpu
from jax.experimental.pallas import tpu_sc as plsc

N_NODES = 10000
N_EDGES = 320000
D = 128
NP = 10240
NC = 2
NS = 16
K = 80
NBLK = 16
NCH = NBLK * 8
EP = NC * NS * NCH * K
STRIPE = NP // NS


def _sc_cnt_build():
    mesh = plsc.VectorSubcoreMesh(core_axis_name="c", subcore_axis_name="s",
                                  num_cores=NC, num_subcores=NS)
    scratch = [
        pltpu.VMEM((NBLK, 8, K), jnp.int32),
        pltpu.VMEM((K,), jnp.float32),
        pltpu.VMEM((K,), jnp.float32),
        pltpu.VMEM_SHARED((NP,), jnp.float32),
    ]

    @functools.partial(
        pl.kernel, out_type=jax.ShapeDtypeStruct((NC * NP,), jnp.float32),
        mesh=mesh, scratch_types=scratch)
    def cnt_kernel(dst_hbm, cnt_out, dst_v, ones_v, zero_v, cnt_sh):
        c = lax.axis_index("c")
        s = lax.axis_index("s")
        ones16 = jnp.ones((16,), jnp.float32)
        zero16 = jnp.zeros((16,), jnp.float32)

        def fill(r, _):
            ones_v[pl.ds(r * 16, 16)] = ones16
            zero_v[pl.ds(r * 16, 16)] = zero16
            return 0
        lax.fori_loop(0, K // 16, fill, 0)
        pltpu.sync_copy(dst_hbm.at[c, s], dst_v)
        for r in range(STRIPE // K):
            pltpu.sync_copy(zero_v,
                            cnt_sh.at[pl.ds(s * STRIPE + r * K, K)])
        plsc.subcore_barrier()

        def step(q, _):
            for r in range(8):
                pltpu.sync_copy(ones_v, cnt_sh.at[dst_v.at[q, r]], add=True)
            return 0
        lax.fori_loop(0, NBLK, step, 0)
        plsc.subcore_barrier()
        pltpu.sync_copy(cnt_sh.at[pl.ds(s * STRIPE, STRIPE)],
                        cnt_out.at[pl.ds(c * NP + s * STRIPE, STRIPE)])

    return cnt_kernel


def _sc_agg_build():
    mesh = plsc.VectorSubcoreMesh(core_axis_name="c", subcore_axis_name="s",
                                  num_cores=NC, num_subcores=NS)
    scratch = [
        pltpu.VMEM((8, K), jnp.int32),
        pltpu.VMEM((8, K), jnp.int32),
        pltpu.VMEM((8, K), jnp.int32),
        pltpu.VMEM((8, K), jnp.int32),
        pltpu.VMEM((K, D), jnp.float32),
        pltpu.VMEM((K, D), jnp.float32),
        pltpu.VMEM((K, D), jnp.float32),
        pltpu.VMEM((K, D), jnp.float32),
        pltpu.SemaphoreType.DMA,
        pltpu.SemaphoreType.DMA,
        pltpu.SemaphoreType.DMA,
        pltpu.SemaphoreType.DMA,
        pltpu.SemaphoreType.DMA,
        pltpu.SemaphoreType.DMA,
        pltpu.SemaphoreType.DMA,
        pltpu.SemaphoreType.DMA,
        pltpu.SemaphoreType.DMA,
        pltpu.SemaphoreType.DMA,
        pltpu.VMEM_SHARED((NP, D), jnp.float32),
    ]

    @functools.partial(
        pl.kernel, out_type=jax.ShapeDtypeStruct((NC, NP, D), jnp.float32),
        mesh=mesh, scratch_types=scratch)
    def agg_kernel(feat_hbm, srcidx_hbm, dst_hbm, agg_out,
                   sb0, sb1, db0, db1, rows0, rows1, rows2, rows3,
                   sidx0, sidx1, sg0, sg1, sg2, sg3,
                   ss0, ss1, ss2, ss3, agg_sh):
        c = lax.axis_index("c")
        s = lax.axis_index("s")
        zero16 = jnp.zeros((16,), jnp.float32)
        sb = (sb0, sb1)
        db = (db0, db1)
        rows = (rows0, rows1, rows2, rows3)
        sg = (sg0, sg1, sg2, sg3)
        ss = (ss0, ss1, ss2, ss3)
        sidx = (sidx0, sidx1)

        def zero_rows(r, _):
            for q in range(D // 16):
                rows0[r, pl.ds(q * 16, 16)] = zero16
            return 0
        lax.fori_loop(0, K, zero_rows, 0)
        pltpu.async_copy(srcidx_hbm.at[c, s, 0], sb0, sidx0)
        pltpu.async_copy(dst_hbm.at[c, s, 0], db0, sidx0)
        pltpu.async_copy(srcidx_hbm.at[c, s, 1], sb1, sidx1)
        pltpu.make_async_copy(srcidx_hbm.at[c, s, 0], sb0, sidx0).wait()
        pltpu.make_async_copy(dst_hbm.at[c, s, 0], db0, sidx0).wait()
        pltpu.async_copy(feat_hbm.at[sb0.at[0]], rows2, sg2)
        pltpu.async_copy(feat_hbm.at[sb0.at[1]], rows3, sg3)
        for r in range(STRIPE // K):
            pltpu.sync_copy(rows0, agg_sh.at[pl.ds(s * STRIPE + r * K, K)])
        plsc.subcore_barrier()

        def do_block(q, slot, first, last):
            oslot = 1 - slot
            for r in range(8):
                j = q * 8 + r
                b = (r + 2) % 4
                b2 = r % 4
                slot2 = slot if r < 6 else oslot
                r2 = (r + 2) % 8
                if r == 2 and not last:
                    pltpu.async_copy(dst_hbm.at[c, s, q + 1], db[oslot],
                                     sidx[oslot])
                if r == 5 and not last:
                    pltpu.make_async_copy(srcidx_hbm.at[c, s, q + 1],
                                          sb[oslot], sidx[oslot]).wait()
                    pltpu.make_async_copy(dst_hbm.at[c, s, q + 1],
                                          db[oslot], sidx[oslot]).wait()
                pltpu.make_async_copy(feat_hbm.at[sb[slot].at[r]], rows[b],
                                      sg[b]).wait()
                pltpu.async_copy(rows[b], agg_sh.at[db[slot].at[r]], ss[b],
                                 add=True)
                if not (first and r < 2):
                    pltpu.make_async_copy(rows[b2],
                                          agg_sh.at[db[slot].at[r]],
                                          ss[b2]).wait()
                if not (last and r >= 6):
                    pltpu.async_copy(feat_hbm.at[sb[slot2].at[r2]], rows[b2],
                                     sg[b2])
                if r == 7 and not last:
                    @pl.when(q + 2 < NBLK)
                    def _():
                        pltpu.async_copy(srcidx_hbm.at[c, s, q + 2],
                                         sb[slot], sidx[slot])

        do_block(0, 0, True, False)

        def step(g, _):
            do_block(2 * g + 1, 1, False, False)
            do_block(2 * g + 2, 0, False, False)
            return 0
        lax.fori_loop(0, (NBLK - 2) // 2, step, 0)
        do_block(NBLK - 1, 1, False, True)

        for b in (0, 1):
            pltpu.make_async_copy(rows[b], agg_sh.at[db[1].at[b]],
                                  ss[b]).wait()

        plsc.subcore_barrier()
        pltpu.sync_copy(agg_sh.at[pl.ds(s * STRIPE, STRIPE)],
                        agg_out.at[c, pl.ds(s * STRIPE, STRIPE)])

    return agg_kernel


_sc_cnt = _sc_cnt_build()
_sc_agg = _sc_agg_build()


def _make_tc_lin(relu: bool):
    BLK = 1000

    def body(agg_ref, cnt_ref, x_ref, wl_ref, bl_ref, wr_ref, o_ref):
        inv = 1.0 / jnp.maximum(cnt_ref[...], 1.0)
        a = (agg_ref[0] + agg_ref[1]) * inv
        dn = (((1,), (1,)), ((), ()))
        y = lax.dot_general(a, wl_ref[...], dn,
                            precision=lax.Precision.HIGHEST,
                            preferred_element_type=jnp.float32)
        y = y + lax.dot_general(x_ref[...], wr_ref[...], dn,
                                precision=lax.Precision.HIGHEST,
                                preferred_element_type=jnp.float32)
        y = y + bl_ref[...]
        if relu:
            y = jnp.maximum(y, 0.0)
        o_ref[...] = y

    return pl.pallas_call(
        body,
        grid=(N_NODES // BLK,),
        in_specs=[
            pl.BlockSpec((NC, BLK, D), lambda i: (0, i, 0)),
            pl.BlockSpec((BLK, 1), lambda i: (i, 0)),
            pl.BlockSpec((BLK, D), lambda i: (i, 0)),
            pl.BlockSpec((D, D), lambda i: (0, 0)),
            pl.BlockSpec((1, D), lambda i: (0, 0)),
            pl.BlockSpec((D, D), lambda i: (0, 0)),
        ],
        out_specs=pl.BlockSpec((BLK, D), lambda i: (i, 0)),
        out_shape=jax.ShapeDtypeStruct((N_NODES, D), jnp.float32),
    )


_tc_lin_relu = _make_tc_lin(relu=True)
_tc_lin = _make_tc_lin(relu=False)


def kernel(x, edge_index, W1l, b1l, W1r, W2l, b2l, W2r):
    src = edge_index[0].astype(jnp.int32)
    dst = edge_index[1].astype(jnp.int32)
    pad = EP - N_EDGES
    src_p = jnp.concatenate([src, jnp.zeros((pad,), jnp.int32)])
    dst_p = jnp.concatenate([dst, jnp.full((pad,), NP - 1, jnp.int32)])
    srcidx = src_p.reshape(NC, NS, NBLK, 8, K)
    dstidx = dst_p.reshape(NC, NS, NBLK, 8, K)

    cnt_raw = _sc_cnt(dstidx)
    cnt = (cnt_raw[:NP] + cnt_raw[NP:]).reshape(NP, 1)
    agg1 = _sc_agg(x, srcidx, dstidx)
    h = _tc_lin_relu(agg1, cnt, x, W1l, b1l.reshape(1, D), W1r)
    agg2 = _sc_agg(h, srcidx, dstidx)
    out = _tc_lin(agg2, cnt, h, W2l, b2l.reshape(1, D), W2r)
    return out

# --- scband reference (transcript-rebuilt; emitter-appended) ---
"""Pipeline reference for scband-sage-gen-69286412419513 (READ-ONLY COPY).

The authoritative reference and input builder live on the scoring server;
editing this copy changes nothing except your own understanding.
"""

import jax, jax.numpy as jnp
import numpy as np

N_NODES = 10000
N_EDGES = 320000
D_IN = 128
D_HID = 128
D_OUT = 128


def setup_inputs(seed: int = 0) -> dict:
    key = jax.random.key(seed)
    ks = jax.random.split(key, 8)
    x = jax.random.normal(ks[0], (N_NODES, D_IN), dtype=jnp.float32)
    edge_index = jax.random.randint(ks[1], (2, N_EDGES), 0, N_NODES, dtype=jnp.int64 if jax.config.jax_enable_x64 else jnp.int32)
    s = 1.0 / np.sqrt(D_IN)
    W1l = jax.random.uniform(ks[2], (D_HID, D_IN), minval=-s, maxval=s, dtype=jnp.float32)
    b1l = jnp.zeros((D_HID,), dtype=jnp.float32)
    W1r = jax.random.uniform(ks[3], (D_HID, D_IN), minval=-s, maxval=s, dtype=jnp.float32)
    s2 = 1.0 / np.sqrt(D_HID)
    W2l = jax.random.uniform(ks[4], (D_OUT, D_HID), minval=-s2, maxval=s2, dtype=jnp.float32)
    b2l = jnp.zeros((D_OUT,), dtype=jnp.float32)
    W2r = jax.random.uniform(ks[5], (D_OUT, D_HID), minval=-s2, maxval=s2, dtype=jnp.float32)
    return {"x": x, "edge_index": edge_index, "W1l": W1l, "b1l": b1l, "W1r": W1r, "W2l": W2l, "b2l": b2l, "W2r": W2r}


def _sage_conv(x, src, dst, Wl, bl, Wr, n_nodes):
    # message: gather source node features along each edge
    msgs = jnp.take(x, src, axis=0)
    # mean aggregation at destination nodes
    agg = jax.ops.segment_sum(msgs, dst, num_segments=n_nodes)
    cnt = jax.ops.segment_sum(jnp.ones((src.shape[0],), dtype=x.dtype), dst, num_segments=n_nodes)
    mean = agg / jnp.clip(cnt, 1.0, None)[:, None]
    # lin_l(aggr) + lin_r(x) with bias on lin_l (PyG SAGEConv semantics)
    return mean @ Wl.T + bl + x @ Wr.T


def reference(x, edge_index, W1l, b1l, W1r, W2l, b2l, W2r):
    src = edge_index[0]
    dst = edge_index[1]
    h = _sage_conv(x, src, dst, W1l, b1l, W1r, N_NODES)
    h = jax.nn.relu(h)
    out = _sage_conv(h, src, dst, W2l, b2l, W2r, N_NODES)
    return out

if __name__ == "__main__":
    import jax
    _d = setup_inputs()
    print(jax.jit(kernel)(*tuple(_d.values())))

</pallas_src>

<mosaic_0001>
#map = affine_map<(d0, d1) -> (0, 0, 0, 0, 0)>
#map1 = affine_map<(d0, d1) -> (0)>
module attributes {stable_mosaic.version = 14 : i64} {
  func.func @cnt_kernel(%arg0: i32, %arg1: i32, %arg2: memref<2x16x16x8x80xi32, #tpu.memory_space<hbm>>, %arg3: memref<20480xf32, #tpu.memory_space<hbm>>, %arg4: memref<16x8x80xi32, #tpu.memory_space<vmem>>, %arg5: memref<80xf32, #tpu.memory_space<vmem>>, %arg6: memref<80xf32, #tpu.memory_space<vmem>>, %arg7: memref<10240xf32, #tpu.memory_space<vmem_shared>>) attributes {dimension_semantics = [#tpu.dimension_semantics<core_parallel>, #tpu.dimension_semantics<subcore_parallel>], iteration_bounds = array<i64: 2, 16>, scalar_prefetch = 0 : i64, scratch_operands = 4 : i64, tpu.core_type = #tpu.core_type<sc_vector_subcore>, window_params = [{transform_indices = #map}, {transform_indices = #map1}]} {
    %broadcast_in_dim3A = arith.constant 1.000000e+00 : f32
    %broadcast_in_dim3A_0 = vector.broadcast %broadcast_in_dim3A : f32 to vector<16xf32>
    %broadcast_in_dim3A_1 = arith.constant 0.000000e+00 : f32
    %broadcast_in_dim3A_2 = vector.broadcast %broadcast_in_dim3A_1 : f32 to vector<16xf32>
    %scan3A = arith.constant 0 : i32
    %scan3A_3 = arith.constant 0 : i32
    %scan3A_4 = arith.constant 5 : i32
    %scan3A_5 = arith.addi %scan3A_3, %scan3A_4 : i32
    %scan3A_6 = arith.constant 1 : i32
    %scan3A_7 = scf.for %scan3A_54 = %scan3A_3 to %scan3A_5 step %scan3A_6 iter_args(%scan3A_55 = %scan3A) -> (i32)  : i32 {
      %mul3A_56 = arith.constant 16 : i32
      %mul3A_57 = arith.muli %scan3A_54, %mul3A_56 : i32
      %swap3A = arith.index_cast %mul3A_57 : i32 to index
      %swap3A_58 = tpu.vector_load %arg5[%swap3A] {strides = array<i32>} : memref<80xf32, #tpu.memory_space<vmem>>, vector<16xf32>,
      %swap3A_59 = vector.shape_cast %swap3A_58 : vector<16xf32> to vector<16xf32>
      %swap3A_60 = vector.shape_cast %broadcast_in_dim3A_0 : vector<16xf32> to vector<16xf32>
      tpu.vector_store %arg5[%swap3A], %swap3A_60 {strides = array<i32>} : memref<80xf32, #tpu.memory_space<vmem>>, vector<16xf32>,
      %mul3A_61 = arith.constant 16 : i32
      %mul3A_62 = arith.muli %scan3A_54, %mul3A_61 : i32
      %swap3A_63 = arith.index_cast %mul3A_62 : i32 to index
      %swap3A_64 = tpu.vector_load %arg6[%swap3A_63] {strides = array<i32>} : memref<80xf32, #tpu.memory_space<vmem>>, vector<16xf32>,
      %swap3A_65 = vector.shape_cast %swap3A_64 : vector<16xf32> to vector<16xf32>
      %swap3A_66 = vector.shape_cast %broadcast_in_dim3A_2 : vector<16xf32> to vector<16xf32>
      tpu.vector_store %arg6[%swap3A_63], %swap3A_66 {strides = array<i32>} : memref<80xf32, #tpu.memory_space<vmem>>, vector<16xf32>,
      %scan3A_67 = arith.constant 0 : i32
      scf.yield %scan3A_67 : i32
    }
    %scan3A_8 = arith.constant 5 : i32
    "tpu.region"() ({
      %run_scoped3A = tpu.sem_alloc : memref<!tpu.dma_semaphore, #tpu.memory_space<semaphore_mem>>
      %dma_start3A = arith.constant 0 : i32
      %dma_start3A_54 = arith.constant 0 : i32
      %dma_start3A_55 = arith.constant 0 : i32
      %dma_start3A_56 = tpu.memref_slice %arg2[%arg0, %arg1, %dma_start3A, %dma_start3A_54, %dma_start3A_55] : memref<2x16x16x8x80xi32, #tpu.memory_space<hbm>> -> memref<1x1x16x8x80xi32, #tpu.memory_space<hbm>>
      %dma_start3A_57 = tpu.memref_squeeze %dma_start3A_56 : memref<1x1x16x8x80xi32, #tpu.memory_space<hbm>> -> memref<16x8x80xi32, #tpu.memory_space<hbm>>
      %dma_start3A_58 = arith.constant 0 : i32
      %dma_start3A_59 = arith.constant 0 : i32
      %dma_start3A_60 = arith.constant 0 : i32
      %dma_start3A_61 = tpu.memref_slice %arg2[%arg0, %arg1, %dma_start3A_58, %dma_start3A_59, %dma_start3A_60] : memref<2x16x16x8x80xi32, #tpu.memory_space<hbm>> -> memref<1x1x16x8x80xi32, #tpu.memory_space<hbm>>
      %dma_start3A_62 = tpu.memref_squeeze %dma_start3A_61 : memref<1x1x16x8x80xi32, #tpu.memory_space<hbm>> -> memref<16x8x80xi32, #tpu.memory_space<hbm>>
      tpu.enqueue_dma source(%dma_start3A_62 : memref<16x8x80xi32, #tpu.memory_space<hbm>>) target(%arg4 : memref<16x8x80xi32, #tpu.memory_space<vmem>>) target_semaphore(%run_scoped3A : memref<!tpu.dma_semaphore, #tpu.memory_space<semaphore_mem>>)
      %dma_wait3A = arith.constant 0 : i32
      %dma_wait3A_63 = arith.constant 0 : i32
      %dma_wait3A_64 = arith.constant 0 : i32
      %dma_wait3A_65 = tpu.memref_slice %arg2[%arg0, %arg1, %dma_wait3A, %dma_wait3A_63, %dma_wait3A_64] : memref<2x16x16x8x80xi32, #tpu.memory_space<hbm>> -> memref<1x1x16x8x80xi32, #tpu.memory_space<hbm>>
      %dma_wait3A_66 = tpu.memref_squeeze %dma_wait3A_65 : memref<1x1x16x8x80xi32, #tpu.memory_space<hbm>> -> memref<16x8x80xi32, #tpu.memory_space<hbm>>
      %dma_wait3A_67 = arith.constant 0 : i32
      %dma_wait3A_68 = arith.constant 0 : i32
      %dma_wait3A_69 = arith.constant 0 : i32
      %dma_wait3A_70 = tpu.memref_slice %arg2[%arg0, %arg1, %dma_wait3A_67, %dma_wait3A_68, %dma_wait3A_69] : memref<2x16x16x8x80xi32, #tpu.memory_space<hbm>> -> memref<1x1x16x8x80xi32, #tpu.memory_space<hbm>>
      %dma_wait3A_71 = tpu.memref_squeeze %dma_wait3A_70 : memref<1x1x16x8x80xi32, #tpu.memory_space<hbm>> -> memref<16x8x80xi32, #tpu.memory_space<hbm>>
      tpu.wait_dma2 semaphore(%run_scoped3A : memref<!tpu.dma_semaphore, #tpu.memory_space<semaphore_mem>>) src(%dma_wait3A_71 : memref<16x8x80xi32, #tpu.memory_space<hbm>>) dst(%arg4 : memref<16x8x80xi32, #tpu.memory_space<vmem>>)
      tpu.yield
    }) : () -> ()
    %mul3A = arith.constant 640 : i32
    %mul3A_9 = arith.muli %arg1, %mul3A : i32
    %add3A = arith.constant 0 : i32
    %add3A_10 = arith.addi %mul3A_9, %add3A : i32
    "tpu.region"() ({
      %run_scoped3A = tpu.sem_alloc : memref<!tpu.dma_semaphore, #tpu.memory_space<semaphore_mem>>
      %dma_start3A = tpu.memref_slice %arg7[%add3A_10] : memref<10240xf32, #tpu.memory_space<vmem_shared>> -> memref<80xf32, #tpu.memory_space<vmem_shared>>
      %dma_start3A_54 = tpu.memref_slice %arg7[%add3A_10] : memref<10240xf32, #tpu.memory_space<vmem_shared>> -> memref<80xf32, #tpu.memory_space<vmem_shared>>
      tpu.enqueue_dma source(%arg6 : memref<80xf32, #tpu.memory_space<vmem>>) target(%dma_start3A_54 : memref<80xf32, #tpu.memory_space<vmem_shared>>) target_semaphore(%run_scoped3A : memref<!tpu.dma_semaphore, #tpu.memory_space<semaphore_mem>>)
      %dma_wait3A = tpu.memref_slice %arg7[%add3A_10] : memref<10240xf32, #tpu.memory_space<vmem_shared>> -> memref<80xf32, #tpu.memory_space<vmem_shared>>
      %dma_wait3A_55 = tpu.memref_slice %arg7[%add3A_10] : memref<10240xf32, #tpu.memory_space<vmem_shared>> -> memref<80xf32, #tpu.memory_space<vmem_shared>>
      tpu.wait_dma2 semaphore(%run_scoped3A : memref<!tpu.dma_semaphore, #tpu.memory_space<semaphore_mem>>) src(%arg6 : memref<80xf32, #tpu.memory_space<vmem>>) dst(%dma_wait3A_55 : memref<80xf32, #tpu.memory_space<vmem_shared>>)
      tpu.yield
    }) : () -> ()
    %mul3A_11 = arith.constant 640 : i32
    %mul3A_12 = arith.muli %arg1, %mul3A_11 : i32
    %add3A_13 = arith.constant 80 : i32
    %add3A_14 = arith.addi %mul3A_12, %add3A_13 : i32
    "tpu.region"() ({
      %run_scoped3A = tpu.sem_alloc : memref<!tpu.dma_semaphore, #tpu.memory_space<semaphore_mem>>
      %dma_start3A = tpu.memref_slice %arg7[%add3A_14] : memref<10240xf32, #tpu.memory_space<vmem_shared>> -> memref<80xf32, #tpu.memory_space<vmem_shared>>
      %dma_start3A_54 = tpu.memref_slice %arg7[%add3A_14] : memref<10240xf32, #tpu.memory_space<vmem_shared>> -> memref<80xf32, #tpu.memory_space<vmem_shared>>
      tpu.enqueue_dma source(%arg6 : memref<80xf32, #tpu.memory_space<vmem>>) target(%dma_start3A_54 : memref<80xf32, #tpu.memory_space<vmem_shared>>) target_semaphore(%run_scoped3A : memref<!tpu.dma_semaphore, #tpu.memory_space<semaphore_mem>>)
      %dma_wait3A = tpu.memref_slice %arg7[%add3A_14] : memref<10240xf32, #tpu.memory_space<vmem_shared>> -> memref<80xf32, #tpu.memory_space<vmem_shared>>
      %dma_wait3A_55 = tpu.memref_slice %arg7[%add3A_14] : memref<10240xf32, #tpu.memory_space<vmem_shared>> -> memref<80xf32, #tpu.memory_space<vmem_shared>>
      tpu.wait_dma2 semaphore(%run_scoped3A : memref<!tpu.dma_semaphore, #tpu.memory_space<semaphore_mem>>) src(%arg6 : memref<80xf32, #tpu.memory_space<vmem>>) dst(%dma_wait3A_55 : memref<80xf32, #tpu.memory_space<vmem_shared>>)
      tpu.yield
    }) : () -> ()
    %mul3A_15 = arith.constant 640 : i32
    %mul3A_16 = arith.muli %arg1, %mul3A_15 : i32
    %add3A_17 = arith.constant 160 : i32
    %add3A_18 = arith.addi %mul3A_16, %add3A_17 : i32
    "tpu.region"() ({
      %run_scoped3A = tpu.sem_alloc : memref<!tpu.dma_semaphore, #tpu.memory_space<semaphore_mem>>
      %dma_start3A = tpu.memref_slice %arg7[%add3A_18] : memref<10240xf32, #tpu.memory_space<vmem_shared>> -> memref<80xf32, #tpu.memory_space<vmem_shared>>
      %dma_start3A_54 = tpu.memref_slice %arg7[%add3A_18] : memref<10240xf32, #tpu.memory_space<vmem_shared>> -> memref<80xf32, #tpu.memory_space<vmem_shared>>
      tpu.enqueue_dma source(%arg6 : memref<80xf32, #tpu.memory_space<vmem>>) target(%dma_start3A_54 : memref<80xf32, #tpu.memory_space<vmem_shared>>) target_semaphore(%run_scoped3A : memref<!tpu.dma_semaphore, #tpu.memory_space<semaphore_mem>>)
      %dma_wait3A = tpu.memref_slice %arg7[%add3A_18] : memref<10240xf32, #tpu.memory_space<vmem_shared>> -> memref<80xf32, #tpu.memory_space<vmem_shared>>
      %dma_wait3A_55 = tpu.memref_slice %arg7[%add3A_18] : memref<10240xf32, #tpu.memory_space<vmem_shared>> -> memref<80xf32, #tpu.memory_space<vmem_shared>>
      tpu.wait_dma2 semaphore(%run_scoped3A : memref<!tpu.dma_semaphore, #tpu.memory_space<semaphore_mem>>) src(%arg6 : memref<80xf32, #tpu.memory_space<vmem>>) dst(%dma_wait3A_55 : memref<80xf32, #tpu.memory_space<vmem_shared>>)
      tpu.yield
    }) : () -> ()
    %mul3A_19 = arith.constant 640 : i32
    %mul3A_20 = arith.muli %arg1, %mul3A_19 : i32
    %add3A_21 = arith.constant 240 : i32
    %add3A_22 = arith.addi %mul3A_20, %add3A_21 : i32
    "tpu.region"() ({
      %run_scoped3A = tpu.sem_alloc : memref<!tpu.dma_semaphore, #tpu.memory_space<semaphore_mem>>
      %dma_start3A = tpu.memref_slice %arg7[%add3A_22] : memref<10240xf32, #tpu.memory_space<vmem_shared>> -> memref<80xf32, #tpu.memory_space<vmem_shared>>
      %dma_start3A_54 = tpu.memref_slice %arg7[%add3A_22] : memref<10240xf32, #tpu.memory_space<vmem_shared>> -> memref<80xf32, #tpu.memory_space<vmem_shared>>
      tpu.enqueue_dma source(%arg6 : memref<80xf32, #tpu.memory_space<vmem>>) target(%dma_start3A_54 : memref<80xf32, #tpu.memory_space<vmem_shared>>) target_semaphore(%run_scoped3A : memref<!tpu.dma_semaphore, #tpu.memory_space<semaphore_mem>>)
      %dma_wait3A = tpu.memref_slice %arg7[%add3A_22] : memref<10240xf32, #tpu.memory_space<vmem_shared>> -> memref<80xf32, #tpu.memory_space<vmem_shared>>
      %dma_wait3A_55 = tpu.memref_slice %arg7[%add3A_22] : memref<10240xf32, #tpu.memory_space<vmem_shared>> -> memref<80xf32, #tpu.memory_space<vmem_shared>>
      tpu.wait_dma2 semaphore(%run_scoped3A : memref<!tpu.dma_semaphore, #tpu.memory_space<semaphore_mem>>) src(%arg6 : memref<80xf32, #tpu.memory_space<vmem>>) dst(%dma_wait3A_55 : memref<80xf32, #tpu.memory_space<vmem_shared>>)
      tpu.yield
    }) : () -> ()
    %mul3A_23 = arith.constant 640 : i32
    %mul3A_24 = arith.muli %arg1, %mul3A_23 : i32
    %add3A_25 = arith.constant 320 : i32
    %add3A_26 = arith.addi %mul3A_24, %add3A_25 : i32
    "tpu.region"() ({
      %run_scoped3A = tpu.sem_alloc : memref<!tpu.dma_semaphore, #tpu.memory_space<semaphore_mem>>
      %dma_start3A = tpu.memref_slice %arg7[%add3A_26] : memref<10240xf32, #tpu.memory_space<vmem_shared>> -> memref<80xf32, #tpu.memory_space<vmem_shared>>
      %dma_start3A_54 = tpu.memref_slice %arg7[%add3A_26] : memref<10240xf32, #tpu.memory_space<vmem_shared>> -> memref<80xf32, #tpu.memory_space<vmem_shared>>
      tpu.enqueue_dma source(%arg6 : memref<80xf32, #tpu.memory_space<vmem>>) target(%dma_start3A_54 : memref<80xf32, #tpu.memory_space<vmem_shared>>) target_semaphore(%run_scoped3A : memref<!tpu.dma_semaphore, #tpu.memory_space<semaphore_mem>>)
      %dma_wait3A = tpu.memref_slice %arg7[%add3A_26] : memref<10240xf32, #tpu.memory_space<vmem_shared>> -> memref<80xf32, #tpu.memory_space<vmem_shared>>
      %dma_wait3A_55 = tpu.memref_slice %arg7[%add3A_26] : memref<10240xf32, #tpu.memory_space<vmem_shared>> -> memref<80xf32, #tpu.memory_space<vmem_shared>>
      tpu.wait_dma2 semaphore(%run_scoped3A : memref<!tpu.dma_semaphore, #tpu.memory_space<semaphore_mem>>) src(%arg6 : memref<80xf32, #tpu.memory_space<vmem>>) dst(%dma_wait3A_55 : memref<80xf32, #tpu.memory_space<vmem_shared>>)
      tpu.yield
    }) : () -> ()
    %mul3A_27 = arith.constant 640 : i32
    %mul3A_28 = arith.muli %arg1, %mul3A_27 : i32
    %add3A_29 = arith.constant 400 : i32
    %add3A_30 = arith.addi %mul3A_28, %add3A_29 : i32
    "tpu.region"() ({
      %run_scoped3A = tpu.sem_alloc : memref<!tpu.dma_semaphore, #tpu.memory_space<semaphore_mem>>
      %dma_start3A = tpu.memref_slice %arg7[%add3A_30] : memref<10240xf32, #tpu.memory_space<vmem_shared>> -> memref<80xf32, #tpu.memory_space<vmem_shared>>
      %dma_start3A_54 = tpu.memref_slice %arg7[%add3A_30] : memref<10240xf32, #tpu.memory_space<vmem_shared>> -> memref<80xf32, #tpu.memory_space<vmem_shared>>
      tpu.enqueue_dma source(%arg6 : memref<80xf32, #tpu.memory_space<vmem>>) target(%dma_start3A_54 : memref<80xf32, #tpu.memory_space<vmem_shared>>) target_semaphore(%run_scoped3A : memref<!tpu.dma_semaphore, #tpu.memory_space<semaphore_mem>>)
      %dma_wait3A = tpu.memref_slice %arg7[%add3A_30] : memref<10240xf32, #tpu.memory_space<vmem_shared>> -> memref<80xf32, #tpu.memory_space<vmem_shared>>
      %dma_wait3A_55 = tpu.memref_slice %arg7[%add3A_30] : memref<10240xf32, #tpu.memory_space<vmem_shared>> -> memref<80xf32, #tpu.memory_space<vmem_shared>>
      tpu.wait_dma2 semaphore(%run_scoped3A : memref<!tpu.dma_semaphore, #tpu.memory_space<semaphore_mem>>) src(%arg6 : memref<80xf32, #tpu.memory_space<vmem>>) dst(%dma_wait3A_55 : memref<80xf32, #tpu.memory_space<vmem_shared>>)
      tpu.yield
    }) : () -> ()
    %mul3A_31 = arith.constant 640 : i32
    %mul3A_32 = arith.muli %arg1, %mul3A_31 : i32
    %add3A_33 = arith.constant 480 : i32
    %add3A_34 = arith.addi %mul3A_32, %add3A_33 : i32
    "tpu.region"() ({
      %run_scoped3A = tpu.sem_alloc : memref<!tpu.dma_semaphore, #tpu.memory_space<semaphore_mem>>
      %dma_start3A = tpu.memref_slice %arg7[%add3A_34] : memref<10240xf32, #tpu.memory_space<vmem_shared>> -> memref<80xf32, #tpu.memory_space<vmem_shared>>
      %dma_start3A_54 = tpu.memref_slice %arg7[%add3A_34] : memref<10240xf32, #tpu.memory_space<vmem_shared>> -> memref<80xf32, #tpu.memory_space<vmem_shared>>
      tpu.enqueue_dma source(%arg6 : memref<80xf32, #tpu.memory_space<vmem>>) target(%dma_start3A_54 : memref<80xf32, #tpu.memory_space<vmem_shared>>) target_semaphore(%run_scoped3A : memref<!tpu.dma_semaphore, #tpu.memory_space<semaphore_mem>>)
      %dma_wait3A = tpu.memref_slice %arg7[%add3A_34] : memref<10240xf32, #tpu.memory_space<vmem_shared>> -> memref<80xf32, #tpu.memory_space<vmem_shared>>
      %dma_wait3A_55 = tpu.memref_slice %arg7[%add3A_34] : memref<10240xf32, #tpu.memory_space<vmem_shared>> -> memref<80xf32, #tpu.memory_space<vmem_shared>>
      tpu.wait_dma2 semaphore(%run_scoped3A : memref<!tpu.dma_semaphore, #tpu.memory_space<semaphore_mem>>) src(%arg6 : memref<80xf32, #tpu.memory_space<vmem>>) dst(%dma_wait3A_55 : memref<80xf32, #tpu.memory_space<vmem_shared>>)
      tpu.yield
    }) : () -> ()
    %mul3A_35 = arith.constant 640 : i32
    %mul3A_36 = arith.muli %arg1, %mul3A_35 : i32
    %add3A_37 = arith.constant 560 : i32
    %add3A_38 = arith.addi %mul3A_36, %add3A_37 : i32
    "tpu.region"() ({
      %run_scoped3A = tpu.sem_alloc : memref<!tpu.dma_semaphore, #tpu.memory_space<semaphore_mem>>
      %dma_start3A = tpu.memref_slice %arg7[%add3A_38] : memref<10240xf32, #tpu.memory_space<vmem_shared>> -> memref<80xf32, #tpu.memory_space<vmem_shared>>
      %dma_start3A_54 = tpu.memref_slice %arg7[%add3A_38] : memref<10240xf32, #tpu.memory_space<vmem_shared>> -> memref<80xf32, #tpu.memory_space<vmem_shared>>
      tpu.enqueue_dma source(%arg6 : memref<80xf32, #tpu.memory_space<vmem>>) target(%dma_start3A_54 : memref<80xf32, #tpu.memory_space<vmem_shared>>) target_semaphore(%run_scoped3A : memref<!tpu.dma_semaphore, #tpu.memory_space<semaphore_mem>>)
      %dma_wait3A = tpu.memref_slice %arg7[%add3A_38] : memref<10240xf32, #tpu.memory_space<vmem_shared>> -> memref<80xf32, #tpu.memory_space<vmem_shared>>
      %dma_wait3A_55 = tpu.memref_slice %arg7[%add3A_38] : memref<10240xf32, #tpu.memory_space<vmem_shared>> -> memref<80xf32, #tpu.memory_space<vmem_shared>>
      tpu.wait_dma2 semaphore(%run_scoped3A : memref<!tpu.dma_semaphore, #tpu.memory_space<semaphore_mem>>) src(%arg6 : memref<80xf32, #tpu.memory_space<vmem>>) dst(%dma_wait3A_55 : memref<80xf32, #tpu.memory_space<vmem_shared>>)
      tpu.yield
    }) : () -> ()
    %barrier3A = arith.constant 0 : index
    tpu.barrier barrier_id(%barrier3A)
    %scan3A_39 = arith.constant 0 : i32
    %scan3A_40 = arith.constant 0 : i32
    %scan3A_41 = arith.constant 16 : i32
    %scan3A_42 = arith.addi %scan3A_40, %scan3A_41 : i32
    %scan3A_43 = arith.constant 1 : i32
    %scan3A_44 = scf.for %scan3A_54 = %scan3A_40 to %scan3A_42 step %scan3A_43 iter_args(%scan3A_55 = %scan3A_39) -> (i32)  : i32 {
      %run_scoped3A = arith.constant 0 : i32
      "tpu.region"() ({
        %run_scoped3A_64 = tpu.sem_alloc : memref<!tpu.dma_semaphore, #tpu.memory_space<semaphore_mem>>
        %dma_start3A = arith.constant 0 : i32
        %dma_start3A_65 = tpu.memref_slice %arg4[%scan3A_54, %run_scoped3A, %dma_start3A] : memref<16x8x80xi32, #tpu.memory_space<vmem>> -> memref<1x1x80xi32, #tpu.memory_space<vmem>>
        %dma_start3A_66 = tpu.memref_squeeze %dma_start3A_65 : memref<1x1x80xi32, #tpu.memory_space<vmem>> -> memref<80xi32, #tpu.memory_space<vmem>>
        %dma_start3A_67 = arith.constant 0 : i32
        %dma_start3A_68 = tpu.memref_slice %arg7[%dma_start3A_67] : memref<10240xf32, #tpu.memory_space<vmem_shared>> -> memref<10240xf32, #tpu.memory_space<vmem_shared>>
        tpu.enqueue_indirect_dma source(%arg5 : memref<80xf32, #tpu.memory_space<vmem>>) target(%dma_start3A_68 : memref<10240xf32, #tpu.memory_space<vmem_shared>>) offsets(%dma_start3A_66 : memref<80xi32, #tpu.memory_space<vmem>>) semaphore(%run_scoped3A_64 : memref<!tpu.dma_semaphore, #tpu.memory_space<semaphore_mem>>) {add = true}
        %dma_wait3A = arith.constant 0 : i32
        %dma_wait3A_69 = tpu.memref_slice %arg4[%scan3A_54, %run_scoped3A, %dma_wait3A] : memref<16x8x80xi32, #tpu.memory_space<vmem>> -> memref<1x1x80xi32, #tpu.memory_space<vmem>>
        %dma_wait3A_70 = tpu.memref_squeeze %dma_wait3A_69 : memref<1x1x80xi32, #tpu.memory_space<vmem>> -> memref<80xi32, #tpu.memory_space<vmem>>
        %dma_wait3A_71 = arith.constant 0 : i32
        %dma_wait3A_72 = tpu.memref_slice %arg7[%dma_wait3A_71] : memref<10240xf32, #tpu.memory_space<vmem_shared>> -> memref<10240xf32, #tpu.memory_space<vmem_shared>>
        tpu.wait_indirect_dma semaphore(%run_scoped3A_64 : memref<!tpu.dma_semaphore, #tpu.memory_space<semaphore_mem>>) src(%arg5 : memref<80xf32, #tpu.memory_space<vmem>>) dst(%dma_wait3A_72 : memref<10240xf32, #tpu.memory_space<vmem_shared>>)
        tpu.yield
      }) : () -> ()
      %run_scoped3A_56 = arith.constant 1 : i32
      "tpu.region"() ({
        %run_scoped3A_64 = tpu.sem_alloc : memref<!tpu.dma_semaphore, #tpu.memory_space<semaphore_mem>>
        %dma_start3A = arith.constant 0 : i32
        %dma_start3A_65 = tpu.memref_slice %arg4[%scan3A_54, %run_scoped3A_56, %dma_start3A] : memref<16x8x80xi32, #tpu.memory_space<vmem>> -> memref<1x1x80xi32, #tpu.memory_space<vmem>>
        %dma_start3A_66 = tpu.memref_squeeze %dma_start3A_65 : memref<1x1x80xi32, #tpu.memory_space<vmem>> -> memref<80xi32, #tpu.memory_space<vmem>>
        %dma_start3A_67 = arith.constant 0 : i32
        %dma_start3A_68 = tpu.memref_slice %arg7[%dma_start3A_67] : memref<10240xf32, #tpu.memory_space<vmem_shared>> -> memref<10240xf32, #tpu.memory_space<vmem_shared>>
        tpu.enqueue_indirect_dma source(%arg5 : memref<80xf32, #tpu.memory_space<vmem>>) target(%dma_start3A_68 : memref<10240xf32, #tpu.memory_space<vmem_shared>>) offsets(%dma_start3A_66 : memref<80xi32, #tpu.memory_space<vmem>>) semaphore(%run_scoped3A_64 : memref<!tpu.dma_semaphore, #tpu.memory_space<semaphore_mem>>) {add = true}
        %dma_wait3A = arith.constant 0 : i32
        %dma_wait3A_69 = tpu.memref_slice %arg4[%scan3A_54, %run_scoped3A_56, %dma_wait3A] : memref<16x8x80xi32, #tpu.memory_space<vmem>> -> memref<1x1x80xi32, #tpu.memory_space<vmem>>
        %dma_wait3A_70 = tpu.memref_squeeze %dma_wait3A_69 : memref<1x1x80xi32, #tpu.memory_space<vmem>> -> memref<80xi32, #tpu.memory_space<vmem>>
        %dma_wait3A_71 = arith.constant 0 : i32
        %dma_wait3A_72 = tpu.memref_slice %arg7[%dma_wait3A_71] : memref<10240xf32, #tpu.memory_space<vmem_shared>> -> memref<10240xf32, #tpu.memory_space<vmem_shared>>
        tpu.wait_indirect_dma semaphore(%run_scoped3A_64 : memref<!tpu.dma_semaphore, #tpu.memory_space<semaphore_mem>>) src(%arg5 : memref<80xf32, #tpu.memory_space<vmem>>) dst(%dma_wait3A_72 : memref<10240xf32, #tpu.memory_space<vmem_shared>>)
        tpu.yield
      }) : () -> ()
      %run_scoped3A_57 = arith.constant 2 : i32
      "tpu.region"() ({
        %run_scoped3A_64 = tpu.sem_alloc : memref<!tpu.dma_semaphore, #tpu.memory_space<semaphore_mem>>
        %dma_start3A = arith.constant 0 : i32
        %dma_start3A_65 = tpu.memref_slice %arg4[%scan3A_54, %run_scoped3A_57, %dma_start3A] : memref<16x8x80xi32, #tpu.memory_space<vmem>> -> memref<1x1x80xi32, #tpu.memory_space<vmem>>
        %dma_start3A_66 = tpu.memref_squeeze %dma_start3A_65 : memref<1x1x80xi32, #tpu.memory_space<vmem>> -> memref<80xi32, #tpu.memory_space<vmem>>
        %dma_start3A_67 = arith.constant 0 : i32
        %dma_start3A_68 = tpu.memref_slice %arg7[%dma_start3A_67] : memref<10240xf32, #tpu.memory_space<vmem_shared>> -> memref<10240xf32, #tpu.memory_space<vmem_shared>>
        tpu.enqueue_indirect_dma source(%arg5 : memref<80xf32, #tpu.memory_space<vmem>>) target(%dma_start3A_68 : memref<10240xf32, #tpu.memory_space<vmem_shared>>) offsets(%dma_start3A_66 : memref<80xi32, #tpu.memory_space<vmem>>) semaphore(%run_scoped3A_64 : memref<!tpu.dma_semaphore, #tpu.memory_space<semaphore_mem>>) {add = true}
        %dma_wait3A = arith.constant 0 : i32
        %dma_wait3A_69 = tpu.memref_slice %arg4[%scan3A_54, %run_scoped3A_57, %dma_wait3A] : memref<16x8x80xi32, #tpu.memory_space<vmem>> -> memref<1x1x80xi32, #tpu.memory_space<vmem>>
        %dma_wait3A_70 = tpu.memref_squeeze %dma_wait3A_69 : memref<1x1x80xi32, #tpu.memory_space<vmem>> -> memref<80xi32, #tpu.memory_space<vmem>>
        %dma_wait3A_71 = arith.constant 0 : i32
        %dma_wait3A_72 = tpu.memref_slice %arg7[%dma_wait3A_71] : memref<10240xf32, #tpu.memory_space<vmem_shared>> -> memref<10240xf32, #tpu.memory_space<vmem_shared>>
        tpu.wait_indirect_dma semaphore(%run_scoped3A_64 : memref<!tpu.dma_semaphore, #tpu.memory_space<semaphore_mem>>) src(%arg5 : memref<80xf32, #tpu.memory_space<vmem>>) dst(%dma_wait3A_72 : memref<10240xf32, #tpu.memory_space<vmem_shared>>)
        tpu.yield
      }) : () -> ()
      %run_scoped3A_58 = arith.constant 3 : i32
      "tpu.region"() ({
        %run_scoped3A_64 = tpu.sem_alloc : memref<!tpu.dma_semaphore, #tpu.memory_space<semaphore_mem>>
        %dma_start3A = arith.constant 0 : i32
        %dma_start3A_65 = tpu.memref_slice %arg4[%scan3A_54, %run_scoped3A_58, %dma_start3A] : memref<16x8x80xi32, #tpu.memory_space<vmem>> -> memref<1x1x80xi32, #tpu.memory_space<vmem>>
        %dma_start3A_66 = tpu.memref_squeeze %dma_start3A_65 : memref<1x1x80xi32, #tpu.memory_space<vmem>> -> memref<80xi32, #tpu.memory_space<vmem>>
        %dma_start3A_67 = arith.constant 0 : i32
        %dma_start3A_68 = tpu.memref_slice %arg7[%dma_start3A_67] : memref<10240xf32, #tpu.memory_space<vmem_shared>> -> memref<10240xf32, #tpu.memory_space<vmem_shared>>
        tpu.enqueue_indirect_dma source(%arg5 : memref<80xf32, #tpu.memory_space<vmem>>) target(%dma_start3A_68 : memref<10240xf32, #tpu.memory_space<vmem_shared>>) offsets(%dma_start3A_66 : memref<80xi32, #tpu.memory_space<vmem>>) semaphore(%run_scoped3A_64 : memref<!tpu.dma_semaphore, #tpu.memory_space<semaphore_mem>>) {add = true}
        %dma_wait3A = arith.constant 0 : i32
        %dma_wait3A_69 = tpu.memref_slice %arg4[%scan3A_54, %run_scoped3A_58, %dma_wait3A] : memref<16x8x80xi32, #tpu.memory_space<vmem>> -> memref<1x1x80xi32, #tpu.memory_space<vmem>>
        %dma_wait3A_70 = tpu.memref_squeeze %dma_wait3A_69 : memref<1x1x80xi32, #tpu.memory_space<vmem>> -> memref<80xi32, #tpu.memory_space<vmem>>
        %dma_wait3A_71 = arith.constant 0 : i32
        %dma_wait3A_72 = tpu.memref_slice %arg7[%dma_wait3A_71] : memref<10240xf32, #tpu.memory_space<vmem_shared>> -> memref<10240xf32, #tpu.memory_space<vmem_shared>>
        tpu.wait_indirect_dma semaphore(%run_scoped3A_64 : memref<!tpu.dma_semaphore, #tpu.memory_space<semaphore_mem>>) src(%arg5 : memref<80xf32, #tpu.memory_space<vmem>>) dst(%dma_wait3A_72 : memref<10240xf32, #tpu.memory_space<vmem_shared>>)
        tpu.yield
      }) : () -> ()
      %run_scoped3A_59 = arith.constant 4 : i32
      "tpu.region"() ({
        %run_scoped3A_64 = tpu.sem_alloc : memref<!tpu.dma_semaphore, #tpu.memory_space<semaphore_mem>>
        %dma_start3A = arith.constant 0 : i32
        %dma_start3A_65 = tpu.memref_slice %arg4[%scan3A_54, %run_scoped3A_59, %dma_start3A] : memref<16x8x80xi32, #tpu.memory_space<vmem>> -> memref<1x1x80xi32, #tpu.memory_space<vmem>>
        %dma_start3A_66 = tpu.memref_squeeze %dma_start3A_65 : memref<1x1x80xi32, #tpu.memory_space<vmem>> -> memref<80xi32, #tpu.memory_space<vmem>>
        %dma_start3A_67 = arith.constant 0 : i32
        %dma_start3A_68 = tpu.memref_slice %arg7[%dma_start3A_67] : memref<10240xf32, #tpu.memory_space<vmem_shared>> -> memref<10240xf32, #tpu.memory_space<vmem_shared>>
        tpu.enqueue_indirect_dma source(%arg5 : memref<80xf32, #tpu.memory_space<vmem>>) target(%dma_start3A_68 : memref<10240xf32, #tpu.memory_space<vmem_shared>>) offsets(%dma_start3A_66 : memref<80xi32, #tpu.memory_space<vmem>>) semaphore(%run_scoped3A_64 : memref<!tpu.dma_semaphore, #tpu.memory_space<semaphore_mem>>) {add = true}
        %dma_wait3A = arith.constant 0 : i32
        %dma_wait3A_69 = tpu.memref_slice %arg4[%scan3A_54, %run_scoped3A_59, %dma_wait3A] : memref<16x8x80xi32, #tpu.memory_space<vmem>> -> memref<1x1x80xi32, #tpu.memory_space<vmem>>
        %dma_wait3A_70 = tpu.memref_squeeze %dma_wait3A_69 : memref<1x1x80xi32, #tpu.memory_space<vmem>> -> memref<80xi32, #tpu.memory_space<vmem>>
        %dma_wait3A_71 = arith.constant 0 : i32
        %dma_wait3A_72 = tpu.memref_slice %arg7[%dma_wait3A_71] : memref<10240xf32, #tpu.memory_space<vmem_shared>> -> memref<10240xf32, #tpu.memory_space<vmem_shared>>
        tpu.wait_indirect_dma semaphore(%run_scoped3A_64 : memref<!tpu.dma_semaphore, #tpu.memory_space<semaphore_mem>>) src(%arg5 : memref<80xf32, #tpu.memory_space<vmem>>) dst(%dma_wait3A_72 : memref<10240xf32, #tpu.memory_space<vmem_shared>>)
        tpu.yield
      }) : () -> ()
      %run_scoped3A_60 = arith.constant 5 : i32
      "tpu.region"() ({
        %run_scoped3A_64 = tpu.sem_alloc : memref<!tpu.dma_semaphore, #tpu.memory_space<semaphore_mem>>
        %dma_start3A = arith.constant 0 : i32
        %dma_start3A_65 = tpu.memref_slice %arg4[%scan3A_54, %run_scoped3A_60, %dma_start3A] : memref<16x8x80xi32, #tpu.memory_space<vmem>> -> memref<1x1x80xi32, #tpu.memory_space<vmem>>
        %dma_start3A_66 = tpu.memref_squeeze %dma_start3A_65 : memref<1x1x80xi32, #tpu.memory_space<vmem>> -> memref<80xi32, #tpu.memory_space<vmem>>
        %dma_start3A_67 = arith.constant 0 : i32
        %dma_start3A_68 = tpu.memref_slice %arg7[%dma_start3A_67] : memref<10240xf32, #tpu.memory_space<vmem_shared>> -> memref<10240xf32, #tpu.memory_space<vmem_shared>>
        tpu.enqueue_indirect_dma source(%arg5 : memref<80xf32, #tpu.memory_space<vmem>>) target(%dma_start3A_68 : memref<10240xf32, #tpu.memory_space<vmem_shared>>) offsets(%dma_start3A_66 : memref<80xi32, #tpu.memory_space<vmem>>) semaphore(%run_scoped3A_64 : memref<!tpu.dma_semaphore, #tpu.memory_space<semaphore_mem>>) {add = true}
        %dma_wait3A = arith.constant 0 : i32
        %dma_wait3A_69 = tpu.memref_slice %arg4[%scan3A_54, %run_scoped3A_60, %dma_wait3A] : memref<16x8x80xi32, #tpu.memory_space<vmem>> -> memref<1x1x80xi32, #tpu.memory_space<vmem>>
        %dma_wait3A_70 = tpu.memref_squeeze %dma_wait3A_69 : memref<1x1x80xi32, #tpu.memory_space<vmem>> -> memref<80xi32, #tpu.memory_space<vmem>>
        %dma_wait3A_71 = arith.constant 0 : i32
        %dma_wait3A_72 = tpu.memref_slice %arg7[%dma_wait3A_71] : memref<10240xf32, #tpu.memory_space<vmem_shared>> -> memref<10240xf32, #tpu.memory_space<vmem_shared>>
        tpu.wait_indirect_dma semaphore(%run_scoped3A_64 : memref<!tpu.dma_semaphore, #tpu.memory_space<semaphore_mem>>) src(%arg5 : memref<80xf32, #tpu.memory_space<vmem>>) dst(%dma_wait3A_72 : memref<10240xf32, #tpu.memory_space<vmem_shared>>)
        tpu.yield
      }) : () -> ()
      %run_scoped3A_61 = arith.constant 6 : i32
      "tpu.region"() ({
        %run_scoped3A_64 = tpu.sem_alloc : memref<!tpu.dma_semaphore, #tpu.memory_space<semaphore_mem>>
        %dma_start3A = arith.constant 0 : i32
        %dma_start3A_65 = tpu.memref_slice %arg4[%scan3A_54, %run_scoped3A_61, %dma_start3A] : memref<16x8x80xi32, #tpu.memory_space<vmem>> -> memref<1x1x80xi32, #tpu.memory_space<vmem>>
        %dma_start3A_66 = tpu.memref_squeeze %dma_start3A_65 : memref<1x1x80xi32, #tpu.memory_space<vmem>> -> memref<80xi32, #tpu.memory_space<vmem>>
        %dma_start3A_67 = arith.constant 0 : i32
        %dma_start3A_68 = tpu.memref_slice %arg7[%dma_start3A_67] : memref<10240xf32, #tpu.memory_space<vmem_shared>> -> memref<10240xf32, #tpu.memory_space<vmem_shared>>
        tpu.enqueue_indirect_dma source(%arg5 : memref<80xf32, #tpu.memory_space<vmem>>) target(%dma_start3A_68 : memref<10240xf32, #tpu.memory_space<vmem_shared>>) offsets(%dma_start3A_66 : memref<80xi32, #tpu.memory_space<vmem>>) semaphore(%run_scoped3A_64 : memref<!tpu.dma_semaphore, #tpu.memory_space<semaphore_mem>>) {add = true}
        %dma_wait3A = arith.constant 0 : i32
        %dma_wait3A_69 = tpu.memref_slice %arg4[%scan3A_54, %run_scoped3A_61, %dma_wait3A] : memref<16x8x80xi32, #tpu.memory_space<vmem>> -> memref<1x1x80xi32, #tpu.memory_space<vmem>>
        %dma_wait3A_70 = tpu.memref_squeeze %dma_wait3A_69 : memref<1x1x80xi32, #tpu.memory_space<vmem>> -> memref<80xi32, #tpu.memory_space<vmem>>
        %dma_wait3A_71 = arith.constant 0 : i32
        %dma_wait3A_72 = tpu.memref_slice %arg7[%dma_wait3A_71] : memref<10240xf32, #tpu.memory_space<vmem_shared>> -> memref<10240xf32, #tpu.memory_space<vmem_shared>>
        tpu.wait_indirect_dma semaphore(%run_scoped3A_64 : memref<!tpu.dma_semaphore, #tpu.memory_space<semaphore_mem>>) src(%arg5 : memref<80xf32, #tpu.memory_space<vmem>>) dst(%dma_wait3A_72 : memref<10240xf32, #tpu.memory_space<vmem_shared>>)
        tpu.yield
      }) : () -> ()
      %run_scoped3A_62 = arith.constant 7 : i32
      "tpu.region"() ({
        %run_scoped3A_64 = tpu.sem_alloc : memref<!tpu.dma_semaphore, #tpu.memory_space<semaphore_mem>>
        %dma_start3A = arith.constant 0 : i32
        %dma_start3A_65 = tpu.memref_slice %arg4[%scan3A_54, %run_scoped3A_62, %dma_start3A] : memref<16x8x80xi32, #tpu.memory_space<vmem>> -> memref<1x1x80xi32, #tpu.memory_space<vmem>>
        %dma_start3A_66 = tpu.memref_squeeze %dma_start3A_65 : memref<1x1x80xi32, #tpu.memory_space<vmem>> -> memref<80xi32, #tpu.memory_space<vmem>>
        %dma_start3A_67 = arith.constant 0 : i32
        %dma_start3A_68 = tpu.memref_slice %arg7[%dma_start3A_67] : memref<10240xf32, #tpu.memory_space<vmem_shared>> -> memref<10240xf32, #tpu.memory_space<vmem_shared>>
        tpu.enqueue_indirect_dma source(%arg5 : memref<80xf32, #tpu.memory_space<vmem>>) target(%dma_start3A_68 : memref<10240xf32, #tpu.memory_space<vmem_shared>>) offsets(%dma_start3A_66 : memref<80xi32, #tpu.memory_space<vmem>>) semaphore(%run_scoped3A_64 : memref<!tpu.dma_semaphore, #tpu.memory_space<semaphore_mem>>) {add = true}
        %dma_wait3A = arith.constant 0 : i32
        %dma_wait3A_69 = tpu.memref_slice %arg4[%scan3A_54, %run_scoped3A_62, %dma_wait3A] : memref<16x8x80xi32, #tpu.memory_space<vmem>> -> memref<1x1x80xi32, #tpu.memory_space<vmem>>
        %dma_wait3A_70 = tpu.memref_squeeze %dma_wait3A_69 : memref<1x1x80xi32, #tpu.memory_space<vmem>> -> memref<80xi32, #tpu.memory_space<vmem>>
        %dma_wait3A_71 = arith.constant 0 : i32
        %dma_wait3A_72 = tpu.memref_slice %arg7[%dma_wait3A_71] : memref<10240xf32, #tpu.memory_space<vmem_shared>> -> memref<10240xf32, #tpu.memory_space<vmem_shared>>
        tpu.wait_indirect_dma semaphore(%run_scoped3A_64 : memref<!tpu.dma_semaphore, #tpu.memory_space<semaphore_mem>>) src(%arg5 : memref<80xf32, #tpu.memory_space<vmem>>) dst(%dma_wait3A_72 : memref<10240xf32, #tpu.memory_space<vmem_shared>>)
        tpu.yield
      }) : () -> ()
      %scan3A_63 = arith.constant 0 : i32
      scf.yield %scan3A_63 : i32
    }
    %scan3A_45 = arith.constant 16 : i32
    %barrier3A_46 = arith.constant 0 : index
    tpu.barrier barrier_id(%barrier3A_46)
    %mul3A_47 = arith.constant 640 : i32
    %mul3A_48 = arith.muli %arg1, %mul3A_47 : i32
    %mul3A_49 = arith.constant 10240 : i32
    %mul3A_50 = arith.muli %arg0, %mul3A_49 : i32
    %mul3A_51 = arith.constant 640 : i32
    %mul3A_52 = arith.muli %arg1, %mul3A_51 : i32
    %add3A_53 = arith.addi %mul3A_50, %mul3A_52 : i32
    "tpu.region"() ({
      %run_scoped3A = tpu.sem_alloc : memref<!tpu.dma_semaphore, #tpu.memory_space<semaphore_mem>>
      %dma_start3A = tpu.memref_slice %arg3[%add3A_53] : memref<20480xf32, #tpu.memory_space<hbm>> -> memref<640xf32, #tpu.memory_space<hbm>>
      %dma_start3A_54 = tpu.memref_slice %arg7[%mul3A_48] : memref<10240xf32, #tpu.memory_space<vmem_shared>> -> memref<640xf32, #tpu.memory_space<vmem_shared>>
      tpu.enqueue_dma source(%dma_start3A_54 : memref<640xf32, #tpu.memory_space<vmem_shared>>) target(%dma_start3A : memref<640xf32, #tpu.memory_space<hbm>>) target_semaphore(%run_scoped3A : memref<!tpu.dma_semaphore, #tpu.memory_space<semaphore_mem>>)
      %dma_wait3A = tpu.memref_slice %arg3[%add3A_53] : memref<20480xf32, #tpu.memory_space<hbm>> -> memref<640xf32, #tpu.memory_space<hbm>>
      %dma_wait3A_55 = tpu.memref_slice %arg7[%mul3A_48] : memref<10240xf32, #tpu.memory_space<vmem_shared>> -> memref<640xf32, #tpu.memory_space<vmem_shared>>
      tpu.wait_dma2 semaphore(%run_scoped3A : memref<!tpu.dma_semaphore, #tpu.memory_space<semaphore_mem>>) src(%dma_wait3A_55 : memref<640xf32, #tpu.memory_space<vmem_shared>>) dst(%dma_wait3A : memref<640xf32, #tpu.memory_space<hbm>>)
      tpu.yield
    }) : () -> ()
    return
  }
}

#map = affine_map<(d0, d1) -> (0, 0)>
#map1 = affine_map<(d0, d1) -> (0, 0, 0, 0, 0)>
#map2 = affine_map<(d0, d1) -> (0, 0, 0)>
module attributes {stable_mosaic.version = 14 : i64} {
  func.func @agg_kernel(%arg0: i32, %arg1: i32, %arg2: memref<10000x128xf32, #tpu.memory_space<hbm>>, %arg3: memref<2x16x16x8x80xi32, #tpu.memory_space<hbm>>, %arg4: memref<2x16x16x8x80xi32, #tpu.memory_space<hbm>>, %arg5: memref<2x10240x128xf32, #tpu.memory_space<hbm>>, %arg6: memref<8x80xi32, #tpu.memory_space<vmem>>, %arg7: memref<8x80xi32, #tpu.memory_space<vmem>>, %arg8: memref<8x80xi32, #tpu.memory_space<vmem>>, %arg9: memref<8x80xi32, #tpu.memory_space<vmem>>, %arg10: memref<80x128xf32, #tpu.memory_space<vmem>>, %arg11: memref<80x128xf32, #tpu.memory_space<vmem>>, %arg12: memref<80x128xf32, #tpu.memory_space<vmem>>, %arg13: memref<80x128xf32, #tpu.memory_space<vmem>>, %arg14: memref<!tpu.dma_semaphore, #tpu.memory_space<semaphore_mem>>, %arg15: memref<!tpu.dma_semaphore, #tpu.memory_space<semaphore_mem>>, %arg16: memref<!tpu.dma_semaphore, #tpu.memory_space<semaphore_mem>>, %arg17: memref<!tpu.dma_semaphore, #tpu.memory_space<semaphore_mem>>, %arg18: memref<!tpu.dma_semaphore, #tpu.memory_space<semaphore_mem>>, %arg19: memref<!tpu.dma_semaphore, #tpu.memory_space<semaphore_mem>>, %arg20: memref<!tpu.dma_semaphore, #tpu.memory_space<semaphore_mem>>, %arg21: memref<!tpu.dma_semaphore, #tpu.memory_space<semaphore_mem>>, %arg22: memref<!tpu.dma_semaphore, #tpu.memory_space<semaphore_mem>>, %arg23: memref<!tpu.dma_semaphore, #tpu.memory_space<semaphore_mem>>, %arg24: memref<10240x128xf32, #tpu.memory_space<vmem_shared>>) attributes {dimension_semantics = [#tpu.dimension_semantics<core_parallel>, #tpu.dimension_semantics<subcore_parallel>], iteration_bounds = array<i64: 2, 16>, scalar_prefetch = 0 : i64, scratch_operands = 19 : i64, tpu.core_type = #tpu.core_type<sc_vector_subcore>, window_params = [{transform_indices = #map}, {transform_indices = #map1}, {transform_indices = #map1}, {transform_indices = #map2}]} {
    %broadcast_in_dim3A = arith.constant 0.000000e+00 : f32
    %broadcast_in_dim3A_0 = vector.broadcast %broadcast_in_dim3A : f32 to vector<16xf32>
    %scan3A = arith.constant 0 : i32
    %scan3A_1 = arith.constant 0 : i32
    %scan3A_2 = arith.constant 80 : i32
    %scan3A_3 = arith.addi %scan3A_1, %scan3A_2 : i32
    %scan3A_4 = arith.constant 1 : i32
    %scan3A_5 = scf.for %scan3A_576 = %scan3A_1 to %scan3A_3 step %scan3A_4 iter_args(%scan3A_577 = %scan3A) -> (i32)  : i32 {
      %swap3A = arith.index_cast %scan3A_576 : i32 to index
      %swap3A_578 = arith.constant 0 : index
      %swap3A_579 = tpu.vector_load %arg10[%swap3A, %swap3A_578] {strides = array<i32>} : memref<80x128xf32, #tpu.memory_space<vmem>>, vector<1x16xf32>,
      %swap3A_580 = vector.shape_cast %swap3A_579 : vector<1x16xf32> to vector<16xf32>
      %swap3A_581 = vector.shape_cast %broadcast_in_dim3A_0 : vector<16xf32> to vector<1x16xf32>
      tpu.vector_store %arg10[%swap3A, %swap3A_578], %swap3A_581 {strides = array<i32>} : memref<80x128xf32, #tpu.memory_space<vmem>>, vector<1x16xf32>,
      %swap3A_582 = arith.index_cast %scan3A_576 : i32 to index
      %swap3A_583 = arith.constant 16 : index
      %swap3A_584 = tpu.vector_load %arg10[%swap3A_582, %swap3A_583] {strides = array<i32>} : memref<80x128xf32, #tpu.memory_space<vmem>>, vector<1x16xf32>,
      %swap3A_585 = vector.shape_cast %swap3A_584 : vector<1x16xf32> to vector<16xf32>
      %swap3A_586 = vector.shape_cast %broadcast_in_dim3A_0 : vector<16xf32> to vector<1x16xf32>
      tpu.vector_store %arg10[%swap3A_582, %swap3A_583], %swap3A_586 {strides = array<i32>} : memref<80x128xf32, #tpu.memory_space<vmem>>, vector<1x16xf32>,
      %swap3A_587 = arith.index_cast %scan3A_576 : i32 to index
      %swap3A_588 = arith.constant 32 : index
      %swap3A_589 = tpu.vector_load %arg10[%swap3A_587, %swap3A_588] {strides = array<i32>} : memref<80x128xf32, #tpu.memory_space<vmem>>, vector<1x16xf32>,
      %swap3A_590 = vector.shape_cast %swap3A_589 : vector<1x16xf32> to vector<16xf32>
      %swap3A_591 = vector.shape_cast %broadcast_in_dim3A_0 : vector<16xf32> to vector<1x16xf32>
      tpu.vector_store %arg10[%swap3A_587, %swap3A_588], %swap3A_591 {strides = array<i32>} : memref<80x128xf32, #tpu.memory_space<vmem>>, vector<1x16xf32>,
      %swap3A_592 = arith.index_cast %scan3A_576 : i32 to index
      %swap3A_593 = arith.constant 48 : index
      %swap3A_594 = tpu.vector_load %arg10[%swap3A_592, %swap3A_593] {strides = array<i32>} : memref<80x128xf32, #tpu.memory_space<vmem>>, vector<1x16xf32>,
      %swap3A_595 = vector.shape_cast %swap3A_594 : vector<1x16xf32> to vector<16xf32>
      %swap3A_596 = vector.shape_cast %broadcast_in_dim3A_0 : vector<16xf32> to vector<1x16xf32>
      tpu.vector_store %arg10[%swap3A_592, %swap3A_593], %swap3A_596 {strides = array<i32>} : memref<80x128xf32, #tpu.memory_space<vmem>>, vector<1x16xf32>,
      %swap3A_597 = arith.index_cast %scan3A_576 : i32 to index
      %swap3A_598 = arith.constant 64 : index
      %swap3A_599 = tpu.vector_load %arg10[%swap3A_597, %swap3A_598] {strides = array<i32>} : memref<80x128xf32, #tpu.memory_space<vmem>>, vector<1x16xf32>,
      %swap3A_600 = vector.shape_cast %swap3A_599 : vector<1x16xf32> to vector<16xf32>
      %swap3A_601 = vector.shape_cast %broadcast_in_dim3A_0 : vector<16xf32> to vector<1x16xf32>
      tpu.vector_store %arg10[%swap3A_597, %swap3A_598], %swap3A_601 {strides = array<i32>} : memref<80x128xf32, #tpu.memory_space<vmem>>, vector<1x16xf32>,
      %swap3A_602 = arith.index_cast %scan3A_576 : i32 to index
      %swap3A_603 = arith.constant 80 : index
      %swap3A_604 = tpu.vector_load %arg10[%swap3A_602, %swap3A_603] {strides = array<i32>} : memref<80x128xf32, #tpu.memory_space<vmem>>, vector<1x16xf32>,
      %swap3A_605 = vector.shape_cast %swap3A_604 : vector<1x16xf32> to vector<16xf32>
      %swap3A_606 = vector.shape_cast %broadcast_in_dim3A_0 : vector<16xf32> to vector<1x16xf32>
      tpu.vector_store %arg10[%swap3A_602, %swap3A_603], %swap3A_606 {strides = array<i32>} : memref<80x128xf32, #tpu.memory_space<vmem>>, vector<1x16xf32>,
      %swap3A_607 = arith.index_cast %scan3A_576 : i32 to index
      %swap3A_608 = arith.constant 96 : index
      %swap3A_609 = tpu.vector_load %arg10[%swap3A_607, %swap3A_608] {strides = array<i32>} : memref<80x128xf32, #tpu.memory_space<vmem>>, vector<1x16xf32>,
      %swap3A_610 = vector.shape_cast %swap3A_609 : vector<1x16xf32> to vector<16xf32>
      %swap3A_611 = vector.shape_cast %broadcast_in_dim3A_0 : vector<16xf32> to vector<1x16xf32>
      tpu.vector_store %arg10[%swap3A_607, %swap3A_608], %swap3A_611 {strides = array<i32>} : memref<80x128xf32, #tpu.memory_space<vmem>>, vector<1x16xf32>,
      %swap3A_612 = arith.index_cast %scan3A_576 : i32 to index
      %swap3A_613 = arith.constant 112 : index
      %swap3A_614 = tpu.vector_load %arg10[%swap3A_612, %swap3A_613] {strides = array<i32>} : memref<80x128xf32, #tpu.memory_space<vmem>>, vector<1x16xf32>,
      %swap3A_615 = vector.shape_cast %swap3A_614 : vector<1x16xf32> to vector<16xf32>
      %swap3A_616 = vector.shape_cast %broadcast_in_dim3A_0 : vector<16xf32> to vector<1x16xf32>
      tpu.vector_store %arg10[%swap3A_612, %swap3A_613], %swap3A_616 {strides = array<i32>} : memref<80x128xf32, #tpu.memory_space<vmem>>, vector<1x16xf32>,
      %scan3A_617 = arith.constant 0 : i32
      scf.yield %scan3A_617 : i32
    }
    %scan3A_6 = arith.constant 80 : i32
    %dma_start3A = arith.constant 0 : i32
    %dma_start3A_7 = arith.constant 0 : i32
    %dma_start3A_8 = arith.constant 0 : i32
    %dma_start3A_9 = tpu.memref_slice %arg3[%arg0, %arg1, %dma_start3A, %dma_start3A_7, %dma_start3A_8] : memref<2x16x16x8x80xi32, #tpu.memory_space<hbm>> -> memref<1x1x1x8x80xi32, #tpu.memory_space<hbm>>
    %dma_start3A_10 = tpu.memref_squeeze %dma_start3A_9 : memref<1x1x1x8x80xi32, #tpu.memory_space<hbm>> -> memref<8x80xi32, #tpu.memory_space<hbm>>
    %dma_start3A_11 = arith.constant 0 : i32
    %dma_start3A_12 = arith.constant 0 : i32
    %dma_start3A_13 = tpu.memref_slice %arg3[%arg0, %arg1, %dma_start3A, %dma_start3A_11, %dma_start3A_12] : memref<2x16x16x8x80xi32, #tpu.memory_space<hbm>> -> memref<1x1x1x8x80xi32, #tpu.memory_space<hbm>>
    %dma_start3A_14 = tpu.memref_squeeze %dma_start3A_13 : memref<1x1x1x8x80xi32, #tpu.memory_space<hbm>> -> memref<8x80xi32, #tpu.memory_space<hbm>>
    tpu.enqueue_dma source(%dma_start3A_14 : memref<8x80xi32, #tpu.memory_space<hbm>>) target(%arg6 : memref<8x80xi32, #tpu.memory_space<vmem>>) target_semaphore(%arg14 : memref<!tpu.dma_semaphore, #tpu.memory_space<semaphore_mem>>)
    %dma_start3A_15 = arith.constant 0 : i32
    %dma_start3A_16 = arith.constant 0 : i32
    %dma_start3A_17 = arith.constant 0 : i32
    %dma_start3A_18 = tpu.memref_slice %arg4[%arg0, %arg1, %dma_start3A_15, %dma_start3A_16, %dma_start3A_17] : memref<2x16x16x8x80xi32, #tpu.memory_space<hbm>> -> memref<1x1x1x8x80xi32, #tpu.memory_space<hbm>>
    %dma_start3A_19 = tpu.memref_squeeze %dma_start3A_18 : memref<1x1x1x8x80xi32, #tpu.memory_space<hbm>> -> memref<8x80xi32, #tpu.memory_space<hbm>>
    %dma_start3A_20 = arith.constant 0 : i32
    %dma_start3A_21 = arith.constant 0 : i32
    %dma_start3A_22 = tpu.memref_slice %arg4[%arg0, %arg1, %dma_start3A_15, %dma_start3A_20, %dma_start3A_21] : memref<2x16x16x8x80xi32, #tpu.memory_space<hbm>> -> memref<1x1x1x8x80xi32, #tpu.memory_space<hbm>>
    %dma_start3A_23 = tpu.memref_squeeze %dma_start3A_22 : memref<1x1x1x8x80xi32, #tpu.memory_space<hbm>> -> memref<8x80xi32, #tpu.memory_space<hbm>>
    tpu.enqueue_dma source(%dma_start3A_23 : memref<8x80xi32, #tpu.memory_space<hbm>>) target(%arg8 : memref<8x80xi32, #tpu.memory_space<vmem>>) target_semaphore(%arg14 : memref<!tpu.dma_semaphore, #tpu.memory_space<semaphore_mem>>)
    %dma_start3A_24 = arith.constant 1 : i32
    %dma_start3A_25 = arith.constant 0 : i32
    %dma_start3A_26 = arith.constant 0 : i32
    %dma_start3A_27 = tpu.memref_slice %arg3[%arg0, %arg1, %dma_start3A_24, %dma_start3A_25, %dma_start3A_26] : memref<2x16x16x8x80xi32, #tpu.memory_space<hbm>> -> memref<1x1x1x8x80xi32, #tpu.memory_space<hbm>>
    %dma_start3A_28 = tpu.memref_squeeze %dma_start3A_27 : memref<1x1x1x8x80xi32, #tpu.memory_space<hbm>> -> memref<8x80xi32, #tpu.memory_space<hbm>>
    %dma_start3A_29 = arith.constant 0 : i32
    %dma_start3A_30 = arith.constant 0 : i32
    %dma_start3A_31 = tpu.memref_slice %arg3[%arg0, %arg1, %dma_start3A_24, %dma_start3A_29, %dma_start3A_30] : memref<2x16x16x8x80xi32, #tpu.memory_space<hbm>> -> memref<1x1x1x8x80xi32, #tpu.memory_space<hbm>>
    %dma_start3A_32 = tpu.memref_squeeze %dma_start3A_31 : memref<1x1x1x8x80xi32, #tpu.memory_space<hbm>> -> memref<8x80xi32, #tpu.memory_space<hbm>>
    tpu.enqueue_dma source(%dma_start3A_32 : memref<8x80xi32, #tpu.memory_space<hbm>>) target(%arg7 : memref<8x80xi32, #tpu.memory_space<vmem>>) target_semaphore(%arg15 : memref<!tpu.dma_semaphore, #tpu.memory_space<semaphore_mem>>)
    %dma_wait3A = arith.constant 0 : i32
    %dma_wait3A_33 = arith.constant 0 : i32
    %dma_wait3A_34 = arith.constant 0 : i32
    %dma_wait3A_35 = tpu.memref_slice %arg3[%arg0, %arg1, %dma_wait3A, %dma_wait3A_33, %dma_wait3A_34] : memref<2x16x16x8x80xi32, #tpu.memory_space<hbm>> -> memref<1x1x1x8x80xi32, #tpu.memory_space<hbm>>
    %dma_wait3A_36 = tpu.memref_squeeze %dma_wait3A_35 : memref<1x1x1x8x80xi32, #tpu.memory_space<hbm>> -> memref<8x80xi32, #tpu.memory_space<hbm>>
    %dma_wait3A_37 = arith.constant 0 : i32
    %dma_wait3A_38 = arith.constant 0 : i32
    %dma_wait3A_39 = tpu.memref_slice %arg3[%arg0, %arg1, %dma_wait3A, %dma_wait3A_37, %dma_wait3A_38] : memref<2x16x16x8x80xi32, #tpu.memory_space<hbm>> -> memref<1x1x1x8x80xi32, #tpu.memory_space<hbm>>
    %dma_wait3A_40 = tpu.memref_squeeze %dma_wait3A_39 : memref<1x1x1x8x80xi32, #tpu.memory_space<hbm>> -> memref<8x80xi32, #tpu.memory_space<hbm>>
    tpu.wait_dma2 semaphore(%arg14 : memref<!tpu.dma_semaphore, #tpu.memory_space<semaphore_mem>>) src(%dma_wait3A_40 : memref<8x80xi32, #tpu.memory_space<hbm>>) dst(%arg6 : memref<8x80xi32, #tpu.memory_space<vmem>>)
    %dma_wait3A_41 = arith.constant 0 : i32
    %dma_wait3A_42 = arith.constant 0 : i32
    %dma_wait3A_43 = arith.constant 0 : i32
    %dma_wait3A_44 = tpu.memref_slice %arg4[%arg0, %arg1, %dma_wait3A_41, %dma_wait3A_42, %dma_wait3A_43] : memref<2x16x16x8x80xi32, #tpu.memory_space<hbm>> -> memref<1x1x1x8x80xi32, #tpu.memory_space<hbm>>
    %dma_wait3A_45 = tpu.memref_squeeze %dma_wait3A_44 : memref<1x1x1x8x80xi32, #tpu.memory_space<hbm>> -> memref<8x80xi32, #tpu.memory_space<hbm>>
    %dma_wait3A_46 = arith.constant 0 : i32
    %dma_wait3A_47 = arith.constant 0 : i32
    %dma_wait3A_48 = tpu.memref_slice %arg4[%arg0, %arg1, %dma_wait3A_41, %dma_wait3A_46, %dma_wait3A_47] : memref<2x16x16x8x80xi32, #tpu.memory_space<hbm>> -> memref<1x1x1x8x80xi32, #tpu.memory_space<hbm>>
    %dma_wait3A_49 = tpu.memref_squeeze %dma_wait3A_48 : memref<1x1x1x8x80xi32, #tpu.memory_space<hbm>> -> memref<8x80xi32, #tpu.memory_space<hbm>>
    tpu.wait_dma2 semaphore(%arg14 : memref<!tpu.dma_semaphore, #tpu.memory_space<semaphore_mem>>) src(%dma_wait3A_49 : memref<8x80xi32, #tpu.memory_space<hbm>>) dst(%arg8 : memref<8x80xi32, #tpu.memory_space<vmem>>)
    %dma_start3A_50 = arith.constant 0 : i32
    %dma_start3A_51 = arith.constant 0 : i32
    %dma_start3A_52 = tpu.memref_slice %arg6[%dma_start3A_50, %dma_start3A_51] : memref<8x80xi32, #tpu.memory_space<vmem>> -> memref<1x80xi32, #tpu.memory_space<vmem>>
    %dma_start3A_53 = tpu.memref_squeeze %dma_start3A_52 : memref<1x80xi32, #tpu.memory_space<vmem>> -> memref<80xi32, #tpu.memory_space<vmem>>
    %dma_start3A_54 = arith.constant 0 : i32
    %dma_start3A_55 = arith.constant 0 : i32
    %dma_start3A_56 = tpu.memref_slice %arg2[%dma_start3A_54, %dma_start3A_55] : memref<10000x128xf32, #tpu.memory_space<hbm>> -> memref<10000x128xf32, #tpu.memory_space<hbm>>
    tpu.enqueue_indirect_dma source(%dma_start3A_56 : memref<10000x128xf32, #tpu.memory_space<hbm>>) target(%arg12 : memref<80x128xf32, #tpu.memory_space<vmem>>) offsets(%dma_start3A_53 : memref<80xi32, #tpu.memory_space<vmem>>) semaphore(%arg18 : memref<!tpu.dma_semaphore, #tpu.memory_space<semaphore_mem>>)
    %dma_start3A_57 = arith.constant 1 : i32
    %dma_start3A_58 = arith.constant 0 : i32
    %dma_start3A_59 = tpu.memref_slice %arg6[%dma_start3A_57, %dma_start3A_58] : memref<8x80xi32, #tpu.memory_space<vmem>> -> memref<1x80xi32, #tpu.memory_space<vmem>>
    %dma_start3A_60 = tpu.memref_squeeze %dma_start3A_59 : memref<1x80xi32, #tpu.memory_space<vmem>> -> memref<80xi32, #tpu.memory_space<vmem>>
    %dma_start3A_61 = arith.constant 0 : i32
    %dma_start3A_62 = arith.constant 0 : i32
    %dma_start3A_63 = tpu.memref_slice %arg2[%dma_start3A_61, %dma_start3A_62] : memref<10000x128xf32, #tpu.memory_space<hbm>> -> memref<10000x128xf32, #tpu.memory_space<hbm>>
    tpu.enqueue_indirect_dma source(%dma_start3A_63 : memref<10000x128xf32, #tpu.memory_space<hbm>>) target(%arg13 : memref<80x128xf32, #tpu.memory_space<vmem>>) offsets(%dma_start3A_60 : memref<80xi32, #tpu.memory_space<vmem>>) semaphore(%arg19 : memref<!tpu.dma_semaphore, #tpu.memory_space<semaphore_mem>>)
    %mul3A = arith.constant 640 : i32
    %mul3A_64 = arith.muli %arg1, %mul3A : i32
    %add3A = arith.constant 0 : i32
    %add3A_65 = arith.addi %mul3A_64, %add3A : i32
    "tpu.region"() ({
      %run_scoped3A = tpu.sem_alloc : memref<!tpu.dma_semaphore, #tpu.memory_space<semaphore_mem>>
      %dma_start3A_576 = arith.constant 0 : i32
      %dma_start3A_577 = tpu.memref_slice %arg24[%add3A_65, %dma_start3A_576] : memref<10240x128xf32, #tpu.memory_space<vmem_shared>> -> memref<80x128xf32, #tpu.memory_space<vmem_shared>>
      %dma_start3A_578 = arith.constant 0 : i32
      %dma_start3A_579 = tpu.memref_slice %arg24[%add3A_65, %dma_start3A_578] : memref<10240x128xf32, #tpu.memory_space<vmem_shared>> -> memref<80x128xf32, #tpu.memory_space<vmem_shared>>
      tpu.enqueue_dma source(%arg10 : memref<80x128xf32, #tpu.memory_space<vmem>>) target(%dma_start3A_579 : memref<80x128xf32, #tpu.memory_space<vmem_shared>>) target_semaphore(%run_scoped3A : memref<!tpu.dma_semaphore, #tpu.memory_space<semaphore_mem>>)
      %dma_wait3A_580 = arith.constant 0 : i32
      %dma_wait3A_581 = tpu.memref_slice %arg24[%add3A_65, %dma_wait3A_580] : memref<10240x128xf32, #tpu.memory_space<vmem_shared>> -> memref<80x128xf32, #tpu.memory_space<vmem_shared>>
      %dma_wait3A_582 = arith.constant 0 : i32
      %dma_wait3A_583 = tpu.memref_slice %arg24[%add3A_65, %dma_wait3A_582] : memref<10240x128xf32, #tpu.memory_space<vmem_shared>> -> memref<80x128xf32, #tpu.memory_space<vmem_shared>>
      tpu.wait_dma2 semaphore(%run_scoped3A : memref<!tpu.dma_semaphore, #tpu.memory_space<semaphore_mem>>) src(%arg10 : memref<80x128xf32, #tpu.memory_space<vmem>>) dst(%dma_wait3A_583 : memref<80x128xf32, #tpu.memory_space<vmem_shared>>)
      tpu.yield
    }) : () -> ()
    %mul3A_66 = arith.constant 640 : i32
    %mul3A_67 = arith.muli %arg1, %mul3A_66 : i32
    %add3A_68 = arith.constant 80 : i32
    %add3A_69 = arith.addi %mul3A_67, %add3A_68 : i32
    "tpu.region"() ({
      %run_scoped3A = tpu.sem_alloc : memref<!tpu.dma_semaphore, #tpu.memory_space<semaphore_mem>>
      %dma_start3A_576 = arith.constant 0 : i32
      %dma_start3A_577 = tpu.memref_slice %arg24[%add3A_69, %dma_start3A_576] : memref<10240x128xf32, #tpu.memory_space<vmem_shared>> -> memref<80x128xf32, #tpu.memory_space<vmem_shared>>
      %dma_start3A_578 = arith.constant 0 : i32
      %dma_start3A_579 = tpu.memref_slice %arg24[%add3A_69, %dma_start3A_578] : memref<10240x128xf32, #tpu.memory_space<vmem_shared>> -> memref<80x128xf32, #tpu.memory_space<vmem_shared>>
      tpu.enqueue_dma source(%arg10 : memref<80x128xf32, #tpu.memory_space<vmem>>) target(%dma_start3A_579 : memref<80x128xf32, #tpu.memory_space<vmem_shared>>) target_semaphore(%run_scoped3A : memref<!tpu.dma_semaphore, #tpu.memory_space<semaphore_mem>>)
      %dma_wait3A_580 = arith.constant 0 : i32
      %dma_wait3A_581 = tpu.memref_slice %arg24[%add3A_69, %dma_wait3A_580] : memref<10240x128xf32, #tpu.memory_space<vmem_shared>> -> memref<80x128xf32, #tpu.memory_space<vmem_shared>>
      %dma_wait3A_582 = arith.constant 0 : i32
      %dma_wait3A_583 = tpu.memref_slice %arg24[%add3A_69, %dma_wait3A_582] : memref<10240x128xf32, #tpu.memory_space<vmem_shared>> -> memref<80x128xf32, #tpu.memory_space<vmem_shared>>
      tpu.wait_dma2 semaphore(%run_scoped3A : memref<!tpu.dma_semaphore, #tpu.memory_space<semaphore_mem>>) src(%arg10 : memref<80x128xf32, #tpu.memory_space<vmem>>) dst(%dma_wait3A_583 : memref<80x128xf32, #tpu.memory_space<vmem_shared>>)
      tpu.yield
    }) : () -> ()
    %mul3A_70 = arith.constant 640 : i32
    %mul3A_71 = arith.muli %arg1, %mul3A_70 : i32
    %add3A_72 = arith.constant 160 : i32
    %add3A_73 = arith.addi %mul3A_71, %add3A_72 : i32
    "tpu.region"() ({
      %run_scoped3A = tpu.sem_alloc : memref<!tpu.dma_semaphore, #tpu.memory_space<semaphore_mem>>
      %dma_start3A_576 = arith.constant 0 : i32
      %dma_start3A_577 = tpu.memref_slice %arg24[%add3A_73, %dma_start3A_576] : memref<10240x128xf32, #tpu.memory_space<vmem_shared>> -> memref<80x128xf32, #tpu.memory_space<vmem_shared>>
      %dma_start3A_578 = arith.constant 0 : i32
      %dma_start3A_579 = tpu.memref_slice %arg24[%add3A_73, %dma_start3A_578] : memref<10240x128xf32, #tpu.memory_space<vmem_shared>> -> memref<80x128xf32, #tpu.memory_space<vmem_shared>>
      tpu.enqueue_dma source(%arg10 : memref<80x128xf32, #tpu.memory_space<vmem>>) target(%dma_start3A_579 : memref<80x128xf32, #tpu.memory_space<vmem_shared>>) target_semaphore(%run_scoped3A : memref<!tpu.dma_semaphore, #tpu.memory_space<semaphore_mem>>)
      %dma_wait3A_580 = arith.constant 0 : i32
      %dma_wait3A_581 = tpu.memref_slice %arg24[%add3A_73, %dma_wait3A_580] : memref<10240x128xf32, #tpu.memory_space<vmem_shared>> -> memref<80x128xf32, #tpu.memory_space<vmem_shared>>
      %dma_wait3A_582 = arith.constant 0 : i32
      %dma_wait3A_583 = tpu.memref_slice %arg24[%add3A_73, %dma_wait3A_582] : memref<10240x128xf32, #tpu.memory_space<vmem_shared>> -> memref<80x128xf32, #tpu.memory_space<vmem_shared>>
      tpu.wait_dma2 semaphore(%run_scoped3A : memref<!tpu.dma_semaphore, #tpu.memory_space<semaphore_mem>>) src(%arg10 : memref<80x128xf32, #tpu.memory_space<vmem>>) dst(%dma_wait3A_583 : memref<80x128xf32, #tpu.memory_space<vmem_shared>>)
      tpu.yield
    }) : () -> ()
    %mul3A_74 = arith.constant 640 : i32
    %mul3A_75 = arith.muli %arg1, %mul3A_74 : i32
    %add3A_76 = arith.constant 240 : i32
    %add3A_77 = arith.addi %mul3A_75, %add3A_76 : i32
    "tpu.region"() ({
      %run_scoped3A = tpu.sem_alloc : memref<!tpu.dma_semaphore, #tpu.memory_space<semaphore_mem>>
      %dma_start3A_576 = arith.constant 0 : i32
      %dma_start3A_577 = tpu.memref_slice %arg24[%add3A_77, %dma_start3A_576] : memref<10240x128xf32, #tpu.memory_space<vmem_shared>> -> memref<80x128xf32, #tpu.memory_space<vmem_shared>>
      %dma_start3A_578 = arith.constant 0 : i32
      %dma_start3A_579 = tpu.memref_slice %arg24[%add3A_77, %dma_start3A_578] : memref<10240x128xf32, #tpu.memory_space<vmem_shared>> -> memref<80x128xf32, #tpu.memory_space<vmem_shared>>
      tpu.enqueue_dma source(%arg10 : memref<80x128xf32, #tpu.memory_space<vmem>>) target(%dma_start3A_579 : memref<80x128xf32, #tpu.memory_space<vmem_shared>>) target_semaphore(%run_scoped3A : memref<!tpu.dma_semaphore, #tpu.memory_space<semaphore_mem>>)
      %dma_wait3A_580 = arith.constant 0 : i32
      %dma_wait3A_581 = tpu.memref_slice %arg24[%add3A_77, %dma_wait3A_580] : memref<10240x128xf32, #tpu.memory_space<vmem_shared>> -> memref<80x128xf32, #tpu.memory_space<vmem_shared>>
      %dma_wait3A_582 = arith.constant 0 : i32
      %dma_wait3A_583 = tpu.memref_slice %arg24[%add3A_77, %dma_wait3A_582] : memref<10240x128xf32, #tpu.memory_space<vmem_shared>> -> memref<80x128xf32, #tpu.memory_space<vmem_shared>>
      tpu.wait_dma2 semaphore(%run_scoped3A : memref<!tpu.dma_semaphore, #tpu.memory_space<semaphore_mem>>) src(%arg10 : memref<80x128xf32, #tpu.memory_space<vmem>>) dst(%dma_wait3A_583 : memref<80x128xf32, #tpu.memory_space<vmem_shared>>)
      tpu.yield
    }) : () -> ()
    %mul3A_78 = arith.constant 640 : i32
    %mul3A_79 = arith.muli %arg1, %mul3A_78 : i32
    %add3A_80 = arith.constant 320 : i32
    %add3A_81 = arith.addi %mul3A_79, %add3A_80 : i32
    "tpu.region"() ({
      %run_scoped3A = tpu.sem_alloc : memref<!tpu.dma_semaphore, #tpu.memory_space<semaphore_mem>>
      %dma_start3A_576 = arith.constant 0 : i32
      %dma_start3A_577 = tpu.memref_slice %arg24[%add3A_81, %dma_start3A_576] : memref<10240x128xf32, #tpu.memory_space<vmem_shared>> -> memref<80x128xf32, #tpu.memory_space<vmem_shared>>
      %dma_start3A_578 = arith.constant 0 : i32
      %dma_start3A_579 = tpu.memref_slice %arg24[%add3A_81, %dma_start3A_578] : memref<10240x128xf32, #tpu.memory_space<vmem_shared>> -> memref<80x128xf32, #tpu.memory_space<vmem_shared>>
      tpu.enqueue_dma source(%arg10 : memref<80x128xf32, #tpu.memory_space<vmem>>) target(%dma_start3A_579 : memref<80x128xf32, #tpu.memory_space<vmem_shared>>) target_semaphore(%run_scoped3A : memref<!tpu.dma_semaphore, #tpu.memory_space<semaphore_mem>>)
      %dma_wait3A_580 = arith.constant 0 : i32
      %dma_wait3A_581 = tpu.memref_slice %arg24[%add3A_81, %dma_wait3A_580] : memref<10240x128xf32, #tpu.memory_space<vmem_shared>> -> memref<80x128xf32, #tpu.memory_space<vmem_shared>>
      %dma_wait3A_582 = arith.constant 0 : i32
      %dma_wait3A_583 = tpu.memref_slice %arg24[%add3A_81, %dma_wait3A_582] : memref<10240x128xf32, #tpu.memory_space<vmem_shared>> -> memref<80x128xf32, #tpu.memory_space<vmem_shared>>
      tpu.wait_dma2 semaphore(%run_scoped3A : memref<!tpu.dma_semaphore, #tpu.memory_space<semaphore_mem>>) src(%arg10 : memref<80x128xf32, #tpu.memory_space<vmem>>) dst(%dma_wait3A_583 : memref<80x128xf32, #tpu.memory_space<vmem_shared>>)
      tpu.yield
    }) : () -> ()
    %mul3A_82 = arith.constant 640 : i32
    %mul3A_83 = arith.muli %arg1, %mul3A_82 : i32
    %add3A_84 = arith.constant 400 : i32
    %add3A_85 = arith.addi %mul3A_83, %add3A_84 : i32
    "tpu.region"() ({
      %run_scoped3A = tpu.sem_alloc : memref<!tpu.dma_semaphore, #tpu.memory_space<semaphore_mem>>
      %dma_start3A_576 = arith.constant 0 : i32
      %dma_start3A_577 = tpu.memref_slice %arg24[%add3A_85, %dma_start3A_576] : memref<10240x128xf32, #tpu.memory_space<vmem_shared>> -> memref<80x128xf32, #tpu.memory_space<vmem_shared>>
      %dma_start3A_578 = arith.constant 0 : i32
      %dma_start3A_579 = tpu.memref_slice %arg24[%add3A_85, %dma_start3A_578] : memref<10240x128xf32, #tpu.memory_space<vmem_shared>> -> memref<80x128xf32, #tpu.memory_space<vmem_shared>>
      tpu.enqueue_dma source(%arg10 : memref<80x128xf32, #tpu.memory_space<vmem>>) target(%dma_start3A_579 : memref<80x128xf32, #tpu.memory_space<vmem_shared>>) target_semaphore(%run_scoped3A : memref<!tpu.dma_semaphore, #tpu.memory_space<semaphore_mem>>)
      %dma_wait3A_580 = arith.constant 0 : i32
      %dma_wait3A_581 = tpu.memref_slice %arg24[%add3A_85, %dma_wait3A_580] : memref<10240x128xf32, #tpu.memory_space<vmem_shared>> -> memref<80x128xf32, #tpu.memory_space<vmem_shared>>
      %dma_wait3A_582 = arith.constant 0 : i32
      %dma_wait3A_583 = tpu.memref_slice %arg24[%add3A_85, %dma_wait3A_582] : memref<10240x128xf32, #tpu.memory_space<vmem_shared>> -> memref<80x128xf32, #tpu.memory_space<vmem_shared>>
      tpu.wait_dma2 semaphore(%run_scoped3A : memref<!tpu.dma_semaphore, #tpu.memory_space<semaphore_mem>>) src(%arg10 : memref<80x128xf32, #tpu.memory_space<vmem>>) dst(%dma_wait3A_583 : memref<80x128xf32, #tpu.memory_space<vmem_shared>>)
      tpu.yield
    }) : () -> ()
    %mul3A_86 = arith.constant 640 : i32
    %mul3A_87 = arith.muli %arg1, %mul3A_86 : i32
    %add3A_88 = arith.constant 480 : i32
    %add3A_89 = arith.addi %mul3A_87, %add3A_88 : i32
    "tpu.region"() ({
      %run_scoped3A = tpu.sem_alloc : memref<!tpu.dma_semaphore, #tpu.memory_space<semaphore_mem>>
      %dma_start3A_576 = arith.constant 0 : i32
      %dma_start3A_577 = tpu.memref_slice %arg24[%add3A_89, %dma_start3A_576] : memref<10240x128xf32, #tpu.memory_space<vmem_shared>> -> memref<80x128xf32, #tpu.memory_space<vmem_shared>>
      %dma_start3A_578 = arith.constant 0 : i32
      %dma_start3A_579 = tpu.memref_slice %arg24[%add3A_89, %dma_start3A_578] : memref<10240x128xf32, #tpu.memory_space<vmem_shared>> -> memref<80x128xf32, #tpu.memory_space<vmem_shared>>
      tpu.enqueue_dma source(%arg10 : memref<80x128xf32, #tpu.memory_space<vmem>>) target(%dma_start3A_579 : memref<80x128xf32, #tpu.memory_space<vmem_shared>>) target_semaphore(%run_scoped3A : memref<!tpu.dma_semaphore, #tpu.memory_space<semaphore_mem>>)
      %dma_wait3A_580 = arith.constant 0 : i32
      %dma_wait3A_581 = tpu.memref_slice %arg24[%add3A_89, %dma_wait3A_580] : memref<10240x128xf32, #tpu.memory_space<vmem_shared>> -> memref<80x128xf32, #tpu.memory_space<vmem_shared>>
      %dma_wait3A_582 = arith.constant 0 : i32
      %dma_wait3A_583 = tpu.memref_slice %arg24[%add3A_89, %dma_wait3A_582] : memref<10240x128xf32, #tpu.memory_space<vmem_shared>> -> memref<80x128xf32, #tpu.memory_space<vmem_shared>>
      tpu.wait_dma2 semaphore(%run_scoped3A : memref<!tpu.dma_semaphore, #tpu.memory_space<semaphore_mem>>) src(%arg10 : memref<80x128xf32, #tpu.memory_space<vmem>>) dst(%dma_wait3A_583 : memref<80x128xf32, #tpu.memory_space<vmem_shared>>)
      tpu.yield
    }) : () -> ()
    %mul3A_90 = arith.constant 640 : i32
    %mul3A_91 = arith.muli %arg1, %mul3A_90 : i32
    %add3A_92 = arith.constant 560 : i32
    %add3A_93 = arith.addi %mul3A_91, %add3A_92 : i32
    "tpu.region"() ({
      %run_scoped3A = tpu.sem_alloc : memref<!tpu.dma_semaphore, #tpu.memory_space<semaphore_mem>>
      %dma_start3A_576 = arith.constant 0 : i32
      %dma_start3A_577 = tpu.memref_slice %arg24[%add3A_93, %dma_start3A_576] : memref<10240x128xf32, #tpu.memory_space<vmem_shared>> -> memref<80x128xf32, #tpu.memory_space<vmem_shared>>
      %dma_start3A_578 = arith.constant 0 : i32
      %dma_start3A_579 = tpu.memref_slice %arg24[%add3A_93, %dma_start3A_578] : memref<10240x128xf32, #tpu.memory_space<vmem_shared>> -> memref<80x128xf32, #tpu.memory_space<vmem_shared>>
      tpu.enqueue_dma source(%arg10 : memref<80x128xf32, #tpu.memory_space<vmem>>) target(%dma_start3A_579 : memref<80x128xf32, #tpu.memory_space<vmem_shared>>) target_semaphore(%run_scoped3A : memref<!tpu.dma_semaphore, #tpu.memory_space<semaphore_mem>>)
      %dma_wait3A_580 = arith.constant 0 : i32
      %dma_wait3A_581 = tpu.memref_slice %arg24[%add3A_93, %dma_wait3A_580] : memref<10240x128xf32, #tpu.memory_space<vmem_shared>> -> memref<80x128xf32, #tpu.memory_space<vmem_shared>>
      %dma_wait3A_582 = arith.constant 0 : i32
      %dma_wait3A_583 = tpu.memref_slice %arg24[%add3A_93, %dma_wait3A_582] : memref<10240x128xf32, #tpu.memory_space<vmem_shared>> -> memref<80x128xf32, #tpu.memory_space<vmem_shared>>
      tpu.wait_dma2 semaphore(%run_scoped3A : memref<!tpu.dma_semaphore, #tpu.memory_space<semaphore_mem>>) src(%arg10 : memref<80x128xf32, #tpu.memory_space<vmem>>) dst(%dma_wait3A_583 : memref<80x128xf32, #tpu.memory_space<vmem_shared>>)
      tpu.yield
    }) : () -> ()
    %barrier3A = arith.constant 0 : index
    tpu.barrier barrier_id(%barrier3A)
    %dma_wait3A_94 = arith.constant 0 : i32
    %dma_wait3A_95 = arith.constant 0 : i32
    %dma_wait3A_96 = tpu.memref_slice %arg6[%dma_wait3A_94, %dma_wait3A_95] : memref<8x80xi32, #tpu.memory_space<vmem>> -> memref<1x80xi32, #tpu.memory_space<vmem>>
    %dma_wait3A_97 = tpu.memref_squeeze %dma_wait3A_96 : memref<1x80xi32, #tpu.memory_space<vmem>> -> memref<80xi32, #tpu.memory_space<vmem>>
    %dma_wait3A_98 = arith.constant 0 : i32
    %dma_wait3A_99 = arith.constant 0 : i32
    %dma_wait3A_100 = tpu.memref_slice %arg2[%dma_wait3A_98, %dma_wait3A_99] : memref<10000x128xf32, #tpu.memory_space<hbm>> -> memref<10000x128xf32, #tpu.memory_space<hbm>>
    tpu.wait_indirect_dma semaphore(%arg18 : memref<!tpu.dma_semaphore, #tpu.memory_space<semaphore_mem>>) src(%dma_wait3A_100 : memref<10000x128xf32, #tpu.memory_space<hbm>>) dst(%arg12 : memref<80x128xf32, #tpu.memory_space<vmem>>)
    %dma_start3A_101 = arith.constant 0 : i32
    %dma_start3A_102 = arith.constant 0 : i32
    %dma_start3A_103 = tpu.memref_slice %arg8[%dma_start3A_101, %dma_start3A_102] : memref<8x80xi32, #tpu.memory_space<vmem>> -> memref<1x80xi32, #tpu.memory_space<vmem>>
    %dma_start3A_104 = tpu.memref_squeeze %dma_start3A_103 : memref<1x80xi32, #tpu.memory_space<vmem>> -> memref<80xi32, #tpu.memory_space<vmem>>
    %dma_start3A_105 = arith.constant 0 : i32
    %dma_start3A_106 = arith.constant 0 : i32
    %dma_start3A_107 = tpu.memref_slice %arg24[%dma_start3A_105, %dma_start3A_106] : memref<10240x128xf32, #tpu.memory_space<vmem_shared>> -> memref<10240x128xf32, #tpu.memory_space<vmem_shared>>
    tpu.enqueue_indirect_dma source(%arg12 : memref<80x128xf32, #tpu.memory_space<vmem>>) target(%dma_start3A_107 : memref<10240x128xf32, #tpu.memory_space<vmem_shared>>) offsets(%dma_start3A_104 : memref<80xi32, #tpu.memory_space<vmem>>) semaphore(%arg22 : memref<!tpu.dma_semaphore, #tpu.memory_space<semaphore_mem>>) {add = true}
    %dma_start3A_108 = arith.constant 2 : i32
    %dma_start3A_109 = arith.constant 0 : i32
    %dma_start3A_110 = tpu.memref_slice %arg6[%dma_start3A_108, %dma_start3A_109] : memref<8x80xi32, #tpu.memory_space<vmem>> -> memref<1x80xi32, #tpu.memory_space<vmem>>
    %dma_start3A_111 = tpu.memref_squeeze %dma_start3A_110 : memref<1x80xi32, #tpu.memory_space<vmem>> -> memref<80xi32, #tpu.memory_space<vmem>>
    %dma_start3A_112 = arith.constant 0 : i32
    %dma_start3A_113 = arith.constant 0 : i32
    %dma_start3A_114 = tpu.memref_slice %arg2[%dma_start3A_112, %dma_start3A_113] : memref<10000x128xf32, #tpu.memory_space<hbm>> -> memref<10000x128xf32, #tpu.memory_space<hbm>>
    tpu.enqueue_indirect_dma source(%dma_start3A_114 : memref<10000x128xf32, #tpu.memory_space<hbm>>) target(%arg10 : memref<80x128xf32, #tpu.memory_space<vmem>>) offsets(%dma_start3A_111 : memref<80xi32, #tpu.memory_space<vmem>>) semaphore(%arg16 : memref<!tpu.dma_semaphore, #tpu.memory_space<semaphore_mem>>)
    %dma_wait3A_115 = arith.constant 1 : i32
    %dma_wait3A_116 = arith.constant 0 : i32
    %dma_wait3A_117 = tpu.memref_slice %arg6[%dma_wait3A_115, %dma_wait3A_116] : memref<8x80xi32, #tpu.memory_space<vmem>> -> memref<1x80xi32, #tpu.memory_space<vmem>>
    %dma_wait3A_118 = tpu.memref_squeeze %dma_wait3A_117 : memref<1x80xi32, #tpu.memory_space<vmem>> -> memref<80xi32, #tpu.memory_space<vmem>>
    %dma_wait3A_119 = arith.constant 0 : i32
    %dma_wait3A_120 = arith.constant 0 : i32
    %dma_wait3A_121 = tpu.memref_slice %arg2[%dma_wait3A_119, %dma_wait3A_120] : memref<10000x128xf32, #tpu.memory_space<hbm>> -> memref<10000x128xf32, #tpu.memory_space<hbm>>
    tpu.wait_indirect_dma semaphore(%arg19 : memref<!tpu.dma_semaphore, #tpu.memory_space<semaphore_mem>>) src(%dma_wait3A_121 : memref<10000x128xf32, #tpu.memory_space<hbm>>) dst(%arg13 : memref<80x128xf32, #tpu.memory_space<vmem>>)
    %dma_start3A_122 = arith.constant 1 : i32
    %dma_start3A_123 = arith.constant 0 : i32
    %dma_start3A_124 = tpu.memref_slice %arg8[%dma_start3A_122, %dma_start3A_123] : memref<8x80xi32, #tpu.memory_space<vmem>> -> memref<1x80xi32, #tpu.memory_space<vmem>>
    %dma_start3A_125 = tpu.memref_squeeze %dma_start3A_124 : memref<1x80xi32, #tpu.memory_space<vmem>> -> memref<80xi32, #tpu.memory_space<vmem>>
    %dma_start3A_126 = arith.constant 0 : i32
    %dma_start3A_127 = arith.constant 0 : i32
    %dma_start3A_128 = tpu.memref_slice %arg24[%dma_start3A_126, %dma_start3A_127] : memref<10240x128xf32, #tpu.memory_space<vmem_shared>> -> memref<10240x128xf32, #tpu.memory_space<vmem_shared>>
    tpu.enqueue_indirect_dma source(%arg13 : memref<80x128xf32, #tpu.memory_space<vmem>>) target(%dma_start3A_128 : memref<10240x128xf32, #tpu.memory_space<vmem_shared>>) offsets(%dma_start3A_125 : memref<80xi32, #tpu.memory_space<vmem>>) semaphore(%arg23 : memref<!tpu.dma_semaphore, #tpu.memory_space<semaphore_mem>>) {add = true}
    %dma_start3A_129 = arith.constant 3 : i32
    %dma_start3A_130 = arith.constant 0 : i32
    %dma_start3A_131 = tpu.memref_slice %arg6[%dma_start3A_129, %dma_start3A_130] : memref<8x80xi32, #tpu.memory_space<vmem>> -> memref<1x80xi32, #tpu.memory_space<vmem>>
    %dma_start3A_132 = tpu.memref_squeeze %dma_start3A_131 : memref<1x80xi32, #tpu.memory_space<vmem>> -> memref<80xi32, #tpu.memory_space<vmem>>
    %dma_start3A_133 = arith.constant 0 : i32
    %dma_start3A_134 = arith.constant 0 : i32
    %dma_start3A_135 = tpu.memref_slice %arg2[%dma_start3A_133, %dma_start3A_134] : memref<10000x128xf32, #tpu.memory_space<hbm>> -> memref<10000x128xf32, #tpu.memory_space<hbm>>
    tpu.enqueue_indirect_dma source(%dma_start3A_135 : memref<10000x128xf32, #tpu.memory_space<hbm>>) target(%arg11 : memref<80x128xf32, #tpu.memory_space<vmem>>) offsets(%dma_start3A_132 : memref<80xi32, #tpu.memory_space<vmem>>) semaphore(%arg17 : memref<!tpu.dma_semaphore, #tpu.memory_space<semaphore_mem>>)
    %dma_start3A_136 = arith.constant 1 : i32
    %dma_start3A_137 = arith.constant 0 : i32
    %dma_start3A_138 = arith.constant 0 : i32
    %dma_start3A_139 = tpu.memref_slice %arg4[%arg0, %arg1, %dma_start3A_136, %dma_start3A_137, %dma_start3A_138] : memref<2x16x16x8x80xi32, #tpu.memory_space<hbm>> -> memref<1x1x1x8x80xi32, #tpu.memory_space<hbm>>
    %dma_start3A_140 = tpu.memref_squeeze %dma_start3A_139 : memref<1x1x1x8x80xi32, #tpu.memory_space<hbm>> -> memref<8x80xi32, #tpu.memory_space<hbm>>
    %dma_start3A_141 = arith.constant 0 : i32
    %dma_start3A_142 = arith.constant 0 : i32
    %dma_start3A_143 = tpu.memref_slice %arg4[%arg0, %arg1, %dma_start3A_136, %dma_start3A_141, %dma_start3A_142] : memref<2x16x16x8x80xi32, #tpu.memory_space<hbm>> -> memref<1x1x1x8x80xi32, #tpu.memory_space<hbm>>
    %dma_start3A_144 = tpu.memref_squeeze %dma_start3A_143 : memref<1x1x1x8x80xi32, #tpu.memory_space<hbm>> -> memref<8x80xi32, #tpu.memory_space<hbm>>
    tpu.enqueue_dma source(%dma_start3A_144 : memref<8x80xi32, #tpu.memory_space<hbm>>) target(%arg9 : memref<8x80xi32, #tpu.memory_space<vmem>>) target_semaphore(%arg15 : memref<!tpu.dma_semaphore, #tpu.memory_space<semaphore_mem>>)
    %dma_wait3A_145 = arith.constant 2 : i32
    %dma_wait3A_146 = arith.constant 0 : i32
    %dma_wait3A_147 = tpu.memref_slice %arg6[%dma_wait3A_145, %dma_wait3A_146] : memref<8x80xi32, #tpu.memory_space<vmem>> -> memref<1x80xi32, #tpu.memory_space<vmem>>
    %dma_wait3A_148 = tpu.memref_squeeze %dma_wait3A_147 : memref<1x80xi32, #tpu.memory_space<vmem>> -> memref<80xi32, #tpu.memory_space<vmem>>
    %dma_wait3A_149 = arith.constant 0 : i32
    %dma_wait3A_150 = arith.constant 0 : i32
    %dma_wait3A_151 = tpu.memref_slice %arg2[%dma_wait3A_149, %dma_wait3A_150] : memref<10000x128xf32, #tpu.memory_space<hbm>> -> memref<10000x128xf32, #tpu.memory_space<hbm>>
    tpu.wait_indirect_dma semaphore(%arg16 : memref<!tpu.dma_semaphore, #tpu.memory_space<semaphore_mem>>) src(%dma_wait3A_151 : memref<10000x128xf32, #tpu.memory_space<hbm>>) dst(%arg10 : memref<80x128xf32, #tpu.memory_space<vmem>>)
    %dma_start3A_152 = arith.constant 2 : i32
    %dma_start3A_153 = arith.constant 0 : i32
    %dma_start3A_154 = tpu.memref_slice %arg8[%dma_start3A_152, %dma_start3A_153] : memref<8x80xi32, #tpu.memory_space<vmem>> -> memref<1x80xi32, #tpu.memory_space<vmem>>
    %dma_start3A_155 = tpu.memref_squeeze %dma_start3A_154 : memref<1x80xi32, #tpu.memory_space<vmem>> -> memref<80xi32, #tpu.memory_space<vmem>>
    %dma_start3A_156 = arith.constant 0 : i32
    %dma_start3A_157 = arith.constant 0 : i32
    %dma_start3A_158 = tpu.memref_slice %arg24[%dma_start3A_156, %dma_start3A_157] : memref<10240x128xf32, #tpu.memory_space<vmem_shared>> -> memref<10240x128xf32, #tpu.memory_space<vmem_shared>>
    tpu.enqueue_indirect_dma source(%arg10 : memref<80x128xf32, #tpu.memory_space<vmem>>) target(%dma_start3A_158 : memref<10240x128xf32, #tpu.memory_space<vmem_shared>>) offsets(%dma_start3A_155 : memref<80xi32, #tpu.memory_space<vmem>>) semaphore(%arg20 : memref<!tpu.dma_semaphore, #tpu.memory_space<semaphore_mem>>) {add = true}
    %dma_wait3A_159 = arith.constant 2 : i32
    %dma_wait3A_160 = arith.constant 0 : i32
    %dma_wait3A_161 = tpu.memref_slice %arg8[%dma_wait3A_159, %dma_wait3A_160] : memref<8x80xi32, #tpu.memory_space<vmem>> -> memref<1x80xi32, #tpu.memory_space<vmem>>
    %dma_wait3A_162 = tpu.memref_squeeze %dma_wait3A_161 : memref<1x80xi32, #tpu.memory_space<vmem>> -> memref<80xi32, #tpu.memory_space<vmem>>
    %dma_wait3A_163 = arith.constant 0 : i32
    %dma_wait3A_164 = arith.constant 0 : i32
    %dma_wait3A_165 = tpu.memref_slice %arg24[%dma_wait3A_163, %dma_wait3A_164] : memref<10240x128xf32, #tpu.memory_space<vmem_shared>> -> memref<10240x128xf32, #tpu.memory_space<vmem_shared>>
    tpu.wait_indirect_dma semaphore(%arg22 : memref<!tpu.dma_semaphore, #tpu.memory_space<semaphore_mem>>) src(%arg12 : memref<80x128xf32, #tpu.memory_space<vmem>>) dst(%dma_wait3A_165 : memref<10240x128xf32, #tpu.memory_space<vmem_shared>>)
    %dma_start3A_166 = arith.constant 4 : i32
    %dma_start3A_167 = arith.constant 0 : i32
    %dma_start3A_168 = tpu.memref_slice %arg6[%dma_start3A_166, %dma_start3A_167] : memref<8x80xi32, #tpu.memory_space<vmem>> -> memref<1x80xi32, #tpu.memory_space<vmem>>
    %dma_start3A_169 = tpu.memref_squeeze %dma_start3A_168 : memref<1x80xi32, #tpu.memory_space<vmem>> -> memref<80xi32, #tpu.memory_space<vmem>>
    %dma_start3A_170 = arith.constant 0 : i32
    %dma_start3A_171 = arith.constant 0 : i32
    %dma_start3A_172 = tpu.memref_slice %arg2[%dma_start3A_170, %dma_start3A_171] : memref<10000x128xf32, #tpu.memory_space<hbm>> -> memref<10000x128xf32, #tpu.memory_space<hbm>>
    tpu.enqueue_indirect_dma source(%dma_start3A_172 : memref<10000x128xf32, #tpu.memory_space<hbm>>) target(%arg12 : memref<80x128xf32, #tpu.memory_space<vmem>>) offsets(%dma_start3A_169 : memref<80xi32, #tpu.memory_space<vmem>>) semaphore(%arg18 : memref<!tpu.dma_semaphore, #tpu.memory_space<semaphore_mem>>)
    %dma_wait3A_173 = arith.constant 3 : i32
    %dma_wait3A_174 = arith.constant 0 : i32
    %dma_wait3A_175 = tpu.memref_slice %arg6[%dma_wait3A_173, %dma_wait3A_174] : memref<8x80xi32, #tpu.memory_space<vmem>> -> memref<1x80xi32, #tpu.memory_space<vmem>>
    %dma_wait3A_176 = tpu.memref_squeeze %dma_wait3A_175 : memref<1x80xi32, #tpu.memory_space<vmem>> -> memref<80xi32, #tpu.memory_space<vmem>>
    %dma_wait3A_177 = arith.constant 0 : i32
    %dma_wait3A_178 = arith.constant 0 : i32
    %dma_wait3A_179 = tpu.memref_slice %arg2[%dma_wait3A_177, %dma_wait3A_178] : memref<10000x128xf32, #tpu.memory_space<hbm>> -> memref<10000x128xf32, #tpu.memory_space<hbm>>
    tpu.wait_indirect_dma semaphore(%arg17 : memref<!tpu.dma_semaphore, #tpu.memory_space<semaphore_mem>>) src(%dma_wait3A_179 : memref<10000x128xf32, #tpu.memory_space<hbm>>) dst(%arg11 : memref<80x128xf32, #tpu.memory_space<vmem>>)
    %dma_start3A_180 = arith.constant 3 : i32
    %dma_start3A_181 = arith.constant 0 : i32
    %dma_start3A_182 = tpu.memref_slice %arg8[%dma_start3A_180, %dma_start3A_181] : memref<8x80xi32, #tpu.memory_space<vmem>> -> memref<1x80xi32, #tpu.memory_space<vmem>>
    %dma_start3A_183 = tpu.memref_squeeze %dma_start3A_182 : memref<1x80xi32, #tpu.memory_space<vmem>> -> memref<80xi32, #tpu.memory_space<vmem>>
    %dma_start3A_184 = arith.constant 0 : i32
    %dma_start3A_185 = arith.constant 0 : i32
    %dma_start3A_186 = tpu.memref_slice %arg24[%dma_start3A_184, %dma_start3A_185] : memref<10240x128xf32, #tpu.memory_space<vmem_shared>> -> memref<10240x128xf32, #tpu.memory_space<vmem_shared>>
    tpu.enqueue_indirect_dma source(%arg11 : memref<80x128xf32, #tpu.memory_space<vmem>>) target(%dma_start3A_186 : memref<10240x128xf32, #tpu.memory_space<vmem_shared>>) offsets(%dma_start3A_183 : memref<80xi32, #tpu.memory_space<vmem>>) semaphore(%arg21 : memref<!tpu.dma_semaphore, #tpu.memory_space<semaphore_mem>>) {add = true}
    %dma_wait3A_187 = arith.constant 3 : i32
    %dma_wait3A_188 = arith.constant 0 : i32
    %dma_wait3A_189 = tpu.memref_slice %arg8[%dma_wait3A_187, %dma_wait3A_188] : memref<8x80xi32, #tpu.memory_space<vmem>> -> memref<1x80xi32, #tpu.memory_space<vmem>>
    %dma_wait3A_190 = tpu.memref_squeeze %dma_wait3A_189 : memref<1x80xi32, #tpu.memory_space<vmem>> -> memref<80xi32, #tpu.memory_space<vmem>>
    %dma_wait3A_191 = arith.constant 0 : i32
    %dma_wait3A_192 = arith.constant 0 : i32
    %dma_wait3A_193 = tpu.memref_slice %arg24[%dma_wait3A_191, %dma_wait3A_192] : memref<10240x128xf32, #tpu.memory_space<vmem_shared>> -> memref<10240x128xf32, #tpu.memory_space<vmem_shared>>
    tpu.wait_indirect_dma semaphore(%arg23 : memref<!tpu.dma_semaphore, #tpu.memory_space<semaphore_mem>>) src(%arg13 : memref<80x128xf32, #tpu.memory_space<vmem>>) dst(%dma_wait3A_193 : memref<10240x128xf32, #tpu.memory_space<vmem_shared>>)
    %dma_start3A_194 = arith.constant 5 : i32
    %dma_start3A_195 = arith.constant 0 : i32
    %dma_start3A_196 = tpu.memref_slice %arg6[%dma_start3A_194, %dma_start3A_195] : memref<8x80xi32, #tpu.memory_space<vmem>> -> memref<1x80xi32, #tpu.memory_space<vmem>>
    %dma_start3A_197 = tpu.memref_squeeze %dma_start3A_196 : memref<1x80xi32, #tpu.memory_space<vmem>> -> memref<80xi32, #tpu.memory_space<vmem>>
    %dma_start3A_198 = arith.constant 0 : i32
    %dma_start3A_199 = arith.constant 0 : i32
    %dma_start3A_200 = tpu.memref_slice %arg2[%dma_start3A_198, %dma_start3A_199] : memref<10000x128xf32, #tpu.memory_space<hbm>> -> memref<10000x128xf32, #tpu.memory_space<hbm>>
    tpu.enqueue_indirect_dma source(%dma_start3A_200 : memref<10000x128xf32, #tpu.memory_space<hbm>>) target(%arg13 : memref<80x128xf32, #tpu.memory_space<vmem>>) offsets(%dma_start3A_197 : memref<80xi32, #tpu.memory_space<vmem>>) semaphore(%arg19 : memref<!tpu.dma_semaphore, #tpu.memory_space<semaphore_mem>>)
    %dma_wait3A_201 = arith.constant 4 : i32
    %dma_wait3A_202 = arith.constant 0 : i32
    %dma_wait3A_203 = tpu.memref_slice %arg6[%dma_wait3A_201, %dma_wait3A_202] : memref<8x80xi32, #tpu.memory_space<vmem>> -> memref<1x80xi32, #tpu.memory_space<vmem>>
    %dma_wait3A_204 = tpu.memref_squeeze %dma_wait3A_203 : memref<1x80xi32, #tpu.memory_space<vmem>> -> memref<80xi32, #tpu.memory_space<vmem>>
    %dma_wait3A_205 = arith.constant 0 : i32
    %dma_wait3A_206 = arith.constant 0 : i32
    %dma_wait3A_207 = tpu.memref_slice %arg2[%dma_wait3A_205, %dma_wait3A_206] : memref<10000x128xf32, #tpu.memory_space<hbm>> -> memref<10000x128xf32, #tpu.memory_space<hbm>>
    tpu.wait_indirect_dma semaphore(%arg18 : memref<!tpu.dma_semaphore, #tpu.memory_space<semaphore_mem>>) src(%dma_wait3A_207 : memref<10000x128xf32, #tpu.memory_space<hbm>>) dst(%arg12 : memref<80x128xf32, #tpu.memory_space<vmem>>)
    %dma_start3A_208 = arith.constant 4 : i32
    %dma_start3A_209 = arith.constant 0 : i32
    %dma_start3A_210 = tpu.memref_slice %arg8[%dma_start3A_208, %dma_start3A_209] : memref<8x80xi32, #tpu.memory_space<vmem>> -> memref<1x80xi32, #tpu.memory_space<vmem>>
    %dma_start3A_211 = tpu.memref_squeeze %dma_start3A_210 : memref<1x80xi32, #tpu.memory_space<vmem>> -> memref<80xi32, #tpu.memory_space<vmem>>
    %dma_start3A_212 = arith.constant 0 : i32
    %dma_start3A_213 = arith.constant 0 : i32
    %dma_start3A_214 = tpu.memref_slice %arg24[%dma_start3A_212, %dma_start3A_213] : memref<10240x128xf32, #tpu.memory_space<vmem_shared>> -> memref<10240x128xf32, #tpu.memory_space<vmem_shared>>
    tpu.enqueue_indirect_dma source(%arg12 : memref<80x128xf32, #tpu.memory_space<vmem>>) target(%dma_start3A_214 : memref<10240x128xf32, #tpu.memory_space<vmem_shared>>) offsets(%dma_start3A_211 : memref<80xi32, #tpu.memory_space<vmem>>) semaphore(%arg22 : memref<!tpu.dma_semaphore, #tpu.memory_space<semaphore_mem>>) {add = true}
    %dma_wait3A_215 = arith.constant 4 : i32
    %dma_wait3A_216 = arith.constant 0 : i32
    %dma_wait3A_217 = tpu.memref_slice %arg8[%dma_wait3A_215, %dma_wait3A_216] : memref<8x80xi32, #tpu.memory_space<vmem>> -> memref<1x80xi32, #tpu.memory_space<vmem>>
    %dma_wait3A_218 = tpu.memref_squeeze %dma_wait3A_217 : memref<1x80xi32, #tpu.memory_space<vmem>> -> memref<80xi32, #tpu.memory_space<vmem>>
    %dma_wait3A_219 = arith.constant 0 : i32
    %dma_wait3A_220 = arith.constant 0 : i32
    %dma_wait3A_221 = tpu.memref_slice %arg24[%dma_wait3A_219, %dma_wait3A_220] : memref<10240x128xf32, #tpu.memory_space<vmem_shared>> -> memref<10240x128xf32, #tpu.memory_space<vmem_shared>>
    tpu.wait_indirect_dma semaphore(%arg20 : memref<!tpu.dma_semaphore, #tpu.memory_space<semaphore_mem>>) src(%arg10 : memref<80x128xf32, #tpu.memory_space<vmem>>) dst(%dma_wait3A_221 : memref<10240x128xf32, #tpu.memory_space<vmem_shared>>)
    %dma_start3A_222 = arith.constant 6 : i32
    %dma_start3A_223 = arith.constant 0 : i32
    %dma_start3A_224 = tpu.memref_slice %arg6[%dma_start3A_222, %dma_start3A_223] : memref<8x80xi32, #tpu.memory_space<vmem>> -> memref<1x80xi32, #tpu.memory_space<vmem>>
    %dma_start3A_225 = tpu.memref_squeeze %dma_start3A_224 : memref<1x80xi32, #tpu.memory_space<vmem>> -> memref<80xi32, #tpu.memory_space<vmem>>
    %dma_start3A_226 = arith.constant 0 : i32
    %dma_start3A_227 = arith.constant 0 : i32
    %dma_start3A_228 = tpu.memref_slice %arg2[%dma_start3A_226, %dma_start3A_227] : memref<10000x128xf32, #tpu.memory_space<hbm>> -> memref<10000x128xf32, #tpu.memory_space<hbm>>
    tpu.enqueue_indirect_dma source(%dma_start3A_228 : memref<10000x128xf32, #tpu.memory_space<hbm>>) target(%arg10 : memref<80x128xf32, #tpu.memory_space<vmem>>) offsets(%dma_start3A_225 : memref<80xi32, #tpu.memory_space<vmem>>) semaphore(%arg16 : memref<!tpu.dma_semaphore, #tpu.memory_space<semaphore_mem>>)
    %dma_wait3A_229 = arith.constant 1 : i32
    %dma_wait3A_230 = arith.constant 0 : i32
    %dma_wait3A_231 = arith.constant 0 : i32
    %dma_wait3A_232 = tpu.memref_slice %arg3[%arg0, %arg1, %dma_wait3A_229, %dma_wait3A_230, %dma_wait3A_231] : memref<2x16x16x8x80xi32, #tpu.memory_space<hbm>> -> memref<1x1x1x8x80xi32, #tpu.memory_space<hbm>>
    %dma_wait3A_233 = tpu.memref_squeeze %dma_wait3A_232 : memref<1x1x1x8x80xi32, #tpu.memory_space<hbm>> -> memref<8x80xi32, #tpu.memory_space<hbm>>
    %dma_wait3A_234 = arith.constant 0 : i32
    %dma_wait3A_235 = arith.constant 0 : i32
    %dma_wait3A_236 = tpu.memref_slice %arg3[%arg0, %arg1, %dma_wait3A_229, %dma_wait3A_234, %dma_wait3A_235] : memref<2x16x16x8x80xi32, #tpu.memory_space<hbm>> -> memref<1x1x1x8x80xi32, #tpu.memory_space<hbm>>
    %dma_wait3A_237 = tpu.memref_squeeze %dma_wait3A_236 : memref<1x1x1x8x80xi32, #tpu.memory_space<hbm>> -> memref<8x80xi32, #tpu.memory_space<hbm>>
    tpu.wait_dma2 semaphore(%arg15 : memref<!tpu.dma_semaphore, #tpu.memory_space<semaphore_mem>>) src(%dma_wait3A_237 : memref<8x80xi32, #tpu.memory_space<hbm>>) dst(%arg7 : memref<8x80xi32, #tpu.memory_space<vmem>>)
    %dma_wait3A_238 = arith.constant 1 : i32
    %dma_wait3A_239 = arith.constant 0 : i32
    %dma_wait3A_240 = arith.constant 0 : i32
    %dma_wait3A_241 = tpu.memref_slice %arg4[%arg0, %arg1, %dma_wait3A_238, %dma_wait3A_239, %dma_wait3A_240] : memref<2x16x16x8x80xi32, #tpu.memory_space<hbm>> -> memref<1x1x1x8x80xi32, #tpu.memory_space<hbm>>
    %dma_wait3A_242 = tpu.memref_squeeze %dma_wait3A_241 : memref<1x1x1x8x80xi32, #tpu.memory_space<hbm>> -> memref<8x80xi32, #tpu.memory_space<hbm>>
    %dma_wait3A_243 = arith.constant 0 : i32
    %dma_wait3A_244 = arith.constant 0 : i32
    %dma_wait3A_245 = tpu.memref_slice %arg4[%arg0, %arg1, %dma_wait3A_238, %dma_wait3A_243, %dma_wait3A_244] : memref<2x16x16x8x80xi32, #tpu.memory_space<hbm>> -> memref<1x1x1x8x80xi32, #tpu.memory_space<hbm>>
    %dma_wait3A_246 = tpu.memref_squeeze %dma_wait3A_245 : memref<1x1x1x8x80xi32, #tpu.memory_space<hbm>> -> memref<8x80xi32, #tpu.memory_space<hbm>>
    tpu.wait_dma2 semaphore(%arg15 : memref<!tpu.dma_semaphore, #tpu.memory_space<semaphore_mem>>) src(%dma_wait3A_246 : memref<8x80xi32, #tpu.memory_space<hbm>>) dst(%arg9 : memref<8x80xi32, #tpu.memory_space<vmem>>)
    %dma_wait3A_247 = arith.constant 5 : i32
    %dma_wait3A_248 = arith.constant 0 : i32
    %dma_wait3A_249 = tpu.memref_slice %arg6[%dma_wait3A_247, %dma_wait3A_248] : memref<8x80xi32, #tpu.memory_space<vmem>> -> memref<1x80xi32, #tpu.memory_space<vmem>>
    %dma_wait3A_250 = tpu.memref_squeeze %dma_wait3A_249 : memref<1x80xi32, #tpu.memory_space<vmem>> -> memref<80xi32, #tpu.memory_space<vmem>>
    %dma_wait3A_251 = arith.constant 0 : i32
    %dma_wait3A_252 = arith.constant 0 : i32
    %dma_wait3A_253 = tpu.memref_slice %arg2[%dma_wait3A_251, %dma_wait3A_252] : memref<10000x128xf32, #tpu.memory_space<hbm>> -> memref<10000x128xf32, #tpu.memory_space<hbm>>
    tpu.wait_indirect_dma semaphore(%arg19 : memref<!tpu.dma_semaphore, #tpu.memory_space<semaphore_mem>>) src(%dma_wait3A_253 : memref<10000x128xf32, #tpu.memory_space<hbm>>) dst(%arg13 : memref<80x128xf32, #tpu.memory_space<vmem>>)
    %dma_start3A_254 = arith.constant 5 : i32
    %dma_start3A_255 = arith.constant 0 : i32
    %dma_start3A_256 = tpu.memref_slice %arg8[%dma_start3A_254, %dma_start3A_255] : memref<8x80xi32, #tpu.memory_space<vmem>> -> memref<1x80xi32, #tpu.memory_space<vmem>>
    %dma_start3A_257 = tpu.memref_squeeze %dma_start3A_256 : memref<1x80xi32, #tpu.memory_space<vmem>> -> memref<80xi32, #tpu.memory_space<vmem>>
    %dma_start3A_258 = arith.constant 0 : i32
    %dma_start3A_259 = arith.constant 0 : i32
    %dma_start3A_260 = tpu.memref_slice %arg24[%dma_start3A_258, %dma_start3A_259] : memref<10240x128xf32, #tpu.memory_space<vmem_shared>> -> memref<10240x128xf32, #tpu.memory_space<vmem_shared>>
    tpu.enqueue_indirect_dma source(%arg13 : memref<80x128xf32, #tpu.memory_space<vmem>>) target(%dma_start3A_260 : memref<10240x128xf32, #tpu.memory_space<vmem_shared>>) offsets(%dma_start3A_257 : memref<80xi32, #tpu.memory_space<vmem>>) semaphore(%arg23 : memref<!tpu.dma_semaphore, #tpu.memory_space<semaphore_mem>>) {add = true}
    %dma_wait3A_261 = arith.constant 5 : i32
    %dma_wait3A_262 = arith.constant 0 : i32
    %dma_wait3A_263 = tpu.memref_slice %arg8[%dma_wait3A_261, %dma_wait3A_262] : memref<8x80xi32, #tpu.memory_space<vmem>> -> memref<1x80xi32, #tpu.memory_space<vmem>>
    %dma_wait3A_264 = tpu.memref_squeeze %dma_wait3A_263 : memref<1x80xi32, #tpu.memory_space<vmem>> -> memref<80xi32, #tpu.memory_space<vmem>>
    %dma_wait3A_265 = arith.constant 0 : i32
    %dma_wait3A_266 = arith.constant 0 : i32
    %dma_wait3A_267 = tpu.memref_slice %arg24[%dma_wait3A_265, %dma_wait3A_266] : memref<10240x128xf32, #tpu.memory_space<vmem_shared>> -> memref<10240x128xf32, #tpu.memory_space<vmem_shared>>
    tpu.wait_indirect_dma semaphore(%arg21 : memref<!tpu.dma_semaphore, #tpu.memory_space<semaphore_mem>>) src(%arg11 : memref<80x128xf32, #tpu.memory_space<vmem>>) dst(%dma_wait3A_267 : memref<10240x128xf32, #tpu.memory_space<vmem_shared>>)
    %dma_start3A_268 = arith.constant 7 : i32
    %dma_start3A_269 = arith.constant 0 : i32
    %dma_start3A_270 = tpu.memref_slice %arg6[%dma_start3A_268, %dma_start3A_269] : memref<8x80xi32, #tpu.memory_space<vmem>> -> memref<1x80xi32, #tpu.memory_space<vmem>>
    %dma_start3A_271 = tpu.memref_squeeze %dma_start3A_270 : memref<1x80xi32, #tpu.memory_space<vmem>> -> memref<80xi32, #tpu.memory_space<vmem>>
    %dma_start3A_272 = arith.constant 0 : i32
    %dma_start3A_273 = arith.constant 0 : i32
    %dma_start3A_274 = tpu.memref_slice %arg2[%dma_start3A_272, %dma_start3A_273] : memref<10000x128xf32, #tpu.memory_space<hbm>> -> memref<10000x128xf32, #tpu.memory_space<hbm>>
    tpu.enqueue_indirect_dma source(%dma_start3A_274 : memref<10000x128xf32, #tpu.memory_space<hbm>>) target(%arg11 : memref<80x128xf32, #tpu.memory_space<vmem>>) offsets(%dma_start3A_271 : memref<80xi32, #tpu.memory_space<vmem>>) semaphore(%arg17 : memref<!tpu.dma_semaphore, #tpu.memory_space<semaphore_mem>>)
    %dma_wait3A_275 = arith.constant 6 : i32
    %dma_wait3A_276 = arith.constant 0 : i32
    %dma_wait3A_277 = tpu.memref_slice %arg6[%dma_wait3A_275, %dma_wait3A_276] : memref<8x80xi32, #tpu.memory_space<vmem>> -> memref<1x80xi32, #tpu.memory_space<vmem>>
    %dma_wait3A_278 = tpu.memref_squeeze %dma_wait3A_277 : memref<1x80xi32, #tpu.memory_space<vmem>> -> memref<80xi32, #tpu.memory_space<vmem>>
    %dma_wait3A_279 = arith.constant 0 : i32
    %dma_wait3A_280 = arith.constant 0 : i32
    %dma_wait3A_281 = tpu.memref_slice %arg2[%dma_wait3A_279, %dma_wait3A_280] : memref<10000x128xf32, #tpu.memory_space<hbm>> -> memref<10000x128xf32, #tpu.memory_space<hbm>>
    tpu.wait_indirect_dma semaphore(%arg16 : memref<!tpu.dma_semaphore, #tpu.memory_space<semaphore_mem>>) src(%dma_wait3A_281 : memref<10000x128xf32, #tpu.memory_space<hbm>>) dst(%arg10 : memref<80x128xf32, #tpu.memory_space<vmem>>)
    %dma_start3A_282 = arith.constant 6 : i32
    %dma_start3A_283 = arith.constant 0 : i32
    %dma_start3A_284 = tpu.memref_slice %arg8[%dma_start3A_282, %dma_start3A_283] : memref<8x80xi32, #tpu.memory_space<vmem>> -> memref<1x80xi32, #tpu.memory_space<vmem>>
    %dma_start3A_285 = tpu.memref_squeeze %dma_start3A_284 : memref<1x80xi32, #tpu.memory_space<vmem>> -> memref<80xi32, #tpu.memory_space<vmem>>
    %dma_start3A_286 = arith.constant 0 : i32
    %dma_start3A_287 = arith.constant 0 : i32
    %dma_start3A_288 = tpu.memref_slice %arg24[%dma_start3A_286, %dma_start3A_287] : memref<10240x128xf32, #tpu.memory_space<vmem_shared>> -> memref<10240x128xf32, #tpu.memory_space<vmem_shared>>
    tpu.enqueue_indirect_dma source(%arg10 : memref<80x128xf32, #tpu.memory_space<vmem>>) target(%dma_start3A_288 : memref<10240x128xf32, #tpu.memory_space<vmem_shared>>) offsets(%dma_start3A_285 : memref<80xi32, #tpu.memory_space<vmem>>) semaphore(%arg20 : memref<!tpu.dma_semaphore, #tpu.memory_space<semaphore_mem>>) {add = true}
    %dma_wait3A_289 = arith.constant 6 : i32
    %dma_wait3A_290 = arith.constant 0 : i32
    %dma_wait3A_291 = tpu.memref_slice %arg8[%dma_wait3A_289, %dma_wait3A_290] : memref<8x80xi32, #tpu.memory_space<vmem>> -> memref<1x80xi32, #tpu.memory_space<vmem>>
    %dma_wait3A_292 = tpu.memref_squeeze %dma_wait3A_291 : memref<1x80xi32, #tpu.memory_space<vmem>> -> memref<80xi32, #tpu.memory_space<vmem>>
    %dma_wait3A_293 = arith.constant 0 : i32
    %dma_wait3A_294 = arith.constant 0 : i32
    %dma_wait3A_295 = tpu.memref_slice %arg24[%dma_wait3A_293, %dma_wait3A_294] : memref<10240x128xf32, #tpu.memory_space<vmem_shared>> -> memref<10240x128xf32, #tpu.memory_space<vmem_shared>>
    tpu.wait_indirect_dma semaphore(%arg22 : memref<!tpu.dma_semaphore, #tpu.memory_space<semaphore_mem>>) src(%arg12 : memref<80x128xf32, #tpu.memory_space<vmem>>) dst(%dma_wait3A_295 : memref<10240x128xf32, #tpu.memory_space<vmem_shared>>)
    %dma_start3A_296 = arith.constant 0 : i32
    %dma_start3A_297 = arith.constant 0 : i32
    %dma_start3A_298 = tpu.memref_slice %arg7[%dma_start3A_296, %dma_start3A_297] : memref<8x80xi32, #tpu.memory_space<vmem>> -> memref<1x80xi32, #tpu.memory_space<vmem>>
    %dma_start3A_299 = tpu.memref_squeeze %dma_start3A_298 : memref<1x80xi32, #tpu.memory_space<vmem>> -> memref<80xi32, #tpu.memory_space<vmem>>
    %dma_start3A_300 = arith.constant 0 : i32
    %dma_start3A_301 = arith.constant 0 : i32
    %dma_start3A_302 = tpu.memref_slice %arg2[%dma_start3A_300, %dma_start3A_301] : memref<10000x128xf32, #tpu.memory_space<hbm>> -> memref<10000x128xf32, #tpu.memory_space<hbm>>
    tpu.enqueue_indirect_dma source(%dma_start3A_302 : memref<10000x128xf32, #tpu.memory_space<hbm>>) target(%arg12 : memref<80x128xf32, #tpu.memory_space<vmem>>) offsets(%dma_start3A_299 : memref<80xi32, #tpu.memory_space<vmem>>) semaphore(%arg18 : memref<!tpu.dma_semaphore, #tpu.memory_space<semaphore_mem>>)
    %dma_wait3A_303 = arith.constant 7 : i32
    %dma_wait3A_304 = arith.constant 0 : i32
    %dma_wait3A_305 = tpu.memref_slice %arg6[%dma_wait3A_303, %dma_wait3A_304] : memref<8x80xi32, #tpu.memory_space<vmem>> -> memref<1x80xi32, #tpu.memory_space<vmem>>
    %dma_wait3A_306 = tpu.memref_squeeze %dma_wait3A_305 : memref<1x80xi32, #tpu.memory_space<vmem>> -> memref<80xi32, #tpu.memory_space<vmem>>
    %dma_wait3A_307 = arith.constant 0 : i32
    %dma_wait3A_308 = arith.constant 0 : i32
    %dma_wait3A_309 = tpu.memref_slice %arg2[%dma_wait3A_307, %dma_wait3A_308] : memref<10000x128xf32, #tpu.memory_space<hbm>> -> memref<10000x128xf32, #tpu.memory_space<hbm>>
    tpu.wait_indirect_dma semaphore(%arg17 : memref<!tpu.dma_semaphore, #tpu.memory_space<semaphore_mem>>) src(%dma_wait3A_309 : memref<10000x128xf32, #tpu.memory_space<hbm>>) dst(%arg11 : memref<80x128xf32, #tpu.memory_space<vmem>>)
    %dma_start3A_310 = arith.constant 7 : i32
    %dma_start3A_311 = arith.constant 0 : i32
    %dma_start3A_312 = tpu.memref_slice %arg8[%dma_start3A_310, %dma_start3A_311] : memref<8x80xi32, #tpu.memory_space<vmem>> -> memref<1x80xi32, #tpu.memory_space<vmem>>
    %dma_start3A_313 = tpu.memref_squeeze %dma_start3A_312 : memref<1x80xi32, #tpu.memory_space<vmem>> -> memref<80xi32, #tpu.memory_space<vmem>>
    %dma_start3A_314 = arith.constant 0 : i32
    %dma_start3A_315 = arith.constant 0 : i32
    %dma_start3A_316 = tpu.memref_slice %arg24[%dma_start3A_314, %dma_start3A_315] : memref<10240x128xf32, #tpu.memory_space<vmem_shared>> -> memref<10240x128xf32, #tpu.memory_space<vmem_shared>>
    tpu.enqueue_indirect_dma source(%arg11 : memref<80x128xf32, #tpu.memory_space<vmem>>) target(%dma_start3A_316 : memref<10240x128xf32, #tpu.memory_space<vmem_shared>>) offsets(%dma_start3A_313 : memref<80xi32, #tpu.memory_space<vmem>>) semaphore(%arg21 : memref<!tpu.dma_semaphore, #tpu.memory_space<semaphore_mem>>) {add = true}
    %dma_wait3A_317 = arith.constant 7 : i32
    %dma_wait3A_318 = arith.constant 0 : i32
    %dma_wait3A_319 = tpu.memref_slice %arg8[%dma_wait3A_317, %dma_wait3A_318] : memref<8x80xi32, #tpu.memory_space<vmem>> -> memref<1x80xi32, #tpu.memory_space<vmem>>
    %dma_wait3A_320 = tpu.memref_squeeze %dma_wait3A_319 : memref<1x80xi32, #tpu.memory_space<vmem>> -> memref<80xi32, #tpu.memory_space<vmem>>
    %dma_wait3A_321 = arith.constant 0 : i32
    %dma_wait3A_322 = arith.constant 0 : i32
    %dma_wait3A_323 = tpu.memref_slice %arg24[%dma_wait3A_321, %dma_wait3A_322] : memref<10240x128xf32, #tpu.memory_space<vmem_shared>> -> memref<10240x128xf32, #tpu.memory_space<vmem_shared>>
    tpu.wait_indirect_dma semaphore(%arg23 : memref<!tpu.dma_semaphore, #tpu.memory_space<semaphore_mem>>) src(%arg13 : memref<80x128xf32, #tpu.memory_space<vmem>>) dst(%dma_wait3A_323 : memref<10240x128xf32, #tpu.memory_space<vmem_shared>>)
    %dma_start3A_324 = arith.constant 1 : i32
    %dma_start3A_325 = arith.constant 0 : i32
    %dma_start3A_326 = tpu.memref_slice %arg7[%dma_start3A_324, %dma_start3A_325] : memref<8x80xi32, #tpu.memory_space<vmem>> -> memref<1x80xi32, #tpu.memory_space<vmem>>
    %dma_start3A_327 = tpu.memref_squeeze %dma_start3A_326 : memref<1x80xi32, #tpu.memory_space<vmem>> -> memref<80xi32, #tpu.memory_space<vmem>>
    %dma_start3A_328 = arith.constant 0 : i32
    %dma_start3A_329 = arith.constant 0 : i32
    %dma_start3A_330 = tpu.memref_slice %arg2[%dma_start3A_328, %dma_start3A_329] : memref<10000x128xf32, #tpu.memory_space<hbm>> -> memref<10000x128xf32, #tpu.memory_space<hbm>>
    tpu.enqueue_indirect_dma source(%dma_start3A_330 : memref<10000x128xf32, #tpu.memory_space<hbm>>) target(%arg13 : memref<80x128xf32, #tpu.memory_space<vmem>>) offsets(%dma_start3A_327 : memref<80xi32, #tpu.memory_space<vmem>>) semaphore(%arg19 : memref<!tpu.dma_semaphore, #tpu.memory_space<semaphore_mem>>)
    %dma_start3A_331 = arith.constant 2 : i32
    %dma_start3A_332 = arith.constant 0 : i32
    %dma_start3A_333 = arith.constant 0 : i32
    %dma_start3A_334 = tpu.memref_slice %arg3[%arg0, %arg1, %dma_start3A_331, %dma_start3A_332, %dma_start3A_333] : memref<2x16x16x8x80xi32, #tpu.memory_space<hbm>> -> memref<1x1x1x8x80xi32, #tpu.memory_space<hbm>>
    %dma_start3A_335 = tpu.memref_squeeze %dma_start3A_334 : memref<1x1x1x8x80xi32, #tpu.memory_space<hbm>> -> memref<8x80xi32, #tpu.memory_space<hbm>>
    %dma_start3A_336 = arith.constant 0 : i32
    %dma_start3A_337 = arith.constant 0 : i32
    %dma_start3A_338 = tpu.memref_slice %arg3[%arg0, %arg1, %dma_start3A_331, %dma_start3A_336, %dma_start3A_337] : memref<2x16x16x8x80xi32, #tpu.memory_space<hbm>> -> memref<1x1x1x8x80xi32, #tpu.memory_space<hbm>>
    %dma_start3A_339 = tpu.memref_squeeze %dma_start3A_338 : memref<1x1x1x8x80xi32, #tpu.memory_space<hbm>> -> memref<8x80xi32, #tpu.memory_space<hbm>>
    tpu.enqueue_dma source(%dma_start3A_339 : memref<8x80xi32, #tpu.memory_space<hbm>>) target(%arg6 : memref<8x80xi32, #tpu.memory_space<vmem>>) target_semaphore(%arg14 : memref<!tpu.dma_semaphore, #tpu.memory_space<semaphore_mem>>)
    %scan3A_340 = arith.constant 0 : i32
    %scan3A_341 = arith.constant 0 : i32
    %scan3A_342 = arith.constant 7 : i32
    %scan3A_343 = arith.addi %scan3A_341, %scan3A_342 : i32
    %scan3A_344 = arith.constant 1 : i32
    %scan3A_345 = scf.for %scan3A_576 = %scan3A_341 to %scan3A_343 step %scan3A_344 iter_args(%scan3A_577 = %scan3A_340) -> (i32)  : i32 {
      %mul3A_578 = arith.constant 2 : i32
      %mul3A_579 = arith.muli %mul3A_578, %scan3A_576 : i32
      %add3A_580 = arith.constant 1 : i32
      %add3A_581 = arith.addi %mul3A_579, %add3A_580 : i32
      %mul3A_582 = arith.constant 8 : i32
      %mul3A_583 = arith.muli %add3A_581, %mul3A_582 : i32
      %add3A_584 = arith.constant 0 : i32
      %add3A_585 = arith.addi %mul3A_583, %add3A_584 : i32
      %dma_wait3A_586 = arith.constant 0 : i32
      %dma_wait3A_587 = arith.constant 0 : i32
      %dma_wait3A_588 = tpu.memref_slice %arg7[%dma_wait3A_586, %dma_wait3A_587] : memref<8x80xi32, #tpu.memory_space<vmem>> -> memref<1x80xi32, #tpu.memory_space<vmem>>
      %dma_wait3A_589 = tpu.memref_squeeze %dma_wait3A_588 : memref<1x80xi32, #tpu.memory_space<vmem>> -> memref<80xi32, #tpu.memory_space<vmem>>
      %dma_wait3A_590 = arith.constant 0 : i32
      %dma_wait3A_591 = arith.constant 0 : i32
      %dma_wait3A_592 = tpu.memref_slice %arg2[%dma_wait3A_590, %dma_wait3A_591] : memref<10000x128xf32, #tpu.memory_space<hbm>> -> memref<10000x128xf32, #tpu.memory_space<hbm>>
      tpu.wait_indirect_dma semaphore(%arg18 : memref<!tpu.dma_semaphore, #tpu.memory_space<semaphore_mem>>) src(%dma_wait3A_592 : memref<10000x128xf32, #tpu.memory_space<hbm>>) dst(%arg12 : memref<80x128xf32, #tpu.memory_space<vmem>>)
      %dma_start3A_593 = arith.constant 0 : i32
      %dma_start3A_594 = arith.constant 0 : i32
      %dma_start3A_595 = tpu.memref_slice %arg9[%dma_start3A_593, %dma_start3A_594] : memref<8x80xi32, #tpu.memory_space<vmem>> -> memref<1x80xi32, #tpu.memory_space<vmem>>
      %dma_start3A_596 = tpu.memref_squeeze %dma_start3A_595 : memref<1x80xi32, #tpu.memory_space<vmem>> -> memref<80xi32, #tpu.memory_space<vmem>>
      %dma_start3A_597 = arith.constant 0 : i32
      %dma_start3A_598 = arith.constant 0 : i32
      %dma_start3A_599 = tpu.memref_slice %arg24[%dma_start3A_597, %dma_start3A_598] : memref<10240x128xf32, #tpu.memory_space<vmem_shared>> -> memref<10240x128xf32, #tpu.memory_space<vmem_shared>>
      tpu.enqueue_indirect_dma source(%arg12 : memref<80x128xf32, #tpu.memory_space<vmem>>) target(%dma_start3A_599 : memref<10240x128xf32, #tpu.memory_space<vmem_shared>>) offsets(%dma_start3A_596 : memref<80xi32, #tpu.memory_space<vmem>>) semaphore(%arg22 : memref<!tpu.dma_semaphore, #tpu.memory_space<semaphore_mem>>) {add = true}
      %dma_wait3A_600 = arith.constant 0 : i32
      %dma_wait3A_601 = arith.constant 0 : i32
      %dma_wait3A_602 = tpu.memref_slice %arg9[%dma_wait3A_600, %dma_wait3A_601] : memref<8x80xi32, #tpu.memory_space<vmem>> -> memref<1x80xi32, #tpu.memory_space<vmem>>
      %dma_wait3A_603 = tpu.memref_squeeze %dma_wait3A_602 : memref<1x80xi32, #tpu.memory_space<vmem>> -> memref<80xi32, #tpu.memory_space<vmem>>
      %dma_wait3A_604 = arith.constant 0 : i32
      %dma_wait3A_605 = arith.constant 0 : i32
      %dma_wait3A_606 = tpu.memref_slice %arg24[%dma_wait3A_604, %dma_wait3A_605] : memref<10240x128xf32, #tpu.memory_space<vmem_shared>> -> memref<10240x128xf32, #tpu.memory_space<vmem_shared>>
      tpu.wait_indirect_dma semaphore(%arg20 : memref<!tpu.dma_semaphore, #tpu.memory_space<semaphore_mem>>) src(%arg10 : memref<80x128xf32, #tpu.memory_space<vmem>>) dst(%dma_wait3A_606 : memref<10240x128xf32, #tpu.memory_space<vmem_shared>>)
      %dma_start3A_607 = arith.constant 2 : i32
      %dma_start3A_608 = arith.constant 0 : i32
      %dma_start3A_609 = tpu.memref_slice %arg7[%dma_start3A_607, %dma_start3A_608] : memref<8x80xi32, #tpu.memory_space<vmem>> -> memref<1x80xi32, #tpu.memory_space<vmem>>
      %dma_start3A_610 = tpu.memref_squeeze %dma_start3A_609 : memref<1x80xi32, #tpu.memory_space<vmem>> -> memref<80xi32, #tpu.memory_space<vmem>>
      %dma_start3A_611 = arith.constant 0 : i32
      %dma_start3A_612 = arith.constant 0 : i32
      %dma_start3A_613 = tpu.memref_slice %arg2[%dma_start3A_611, %dma_start3A_612] : memref<10000x128xf32, #tpu.memory_space<hbm>> -> memref<10000x128xf32, #tpu.memory_space<hbm>>
      tpu.enqueue_indirect_dma source(%dma_start3A_613 : memref<10000x128xf32, #tpu.memory_space<hbm>>) target(%arg10 : memref<80x128xf32, #tpu.memory_space<vmem>>) offsets(%dma_start3A_610 : memref<80xi32, #tpu.memory_space<vmem>>) semaphore(%arg16 : memref<!tpu.dma_semaphore, #tpu.memory_space<semaphore_mem>>)
      %mul3A_614 = arith.constant 8 : i32
      %mul3A_615 = arith.muli %add3A_581, %mul3A_614 : i32
      %add3A_616 = arith.constant 1 : i32
      %add3A_617 = arith.addi %mul3A_615, %add3A_616 : i32
      %dma_wait3A_618 = arith.constant 1 : i32
      %dma_wait3A_619 = arith.constant 0 : i32
      %dma_wait3A_620 = tpu.memref_slice %arg7[%dma_wait3A_618, %dma_wait3A_619] : memref<8x80xi32, #tpu.memory_space<vmem>> -> memref<1x80xi32, #tpu.memory_space<vmem>>
      %dma_wait3A_621 = tpu.memref_squeeze %dma_wait3A_620 : memref<1x80xi32, #tpu.memory_space<vmem>> -> memref<80xi32, #tpu.memory_space<vmem>>
      %dma_wait3A_622 = arith.constant 0 : i32
      %dma_wait3A_623 = arith.constant 0 : i32
      %dma_wait3A_624 = tpu.memref_slice %arg2[%dma_wait3A_622, %dma_wait3A_623] : memref<10000x128xf32, #tpu.memory_space<hbm>> -> memref<10000x128xf32, #tpu.memory_space<hbm>>
      tpu.wait_indirect_dma semaphore(%arg19 : memref<!tpu.dma_semaphore, #tpu.memory_space<semaphore_mem>>) src(%dma_wait3A_624 : memref<10000x128xf32, #tpu.memory_space<hbm>>) dst(%arg13 : memref<80x128xf32, #tpu.memory_space<vmem>>)
      %dma_start3A_625 = arith.constant 1 : i32
      %dma_start3A_626 = arith.constant 0 : i32
      %dma_start3A_627 = tpu.memref_slice %arg9[%dma_start3A_625, %dma_start3A_626] : memref<8x80xi32, #tpu.memory_space<vmem>> -> memref<1x80xi32, #tpu.memory_space<vmem>>
      %dma_start3A_628 = tpu.memref_squeeze %dma_start3A_627 : memref<1x80xi32, #tpu.memory_space<vmem>> -> memref<80xi32, #tpu.memory_space<vmem>>
      %dma_start3A_629 = arith.constant 0 : i32
      %dma_start3A_630 = arith.constant 0 : i32
      %dma_start3A_631 = tpu.memref_slice %arg24[%dma_start3A_629, %dma_start3A_630] : memref<10240x128xf32, #tpu.memory_space<vmem_shared>> -> memref<10240x128xf32, #tpu.memory_space<vmem_shared>>
      tpu.enqueue_indirect_dma source(%arg13 : memref<80x128xf32, #tpu.memory_space<vmem>>) target(%dma_start3A_631 : memref<10240x128xf32, #tpu.memory_space<vmem_shared>>) offsets(%dma_start3A_628 : memref<80xi32, #tpu.memory_space<vmem>>) semaphore(%arg23 : memref<!tpu.dma_semaphore, #tpu.memory_space<semaphore_mem>>) {add = true}
      %dma_wait3A_632 = arith.constant 1 : i32
      %dma_wait3A_633 = arith.constant 0 : i32
      %dma_wait3A_634 = tpu.memref_slice %arg9[%dma_wait3A_632, %dma_wait3A_633] : memref<8x80xi32, #tpu.memory_space<vmem>> -> memref<1x80xi32, #tpu.memory_space<vmem>>
      %dma_wait3A_635 = tpu.memref_squeeze %dma_wait3A_634 : memref<1x80xi32, #tpu.memory_space<vmem>> -> memref<80xi32, #tpu.memory_space<vmem>>
      %dma_wait3A_636 = arith.constant 0 : i32
      %dma_wait3A_637 = arith.constant 0 : i32
      %dma_wait3A_638 = tpu.memref_slice %arg24[%dma_wait3A_636, %dma_wait3A_637] : memref<10240x128xf32, #tpu.memory_space<vmem_shared>> -> memref<10240x128xf32, #tpu.memory_space<vmem_shared>>
      tpu.wait_indirect_dma semaphore(%arg21 : memref<!tpu.dma_semaphore, #tpu.memory_space<semaphore_mem>>) src(%arg11 : memref<80x128xf32, #tpu.memory_space<vmem>>) dst(%dma_wait3A_638 : memref<10240x128xf32, #tpu.memory_space<vmem_shared>>)
      %dma_start3A_639 = arith.constant 3 : i32
      %dma_start3A_640 = arith.constant 0 : i32
      %dma_start3A_641 = tpu.memref_slice %arg7[%dma_start3A_639, %dma_start3A_640] : memref<8x80xi32, #tpu.memory_space<vmem>> -> memref<1x80xi32, #tpu.memory_space<vmem>>
      %dma_start3A_642 = tpu.memref_squeeze %dma_start3A_641 : memref<1x80xi32, #tpu.memory_space<vmem>> -> memref<80xi32, #tpu.memory_space<vmem>>
      %dma_start3A_643 = arith.constant 0 : i32
      %dma_start3A_644 = arith.constant 0 : i32
      %dma_start3A_645 = tpu.memref_slice %arg2[%dma_start3A_643, %dma_start3A_644] : memref<10000x128xf32, #tpu.memory_space<hbm>> -> memref<10000x128xf32, #tpu.memory_space<hbm>>
      tpu.enqueue_indirect_dma source(%dma_start3A_645 : memref<10000x128xf32, #tpu.memory_space<hbm>>) target(%arg11 : memref<80x128xf32, #tpu.memory_space<vmem>>) offsets(%dma_start3A_642 : memref<80xi32, #tpu.memory_space<vmem>>) semaphore(%arg17 : memref<!tpu.dma_semaphore, #tpu.memory_space<semaphore_mem>>)
      %mul3A_646 = arith.constant 8 : i32
      %mul3A_647 = arith.muli %add3A_581, %mul3A_646 : i32
      %add3A_648 = arith.constant 2 : i32
      %add3A_649 = arith.addi %mul3A_647, %add3A_648 : i32
      %add3A_650 = arith.constant 1 : i32
      %add3A_651 = arith.addi %add3A_581, %add3A_650 : i32
      %dma_start3A_652 = arith.constant 0 : i32
      %dma_start3A_653 = arith.constant 0 : i32
      %dma_start3A_654 = tpu.memref_slice %arg4[%arg0, %arg1, %add3A_651, %dma_start3A_652, %dma_start3A_653] : memref<2x16x16x8x80xi32, #tpu.memory_space<hbm>> -> memref<1x1x1x8x80xi32, #tpu.memory_space<hbm>>
      %dma_start3A_655 = tpu.memref_squeeze %dma_start3A_654 : memref<1x1x1x8x80xi32, #tpu.memory_space<hbm>> -> memref<8x80xi32, #tpu.memory_space<hbm>>
      %dma_start3A_656 = arith.constant 0 : i32
      %dma_start3A_657 = arith.constant 0 : i32
      %dma_start3A_658 = tpu.memref_slice %arg4[%arg0, %arg1, %add3A_651, %dma_start3A_656, %dma_start3A_657] : memref<2x16x16x8x80xi32, #tpu.memory_space<hbm>> -> memref<1x1x1x8x80xi32, #tpu.memory_space<hbm>>
      %dma_start3A_659 = tpu.memref_squeeze %dma_start3A_658 : memref<1x1x1x8x80xi32, #tpu.memory_space<hbm>> -> memref<8x80xi32, #tpu.memory_space<hbm>>
      tpu.enqueue_dma source(%dma_start3A_659 : memref<8x80xi32, #tpu.memory_space<hbm>>) target(%arg8 : memref<8x80xi32, #tpu.memory_space<vmem>>) target_semaphore(%arg14 : memref<!tpu.dma_semaphore, #tpu.memory_space<semaphore_mem>>)
      %dma_wait3A_660 = arith.constant 2 : i32
      %dma_wait3A_661 = arith.constant 0 : i32
      %dma_wait3A_662 = tpu.memref_slice %arg7[%dma_wait3A_660, %dma_wait3A_661] : memref<8x80xi32, #tpu.memory_space<vmem>> -> memref<1x80xi32, #tpu.memory_space<vmem>>
      %dma_wait3A_663 = tpu.memref_squeeze %dma_wait3A_662 : memref<1x80xi32, #tpu.memory_space<vmem>> -> memref<80xi32, #tpu.memory_space<vmem>>
      %dma_wait3A_664 = arith.constant 0 : i32
      %dma_wait3A_665 = arith.constant 0 : i32
      %dma_wait3A_666 = tpu.memref_slice %arg2[%dma_wait3A_664, %dma_wait3A_665] : memref<10000x128xf32, #tpu.memory_space<hbm>> -> memref<10000x128xf32, #tpu.memory_space<hbm>>
      tpu.wait_indirect_dma semaphore(%arg16 : memref<!tpu.dma_semaphore, #tpu.memory_space<semaphore_mem>>) src(%dma_wait3A_666 : memref<10000x128xf32, #tpu.memory_space<hbm>>) dst(%arg10 : memref<80x128xf32, #tpu.memory_space<vmem>>)
      %dma_start3A_667 = arith.constant 2 : i32
      %dma_start3A_668 = arith.constant 0 : i32
      %dma_start3A_669 = tpu.memref_slice %arg9[%dma_start3A_667, %dma_start3A_668] : memref<8x80xi32, #tpu.memory_space<vmem>> -> memref<1x80xi32, #tpu.memory_space<vmem>>
      %dma_start3A_670 = tpu.memref_squeeze %dma_start3A_669 : memref<1x80xi32, #tpu.memory_space<vmem>> -> memref<80xi32, #tpu.memory_space<vmem>>
      %dma_start3A_671 = arith.constant 0 : i32
      %dma_start3A_672 = arith.constant 0 : i32
      %dma_start3A_673 = tpu.memref_slice %arg24[%dma_start3A_671, %dma_start3A_672] : memref<10240x128xf32, #tpu.memory_space<vmem_shared>> -> memref<10240x128xf32, #tpu.memory_space<vmem_shared>>
      tpu.enqueue_indirect_dma source(%arg10 : memref<80x128xf32, #tpu.memory_space<vmem>>) target(%dma_start3A_673 : memref<10240x128xf32, #tpu.memory_space<vmem_shared>>) offsets(%dma_start3A_670 : memref<80xi32, #tpu.memory_space<vmem>>) semaphore(%arg20 : memref<!tpu.dma_semaphore, #tpu.memory_space<semaphore_mem>>) {add = true}
      %dma_wait3A_674 = arith.constant 2 : i32
      %dma_wait3A_675 = arith.constant 0 : i32
      %dma_wait3A_676 = tpu.memref_slice %arg9[%dma_wait3A_674, %dma_wait3A_675] : memref<8x80xi32, #tpu.memory_space<vmem>> -> memref<1x80xi32, #tpu.memory_space<vmem>>
      %dma_wait3A_677 = tpu.memref_squeeze %dma_wait3A_676 : memref<1x80xi32, #tpu.memory_space<vmem>> -> memref<80xi32, #tpu.memory_space<vmem>>
      %dma_wait3A_678 = arith.constant 0 : i32
      %dma_wait3A_679 = arith.constant 0 : i32
      %dma_wait3A_680 = tpu.memref_slice %arg24[%dma_wait3A_678, %dma_wait3A_679] : memref<10240x128xf32, #tpu.memory_space<vmem_shared>> -> memref<10240x128xf32, #tpu.memory_space<vmem_shared>>
      tpu.wait_indirect_dma semaphore(%arg22 : memref<!tpu.dma_semaphore, #tpu.memory_space<semaphore_mem>>) src(%arg12 : memref<80x128xf32, #tpu.memory_space<vmem>>) dst(%dma_wait3A_680 : memref<10240x128xf32, #tpu.memory_space<vmem_shared>>)
      %dma_start3A_681 = arith.constant 4 : i32
      %dma_start3A_682 = arith.constant 0 : i32
      %dma_start3A_683 = tpu.memref_slice %arg7[%dma_start3A_681, %dma_start3A_682] : memref<8x80xi32, #tpu.memory_space<vmem>> -> memref<1x80xi32, #tpu.memory_space<vmem>>
      %dma_start3A_684 = tpu.memref_squeeze %dma_start3A_683 : memref<1x80xi32, #tpu.memory_space<vmem>> -> memref<80xi32, #tpu.memory_space<vmem>>
      %dma_start3A_685 = arith.constant 0 : i32
      %dma_start3A_686 = arith.constant 0 : i32
      %dma_start3A_687 = tpu.memref_slice %arg2[%dma_start3A_685, %dma_start3A_686] : memref<10000x128xf32, #tpu.memory_space<hbm>> -> memref<10000x128xf32, #tpu.memory_space<hbm>>
      tpu.enqueue_indirect_dma source(%dma_start3A_687 : memref<10000x128xf32, #tpu.memory_space<hbm>>) target(%arg12 : memref<80x128xf32, #tpu.memory_space<vmem>>) offsets(%dma_start3A_684 : memref<80xi32, #tpu.memory_space<vmem>>) semaphore(%arg18 : memref<!tpu.dma_semaphore, #tpu.memory_space<semaphore_mem>>)
      %mul3A_688 = arith.constant 8 : i32
      %mul3A_689 = arith.muli %add3A_581, %mul3A_688 : i32
      %add3A_690 = arith.constant 3 : i32
      %add3A_691 = arith.addi %mul3A_689, %add3A_690 : i32
      %dma_wait3A_692 = arith.constant 3 : i32
      %dma_wait3A_693 = arith.constant 0 : i32
      %dma_wait3A_694 = tpu.memref_slice %arg7[%dma_wait3A_692, %dma_wait3A_693] : memref<8x80xi32, #tpu.memory_space<vmem>> -> memref<1x80xi32, #tpu.memory_space<vmem>>
      %dma_wait3A_695 = tpu.memref_squeeze %dma_wait3A_694 : memref<1x80xi32, #tpu.memory_space<vmem>> -> memref<80xi32, #tpu.memory_space<vmem>>
      %dma_wait3A_696 = arith.constant 0 : i32
      %dma_wait3A_697 = arith.constant 0 : i32
      %dma_wait3A_698 = tpu.memref_slice %arg2[%dma_wait3A_696, %dma_wait3A_697] : memref<10000x128xf32, #tpu.memory_space<hbm>> -> memref<10000x128xf32, #tpu.memory_space<hbm>>
      tpu.wait_indirect_dma semaphore(%arg17 : memref<!tpu.dma_semaphore, #tpu.memory_space<semaphore_mem>>) src(%dma_wait3A_698 : memref<10000x128xf32, #tpu.memory_space<hbm>>) dst(%arg11 : memref<80x128xf32, #tpu.memory_space<vmem>>)
      %dma_start3A_699 = arith.constant 3 : i32
      %dma_start3A_700 = arith.constant 0 : i32
      %dma_start3A_701 = tpu.memref_slice %arg9[%dma_start3A_699, %dma_start3A_700] : memref<8x80xi32, #tpu.memory_space<vmem>> -> memref<1x80xi32, #tpu.memory_space<vmem>>
      %dma_start3A_702 = tpu.memref_squeeze %dma_start3A_701 : memref<1x80xi32, #tpu.memory_space<vmem>> -> memref<80xi32, #tpu.memory_space<vmem>>
      %dma_start3A_703 = arith.constant 0 : i32
      %dma_start3A_704 = arith.constant 0 : i32
      %dma_start3A_705 = tpu.memref_slice %arg24[%dma_start3A_703, %dma_start3A_704] : memref<10240x128xf32, #tpu.memory_space<vmem_shared>> -> memref<10240x128xf32, #tpu.memory_space<vmem_shared>>
      tpu.enqueue_indirect_dma source(%arg11 : memref<80x128xf32, #tpu.memory_space<vmem>>) target(%dma_start3A_705 : memref<10240x128xf32, #tpu.memory_space<vmem_shared>>) offsets(%dma_start3A_702 : memref<80xi32, #tpu.memory_space<vmem>>) semaphore(%arg21 : memref<!tpu.dma_semaphore, #tpu.memory_space<semaphore_mem>>) {add = true}
      %dma_wait3A_706 = arith.constant 3 : i32
      %dma_wait3A_707 = arith.constant 0 : i32
      %dma_wait3A_708 = tpu.memref_slice %arg9[%dma_wait3A_706, %dma_wait3A_707] : memref<8x80xi32, #tpu.memory_space<vmem>> -> memref<1x80xi32, #tpu.memory_space<vmem>>
      %dma_wait3A_709 = tpu.memref_squeeze %dma_wait3A_708 : memref<1x80xi32, #tpu.memory_space<vmem>> -> memref<80xi32, #tpu.memory_space<vmem>>
      %dma_wait3A_710 = arith.constant 0 : i32
      %dma_wait3A_711 = arith.constant 0 : i32
      %dma_wait3A_712 = tpu.memref_slice %arg24[%dma_wait3A_710, %dma_wait3A_711] : memref<10240x128xf32, #tpu.memory_space<vmem_shared>> -> memref<10240x128xf32, #tpu.memory_space<vmem_shared>>
      tpu.wait_indirect_dma semaphore(%arg23 : memref<!tpu.dma_semaphore, #tpu.memory_space<semaphore_mem>>) src(%arg13 : memref<80x128xf32, #tpu.memory_space<vmem>>) dst(%dma_wait3A_712 : memref<10240x128xf32, #tpu.memory_space<vmem_shared>>)
      %dma_start3A_713 = arith.constant 5 : i32
      %dma_start3A_714 = arith.constant 0 : i32
      %dma_start3A_715 = tpu.memref_slice %arg7[%dma_start3A_713, %dma_start3A_714] : memref<8x80xi32, #tpu.memory_space<vmem>> -> memref<1x80xi32, #tpu.memory_space<vmem>>
      %dma_start3A_716 = tpu.memref_squeeze %dma_start3A_715 : memref<1x80xi32, #tpu.memory_space<vmem>> -> memref<80xi32, #tpu.memory_space<vmem>>
      %dma_start3A_717 = arith.constant 0 : i32
      %dma_start3A_718 = arith.constant 0 : i32
      %dma_start3A_719 = tpu.memref_slice %arg2[%dma_start3A_717, %dma_start3A_718] : memref<10000x128xf32, #tpu.memory_space<hbm>> -> memref<10000x128xf32, #tpu.memory_space<hbm>>
      tpu.enqueue_indirect_dma source(%dma_start3A_719 : memref<10000x128xf32, #tpu.memory_space<hbm>>) target(%arg13 : memref<80x128xf32, #tpu.memory_space<vmem>>) offsets(%dma_start3A_716 : memref<80xi32, #tpu.memory_space<vmem>>) semaphore(%arg19 : memref<!tpu.dma_semaphore, #tpu.memory_space<semaphore_mem>>)
      %mul3A_720 = arith.constant 8 : i32
      %mul3A_721 = arith.muli %add3A_581, %mul3A_720 : i32
      %add3A_722 = arith.constant 4 : i32
      %add3A_723 = arith.addi %mul3A_721, %add3A_722 : i32
      %dma_wait3A_724 = arith.constant 4 : i32
      %dma_wait3A_725 = arith.constant 0 : i32
      %dma_wait3A_726 = tpu.memref_slice %arg7[%dma_wait3A_724, %dma_wait3A_725] : memref<8x80xi32, #tpu.memory_space<vmem>> -> memref<1x80xi32, #tpu.memory_space<vmem>>
      %dma_wait3A_727 = tpu.memref_squeeze %dma_wait3A_726 : memref<1x80xi32, #tpu.memory_space<vmem>> -> memref<80xi32, #tpu.memory_space<vmem>>
      %dma_wait3A_728 = arith.constant 0 : i32
      %dma_wait3A_729 = arith.constant 0 : i32
      %dma_wait3A_730 = tpu.memref_slice %arg2[%dma_wait3A_728, %dma_wait3A_729] : memref<10000x128xf32, #tpu.memory_space<hbm>> -> memref<10000x128xf32, #tpu.memory_space<hbm>>
      tpu.wait_indirect_dma semaphore(%arg18 : memref<!tpu.dma_semaphore, #tpu.memory_space<semaphore_mem>>) src(%dma_wait3A_730 : memref<10000x128xf32, #tpu.memory_space<hbm>>) dst(%arg12 : memref<80x128xf32, #tpu.memory_space<vmem>>)
      %dma_start3A_731 = arith.constant 4 : i32
      %dma_start3A_732 = arith.constant 0 : i32
      %dma_start3A_733 = tpu.memref_slice %arg9[%dma_start3A_731, %dma_start3A_732] : memref<8x80xi32, #tpu.memory_space<vmem>> -> memref<1x80xi32, #tpu.memory_space<vmem>>
      %dma_start3A_734 = tpu.memref_squeeze %dma_start3A_733 : memref<1x80xi32, #tpu.memory_space<vmem>> -> memref<80xi32, #tpu.memory_space<vmem>>
      %dma_start3A_735 = arith.constant 0 : i32
      %dma_start3A_736 = arith.constant 0 : i32
      %dma_start3A_737 = tpu.memref_slice %arg24[%dma_start3A_735, %dma_start3A_736] : memref<10240x128xf32, #tpu.memory_space<vmem_shared>> -> memref<10240x128xf32, #tpu.memory_space<vmem_shared>>
      tpu.enqueue_indirect_dma source(%arg12 : memref<80x128xf32, #tpu.memory_space<vmem>>) target(%dma_start3A_737 : memref<10240x128xf32, #tpu.memory_space<vmem_shared>>) offsets(%dma_start3A_734 : memref<80xi32, #tpu.memory_space<vmem>>) semaphore(%arg22 : memref<!tpu.dma_semaphore, #tpu.memory_space<semaphore_mem>>) {add = true}
      %dma_wait3A_738 = arith.constant 4 : i32
      %dma_wait3A_739 = arith.constant 0 : i32
      %dma_wait3A_740 = tpu.memref_slice %arg9[%dma_wait3A_738, %dma_wait3A_739] : memref<8x80xi32, #tpu.memory_space<vmem>> -> memref<1x80xi32, #tpu.memory_space<vmem>>
      %dma_wait3A_741 = tpu.memref_squeeze %dma_wait3A_740 : memref<1x80xi32, #tpu.memory_space<vmem>> -> memref<80xi32, #tpu.memory_space<vmem>>
      %dma_wait3A_742 = arith.constant 0 : i32
      %dma_wait3A_743 = arith.constant 0 : i32
      %dma_wait3A_744 = tpu.memref_slice %arg24[%dma_wait3A_742, %dma_wait3A_743] : memref<10240x128xf32, #tpu.memory_space<vmem_shared>> -> memref<10240x128xf32, #tpu.memory_space<vmem_shared>>
      tpu.wait_indirect_dma semaphore(%arg20 : memref<!tpu.dma_semaphore, #tpu.memory_space<semaphore_mem>>) src(%arg10 : memref<80x128xf32, #tpu.memory_space<vmem>>) dst(%dma_wait3A_744 : memref<10240x128xf32, #tpu.memory_space<vmem_shared>>)
      %dma_start3A_745 = arith.constant 6 : i32
      %dma_start3A_746 = arith.constant 0 : i32
      %dma_start3A_747 = tpu.memref_slice %arg7[%dma_start3A_745, %dma_start3A_746] : memref<8x80xi32, #tpu.memory_space<vmem>> -> memref<1x80xi32, #tpu.memory_space<vmem>>
      %dma_start3A_748 = tpu.memref_squeeze %dma_start3A_747 : memref<1x80xi32, #tpu.memory_space<vmem>> -> memref<80xi32, #tpu.memory_space<vmem>>
      %dma_start3A_749 = arith.constant 0 : i32
      %dma_start3A_750 = arith.constant 0 : i32
      %dma_start3A_751 = tpu.memref_slice %arg2[%dma_start3A_749, %dma_start3A_750] : memref<10000x128xf32, #tpu.memory_space<hbm>> -> memref<10000x128xf32, #tpu.memory_space<hbm>>
      tpu.enqueue_indirect_dma source(%dma_start3A_751 : memref<10000x128xf32, #tpu.memory_space<hbm>>) target(%arg10 : memref<80x128xf32, #tpu.memory_space<vmem>>) offsets(%dma_start3A_748 : memref<80xi32, #tpu.memory_space<vmem>>) semaphore(%arg16 : memref<!tpu.dma_semaphore, #tpu.memory_space<semaphore_mem>>)
      %mul3A_752 = arith.constant 8 : i32
      %mul3A_753 = arith.muli %add3A_581, %mul3A_752 : i32
      %add3A_754 = arith.constant 5 : i32
      %add3A_755 = arith.addi %mul3A_753, %add3A_754 : i32
      %add3A_756 = arith.constant 1 : i32
      %add3A_757 = arith.addi %add3A_581, %add3A_756 : i32
      %dma_wait3A_758 = arith.constant 0 : i32
      %dma_wait3A_759 = arith.constant 0 : i32
      %dma_wait3A_760 = tpu.memref_slice %arg3[%arg0, %arg1, %add3A_757, %dma_wait3A_758, %dma_wait3A_759] : memref<2x16x16x8x80xi32, #tpu.memory_space<hbm>> -> memref<1x1x1x8x80xi32, #tpu.memory_space<hbm>>
      %dma_wait3A_761 = tpu.memref_squeeze %dma_wait3A_760 : memref<1x1x1x8x80xi32, #tpu.memory_space<hbm>> -> memref<8x80xi32, #tpu.memory_space<hbm>>
      %dma_wait3A_762 = arith.constant 0 : i32
      %dma_wait3A_763 = arith.constant 0 : i32
      %dma_wait3A_764 = tpu.memref_slice %arg3[%arg0, %arg1, %add3A_757, %dma_wait3A_762, %dma_wait3A_763] : memref<2x16x16x8x80xi32, #tpu.memory_space<hbm>> -> memref<1x1x1x8x80xi32, #tpu.memory_space<hbm>>
      %dma_wait3A_765 = tpu.memref_squeeze %dma_wait3A_764 : memref<1x1x1x8x80xi32, #tpu.memory_space<hbm>> -> memref<8x80xi32, #tpu.memory_space<hbm>>
      tpu.wait_dma2 semaphore(%arg14 : memref<!tpu.dma_semaphore, #tpu.memory_space<semaphore_mem>>) src(%dma_wait3A_765 : memref<8x80xi32, #tpu.memory_space<hbm>>) dst(%arg6 : memref<8x80xi32, #tpu.memory_space<vmem>>)
      %add3A_766 = arith.constant 1 : i32
      %add3A_767 = arith.addi %add3A_581, %add3A_766 : i32
      %dma_wait3A_768 = arith.constant 0 : i32
      %dma_wait3A_769 = arith.constant 0 : i32
      %dma_wait3A_770 = tpu.memref_slice %arg4[%arg0, %arg1, %add3A_767, %dma_wait3A_768, %dma_wait3A_769] : memref<2x16x16x8x80xi32, #tpu.memory_space<hbm>> -> memref<1x1x1x8x80xi32, #tpu.memory_space<hbm>>
      %dma_wait3A_771 = tpu.memref_squeeze %dma_wait3A_770 : memref<1x1x1x8x80xi32, #tpu.memory_space<hbm>> -> memref<8x80xi32, #tpu.memory_space<hbm>>
      %dma_wait3A_772 = arith.constant 0 : i32
      %dma_wait3A_773 = arith.constant 0 : i32
      %dma_wait3A_774 = tpu.memref_slice %arg4[%arg0, %arg1, %add3A_767, %dma_wait3A_772, %dma_wait3A_773] : memref<2x16x16x8x80xi32, #tpu.memory_space<hbm>> -> memref<1x1x1x8x80xi32, #tpu.memory_space<hbm>>
      %dma_wait3A_775 = tpu.memref_squeeze %dma_wait3A_774 : memref<1x1x1x8x80xi32, #tpu.memory_space<hbm>> -> memref<8x80xi32, #tpu.memory_space<hbm>>
      tpu.wait_dma2 semaphore(%arg14 : memref<!tpu.dma_semaphore, #tpu.memory_space<semaphore_mem>>) src(%dma_wait3A_775 : memref<8x80xi32, #tpu.memory_space<hbm>>) dst(%arg8 : memref<8x80xi32, #tpu.memory_space<vmem>>)
      %dma_wait3A_776 = arith.constant 5 : i32
      %dma_wait3A_777 = arith.constant 0 : i32
      %dma_wait3A_778 = tpu.memref_slice %arg7[%dma_wait3A_776, %dma_wait3A_777] : memref<8x80xi32, #tpu.memory_space<vmem>> -> memref<1x80xi32, #tpu.memory_space<vmem>>
      %dma_wait3A_779 = tpu.memref_squeeze %dma_wait3A_778 : memref<1x80xi32, #tpu.memory_space<vmem>> -> memref<80xi32, #tpu.memory_space<vmem>>
      %dma_wait3A_780 = arith.constant 0 : i32
      %dma_wait3A_781 = arith.constant 0 : i32
      %dma_wait3A_782 = tpu.memref_slice %arg2[%dma_wait3A_780, %dma_wait3A_781] : memref<10000x128xf32, #tpu.memory_space<hbm>> -> memref<10000x128xf32, #tpu.memory_space<hbm>>
      tpu.wait_indirect_dma semaphore(%arg19 : memref<!tpu.dma_semaphore, #tpu.memory_space<semaphore_mem>>) src(%dma_wait3A_782 : memref<10000x128xf32, #tpu.memory_space<hbm>>) dst(%arg13 : memref<80x128xf32, #tpu.memory_space<vmem>>)
      %dma_start3A_783 = arith.constant 5 : i32
      %dma_start3A_784 = arith.constant 0 : i32
      %dma_start3A_785 = tpu.memref_slice %arg9[%dma_start3A_783, %dma_start3A_784] : memref<8x80xi32, #tpu.memory_space<vmem>> -> memref<1x80xi32, #tpu.memory_space<vmem>>
      %dma_start3A_786 = tpu.memref_squeeze %dma_start3A_785 : memref<1x80xi32, #tpu.memory_space<vmem>> -> memref<80xi32, #tpu.memory_space<vmem>>
      %dma_start3A_787 = arith.constant 0 : i32
      %dma_start3A_788 = arith.constant 0 : i32
      %dma_start3A_789 = tpu.memref_slice %arg24[%dma_start3A_787, %dma_start3A_788] : memref<10240x128xf32, #tpu.memory_space<vmem_shared>> -> memref<10240x128xf32, #tpu.memory_space<vmem_shared>>
      tpu.enqueue_indirect_dma source(%arg13 : memref<80x128xf32, #tpu.memory_space<vmem>>) target(%dma_start3A_789 : memref<10240x128xf32, #tpu.memory_space<vmem_shared>>) offsets(%dma_start3A_786 : memref<80xi32, #tpu.memory_space<vmem>>) semaphore(%arg23 : memref<!tpu.dma_semaphore, #tpu.memory_space<semaphore_mem>>) {add = true}
      %dma_wait3A_790 = arith.constant 5 : i32
      %dma_wait3A_791 = arith.constant 0 : i32
      %dma_wait3A_792 = tpu.memref_slice %arg9[%dma_wait3A_790, %dma_wait3A_791] : memref<8x80xi32, #tpu.memory_space<vmem>> -> memref<1x80xi32, #tpu.memory_space<vmem>>
      %dma_wait3A_793 = tpu.memref_squeeze %dma_wait3A_792 : memref<1x80xi32, #tpu.memory_space<vmem>> -> memref<80xi32, #tpu.memory_space<vmem>>
      %dma_wait3A_794 = arith.constant 0 : i32
      %dma_wait3A_795 = arith.constant 0 : i32
      %dma_wait3A_796 = tpu.memref_slice %arg24[%dma_wait3A_794, %dma_wait3A_795] : memref<10240x128xf32, #tpu.memory_space<vmem_shared>> -> memref<10240x128xf32, #tpu.memory_space<vmem_shared>>
      tpu.wait_indirect_dma semaphore(%arg21 : memref<!tpu.dma_semaphore, #tpu.memory_space<semaphore_mem>>) src(%arg11 : memref<80x128xf32, #tpu.memory_space<vmem>>) dst(%dma_wait3A_796 : memref<10240x128xf32, #tpu.memory_space<vmem_shared>>)
      %dma_start3A_797 = arith.constant 7 : i32
      %dma_start3A_798 = arith.constant 0 : i32
      %dma_start3A_799 = tpu.memref_slice %arg7[%dma_start3A_797, %dma_start3A_798] : memref<8x80xi32, #tpu.memory_space<vmem>> -> memref<1x80xi32, #tpu.memory_space<vmem>>
      %dma_start3A_800 = tpu.memref_squeeze %dma_start3A_799 : memref<1x80xi32, #tpu.memory_space<vmem>> -> memref<80xi32, #tpu.memory_space<vmem>>
      %dma_start3A_801 = arith.constant 0 : i32
      %dma_start3A_802 = arith.constant 0 : i32
      %dma_start3A_803 = tpu.memref_slice %arg2[%dma_start3A_801, %dma_start3A_802] : memref<10000x128xf32, #tpu.memory_space<hbm>> -> memref<10000x128xf32, #tpu.memory_space<hbm>>
      tpu.enqueue_indirect_dma source(%dma_start3A_803 : memref<10000x128xf32, #tpu.memory_space<hbm>>) target(%arg11 : memref<80x128xf32, #tpu.memory_space<vmem>>) offsets(%dma_start3A_800 : memref<80xi32, #tpu.memory_space<vmem>>) semaphore(%arg17 : memref<!tpu.dma_semaphore, #tpu.memory_space<semaphore_mem>>)
      %mul3A_804 = arith.constant 8 : i32
      %mul3A_805 = arith.muli %add3A_581, %mul3A_804 : i32
      %add3A_806 = arith.constant 6 : i32
      %add3A_807 = arith.addi %mul3A_805, %add3A_806 : i32
      %dma_wait3A_808 = arith.constant 6 : i32
      %dma_wait3A_809 = arith.constant 0 : i32
      %dma_wait3A_810 = tpu.memref_slice %arg7[%dma_wait3A_808, %dma_wait3A_809] : memref<8x80xi32, #tpu.memory_space<vmem>> -> memref<1x80xi32, #tpu.memory_space<vmem>>
      %dma_wait3A_811 = tpu.memref_squeeze %dma_wait3A_810 : memref<1x80xi32, #tpu.memory_space<vmem>> -> memref<80xi32, #tpu.memory_space<vmem>>
      %dma_wait3A_812 = arith.constant 0 : i32
      %dma_wait3A_813 = arith.constant 0 : i32
      %dma_wait3A_814 = tpu.memref_slice %arg2[%dma_wait3A_812, %dma_wait3A_813] : memref<10000x128xf32, #tpu.memory_space<hbm>> -> memref<10000x128xf32, #tpu.memory_space<hbm>>
      tpu.wait_indirect_dma semaphore(%arg16 : memref<!tpu.dma_semaphore, #tpu.memory_space<semaphore_mem>>) src(%dma_wait3A_814 : memref<10000x128xf32, #tpu.memory_space<hbm>>) dst(%arg10 : memref<80x128xf32, #tpu.memory_space<vmem>>)
      %dma_start3A_815 = arith.constant 6 : i32
      %dma_start3A_816 = arith.constant 0 : i32
      %dma_start3A_817 = tpu.memref_slice %arg9[%dma_start3A_815, %dma_start3A_816] : memref<8x80xi32, #tpu.memory_space<vmem>> -> memref<1x80xi32, #tpu.memory_space<vmem>>
      %dma_start3A_818 = tpu.memref_squeeze %dma_start3A_817 : memref<1x80xi32, #tpu.memory_space<vmem>> -> memref<80xi32, #tpu.memory_space<vmem>>
      %dma_start3A_819 = arith.constant 0 : i32
      %dma_start3A_820 = arith.constant 0 : i32
      %dma_start3A_821 = tpu.memref_slice %arg24[%dma_start3A_819, %dma_start3A_820] : memref<10240x128xf32, #tpu.memory_space<vmem_shared>> -> memref<10240x128xf32, #tpu.memory_space<vmem_shared>>
      tpu.enqueue_indirect_dma source(%arg10 : memref<80x128xf32, #tpu.memory_space<vmem>>) target(%dma_start3A_821 : memref<10240x128xf32, #tpu.memory_space<vmem_shared>>) offsets(%dma_start3A_818 : memref<80xi32, #tpu.memory_space<vmem>>) semaphore(%arg20 : memref<!tpu.dma_semaphore, #tpu.memory_space<semaphore_mem>>) {add = true}
      %dma_wait3A_822 = arith.constant 6 : i32
      %dma_wait3A_823 = arith.constant 0 : i32
      %dma_wait3A_824 = tpu.memref_slice %arg9[%dma_wait3A_822, %dma_wait3A_823] : memref<8x80xi32, #tpu.memory_space<vmem>> -> memref<1x80xi32, #tpu.memory_space<vmem>>
      %dma_wait3A_825 = tpu.memref_squeeze %dma_wait3A_824 : memref<1x80xi32, #tpu.memory_space<vmem>> -> memref<80xi32, #tpu.memory_space<vmem>>
      %dma_wait3A_826 = arith.constant 0 : i32
      %dma_wait3A_827 = arith.constant 0 : i32
      %dma_wait3A_828 = tpu.memref_slice %arg24[%dma_wait3A_826, %dma_wait3A_827] : memref<10240x128xf32, #tpu.memory_space<vmem_shared>> -> memref<10240x128xf32, #tpu.memory_space<vmem_shared>>
      tpu.wait_indirect_dma semaphore(%arg22 : memref<!tpu.dma_semaphore, #tpu.memory_space<semaphore_mem>>) src(%arg12 : memref<80x128xf32, #tpu.memory_space<vmem>>) dst(%dma_wait3A_828 : memref<10240x128xf32, #tpu.memory_space<vmem_shared>>)
      %dma_start3A_829 = arith.constant 0 : i32
      %dma_start3A_830 = arith.constant 0 : i32
      %dma_start3A_831 = tpu.memref_slice %arg6[%dma_start3A_829, %dma_start3A_830] : memref<8x80xi32, #tpu.memory_space<vmem>> -> memref<1x80xi32, #tpu.memory_space<vmem>>
      %dma_start3A_832 = tpu.memref_squeeze %dma_start3A_831 : memref<1x80xi32, #tpu.memory_space<vmem>> -> memref<80xi32, #tpu.memory_space<vmem>>
      %dma_start3A_833 = arith.constant 0 : i32
      %dma_start3A_834 = arith.constant 0 : i32
      %dma_start3A_835 = tpu.memref_slice %arg2[%dma_start3A_833, %dma_start3A_834] : memref<10000x128xf32, #tpu.memory_space<hbm>> -> memref<10000x128xf32, #tpu.memory_space<hbm>>
      tpu.enqueue_indirect_dma source(%dma_start3A_835 : memref<10000x128xf32, #tpu.memory_space<hbm>>) target(%arg12 : memref<80x128xf32, #tpu.memory_space<vmem>>) offsets(%dma_start3A_832 : memref<80xi32, #tpu.memory_space<vmem>>) semaphore(%arg18 : memref<!tpu.dma_semaphore, #tpu.memory_space<semaphore_mem>>)
      %mul3A_836 = arith.constant 8 : i32
      %mul3A_837 = arith.muli %add3A_581, %mul3A_836 : i32
      %add3A_838 = arith.constant 7 : i32
      %add3A_839 = arith.addi %mul3A_837, %add3A_838 : i32
      %dma_wait3A_840 = arith.constant 7 : i32
      %dma_wait3A_841 = arith.constant 0 : i32
      %dma_wait3A_842 = tpu.memref_slice %arg7[%dma_wait3A_840, %dma_wait3A_841] : memref<8x80xi32, #tpu.memory_space<vmem>> -> memref<1x80xi32, #tpu.memory_space<vmem>>
      %dma_wait3A_843 = tpu.memref_squeeze %dma_wait3A_842 : memref<1x80xi32, #tpu.memory_space<vmem>> -> memref<80xi32, #tpu.memory_space<vmem>>
      %dma_wait3A_844 = arith.constant 0 : i32
      %dma_wait3A_845 = arith.constant 0 : i32
      %dma_wait3A_846 = tpu.memref_slice %arg2[%dma_wait3A_844, %dma_wait3A_845] : memref<10000x128xf32, #tpu.memory_space<hbm>> -> memref<10000x128xf32, #tpu.memory_space<hbm>>
      tpu.wait_indirect_dma semaphore(%arg17 : memref<!tpu.dma_semaphore, #tpu.memory_space<semaphore_mem>>) src(%dma_wait3A_846 : memref<10000x128xf32, #tpu.memory_space<hbm>>) dst(%arg11 : memref<80x128xf32, #tpu.memory_space<vmem>>)
      %dma_start3A_847 = arith.constant 7 : i32
      %dma_start3A_848 = arith.constant 0 : i32
      %dma_start3A_849 = tpu.memref_slice %arg9[%dma_start3A_847, %dma_start3A_848] : memref<8x80xi32, #tpu.memory_space<vmem>> -> memref<1x80xi32, #tpu.memory_space<vmem>>
      %dma_start3A_850 = tpu.memref_squeeze %dma_start3A_849 : memref<1x80xi32, #tpu.memory_space<vmem>> -> memref<80xi32, #tpu.memory_space<vmem>>
      %dma_start3A_851 = arith.constant 0 : i32
      %dma_start3A_852 = arith.constant 0 : i32
      %dma_start3A_853 = tpu.memref_slice %arg24[%dma_start3A_851, %dma_start3A_852] : memref<10240x128xf32, #tpu.memory_space<vmem_shared>> -> memref<10240x128xf32, #tpu.memory_space<vmem_shared>>
      tpu.enqueue_indirect_dma source(%arg11 : memref<80x128xf32, #tpu.memory_space<vmem>>) target(%dma_start3A_853 : memref<10240x128xf32, #tpu.memory_space<vmem_shared>>) offsets(%dma_start3A_850 : memref<80xi32, #tpu.memory_space<vmem>>) semaphore(%arg21 : memref<!tpu.dma_semaphore, #tpu.memory_space<semaphore_mem>>) {add = true}
      %dma_wait3A_854 = arith.constant 7 : i32
      %dma_wait3A_855 = arith.constant 0 : i32
      %dma_wait3A_856 = tpu.memref_slice %arg9[%dma_wait3A_854, %dma_wait3A_855] : memref<8x80xi32, #tpu.memory_space<vmem>> -> memref<1x80xi32, #tpu.memory_space<vmem>>
      %dma_wait3A_857 = tpu.memref_squeeze %dma_wait3A_856 : memref<1x80xi32, #tpu.memory_space<vmem>> -> memref<80xi32, #tpu.memory_space<vmem>>
      %dma_wait3A_858 = arith.constant 0 : i32
      %dma_wait3A_859 = arith.constant 0 : i32
      %dma_wait3A_860 = tpu.memref_slice %arg24[%dma_wait3A_858, %dma_wait3A_859] : memref<10240x128xf32, #tpu.memory_space<vmem_shared>> -> memref<10240x128xf32, #tpu.memory_space<vmem_shared>>
      tpu.wait_indirect_dma semaphore(%arg23 : memref<!tpu.dma_semaphore, #tpu.memory_space<semaphore_mem>>) src(%arg13 : memref<80x128xf32, #tpu.memory_space<vmem>>) dst(%dma_wait3A_860 : memref<10240x128xf32, #tpu.memory_space<vmem_shared>>)
      %dma_start3A_861 = arith.constant 1 : i32
      %dma_start3A_862 = arith.constant 0 : i32
      %dma_start3A_863 = tpu.memref_slice %arg6[%dma_start3A_861, %dma_start3A_862] : memref<8x80xi32, #tpu.memory_space<vmem>> -> memref<1x80xi32, #tpu.memory_space<vmem>>
      %dma_start3A_864 = tpu.memref_squeeze %dma_start3A_863 : memref<1x80xi32, #tpu.memory_space<vmem>> -> memref<80xi32, #tpu.memory_space<vmem>>
      %dma_start3A_865 = arith.constant 0 : i32
      %dma_start3A_866 = arith.constant 0 : i32
      %dma_start3A_867 = tpu.memref_slice %arg2[%dma_start3A_865, %dma_start3A_866] : memref<10000x128xf32, #tpu.memory_space<hbm>> -> memref<10000x128xf32, #tpu.memory_space<hbm>>
      tpu.enqueue_indirect_dma source(%dma_start3A_867 : memref<10000x128xf32, #tpu.memory_space<hbm>>) target(%arg13 : memref<80x128xf32, #tpu.memory_space<vmem>>) offsets(%dma_start3A_864 : memref<80xi32, #tpu.memory_space<vmem>>) semaphore(%arg19 : memref<!tpu.dma_semaphore, #tpu.memory_space<semaphore_mem>>)
      %add3A_868 = arith.constant 2 : i32
      %add3A_869 = arith.addi %add3A_581, %add3A_868 : i32
      %lt3A = arith.constant 16 : i32
      %lt3A_870 = arith.cmpi slt, %add3A_869, %lt3A : i32
      %convert_element_type3A = arith.extui %lt3A_870 : i1 to i32
      %cond3A = arith.constant 0 : i32
      %cond3A_871 = arith.cmpi ne, %convert_element_type3A, %cond3A : i32
      scf.if %cond3A_871 {
        %add3A_1170 = arith.constant 2 : i32
        %add3A_1171 = arith.addi %add3A_581, %add3A_1170 : i32
        %dma_start3A_1172 = arith.constant 0 : i32
        %dma_start3A_1173 = arith.constant 0 : i32
        %dma_start3A_1174 = tpu.memref_slice %arg3[%arg0, %arg1, %add3A_1171, %dma_start3A_1172, %dma_start3A_1173] : memref<2x16x16x8x80xi32, #tpu.memory_space<hbm>> -> memref<1x1x1x8x80xi32, #tpu.memory_space<hbm>>
        %dma_start3A_1175 = tpu.memref_squeeze %dma_start3A_1174 : memref<1x1x1x8x80xi32, #tpu.memory_space<hbm>> -> memref<8x80xi32, #tpu.memory_space<hbm>>
        %dma_start3A_1176 = arith.constant 0 : i32
        %dma_start3A_1177 = arith.constant 0 : i32
        %dma_start3A_1178 = tpu.memref_slice %arg3[%arg0, %arg1, %add3A_1171, %dma_start3A_1176, %dma_start3A_1177] : memref<2x16x16x8x80xi32, #tpu.memory_space<hbm>> -> memref<1x1x1x8x80xi32, #tpu.memory_space<hbm>>
        %dma_start3A_1179 = tpu.memref_squeeze %dma_start3A_1178 : memref<1x1x1x8x80xi32, #tpu.memory_space<hbm>> -> memref<8x80xi32, #tpu.memory_space<hbm>>
        tpu.enqueue_dma source(%dma_start3A_1179 : memref<8x80xi32, #tpu.memory_space<hbm>>) target(%arg7 : memref<8x80xi32, #tpu.memory_space<vmem>>) target_semaphore(%arg15 : memref<!tpu.dma_semaphore, #tpu.memory_space<semaphore_mem>>)
      } else {
      }
      %mul3A_872 = arith.constant 2 : i32
      %mul3A_873 = arith.muli %mul3A_872, %scan3A_576 : i32
      %add3A_874 = arith.constant 2 : i32
      %add3A_875 = arith.addi %mul3A_873, %add3A_874 : i32
      %mul3A_876 = arith.constant 8 : i32
      %mul3A_877 = arith.muli %add3A_875, %mul3A_876 : i32
      %add3A_878 = arith.constant 0 : i32
      %add3A_879 = arith.addi %mul3A_877, %add3A_878 : i32
      %dma_wait3A_880 = arith.constant 0 : i32
      %dma_wait3A_881 = arith.constant 0 : i32
      %dma_wait3A_882 = tpu.memref_slice %arg6[%dma_wait3A_880, %dma_wait3A_881] : memref<8x80xi32, #tpu.memory_space<vmem>> -> memref<1x80xi32, #tpu.memory_space<vmem>>
      %dma_wait3A_883 = tpu.memref_squeeze %dma_wait3A_882 : memref<1x80xi32, #tpu.memory_space<vmem>> -> memref<80xi32, #tpu.memory_space<vmem>>
      %dma_wait3A_884 = arith.constant 0 : i32
      %dma_wait3A_885 = arith.constant 0 : i32
      %dma_wait3A_886 = tpu.memref_slice %arg2[%dma_wait3A_884, %dma_wait3A_885] : memref<10000x128xf32, #tpu.memory_space<hbm>> -> memref<10000x128xf32, #tpu.memory_space<hbm>>
      tpu.wait_indirect_dma semaphore(%arg18 : memref<!tpu.dma_semaphore, #tpu.memory_space<semaphore_mem>>) src(%dma_wait3A_886 : memref<10000x128xf32, #tpu.memory_space<hbm>>) dst(%arg12 : memref<80x128xf32, #tpu.memory_space<vmem>>)
      %dma_start3A_887 = arith.constant 0 : i32
      %dma_start3A_888 = arith.constant 0 : i32
      %dma_start3A_889 = tpu.memref_slice %arg8[%dma_start3A_887, %dma_start3A_888] : memref<8x80xi32, #tpu.memory_space<vmem>> -> memref<1x80xi32, #tpu.memory_space<vmem>>
      %dma_start3A_890 = tpu.memref_squeeze %dma_start3A_889 : memref<1x80xi32, #tpu.memory_space<vmem>> -> memref<80xi32, #tpu.memory_space<vmem>>
      %dma_start3A_891 = arith.constant 0 : i32
      %dma_start3A_892 = arith.constant 0 : i32
      %dma_start3A_893 = tpu.memref_slice %arg24[%dma_start3A_891, %dma_start3A_892] : memref<10240x128xf32, #tpu.memory_space<vmem_shared>> -> memref<10240x128xf32, #tpu.memory_space<vmem_shared>>
      tpu.enqueue_indirect_dma source(%arg12 : memref<80x128xf32, #tpu.memory_space<vmem>>) target(%dma_start3A_893 : memref<10240x128xf32, #tpu.memory_space<vmem_shared>>) offsets(%dma_start3A_890 : memref<80xi32, #tpu.memory_space<vmem>>) semaphore(%arg22 : memref<!tpu.dma_semaphore, #tpu.memory_space<semaphore_mem>>) {add = true}
      %dma_wait3A_894 = arith.constant 0 : i32
      %dma_wait3A_895 = arith.constant 0 : i32
      %dma_wait3A_896 = tpu.memref_slice %arg8[%dma_wait3A_894, %dma_wait3A_895] : memref<8x80xi32, #tpu.memory_space<vmem>> -> memref<1x80xi32, #tpu.memory_space<vmem>>
      %dma_wait3A_897 = tpu.memref_squeeze %dma_wait3A_896 : memref<1x80xi32, #tpu.memory_space<vmem>> -> memref<80xi32, #tpu.memory_space<vmem>>
      %dma_wait3A_898 = arith.constant 0 : i32
      %dma_wait3A_899 = arith.constant 0 : i32
      %dma_wait3A_900 = tpu.memref_slice %arg24[%dma_wait3A_898, %dma_wait3A_899] : memref<10240x128xf32, #tpu.memory_space<vmem_shared>> -> memref<10240x128xf32, #tpu.memory_space<vmem_shared>>
      tpu.wait_indirect_dma semaphore(%arg20 : memref<!tpu.dma_semaphore, #tpu.memory_space<semaphore_mem>>) src(%arg10 : memref<80x128xf32, #tpu.memory_space<vmem>>) dst(%dma_wait3A_900 : memref<10240x128xf32, #tpu.memory_space<vmem_shared>>)
      %dma_start3A_901 = arith.constant 2 : i32
      %dma_start3A_902 = arith.constant 0 : i32
      %dma_start3A_903 = tpu.memref_slice %arg6[%dma_start3A_901, %dma_start3A_902] : memref<8x80xi32, #tpu.memory_space<vmem>> -> memref<1x80xi32, #tpu.memory_space<vmem>>
      %dma_start3A_904 = tpu.memref_squeeze %dma_start3A_903 : memref<1x80xi32, #tpu.memory_space<vmem>> -> memref<80xi32, #tpu.memory_space<vmem>>
      %dma_start3A_905 = arith.constant 0 : i32
      %dma_start3A_906 = arith.constant 0 : i32
      %dma_start3A_907 = tpu.memref_slice %arg2[%dma_start3A_905, %dma_start3A_906] : memref<10000x128xf32, #tpu.memory_space<hbm>> -> memref<10000x128xf32, #tpu.memory_space<hbm>>
      tpu.enqueue_indirect_dma source(%dma_start3A_907 : memref<10000x128xf32, #tpu.memory_space<hbm>>) target(%arg10 : memref<80x128xf32, #tpu.memory_space<vmem>>) offsets(%dma_start3A_904 : memref<80xi32, #tpu.memory_space<vmem>>) semaphore(%arg16 : memref<!tpu.dma_semaphore, #tpu.memory_space<semaphore_mem>>)
      %mul3A_908 = arith.constant 8 : i32
      %mul3A_909 = arith.muli %add3A_875, %mul3A_908 : i32
      %add3A_910 = arith.constant 1 : i32
      %add3A_911 = arith.addi %mul3A_909, %add3A_910 : i32
      %dma_wait3A_912 = arith.constant 1 : i32
      %dma_wait3A_913 = arith.constant 0 : i32
      %dma_wait3A_914 = tpu.memref_slice %arg6[%dma_wait3A_912, %dma_wait3A_913] : memref<8x80xi32, #tpu.memory_space<vmem>> -> memref<1x80xi32, #tpu.memory_space<vmem>>
      %dma_wait3A_915 = tpu.memref_squeeze %dma_wait3A_914 : memref<1x80xi32, #tpu.memory_space<vmem>> -> memref<80xi32, #tpu.memory_space<vmem>>
      %dma_wait3A_916 = arith.constant 0 : i32
      %dma_wait3A_917 = arith.constant 0 : i32
      %dma_wait3A_918 = tpu.memref_slice %arg2[%dma_wait3A_916, %dma_wait3A_917] : memref<10000x128xf32, #tpu.memory_space<hbm>> -> memref<10000x128xf32, #tpu.memory_space<hbm>>
      tpu.wait_indirect_dma semaphore(%arg19 : memref<!tpu.dma_semaphore, #tpu.memory_space<semaphore_mem>>) src(%dma_wait3A_918 : memref<10000x128xf32, #tpu.memory_space<hbm>>) dst(%arg13 : memref<80x128xf32, #tpu.memory_space<vmem>>)
      %dma_start3A_919 = arith.constant 1 : i32
      %dma_start3A_920 = arith.constant 0 : i32
      %dma_start3A_921 = tpu.memref_slice %arg8[%dma_start3A_919, %dma_start3A_920] : memref<8x80xi32, #tpu.memory_space<vmem>> -> memref<1x80xi32, #tpu.memory_space<vmem>>
      %dma_start3A_922 = tpu.memref_squeeze %dma_start3A_921 : memref<1x80xi32, #tpu.memory_space<vmem>> -> memref<80xi32, #tpu.memory_space<vmem>>
      %dma_start3A_923 = arith.constant 0 : i32
      %dma_start3A_924 = arith.constant 0 : i32
      %dma_start3A_925 = tpu.memref_slice %arg24[%dma_start3A_923, %dma_start3A_924] : memref<10240x128xf32, #tpu.memory_space<vmem_shared>> -> memref<10240x128xf32, #tpu.memory_space<vmem_shared>>
      tpu.enqueue_indirect_dma source(%arg13 : memref<80x128xf32, #tpu.memory_space<vmem>>) target(%dma_start3A_925 : memref<10240x128xf32, #tpu.memory_space<vmem_shared>>) offsets(%dma_start3A_922 : memref<80xi32, #tpu.memory_space<vmem>>) semaphore(%arg23 : memref<!tpu.dma_semaphore, #tpu.memory_space<semaphore_mem>>) {add = true}
      %dma_wait3A_926 = arith.constant 1 : i32
      %dma_wait3A_927 = arith.constant 0 : i32
      %dma_wait3A_928 = tpu.memref_slice %arg8[%dma_wait3A_926, %dma_wait3A_927] : memref<8x80xi32, #tpu.memory_space<vmem>> -> memref<1x80xi32, #tpu.memory_space<vmem>>
      %dma_wait3A_929 = tpu.memref_squeeze %dma_wait3A_928 : memref<1x80xi32, #tpu.memory_space<vmem>> -> memref<80xi32, #tpu.memory_space<vmem>>
      %dma_wait3A_930 = arith.constant 0 : i32
      %dma_wait3A_931 = arith.constant 0 : i32
      %dma_wait3A_932 = tpu.memref_slice %arg24[%dma_wait3A_930, %dma_wait3A_931] : memref<10240x128xf32, #tpu.memory_space<vmem_shared>> -> memref<10240x128xf32, #tpu.memory_space<vmem_shared>>
      tpu.wait_indirect_dma semaphore(%arg21 : memref<!tpu.dma_semaphore, #tpu.memory_space<semaphore_mem>>) src(%arg11 : memref<80x128xf32, #tpu.memory_space<vmem>>) dst(%dma_wait3A_932 : memref<10240x128xf32, #tpu.memory_space<vmem_shared>>)
      %dma_start3A_933 = arith.constant 3 : i32
      %dma_start3A_934 = arith.constant 0 : i32
      %dma_start3A_935 = tpu.memref_slice %arg6[%dma_start3A_933, %dma_start3A_934] : memref<8x80xi32, #tpu.memory_space<vmem>> -> memref<1x80xi32, #tpu.memory_space<vmem>>
      %dma_start3A_936 = tpu.memref_squeeze %dma_start3A_935 : memref<1x80xi32, #tpu.memory_space<vmem>> -> memref<80xi32, #tpu.memory_space<vmem>>
      %dma_start3A_937 = arith.constant 0 : i32
      %dma_start3A_938 = arith.constant 0 : i32
      %dma_start3A_939 = tpu.memref_slice %arg2[%dma_start3A_937, %dma_start3A_938] : memref<10000x128xf32, #tpu.memory_space<hbm>> -> memref<10000x128xf32, #tpu.memory_space<hbm>>
      tpu.enqueue_indirect_dma source(%dma_start3A_939 : memref<10000x128xf32, #tpu.memory_space<hbm>>) target(%arg11 : memref<80x128xf32, #tpu.memory_space<vmem>>) offsets(%dma_start3A_936 : memref<80xi32, #tpu.memory_space<vmem>>) semaphore(%arg17 : memref<!tpu.dma_semaphore, #tpu.memory_space<semaphore_mem>>)
      %mul3A_940 = arith.constant 8 : i32
      %mul3A_941 = arith.muli %add3A_875, %mul3A_940 : i32
      %add3A_942 = arith.constant 2 : i32
      %add3A_943 = arith.addi %mul3A_941, %add3A_942 : i32
      %add3A_944 = arith.constant 1 : i32
      %add3A_945 = arith.addi %add3A_875, %add3A_944 : i32
      %dma_start3A_946 = arith.constant 0 : i32
      %dma_start3A_947 = arith.constant 0 : i32
      %dma_start3A_948 = tpu.memref_slice %arg4[%arg0, %arg1, %add3A_945, %dma_start3A_946, %dma_start3A_947] : memref<2x16x16x8x80xi32, #tpu.memory_space<hbm>> -> memref<1x1x1x8x80xi32, #tpu.memory_space<hbm>>
      %dma_start3A_949 = tpu.memref_squeeze %dma_start3A_948 : memref<1x1x1x8x80xi32, #tpu.memory_space<hbm>> -> memref<8x80xi32, #tpu.memory_space<hbm>>
      %dma_start3A_950 = arith.constant 0 : i32
      %dma_start3A_951 = arith.constant 0 : i32
      %dma_start3A_952 = tpu.memref_slice %arg4[%arg0, %arg1, %add3A_945, %dma_start3A_950, %dma_start3A_951] : memref<2x16x16x8x80xi32, #tpu.memory_space<hbm>> -> memref<1x1x1x8x80xi32, #tpu.memory_space<hbm>>
      %dma_start3A_953 = tpu.memref_squeeze %dma_start3A_952 : memref<1x1x1x8x80xi32, #tpu.memory_space<hbm>> -> memref<8x80xi32, #tpu.memory_space<hbm>>
      tpu.enqueue_dma source(%dma_start3A_953 : memref<8x80xi32, #tpu.memory_space<hbm>>) target(%arg9 : memref<8x80xi32, #tpu.memory_space<vmem>>) target_semaphore(%arg15 : memref<!tpu.dma_semaphore, #tpu.memory_space<semaphore_mem>>)
      %dma_wait3A_954 = arith.constant 2 : i32
      %dma_wait3A_955 = arith.constant 0 : i32
      %dma_wait3A_956 = tpu.memref_slice %arg6[%dma_wait3A_954, %dma_wait3A_955] : memref<8x80xi32, #tpu.memory_space<vmem>> -> memref<1x80xi32, #tpu.memory_space<vmem>>
      %dma_wait3A_957 = tpu.memref_squeeze %dma_wait3A_956 : memref<1x80xi32, #tpu.memory_space<vmem>> -> memref<80xi32, #tpu.memory_space<vmem>>
      %dma_wait3A_958 = arith.constant 0 : i32
      %dma_wait3A_959 = arith.constant 0 : i32
      %dma_wait3A_960 = tpu.memref_slice %arg2[%dma_wait3A_958, %dma_wait3A_959] : memref<10000x128xf32, #tpu.memory_space<hbm>> -> memref<10000x128xf32, #tpu.memory_space<hbm>>
      tpu.wait_indirect_dma semaphore(%arg16 : memref<!tpu.dma_semaphore, #tpu.memory_space<semaphore_mem>>) src(%dma_wait3A_960 : memref<10000x128xf32, #tpu.memory_space<hbm>>) dst(%arg10 : memref<80x128xf32, #tpu.memory_space<vmem>>)
      %dma_start3A_961 = arith.constant 2 : i32
      %dma_start3A_962 = arith.constant 0 : i32
      %dma_start3A_963 = tpu.memref_slice %arg8[%dma_start3A_961, %dma_start3A_962] : memref<8x80xi32, #tpu.memory_space<vmem>> -> memref<1x80xi32, #tpu.memory_space<vmem>>
      %dma_start3A_964 = tpu.memref_squeeze %dma_start3A_963 : memref<1x80xi32, #tpu.memory_space<vmem>> -> memref<80xi32, #tpu.memory_space<vmem>>
      %dma_start3A_965 = arith.constant 0 : i32
      %dma_start3A_966 = arith.constant 0 : i32
      %dma_start3A_967 = tpu.memref_slice %arg24[%dma_start3A_965, %dma_start3A_966] : memref<10240x128xf32, #tpu.memory_space<vmem_shared>> -> memref<10240x128xf32, #tpu.memory_space<vmem_shared>>
      tpu.enqueue_indirect_dma source(%arg10 : memref<80x128xf32, #tpu.memory_space<vmem>>) target(%dma_start3A_967 : memref<10240x128xf32, #tpu.memory_space<vmem_shared>>) offsets(%dma_start3A_964 : memref<80xi32, #tpu.memory_space<vmem>>) semaphore(%arg20 : memref<!tpu.dma_semaphore, #tpu.memory_space<semaphore_mem>>) {add = true}
      %dma_wait3A_968 = arith.constant 2 : i32
      %dma_wait3A_969 = arith.constant 0 : i32
      %dma_wait3A_970 = tpu.memref_slice %arg8[%dma_wait3A_968, %dma_wait3A_969] : memref<8x80xi32, #tpu.memory_space<vmem>> -> memref<1x80xi32, #tpu.memory_space<vmem>>
      %dma_wait3A_971 = tpu.memref_squeeze %dma_wait3A_970 : memref<1x80xi32, #tpu.memory_space<vmem>> -> memref<80xi32, #tpu.memory_space<vmem>>
      %dma_wait3A_972 = arith.constant 0 : i32
      %dma_wait3A_973 = arith.constant 0 : i32
      %dma_wait3A_974 = tpu.memref_slice %arg24[%dma_wait3A_972, %dma_wait3A_973] : memref<10240x128xf32, #tpu.memory_space<vmem_shared>> -> memref<10240x128xf32, #tpu.memory_space<vmem_shared>>
      tpu.wait_indirect_dma semaphore(%arg22 : memref<!tpu.dma_semaphore, #tpu.memory_space<semaphore_mem>>) src(%arg12 : memref<80x128xf32, #tpu.memory_space<vmem>>) dst(%dma_wait3A_974 : memref<10240x128xf32, #tpu.memory_space<vmem_shared>>)
      %dma_start3A_975 = arith.constant 4 : i32
      %dma_start3A_976 = arith.constant 0 : i32
      %dma_start3A_977 = tpu.memref_slice %arg6[%dma_start3A_975, %dma_start3A_976] : memref<8x80xi32, #tpu.memory_space<vmem>> -> memref<1x80xi32, #tpu.memory_space<vmem>>
      %dma_start3A_978 = tpu.memref_squeeze %dma_start3A_977 : memref<1x80xi32, #tpu.memory_space<vmem>> -> memref<80xi32, #tpu.memory_space<vmem>>
      %dma_start3A_979 = arith.constant 0 : i32
      %dma_start3A_980 = arith.constant 0 : i32
      %dma_start3A_981 = tpu.memref_slice %arg2[%dma_start3A_979, %dma_start3A_980] : memref<10000x128xf32, #tpu.memory_space<hbm>> -> memref<10000x128xf32, #tpu.memory_space<hbm>>
      tpu.enqueue_indirect_dma source(%dma_start3A_981 : memref<10000x128xf32, #tpu.memory_space<hbm>>) target(%arg12 : memref<80x128xf32, #tpu.memory_space<vmem>>) offsets(%dma_start3A_978 : memref<80xi32, #tpu.memory_space<vmem>>) semaphore(%arg18 : memref<!tpu.dma_semaphore, #tpu.memory_space<semaphore_mem>>)
      %mul3A_982 = arith.constant 8 : i32
      %mul3A_983 = arith.muli %add3A_875, %mul3A_982 : i32
      %add3A_984 = arith.constant 3 : i32
      %add3A_985 = arith.addi %mul3A_983, %add3A_984 : i32
      %dma_wait3A_986 = arith.constant 3 : i32
      %dma_wait3A_987 = arith.constant 0 : i32
      %dma_wait3A_988 = tpu.memref_slice %arg6[%dma_wait3A_986, %dma_wait3A_987] : memref<8x80xi32, #tpu.memory_space<vmem>> -> memref<1x80xi32, #tpu.memory_space<vmem>>
      %dma_wait3A_989 = tpu.memref_squeeze %dma_wait3A_988 : memref<1x80xi32, #tpu.memory_space<vmem>> -> memref<80xi32, #tpu.memory_space<vmem>>
      %dma_wait3A_990 = arith.constant 0 : i32
      %dma_wait3A_991 = arith.constant 0 : i32
      %dma_wait3A_992 = tpu.memref_slice %arg2[%dma_wait3A_990, %dma_wait3A_991] : memref<10000x128xf32, #tpu.memory_space<hbm>> -> memref<10000x128xf32, #tpu.memory_space<hbm>>
      tpu.wait_indirect_dma semaphore(%arg17 : memref<!tpu.dma_semaphore, #tpu.memory_space<semaphore_mem>>) src(%dma_wait3A_992 : memref<10000x128xf32, #tpu.memory_space<hbm>>) dst(%arg11 : memref<80x128xf32, #tpu.memory_space<vmem>>)
      %dma_start3A_993 = arith.constant 3 : i32
      %dma_start3A_994 = arith.constant 0 : i32
      %dma_start3A_995 = tpu.memref_slice %arg8[%dma_start3A_993, %dma_start3A_994] : memref<8x80xi32, #tpu.memory_space<vmem>> -> memref<1x80xi32, #tpu.memory_space<vmem>>
      %dma_start3A_996 = tpu.memref_squeeze %dma_start3A_995 : memref<1x80xi32, #tpu.memory_space<vmem>> -> memref<80xi32, #tpu.memory_space<vmem>>
      %dma_start3A_997 = arith.constant 0 : i32
      %dma_start3A_998 = arith.constant 0 : i32
      %dma_start3A_999 = tpu.memref_slice %arg24[%dma_start3A_997, %dma_start3A_998] : memref<10240x128xf32, #tpu.memory_space<vmem_shared>> -> memref<10240x128xf32, #tpu.memory_space<vmem_shared>>
      tpu.enqueue_indirect_dma source(%arg11 : memref<80x128xf32, #tpu.memory_space<vmem>>) target(%dma_start3A_999 : memref<10240x128xf32, #tpu.memory_space<vmem_shared>>) offsets(%dma_start3A_996 : memref<80xi32, #tpu.memory_space<vmem>>) semaphore(%arg21 : memref<!tpu.dma_semaphore, #tpu.memory_space<semaphore_mem>>) {add = true}
      %dma_wait3A_1000 = arith.constant 3 : i32
      %dma_wait3A_1001 = arith.constant 0 : i32
      %dma_wait3A_1002 = tpu.memref_slice %arg8[%dma_wait3A_1000, %dma_wait3A_1001] : memref<8x80xi32, #tpu.memory_space<vmem>> -> memref<1x80xi32, #tpu.memory_space<vmem>>
      %dma_wait3A_1003 = tpu.memref_squeeze %dma_wait3A_1002 : memref<1x80xi32, #tpu.memory_space<vmem>> -> memref<80xi32, #tpu.memory_space<vmem>>
      %dma_wait3A_1004 = arith.constant 0 : i32
      %dma_wait3A_1005 = arith.constant 0 : i32
      %dma_wait3A_1006 = tpu.memref_slice %arg24[%dma_wait3A_1004, %dma_wait3A_1005] : memref<10240x128xf32, #tpu.memory_space<vmem_shared>> -> memref<10240x128xf32, #tpu.memory_space<vmem_shared>>
      tpu.wait_indirect_dma semaphore(%arg23 : memref<!tpu.dma_semaphore, #tpu.memory_space<semaphore_mem>>) src(%arg13 : memref<80x128xf32, #tpu.memory_space<vmem>>) dst(%dma_wait3A_1006 : memref<10240x128xf32, #tpu.memory_space<vmem_shared>>)
      %dma_start3A_1007 = arith.constant 5 : i32
      %dma_start3A_1008 = arith.constant 0 : i32
      %dma_start3A_1009 = tpu.memref_slice %arg6[%dma_start3A_1007, %dma_start3A_1008] : memref<8x80xi32, #tpu.memory_space<vmem>> -> memref<1x80xi32, #tpu.memory_space<vmem>>
      %dma_start3A_1010 = tpu.memref_squeeze %dma_start3A_1009 : memref<1x80xi32, #tpu.memory_space<vmem>> -> memref<80xi32, #tpu.memory_space<vmem>>
      %dma_start3A_1011 = arith.constant 0 : i32
      %dma_start3A_1012 = arith.constant 0 : i32
      %dma_start3A_1013 = tpu.memref_slice %arg2[%dma_start3A_1011, %dma_start3A_1012] : memref<10000x128xf32, #tpu.memory_space<hbm>> -> memref<10000x128xf32, #tpu.memory_space<hbm>>
      tpu.enqueue_indirect_dma source(%dma_start3A_1013 : memref<10000x128xf32, #tpu.memory_space<hbm>>) target(%arg13 : memref<80x128xf32, #tpu.memory_space<vmem>>) offsets(%dma_start3A_1010 : memref<80xi32, #tpu.memory_space<vmem>>) semaphore(%arg19 : memref<!tpu.dma_semaphore, #tpu.memory_space<semaphore_mem>>)
      %mul3A_1014 = arith.constant 8 : i32
      %mul3A_1015 = arith.muli %add3A_875, %mul3A_1014 : i32
      %add3A_1016 = arith.constant 4 : i32
      %add3A_1017 = arith.addi %mul3A_1015, %add3A_1016 : i32
      %dma_wait3A_1018 = arith.constant 4 : i32
      %dma_wait3A_1019 = arith.constant 0 : i32
      %dma_wait3A_1020 = tpu.memref_slice %arg6[%dma_wait3A_1018, %dma_wait3A_1019] : memref<8x80xi32, #tpu.memory_space<vmem>> -> memref<1x80xi32, #tpu.memory_space<vmem>>
      %dma_wait3A_1021 = tpu.memref_squeeze %dma_wait3A_1020 : memref<1x80xi32, #tpu.memory_space<vmem>> -> memref<80xi32, #tpu.memory_space<vmem>>
      %dma_wait3A_1022 = arith.constant 0 : i32
      %dma_wait3A_1023 = arith.constant 0 : i32
      %dma_wait3A_1024 = tpu.memref_slice %arg2[%dma_wait3A_1022, %dma_wait3A_1023] : memref<10000x128xf32, #tpu.memory_space<hbm>> -> memref<10000x128xf32, #tpu.memory_space<hbm>>
      tpu.wait_indirect_dma semaphore(%arg18 : memref<!tpu.dma_semaphore, #tpu.memory_space<semaphore_mem>>) src(%dma_wait3A_1024 : memref<10000x128xf32, #tpu.memory_space<hbm>>) dst(%arg12 : memref<80x128xf32, #tpu.memory_space<vmem>>)
      %dma_start3A_1025 = arith.constant 4 : i32
      %dma_start3A_1026 = arith.constant 0 : i32
      %dma_start3A_1027 = tpu.memref_slice %arg8[%dma_start3A_1025, %dma_start3A_1026] : memref<8x80xi32, #tpu.memory_space<vmem>> -> memref<1x80xi32, #tpu.memory_space<vmem>>
      %dma_start3A_1028 = tpu.memref_squeeze %dma_start3A_1027 : memref<1x80xi32, #tpu.memory_space<vmem>> -> memref<80xi32, #tpu.memory_space<vmem>>
      %dma_start3A_1029 = arith.constant 0 : i32
      %dma_start3A_1030 = arith.constant 0 : i32
      %dma_start3A_1031 = tpu.memref_slice %arg24[%dma_start3A_1029, %dma_start3A_1030] : memref<10240x128xf32, #tpu.memory_space<vmem_shared>> -> memref<10240x128xf32, #tpu.memory_space<vmem_shared>>
      tpu.enqueue_indirect_dma source(%arg12 : memref<80x128xf32, #tpu.memory_space<vmem>>) target(%dma_start3A_1031 : memref<10240x128xf32, #tpu.memory_space<vmem_shared>>) offsets(%dma_start3A_1028 : memref<80xi32, #tpu.memory_space<vmem>>) semaphore(%arg22 : memref<!tpu.dma_semaphore, #tpu.memory_space<semaphore_mem>>) {add = true}
      %dma_wait3A_1032 = arith.constant 4 : i32
      %dma_wait3A_1033 = arith.constant 0 : i32
      %dma_wait3A_1034 = tpu.memref_slice %arg8[%dma_wait3A_1032, %dma_wait3A_1033] : memref<8x80xi32, #tpu.memory_space<vmem>> -> memref<1x80xi32, #tpu.memory_space<vmem>>
      %dma_wait3A_1035 = tpu.memref_squeeze %dma_wait3A_1034 : memref<1x80xi32, #tpu.memory_space<vmem>> -> memref<80xi32, #tpu.memory_space<vmem>>
      %dma_wait3A_1036 = arith.constant 0 : i32
      %dma_wait3A_1037 = arith.constant 0 : i32
      %dma_wait3A_1038 = tpu.memref_slice %arg24[%dma_wait3A_1036, %dma_wait3A_1037] : memref<10240x128xf32, #tpu.memory_space<vmem_shared>> -> memref<10240x128xf32, #tpu.memory_space<vmem_shared>>
      tpu.wait_indirect_dma semaphore(%arg20 : memref<!tpu.dma_semaphore, #tpu.memory_space<semaphore_mem>>) src(%arg10 : memref<80x128xf32, #tpu.memory_space<vmem>>) dst(%dma_wait3A_1038 : memref<10240x128xf32, #tpu.memory_space<vmem_shared>>)
      %dma_start3A_1039 = arith.constant 6 : i32
      %dma_start3A_1040 = arith.constant 0 : i32
      %dma_start3A_1041 = tpu.memref_slice %arg6[%dma_start3A_1039, %dma_start3A_1040] : memref<8x80xi32, #tpu.memory_space<vmem>> -> memref<1x80xi32, #tpu.memory_space<vmem>>
      %dma_start3A_1042 = tpu.memref_squeeze %dma_start3A_1041 : memref<1x80xi32, #tpu.memory_space<vmem>> -> memref<80xi32, #tpu.memory_space<vmem>>
      %dma_start3A_1043 = arith.constant 0 : i32
      %dma_start3A_1044 = arith.constant 0 : i32
      %dma_start3A_1045 = tpu.memref_slice %arg2[%dma_start3A_1043, %dma_start3A_1044] : memref<10000x128xf32, #tpu.memory_space<hbm>> -> memref<10000x128xf32, #tpu.memory_space<hbm>>
      tpu.enqueue_indirect_dma source(%dma_start3A_1045 : memref<10000x128xf32, #tpu.memory_space<hbm>>) target(%arg10 : memref<80x128xf32, #tpu.memory_space<vmem>>) offsets(%dma_start3A_1042 : memref<80xi32, #tpu.memory_space<vmem>>) semaphore(%arg16 : memref<!tpu.dma_semaphore, #tpu.memory_space<semaphore_mem>>)
      %mul3A_1046 = arith.constant 8 : i32
      %mul3A_1047 = arith.muli %add3A_875, %mul3A_1046 : i32
      %add3A_1048 = arith.constant 5 : i32
      %add3A_1049 = arith.addi %mul3A_1047, %add3A_1048 : i32
      %add3A_1050 = arith.constant 1 : i32
      %add3A_1051 = arith.addi %add3A_875, %add3A_1050 : i32
      %dma_wait3A_1052 = arith.constant 0 : i32
      %dma_wait3A_1053 = arith.constant 0 : i32
      %dma_wait3A_1054 = tpu.memref_slice %arg3[%arg0, %arg1, %add3A_1051, %dma_wait3A_1052, %dma_wait3A_1053] : memref<2x16x16x8x80xi32, #tpu.memory_space<hbm>> -> memref<1x1x1x8x80xi32, #tpu.memory_space<hbm>>
      %dma_wait3A_1055 = tpu.memref_squeeze %dma_wait3A_1054 : memref<1x1x1x8x80xi32, #tpu.memory_space<hbm>> -> memref<8x80xi32, #tpu.memory_space<hbm>>
      %dma_wait3A_1056 = arith.constant 0 : i32
      %dma_wait3A_1057 = arith.constant 0 : i32
      %dma_wait3A_1058 = tpu.memref_slice %arg3[%arg0, %arg1, %add3A_1051, %dma_wait3A_1056, %dma_wait3A_1057] : memref<2x16x16x8x80xi32, #tpu.memory_space<hbm>> -> memref<1x1x1x8x80xi32, #tpu.memory_space<hbm>>
      %dma_wait3A_1059 = tpu.memref_squeeze %dma_wait3A_1058 : memref<1x1x1x8x80xi32, #tpu.memory_space<hbm>> -> memref<8x80xi32, #tpu.memory_space<hbm>>
      tpu.wait_dma2 semaphore(%arg15 : memref<!tpu.dma_semaphore, #tpu.memory_space<semaphore_mem>>) src(%dma_wait3A_1059 : memref<8x80xi32, #tpu.memory_space<hbm>>) dst(%arg7 : memref<8x80xi32, #tpu.memory_space<vmem>>)
      %add3A_1060 = arith.constant 1 : i32
      %add3A_1061 = arith.addi %add3A_875, %add3A_1060 : i32
      %dma_wait3A_1062 = arith.constant 0 : i32
      %dma_wait3A_1063 = arith.constant 0 : i32
      %dma_wait3A_1064 = tpu.memref_slice %arg4[%arg0, %arg1, %add3A_1061, %dma_wait3A_1062, %dma_wait3A_1063] : memref<2x16x16x8x80xi32, #tpu.memory_space<hbm>> -> memref<1x1x1x8x80xi32, #tpu.memory_space<hbm>>
      %dma_wait3A_1065 = tpu.memref_squeeze %dma_wait3A_1064 : memref<1x1x1x8x80xi32, #tpu.memory_space<hbm>> -> memref<8x80xi32, #tpu.memory_space<hbm>>
      %dma_wait3A_1066 = arith.constant 0 : i32
      %dma_wait3A_1067 = arith.constant 0 : i32
      %dma_wait3A_1068 = tpu.memref_slice %arg4[%arg0, %arg1, %add3A_1061, %dma_wait3A_1066, %dma_wait3A_1067] : memref<2x16x16x8x80xi32, #tpu.memory_space<hbm>> -> memref<1x1x1x8x80xi32, #tpu.memory_space<hbm>>
      %dma_wait3A_1069 = tpu.memref_squeeze %dma_wait3A_1068 : memref<1x1x1x8x80xi32, #tpu.memory_space<hbm>> -> memref<8x80xi32, #tpu.memory_space<hbm>>
      tpu.wait_dma2 semaphore(%arg15 : memref<!tpu.dma_semaphore, #tpu.memory_space<semaphore_mem>>) src(%dma_wait3A_1069 : memref<8x80xi32, #tpu.memory_space<hbm>>) dst(%arg9 : memref<8x80xi32, #tpu.memory_space<vmem>>)
      %dma_wait3A_1070 = arith.constant 5 : i32
      %dma_wait3A_1071 = arith.constant 0 : i32
      %dma_wait3A_1072 = tpu.memref_slice %arg6[%dma_wait3A_1070, %dma_wait3A_1071] : memref<8x80xi32, #tpu.memory_space<vmem>> -> memref<1x80xi32, #tpu.memory_space<vmem>>
      %dma_wait3A_1073 = tpu.memref_squeeze %dma_wait3A_1072 : memref<1x80xi32, #tpu.memory_space<vmem>> -> memref<80xi32, #tpu.memory_space<vmem>>
      %dma_wait3A_1074 = arith.constant 0 : i32
      %dma_wait3A_1075 = arith.constant 0 : i32
      %dma_wait3A_1076 = tpu.memref_slice %arg2[%dma_wait3A_1074, %dma_wait3A_1075] : memref<10000x128xf32, #tpu.memory_space<hbm>> -> memref<10000x128xf32, #tpu.memory_space<hbm>>
      tpu.wait_indirect_dma semaphore(%arg19 : memref<!tpu.dma_semaphore, #tpu.memory_space<semaphore_mem>>) src(%dma_wait3A_1076 : memref<10000x128xf32, #tpu.memory_space<hbm>>) dst(%arg13 : memref<80x128xf32, #tpu.memory_space<vmem>>)
      %dma_start3A_1077 = arith.constant 5 : i32
      %dma_start3A_1078 = arith.constant 0 : i32
      %dma_start3A_1079 = tpu.memref_slice %arg8[%dma_start3A_1077, %dma_start3A_1078] : memref<8x80xi32, #tpu.memory_space<vmem>> -> memref<1x80xi32, #tpu.memory_space<vmem>>
      %dma_start3A_1080 = tpu.memref_squeeze %dma_start3A_1079 : memref<1x80xi32, #tpu.memory_space<vmem>> -> memref<80xi32, #tpu.memory_space<vmem>>
      %dma_start3A_1081 = arith.constant 0 : i32
      %dma_start3A_1082 = arith.constant 0 : i32
      %dma_start3A_1083 = tpu.memref_slice %arg24[%dma_start3A_1081, %dma_start3A_1082] : memref<10240x128xf32, #tpu.memory_space<vmem_shared>> -> memref<10240x128xf32, #tpu.memory_space<vmem_shared>>
      tpu.enqueue_indirect_dma source(%arg13 : memref<80x128xf32, #tpu.memory_space<vmem>>) target(%dma_start3A_1083 : memref<10240x128xf32, #tpu.memory_space<vmem_shared>>) offsets(%dma_start3A_1080 : memref<80xi32, #tpu.memory_space<vmem>>) semaphore(%arg23 : memref<!tpu.dma_semaphore, #tpu.memory_space<semaphore_mem>>) {add = true}
      %dma_wait3A_1084 = arith.constant 5 : i32
      %dma_wait3A_1085 = arith.constant 0 : i32
      %dma_wait3A_1086 = tpu.memref_slice %arg8[%dma_wait3A_1084, %dma_wait3A_1085] : memref<8x80xi32, #tpu.memory_space<vmem>> -> memref<1x80xi32, #tpu.memory_space<vmem>>
      %dma_wait3A_1087 = tpu.memref_squeeze %dma_wait3A_1086 : memref<1x80xi32, #tpu.memory_space<vmem>> -> memref<80xi32, #tpu.memory_space<vmem>>
      %dma_wait3A_1088 = arith.constant 0 : i32
      %dma_wait3A_1089 = arith.constant 0 : i32
      %dma_wait3A_1090 = tpu.memref_slice %arg24[%dma_wait3A_1088, %dma_wait3A_1089] : memref<10240x128xf32, #tpu.memory_space<vmem_shared>> -> memref<10240x128xf32, #tpu.memory_space<vmem_shared>>
      tpu.wait_indirect_dma semaphore(%arg21 : memref<!tpu.dma_semaphore, #tpu.memory_space<semaphore_mem>>) src(%arg11 : memref<80x128xf32, #tpu.memory_space<vmem>>) dst(%dma_wait3A_1090 : memref<10240x128xf32, #tpu.memory_space<vmem_shared>>)
      %dma_start3A_1091 = arith.constant 7 : i32
      %dma_start3A_1092 = arith.constant 0 : i32
      %dma_start3A_1093 = tpu.memref_slice %arg6[%dma_start3A_1091, %dma_start3A_1092] : memref<8x80xi32, #tpu.memory_space<vmem>> -> memref<1x80xi32, #tpu.memory_space<vmem>>
      %dma_start3A_1094 = tpu.memref_squeeze %dma_start3A_1093 : memref<1x80xi32, #tpu.memory_space<vmem>> -> memref<80xi32, #tpu.memory_space<vmem>>
      %dma_start3A_1095 = arith.constant 0 : i32
      %dma_start3A_1096 = arith.constant 0 : i32
      %dma_start3A_1097 = tpu.memref_slice %arg2[%dma_start3A_1095, %dma_start3A_1096] : memref<10000x128xf32, #tpu.memory_space<hbm>> -> memref<10000x128xf32, #tpu.memory_space<hbm>>
      tpu.enqueue_indirect_dma source(%dma_start3A_1097 : memref<10000x128xf32, #tpu.memory_space<hbm>>) target(%arg11 : memref<80x128xf32, #tpu.memory_space<vmem>>) offsets(%dma_start3A_1094 : memref<80xi32, #tpu.memory_space<vmem>>) semaphore(%arg17 : memref<!tpu.dma_semaphore, #tpu.memory_space<semaphore_mem>>)
      %mul3A_1098 = arith.constant 8 : i32
      %mul3A_1099 = arith.muli %add3A_875, %mul3A_1098 : i32
      %add3A_1100 = arith.constant 6 : i32
      %add3A_1101 = arith.addi %mul3A_1099, %add3A_1100 : i32
      %dma_wait3A_1102 = arith.constant 6 : i32
      %dma_wait3A_1103 = arith.constant 0 : i32
      %dma_wait3A_1104 = tpu.memref_slice %arg6[%dma_wait3A_1102, %dma_wait3A_1103] : memref<8x80xi32, #tpu.memory_space<vmem>> -> memref<1x80xi32, #tpu.memory_space<vmem>>
      %dma_wait3A_1105 = tpu.memref_squeeze %dma_wait3A_1104 : memref<1x80xi32, #tpu.memory_space<vmem>> -> memref<80xi32, #tpu.memory_space<vmem>>
      %dma_wait3A_1106 = arith.constant 0 : i32
      %dma_wait3A_1107 = arith.constant 0 : i32
      %dma_wait3A_1108 = tpu.memref_slice %arg2[%dma_wait3A_1106, %dma_wait3A_1107] : memref<10000x128xf32, #tpu.memory_space<hbm>> -> memref<10000x128xf32, #tpu.memory_space<hbm>>
      tpu.wait_indirect_dma semaphore(%arg16 : memref<!tpu.dma_semaphore, #tpu.memory_space<semaphore_mem>>) src(%dma_wait3A_1108 : memref<10000x128xf32, #tpu.memory_space<hbm>>) dst(%arg10 : memref<80x128xf32, #tpu.memory_space<vmem>>)
      %dma_start3A_1109 = arith.constant 6 : i32
      %dma_start3A_1110 = arith.constant 0 : i32
      %dma_start3A_1111 = tpu.memref_slice %arg8[%dma_start3A_1109, %dma_start3A_1110] : memref<8x80xi32, #tpu.memory_space<vmem>> -> memref<1x80xi32, #tpu.memory_space<vmem>>
      %dma_start3A_1112 = tpu.memref_squeeze %dma_start3A_1111 : memref<1x80xi32, #tpu.memory_space<vmem>> -> memref<80xi32, #tpu.memory_space<vmem>>
      %dma_start3A_1113 = arith.constant 0 : i32
      %dma_start3A_1114 = arith.constant 0 : i32
      %dma_start3A_1115 = tpu.memref_slice %arg24[%dma_start3A_1113, %dma_start3A_1114] : memref<10240x128xf32, #tpu.memory_space<vmem_shared>> -> memref<10240x128xf32, #tpu.memory_space<vmem_shared>>
      tpu.enqueue_indirect_dma source(%arg10 : memref<80x128xf32, #tpu.memory_space<vmem>>) target(%dma_start3A_1115 : memref<10240x128xf32, #tpu.memory_space<vmem_shared>>) offsets(%dma_start3A_1112 : memref<80xi32, #tpu.memory_space<vmem>>) semaphore(%arg20 : memref<!tpu.dma_semaphore, #tpu.memory_space<semaphore_mem>>) {add = true}
      %dma_wait3A_1116 = arith.constant 6 : i32
      %dma_wait3A_1117 = arith.constant 0 : i32
      %dma_wait3A_1118 = tpu.memref_slice %arg8[%dma_wait3A_1116, %dma_wait3A_1117] : memref<8x80xi32, #tpu.memory_space<vmem>> -> memref<1x80xi32, #tpu.memory_space<vmem>>
      %dma_wait3A_1119 = tpu.memref_squeeze %dma_wait3A_1118 : memref<1x80xi32, #tpu.memory_space<vmem>> -> memref<80xi32, #tpu.memory_space<vmem>>
      %dma_wait3A_1120 = arith.constant 0 : i32
      %dma_wait3A_1121 = arith.constant 0 : i32
      %dma_wait3A_1122 = tpu.memref_slice %arg24[%dma_wait3A_1120, %dma_wait3A_1121] : memref<10240x128xf32, #tpu.memory_space<vmem_shared>> -> memref<10240x128xf32, #tpu.memory_space<vmem_shared>>
      tpu.wait_indirect_dma semaphore(%arg22 : memref<!tpu.dma_semaphore, #tpu.memory_space<semaphore_mem>>) src(%arg12 : memref<80x128xf32, #tpu.memory_space<vmem>>) dst(%dma_wait3A_1122 : memref<10240x128xf32, #tpu.memory_space<vmem_shared>>)
      %dma_start3A_1123 = arith.constant 0 : i32
      %dma_start3A_1124 = arith.constant 0 : i32
      %dma_start3A_1125 = tpu.memref_slice %arg7[%dma_start3A_1123, %dma_start3A_1124] : memref<8x80xi32, #tpu.memory_space<vmem>> -> memref<1x80xi32, #tpu.memory_space<vmem>>
      %dma_start3A_1126 = tpu.memref_squeeze %dma_start3A_1125 : memref<1x80xi32, #tpu.memory_space<vmem>> -> memref<80xi32, #tpu.memory_space<vmem>>
      %dma_start3A_1127 = arith.constant 0 : i32
      %dma_start3A_1128 = arith.constant 0 : i32
      %dma_start3A_1129 = tpu.memref_slice %arg2[%dma_start3A_1127, %dma_start3A_1128] : memref<10000x128xf32, #tpu.memory_space<hbm>> -> memref<10000x128xf32, #tpu.memory_space<hbm>>
      tpu.enqueue_indirect_dma source(%dma_start3A_1129 : memref<10000x128xf32, #tpu.memory_space<hbm>>) target(%arg12 : memref<80x128xf32, #tpu.memory_space<vmem>>) offsets(%dma_start3A_1126 : memref<80xi32, #tpu.memory_space<vmem>>) semaphore(%arg18 : memref<!tpu.dma_semaphore, #tpu.memory_space<semaphore_mem>>)
      %mul3A_1130 = arith.constant 8 : i32
      %mul3A_1131 = arith.muli %add3A_875, %mul3A_1130 : i32
      %add3A_1132 = arith.constant 7 : i32
      %add3A_1133 = arith.addi %mul3A_1131, %add3A_1132 : i32
      %dma_wait3A_1134 = arith.constant 7 : i32
      %dma_wait3A_1135 = arith.constant 0 : i32
      %dma_wait3A_1136 = tpu.memref_slice %arg6[%dma_wait3A_1134, %dma_wait3A_1135] : memref<8x80xi32, #tpu.memory_space<vmem>> -> memref<1x80xi32, #tpu.memory_space<vmem>>
      %dma_wait3A_1137 = tpu.memref_squeeze %dma_wait3A_1136 : memref<1x80xi32, #tpu.memory_space<vmem>> -> memref<80xi32, #tpu.memory_space<vmem>>
      %dma_wait3A_1138 = arith.constant 0 : i32
      %dma_wait3A_1139 = arith.constant 0 : i32
      %dma_wait3A_1140 = tpu.memref_slice %arg2[%dma_wait3A_1138, %dma_wait3A_1139] : memref<10000x128xf32, #tpu.memory_space<hbm>> -> memref<10000x128xf32, #tpu.memory_space<hbm>>
      tpu.wait_indirect_dma semaphore(%arg17 : memref<!tpu.dma_semaphore, #tpu.memory_space<semaphore_mem>>) src(%dma_wait3A_1140 : memref<10000x128xf32, #tpu.memory_space<hbm>>) dst(%arg11 : memref<80x128xf32, #tpu.memory_space<vmem>>)
      %dma_start3A_1141 = arith.constant 7 : i32
      %dma_start3A_1142 = arith.constant 0 : i32
      %dma_start3A_1143 = tpu.memref_slice %arg8[%dma_start3A_1141, %dma_start3A_1142] : memref<8x80xi32, #tpu.memory_space<vmem>> -> memref<1x80xi32, #tpu.memory_space<vmem>>
      %dma_start3A_1144 = tpu.memref_squeeze %dma_start3A_1143 : memref<1x80xi32, #tpu.memory_space<vmem>> -> memref<80xi32, #tpu.memory_space<vmem>>
      %dma_start3A_1145 = arith.constant 0 : i32
      %dma_start3A_1146 = arith.constant 0 : i32
      %dma_start3A_1147 = tpu.memref_slice %arg24[%dma_start3A_1145, %dma_start3A_1146] : memref<10240x128xf32, #tpu.memory_space<vmem_shared>> -> memref<10240x128xf32, #tpu.memory_space<vmem_shared>>
      tpu.enqueue_indirect_dma source(%arg11 : memref<80x128xf32, #tpu.memory_space<vmem>>) target(%dma_start3A_1147 : memref<10240x128xf32, #tpu.memory_space<vmem_shared>>) offsets(%dma_start3A_1144 : memref<80xi32, #tpu.memory_space<vmem>>) semaphore(%arg21 : memref<!tpu.dma_semaphore, #tpu.memory_space<semaphore_mem>>) {add = true}
      %dma_wait3A_1148 = arith.constant 7 : i32
      %dma_wait3A_1149 = arith.constant 0 : i32
      %dma_wait3A_1150 = tpu.memref_slice %arg8[%dma_wait3A_1148, %dma_wait3A_1149] : memref<8x80xi32, #tpu.memory_space<vmem>> -> memref<1x80xi32, #tpu.memory_space<vmem>>
      %dma_wait3A_1151 = tpu.memref_squeeze %dma_wait3A_1150 : memref<1x80xi32, #tpu.memory_space<vmem>> -> memref<80xi32, #tpu.memory_space<vmem>>
      %dma_wait3A_1152 = arith.constant 0 : i32
      %dma_wait3A_1153 = arith.constant 0 : i32
      %dma_wait3A_1154 = tpu.memref_slice %arg24[%dma_wait3A_1152, %dma_wait3A_1153] : memref<10240x128xf32, #tpu.memory_space<vmem_shared>> -> memref<10240x128xf32, #tpu.memory_space<vmem_shared>>
      tpu.wait_indirect_dma semaphore(%arg23 : memref<!tpu.dma_semaphore, #tpu.memory_space<semaphore_mem>>) src(%arg13 : memref<80x128xf32, #tpu.memory_space<vmem>>) dst(%dma_wait3A_1154 : memref<10240x128xf32, #tpu.memory_space<vmem_shared>>)
      %dma_start3A_1155 = arith.constant 1 : i32
      %dma_start3A_1156 = arith.constant 0 : i32
      %dma_start3A_1157 = tpu.memref_slice %arg7[%dma_start3A_1155, %dma_start3A_1156] : memref<8x80xi32, #tpu.memory_space<vmem>> -> memref<1x80xi32, #tpu.memory_space<vmem>>
      %dma_start3A_1158 = tpu.memref_squeeze %dma_start3A_1157 : memref<1x80xi32, #tpu.memory_space<vmem>> -> memref<80xi32, #tpu.memory_space<vmem>>
      %dma_start3A_1159 = arith.constant 0 : i32
      %dma_start3A_1160 = arith.constant 0 : i32
      %dma_start3A_1161 = tpu.memref_slice %arg2[%dma_start3A_1159, %dma_start3A_1160] : memref<10000x128xf32, #tpu.memory_space<hbm>> -> memref<10000x128xf32, #tpu.memory_space<hbm>>
      tpu.enqueue_indirect_dma source(%dma_start3A_1161 : memref<10000x128xf32, #tpu.memory_space<hbm>>) target(%arg13 : memref<80x128xf32, #tpu.memory_space<vmem>>) offsets(%dma_start3A_1158 : memref<80xi32, #tpu.memory_space<vmem>>) semaphore(%arg19 : memref<!tpu.dma_semaphore, #tpu.memory_space<semaphore_mem>>)
      %add3A_1162 = arith.constant 2 : i32
      %add3A_1163 = arith.addi %add3A_875, %add3A_1162 : i32
      %lt3A_1164 = arith.constant 16 : i32
      %lt3A_1165 = arith.cmpi slt, %add3A_1163, %lt3A_1164 : i32
      %convert_element_type3A_1166 = arith.extui %lt3A_1165 : i1 to i32
      %cond3A_1167 = arith.constant 0 : i32
      %cond3A_1168 = arith.cmpi ne, %convert_element_type3A_1166, %cond3A_1167 : i32
      scf.if %cond3A_1168 {
        %add3A_1170 = arith.constant 2 : i32
        %add3A_1171 = arith.addi %add3A_875, %add3A_1170 : i32
        %dma_start3A_1172 = arith.constant 0 : i32
        %dma_start3A_1173 = arith.constant 0 : i32
        %dma_start3A_1174 = tpu.memref_slice %arg3[%arg0, %arg1, %add3A_1171, %dma_start3A_1172, %dma_start3A_1173] : memref<2x16x16x8x80xi32, #tpu.memory_space<hbm>> -> memref<1x1x1x8x80xi32, #tpu.memory_space<hbm>>
        %dma_start3A_1175 = tpu.memref_squeeze %dma_start3A_1174 : memref<1x1x1x8x80xi32, #tpu.memory_space<hbm>> -> memref<8x80xi32, #tpu.memory_space<hbm>>
        %dma_start3A_1176 = arith.constant 0 : i32
        %dma_start3A_1177 = arith.constant 0 : i32
        %dma_start3A_1178 = tpu.memref_slice %arg3[%arg0, %arg1, %add3A_1171, %dma_start3A_1176, %dma_start3A_1177] : memref<2x16x16x8x80xi32, #tpu.memory_space<hbm>> -> memref<1x1x1x8x80xi32, #tpu.memory_space<hbm>>
        %dma_start3A_1179 = tpu.memref_squeeze %dma_start3A_1178 : memref<1x1x1x8x80xi32, #tpu.memory_space<hbm>> -> memref<8x80xi32, #tpu.memory_space<hbm>>
        tpu.enqueue_dma source(%dma_start3A_1179 : memref<8x80xi32, #tpu.memory_space<hbm>>) target(%arg6 : memref<8x80xi32, #tpu.memory_space<vmem>>) target_semaphore(%arg14 : memref<!tpu.dma_semaphore, #tpu.memory_space<semaphore_mem>>)
      } else {
      }
      %scan3A_1169 = arith.constant 0 : i32
      scf.yield %scan3A_1169 : i32
    }
    %scan3A_346 = arith.constant 7 : i32
    %dma_wait3A_347 = arith.constant 0 : i32
    %dma_wait3A_348 = arith.constant 0 : i32
    %dma_wait3A_349 = tpu.memref_slice %arg7[%dma_wait3A_347, %dma_wait3A_348] : memref<8x80xi32, #tpu.memory_space<vmem>> -> memref<1x80xi32, #tpu.memory_space<vmem>>
    %dma_wait3A_350 = tpu.memref_squeeze %dma_wait3A_349 : memref<1x80xi32, #tpu.memory_space<vmem>> -> memref<80xi32, #tpu.memory_space<vmem>>
    %dma_wait3A_351 = arith.constant 0 : i32
    %dma_wait3A_352 = arith.constant 0 : i32
    %dma_wait3A_353 = tpu.memref_slice %arg2[%dma_wait3A_351, %dma_wait3A_352] : memref<10000x128xf32, #tpu.memory_space<hbm>> -> memref<10000x128xf32, #tpu.memory_space<hbm>>
    tpu.wait_indirect_dma semaphore(%arg18 : memref<!tpu.dma_semaphore, #tpu.memory_space<semaphore_mem>>) src(%dma_wait3A_353 : memref<10000x128xf32, #tpu.memory_space<hbm>>) dst(%arg12 : memref<80x128xf32, #tpu.memory_space<vmem>>)
    %dma_start3A_354 = arith.constant 0 : i32
    %dma_start3A_355 = arith.constant 0 : i32
    %dma_start3A_356 = tpu.memref_slice %arg9[%dma_start3A_354, %dma_start3A_355] : memref<8x80xi32, #tpu.memory_space<vmem>> -> memref<1x80xi32, #tpu.memory_space<vmem>>
    %dma_start3A_357 = tpu.memref_squeeze %dma_start3A_356 : memref<1x80xi32, #tpu.memory_space<vmem>> -> memref<80xi32, #tpu.memory_space<vmem>>
    %dma_start3A_358 = arith.constant 0 : i32
    %dma_start3A_359 = arith.constant 0 : i32
    %dma_start3A_360 = tpu.memref_slice %arg24[%dma_start3A_358, %dma_start3A_359] : memref<10240x128xf32, #tpu.memory_space<vmem_shared>> -> memref<10240x128xf32, #tpu.memory_space<vmem_shared>>
    tpu.enqueue_indirect_dma source(%arg12 : memref<80x128xf32, #tpu.memory_space<vmem>>) target(%dma_start3A_360 : memref<10240x128xf32, #tpu.memory_space<vmem_shared>>) offsets(%dma_start3A_357 : memref<80xi32, #tpu.memory_space<vmem>>) semaphore(%arg22 : memref<!tpu.dma_semaphore, #tpu.memory_space<semaphore_mem>>) {add = true}
    %dma_wait3A_361 = arith.constant 0 : i32
    %dma_wait3A_362 = arith.constant 0 : i32
    %dma_wait3A_363 = tpu.memref_slice %arg9[%dma_wait3A_361, %dma_wait3A_362] : memref<8x80xi32, #tpu.memory_space<vmem>> -> memref<1x80xi32, #tpu.memory_space<vmem>>
    %dma_wait3A_364 = tpu.memref_squeeze %dma_wait3A_363 : memref<1x80xi32, #tpu.memory_space<vmem>> -> memref<80xi32, #tpu.memory_space<vmem>>
    %dma_wait3A_365 = arith.constant 0 : i32
    %dma_wait3A_366 = arith.constant 0 : i32
    %dma_wait3A_367 = tpu.memref_slice %arg24[%dma_wait3A_365, %dma_wait3A_366] : memref<10240x128xf32, #tpu.memory_space<vmem_shared>> -> memref<10240x128xf32, #tpu.memory_space<vmem_shared>>
    tpu.wait_indirect_dma semaphore(%arg20 : memref<!tpu.dma_semaphore, #tpu.memory_space<semaphore_mem>>) src(%arg10 : memref<80x128xf32, #tpu.memory_space<vmem>>) dst(%dma_wait3A_367 : memref<10240x128xf32, #tpu.memory_space<vmem_shared>>)
    %dma_start3A_368 = arith.constant 2 : i32
    %dma_start3A_369 = arith.constant 0 : i32
    %dma_start3A_370 = tpu.memref_slice %arg7[%dma_start3A_368, %dma_start3A_369] : memref<8x80xi32, #tpu.memory_space<vmem>> -> memref<1x80xi32, #tpu.memory_space<vmem>>
    %dma_start3A_371 = tpu.memref_squeeze %dma_start3A_370 : memref<1x80xi32, #tpu.memory_space<vmem>> -> memref<80xi32, #tpu.memory_space<vmem>>
    %dma_start3A_372 = arith.constant 0 : i32
    %dma_start3A_373 = arith.constant 0 : i32
    %dma_start3A_374 = tpu.memref_slice %arg2[%dma_start3A_372, %dma_start3A_373] : memref<10000x128xf32, #tpu.memory_space<hbm>> -> memref<10000x128xf32, #tpu.memory_space<hbm>>
    tpu.enqueue_indirect_dma source(%dma_start3A_374 : memref<10000x128xf32, #tpu.memory_space<hbm>>) target(%arg10 : memref<80x128xf32, #tpu.memory_space<vmem>>) offsets(%dma_start3A_371 : memref<80xi32, #tpu.memory_space<vmem>>) semaphore(%arg16 : memref<!tpu.dma_semaphore, #tpu.memory_space<semaphore_mem>>)
    %dma_wait3A_375 = arith.constant 1 : i32
    %dma_wait3A_376 = arith.constant 0 : i32
    %dma_wait3A_377 = tpu.memref_slice %arg7[%dma_wait3A_375, %dma_wait3A_376] : memref<8x80xi32, #tpu.memory_space<vmem>> -> memref<1x80xi32, #tpu.memory_space<vmem>>
    %dma_wait3A_378 = tpu.memref_squeeze %dma_wait3A_377 : memref<1x80xi32, #tpu.memory_space<vmem>> -> memref<80xi32, #tpu.memory_space<vmem>>
    %dma_wait3A_379 = arith.constant 0 : i32
    %dma_wait3A_380 = arith.constant 0 : i32
    %dma_wait3A_381 = tpu.memref_slice %arg2[%dma_wait3A_379, %dma_wait3A_380] : memref<10000x128xf32, #tpu.memory_space<hbm>> -> memref<10000x128xf32, #tpu.memory_space<hbm>>
    tpu.wait_indirect_dma semaphore(%arg19 : memref<!tpu.dma_semaphore, #tpu.memory_space<semaphore_mem>>) src(%dma_wait3A_381 : memref<10000x128xf32, #tpu.memory_space<hbm>>) dst(%arg13 : memref<80x128xf32, #tpu.memory_space<vmem>>)
    %dma_start3A_382 = arith.constant 1 : i32
    %dma_start3A_383 = arith.constant 0 : i32
    %dma_start3A_384 = tpu.memref_slice %arg9[%dma_start3A_382, %dma_start3A_383] : memref<8x80xi32, #tpu.memory_space<vmem>> -> memref<1x80xi32, #tpu.memory_space<vmem>>
    %dma_start3A_385 = tpu.memref_squeeze %dma_start3A_384 : memref<1x80xi32, #tpu.memory_space<vmem>> -> memref<80xi32, #tpu.memory_space<vmem>>
    %dma_start3A_386 = arith.constant 0 : i32
    %dma_start3A_387 = arith.constant 0 : i32
    %dma_start3A_388 = tpu.memref_slice %arg24[%dma_start3A_386, %dma_start3A_387] : memref<10240x128xf32, #tpu.memory_space<vmem_shared>> -> memref<10240x128xf32, #tpu.memory_space<vmem_shared>>
    tpu.enqueue_indirect_dma source(%arg13 : memref<80x128xf32, #tpu.memory_space<vmem>>) target(%dma_start3A_388 : memref<10240x128xf32, #tpu.memory_space<vmem_shared>>) offsets(%dma_start3A_385 : memref<80xi32, #tpu.memory_space<vmem>>) semaphore(%arg23 : memref<!tpu.dma_semaphore, #tpu.memory_space<semaphore_mem>>) {add = true}
    %dma_wait3A_389 = arith.constant 1 : i32
    %dma_wait3A_390 = arith.constant 0 : i32
    %dma_wait3A_391 = tpu.memref_slice %arg9[%dma_wait3A_389, %dma_wait3A_390] : memref<8x80xi32, #tpu.memory_space<vmem>> -> memref<1x80xi32, #tpu.memory_space<vmem>>
    %dma_wait3A_392 = tpu.memref_squeeze %dma_wait3A_391 : memref<1x80xi32, #tpu.memory_space<vmem>> -> memref<80xi32, #tpu.memory_space<vmem>>
    %dma_wait3A_393 = arith.constant 0 : i32
    %dma_wait3A_394 = arith.constant 0 : i32
    %dma_wait3A_395 = tpu.memref_slice %arg24[%dma_wait3A_393, %dma_wait3A_394] : memref<10240x128xf32, #tpu.memory_space<vmem_shared>> -> memref<10240x128xf32, #tpu.memory_space<vmem_shared>>
    tpu.wait_indirect_dma semaphore(%arg21 : memref<!tpu.dma_semaphore, #tpu.memory_space<semaphore_mem>>) src(%arg11 : memref<80x128xf32, #tpu.memory_space<vmem>>) dst(%dma_wait3A_395 : memref<10240x128xf32, #tpu.memory_space<vmem_shared>>)
    %dma_start3A_396 = arith.constant 3 : i32
    %dma_start3A_397 = arith.constant 0 : i32
    %dma_start3A_398 = tpu.memref_slice %arg7[%dma_start3A_396, %dma_start3A_397] : memref<8x80xi32, #tpu.memory_space<vmem>> -> memref<1x80xi32, #tpu.memory_space<vmem>>
    %dma_start3A_399 = tpu.memref_squeeze %dma_start3A_398 : memref<1x80xi32, #tpu.memory_space<vmem>> -> memref<80xi32, #tpu.memory_space<vmem>>
    %dma_start3A_400 = arith.constant 0 : i32
    %dma_start3A_401 = arith.constant 0 : i32
    %dma_start3A_402 = tpu.memref_slice %arg2[%dma_start3A_400, %dma_start3A_401] : memref<10000x128xf32, #tpu.memory_space<hbm>> -> memref<10000x128xf32, #tpu.memory_space<hbm>>
    tpu.enqueue_indirect_dma source(%dma_start3A_402 : memref<10000x128xf32, #tpu.memory_space<hbm>>) target(%arg11 : memref<80x128xf32, #tpu.memory_space<vmem>>) offsets(%dma_start3A_399 : memref<80xi32, #tpu.memory_space<vmem>>) semaphore(%arg17 : memref<!tpu.dma_semaphore, #tpu.memory_space<semaphore_mem>>)
    %dma_wait3A_403 = arith.constant 2 : i32
    %dma_wait3A_404 = arith.constant 0 : i32
    %dma_wait3A_405 = tpu.memref_slice %arg7[%dma_wait3A_403, %dma_wait3A_404] : memref<8x80xi32, #tpu.memory_space<vmem>> -> memref<1x80xi32, #tpu.memory_space<vmem>>
    %dma_wait3A_406 = tpu.memref_squeeze %dma_wait3A_405 : memref<1x80xi32, #tpu.memory_space<vmem>> -> memref<80xi32, #tpu.memory_space<vmem>>
    %dma_wait3A_407 = arith.constant 0 : i32
    %dma_wait3A_408 = arith.constant 0 : i32
    %dma_wait3A_409 = tpu.memref_slice %arg2[%dma_wait3A_407, %dma_wait3A_408] : memref<10000x128xf32, #tpu.memory_space<hbm>> -> memref<10000x128xf32, #tpu.memory_space<hbm>>
    tpu.wait_indirect_dma semaphore(%arg16 : memref<!tpu.dma_semaphore, #tpu.memory_space<semaphore_mem>>) src(%dma_wait3A_409 : memref<10000x128xf32, #tpu.memory_space<hbm>>) dst(%arg10 : memref<80x128xf32, #tpu.memory_space<vmem>>)
    %dma_start3A_410 = arith.constant 2 : i32
    %dma_start3A_411 = arith.constant 0 : i32
    %dma_start3A_412 = tpu.memref_slice %arg9[%dma_start3A_410, %dma_start3A_411] : memref<8x80xi32, #tpu.memory_space<vmem>> -> memref<1x80xi32, #tpu.memory_space<vmem>>
    %dma_start3A_413 = tpu.memref_squeeze %dma_start3A_412 : memref<1x80xi32, #tpu.memory_space<vmem>> -> memref<80xi32, #tpu.memory_space<vmem>>
    %dma_start3A_414 = arith.constant 0 : i32
    %dma_start3A_415 = arith.constant 0 : i32
    %dma_start3A_416 = tpu.memref_slice %arg24[%dma_start3A_414, %dma_start3A_415] : memref<10240x128xf32, #tpu.memory_space<vmem_shared>> -> memref<10240x128xf32, #tpu.memory_space<vmem_shared>>
    tpu.enqueue_indirect_dma source(%arg10 : memref<80x128xf32, #tpu.memory_space<vmem>>) target(%dma_start3A_416 : memref<10240x128xf32, #tpu.memory_space<vmem_shared>>) offsets(%dma_start3A_413 : memref<80xi32, #tpu.memory_space<vmem>>) semaphore(%arg20 : memref<!tpu.dma_semaphore, #tpu.memory_space<semaphore_mem>>) {add = true}
    %dma_wait3A_417 = arith.constant 2 : i32
    %dma_wait3A_418 = arith.constant 0 : i32
    %dma_wait3A_419 = tpu.memref_slice %arg9[%dma_wait3A_417, %dma_wait3A_418] : memref<8x80xi32, #tpu.memory_space<vmem>> -> memref<1x80xi32, #tpu.memory_space<vmem>>
    %dma_wait3A_420 = tpu.memref_squeeze %dma_wait3A_419 : memref<1x80xi32, #tpu.memory_space<vmem>> -> memref<80xi32, #tpu.memory_space<vmem>>
    %dma_wait3A_421 = arith.constant 0 : i32
    %dma_wait3A_422 = arith.constant 0 : i32
    %dma_wait3A_423 = tpu.memref_slice %arg24[%dma_wait3A_421, %dma_wait3A_422] : memref<10240x128xf32, #tpu.memory_space<vmem_shared>> -> memref<10240x128xf32, #tpu.memory_space<vmem_shared>>
    tpu.wait_indirect_dma semaphore(%arg22 : memref<!tpu.dma_semaphore, #tpu.memory_space<semaphore_mem>>) src(%arg12 : memref<80x128xf32, #tpu.memory_space<vmem>>) dst(%dma_wait3A_423 : memref<10240x128xf32, #tpu.memory_space<vmem_shared>>)
    %dma_start3A_424 = arith.constant 4 : i32
    %dma_start3A_425 = arith.constant 0 : i32
    %dma_start3A_426 = tpu.memref_slice %arg7[%dma_start3A_424, %dma_start3A_425] : memref<8x80xi32, #tpu.memory_space<vmem>> -> memref<1x80xi32, #tpu.memory_space<vmem>>
    %dma_start3A_427 = tpu.memref_squeeze %dma_start3A_426 : memref<1x80xi32, #tpu.memory_space<vmem>> -> memref<80xi32, #tpu.memory_space<vmem>>
    %dma_start3A_428 = arith.constant 0 : i32
    %dma_start3A_429 = arith.constant 0 : i32
    %dma_start3A_430 = tpu.memref_slice %arg2[%dma_start3A_428, %dma_start3A_429] : memref<10000x128xf32, #tpu.memory_space<hbm>> -> memref<10000x128xf32, #tpu.memory_space<hbm>>
    tpu.enqueue_indirect_dma source(%dma_start3A_430 : memref<10000x128xf32, #tpu.memory_space<hbm>>) target(%arg12 : memref<80x128xf32, #tpu.memory_space<vmem>>) offsets(%dma_start3A_427 : memref<80xi32, #tpu.memory_space<vmem>>) semaphore(%arg18 : memref<!tpu.dma_semaphore, #tpu.memory_space<semaphore_mem>>)
    %dma_wait3A_431 = arith.constant 3 : i32
    %dma_wait3A_432 = arith.constant 0 : i32
    %dma_wait3A_433 = tpu.memref_slice %arg7[%dma_wait3A_431, %dma_wait3A_432] : memref<8x80xi32, #tpu.memory_space<vmem>> -> memref<1x80xi32, #tpu.memory_space<vmem>>
    %dma_wait3A_434 = tpu.memref_squeeze %dma_wait3A_433 : memref<1x80xi32, #tpu.memory_space<vmem>> -> memref<80xi32, #tpu.memory_space<vmem>>
    %dma_wait3A_435 = arith.constant 0 : i32
    %dma_wait3A_436 = arith.constant 0 : i32
    %dma_wait3A_437 = tpu.memref_slice %arg2[%dma_wait3A_435, %dma_wait3A_436] : memref<10000x128xf32, #tpu.memory_space<hbm>> -> memref<10000x128xf32, #tpu.memory_space<hbm>>
    tpu.wait_indirect_dma semaphore(%arg17 : memref<!tpu.dma_semaphore, #tpu.memory_space<semaphore_mem>>) src(%dma_wait3A_437 : memref<10000x128xf32, #tpu.memory_space<hbm>>) dst(%arg11 : memref<80x128xf32, #tpu.memory_space<vmem>>)
    %dma_start3A_438 = arith.constant 3 : i32
    %dma_start3A_439 = arith.constant 0 : i32
    %dma_start3A_440 = tpu.memref_slice %arg9[%dma_start3A_438, %dma_start3A_439] : memref<8x80xi32, #tpu.memory_space<vmem>> -> memref<1x80xi32, #tpu.memory_space<vmem>>
    %dma_start3A_441 = tpu.memref_squeeze %dma_start3A_440 : memref<1x80xi32, #tpu.memory_space<vmem>> -> memref<80xi32, #tpu.memory_space<vmem>>
    %dma_start3A_442 = arith.constant 0 : i32
    %dma_start3A_443 = arith.constant 0 : i32
    %dma_start3A_444 = tpu.memref_slice %arg24[%dma_start3A_442, %dma_start3A_443] : memref<10240x128xf32, #tpu.memory_space<vmem_shared>> -> memref<10240x128xf32, #tpu.memory_space<vmem_shared>>
    tpu.enqueue_indirect_dma source(%arg11 : memref<80x128xf32, #tpu.memory_space<vmem>>) target(%dma_start3A_444 : memref<10240x128xf32, #tpu.memory_space<vmem_shared>>) offsets(%dma_start3A_441 : memref<80xi32, #tpu.memory_space<vmem>>) semaphore(%arg21 : memref<!tpu.dma_semaphore, #tpu.memory_space<semaphore_mem>>) {add = true}
    %dma_wait3A_445 = arith.constant 3 : i32
    %dma_wait3A_446 = arith.constant 0 : i32
    %dma_wait3A_447 = tpu.memref_slice %arg9[%dma_wait3A_445, %dma_wait3A_446] : memref<8x80xi32, #tpu.memory_space<vmem>> -> memref<1x80xi32, #tpu.memory_space<vmem>>
    %dma_wait3A_448 = tpu.memref_squeeze %dma_wait3A_447 : memref<1x80xi32, #tpu.memory_space<vmem>> -> memref<80xi32, #tpu.memory_space<vmem>>
    %dma_wait3A_449 = arith.constant 0 : i32
    %dma_wait3A_450 = arith.constant 0 : i32
    %dma_wait3A_451 = tpu.memref_slice %arg24[%dma_wait3A_449, %dma_wait3A_450] : memref<10240x128xf32, #tpu.memory_space<vmem_shared>> -> memref<10240x128xf32, #tpu.memory_space<vmem_shared>>
    tpu.wait_indirect_dma semaphore(%arg23 : memref<!tpu.dma_semaphore, #tpu.memory_space<semaphore_mem>>) src(%arg13 : memref<80x128xf32, #tpu.memory_space<vmem>>) dst(%dma_wait3A_451 : memref<10240x128xf32, #tpu.memory_space<vmem_shared>>)
    %dma_start3A_452 = arith.constant 5 : i32
    %dma_start3A_453 = arith.constant 0 : i32
    %dma_start3A_454 = tpu.memref_slice %arg7[%dma_start3A_452, %dma_start3A_453] : memref<8x80xi32, #tpu.memory_space<vmem>> -> memref<1x80xi32, #tpu.memory_space<vmem>>
    %dma_start3A_455 = tpu.memref_squeeze %dma_start3A_454 : memref<1x80xi32, #tpu.memory_space<vmem>> -> memref<80xi32, #tpu.memory_space<vmem>>
    %dma_start3A_456 = arith.constant 0 : i32
    %dma_start3A_457 = arith.constant 0 : i32
    %dma_start3A_458 = tpu.memref_slice %arg2[%dma_start3A_456, %dma_start3A_457] : memref<10000x128xf32, #tpu.memory_space<hbm>> -> memref<10000x128xf32, #tpu.memory_space<hbm>>
    tpu.enqueue_indirect_dma source(%dma_start3A_458 : memref<10000x128xf32, #tpu.memory_space<hbm>>) target(%arg13 : memref<80x128xf32, #tpu.memory_space<vmem>>) offsets(%dma_start3A_455 : memref<80xi32, #tpu.memory_space<vmem>>) semaphore(%arg19 : memref<!tpu.dma_semaphore, #tpu.memory_space<semaphore_mem>>)
    %dma_wait3A_459 = arith.constant 4 : i32
    %dma_wait3A_460 = arith.constant 0 : i32
    %dma_wait3A_461 = tpu.memref_slice %arg7[%dma_wait3A_459, %dma_wait3A_460] : memref<8x80xi32, #tpu.memory_space<vmem>> -> memref<1x80xi32, #tpu.memory_space<vmem>>
    %dma_wait3A_462 = tpu.memref_squeeze %dma_wait3A_461 : memref<1x80xi32, #tpu.memory_space<vmem>> -> memref<80xi32, #tpu.memory_space<vmem>>
    %dma_wait3A_463 = arith.constant 0 : i32
    %dma_wait3A_464 = arith.constant 0 : i32
    %dma_wait3A_465 = tpu.memref_slice %arg2[%dma_wait3A_463, %dma_wait3A_464] : memref<10000x128xf32, #tpu.memory_space<hbm>> -> memref<10000x128xf32, #tpu.memory_space<hbm>>
    tpu.wait_indirect_dma semaphore(%arg18 : memref<!tpu.dma_semaphore, #tpu.memory_space<semaphore_mem>>) src(%dma_wait3A_465 : memref<10000x128xf32, #tpu.memory_space<hbm>>) dst(%arg12 : memref<80x128xf32, #tpu.memory_space<vmem>>)
    %dma_start3A_466 = arith.constant 4 : i32
    %dma_start3A_467 = arith.constant 0 : i32
    %dma_start3A_468 = tpu.memref_slice %arg9[%dma_start3A_466, %dma_start3A_467] : memref<8x80xi32, #tpu.memory_space<vmem>> -> memref<1x80xi32, #tpu.memory_space<vmem>>
    %dma_start3A_469 = tpu.memref_squeeze %dma_start3A_468 : memref<1x80xi32, #tpu.memory_space<vmem>> -> memref<80xi32, #tpu.memory_space<vmem>>
    %dma_start3A_470 = arith.constant 0 : i32
    %dma_start3A_471 = arith.constant 0 : i32
    %dma_start3A_472 = tpu.memref_slice %arg24[%dma_start3A_470, %dma_start3A_471] : memref<10240x128xf32, #tpu.memory_space<vmem_shared>> -> memref<10240x128xf32, #tpu.memory_space<vmem_shared>>
    tpu.enqueue_indirect_dma source(%arg12 : memref<80x128xf32, #tpu.memory_space<vmem>>) target(%dma_start3A_472 : memref<10240x128xf32, #tpu.memory_space<vmem_shared>>) offsets(%dma_start3A_469 : memref<80xi32, #tpu.memory_space<vmem>>) semaphore(%arg22 : memref<!tpu.dma_semaphore, #tpu.memory_space<semaphore_mem>>) {add = true}
    %dma_wait3A_473 = arith.constant 4 : i32
    %dma_wait3A_474 = arith.constant 0 : i32
    %dma_wait3A_475 = tpu.memref_slice %arg9[%dma_wait3A_473, %dma_wait3A_474] : memref<8x80xi32, #tpu.memory_space<vmem>> -> memref<1x80xi32, #tpu.memory_space<vmem>>
    %dma_wait3A_476 = tpu.memref_squeeze %dma_wait3A_475 : memref<1x80xi32, #tpu.memory_space<vmem>> -> memref<80xi32, #tpu.memory_space<vmem>>
    %dma_wait3A_477 = arith.constant 0 : i32
    %dma_wait3A_478 = arith.constant 0 : i32
    %dma_wait3A_479 = tpu.memref_slice %arg24[%dma_wait3A_477, %dma_wait3A_478] : memref<10240x128xf32, #tpu.memory_space<vmem_shared>> -> memref<10240x128xf32, #tpu.memory_space<vmem_shared>>
    tpu.wait_indirect_dma semaphore(%arg20 : memref<!tpu.dma_semaphore, #tpu.memory_space<semaphore_mem>>) src(%arg10 : memref<80x128xf32, #tpu.memory_space<vmem>>) dst(%dma_wait3A_479 : memref<10240x128xf32, #tpu.memory_space<vmem_shared>>)
    %dma_start3A_480 = arith.constant 6 : i32
    %dma_start3A_481 = arith.constant 0 : i32
    %dma_start3A_482 = tpu.memref_slice %arg7[%dma_start3A_480, %dma_start3A_481] : memref<8x80xi32, #tpu.memory_space<vmem>> -> memref<1x80xi32, #tpu.memory_space<vmem>>
    %dma_start3A_483 = tpu.memref_squeeze %dma_start3A_482 : memref<1x80xi32, #tpu.memory_space<vmem>> -> memref<80xi32, #tpu.memory_space<vmem>>
    %dma_start3A_484 = arith.constant 0 : i32
    %dma_start3A_485 = arith.constant 0 : i32
    %dma_start3A_486 = tpu.memref_slice %arg2[%dma_start3A_484, %dma_start3A_485] : memref<10000x128xf32, #tpu.memory_space<hbm>> -> memref<10000x128xf32, #tpu.memory_space<hbm>>
    tpu.enqueue_indirect_dma source(%dma_start3A_486 : memref<10000x128xf32, #tpu.memory_space<hbm>>) target(%arg10 : memref<80x128xf32, #tpu.memory_space<vmem>>) offsets(%dma_start3A_483 : memref<80xi32, #tpu.memory_space<vmem>>) semaphore(%arg16 : memref<!tpu.dma_semaphore, #tpu.memory_space<semaphore_mem>>)
    %dma_wait3A_487 = arith.constant 5 : i32
    %dma_wait3A_488 = arith.constant 0 : i32
    %dma_wait3A_489 = tpu.memref_slice %arg7[%dma_wait3A_487, %dma_wait3A_488] : memref<8x80xi32, #tpu.memory_space<vmem>> -> memref<1x80xi32, #tpu.memory_space<vmem>>
    %dma_wait3A_490 = tpu.memref_squeeze %dma_wait3A_489 : memref<1x80xi32, #tpu.memory_space<vmem>> -> memref<80xi32, #tpu.memory_space<vmem>>
    %dma_wait3A_491 = arith.constant 0 : i32
    %dma_wait3A_492 = arith.constant 0 : i32
    %dma_wait3A_493 = tpu.memref_slice %arg2[%dma_wait3A_491, %dma_wait3A_492] : memref<10000x128xf32, #tpu.memory_space<hbm>> -> memref<10000x128xf32, #tpu.memory_space<hbm>>
    tpu.wait_indirect_dma semaphore(%arg19 : memref<!tpu.dma_semaphore, #tpu.memory_space<semaphore_mem>>) src(%dma_wait3A_493 : memref<10000x128xf32, #tpu.memory_space<hbm>>) dst(%arg13 : memref<80x128xf32, #tpu.memory_space<vmem>>)
    %dma_start3A_494 = arith.constant 5 : i32
    %dma_start3A_495 = arith.constant 0 : i32
    %dma_start3A_496 = tpu.memref_slice %arg9[%dma_start3A_494, %dma_start3A_495] : memref<8x80xi32, #tpu.memory_space<vmem>> -> memref<1x80xi32, #tpu.memory_space<vmem>>
    %dma_start3A_497 = tpu.memref_squeeze %dma_start3A_496 : memref<1x80xi32, #tpu.memory_space<vmem>> -> memref<80xi32, #tpu.memory_space<vmem>>
    %dma_start3A_498 = arith.constant 0 : i32
    %dma_start3A_499 = arith.constant 0 : i32
    %dma_start3A_500 = tpu.memref_slice %arg24[%dma_start3A_498, %dma_start3A_499] : memref<10240x128xf32, #tpu.memory_space<vmem_shared>> -> memref<10240x128xf32, #tpu.memory_space<vmem_shared>>
    tpu.enqueue_indirect_dma source(%arg13 : memref<80x128xf32, #tpu.memory_space<vmem>>) target(%dma_start3A_500 : memref<10240x128xf32, #tpu.memory_space<vmem_shared>>) offsets(%dma_start3A_497 : memref<80xi32, #tpu.memory_space<vmem>>) semaphore(%arg23 : memref<!tpu.dma_semaphore, #tpu.memory_space<semaphore_mem>>) {add = true}
    %dma_wait3A_501 = arith.constant 5 : i32
    %dma_wait3A_502 = arith.constant 0 : i32
    %dma_wait3A_503 = tpu.memref_slice %arg9[%dma_wait3A_501, %dma_wait3A_502] : memref<8x80xi32, #tpu.memory_space<vmem>> -> memref<1x80xi32, #tpu.memory_space<vmem>>
    %dma_wait3A_504 = tpu.memref_squeeze %dma_wait3A_503 : memref<1x80xi32, #tpu.memory_space<vmem>> -> memref<80xi32, #tpu.memory_space<vmem>>
    %dma_wait3A_505 = arith.constant 0 : i32
    %dma_wait3A_506 = arith.constant 0 : i32
    %dma_wait3A_507 = tpu.memref_slice %arg24[%dma_wait3A_505, %dma_wait3A_506] : memref<10240x128xf32, #tpu.memory_space<vmem_shared>> -> memref<10240x128xf32, #tpu.memory_space<vmem_shared>>
    tpu.wait_indirect_dma semaphore(%arg21 : memref<!tpu.dma_semaphore, #tpu.memory_space<semaphore_mem>>) src(%arg11 : memref<80x128xf32, #tpu.memory_space<vmem>>) dst(%dma_wait3A_507 : memref<10240x128xf32, #tpu.memory_space<vmem_shared>>)
    %dma_start3A_508 = arith.constant 7 : i32
    %dma_start3A_509 = arith.constant 0 : i32
    %dma_start3A_510 = tpu.memref_slice %arg7[%dma_start3A_508, %dma_start3A_509] : memref<8x80xi32, #tpu.memory_space<vmem>> -> memref<1x80xi32, #tpu.memory_space<vmem>>
    %dma_start3A_511 = tpu.memref_squeeze %dma_start3A_510 : memref<1x80xi32, #tpu.memory_space<vmem>> -> memref<80xi32, #tpu.memory_space<vmem>>
    %dma_start3A_512 = arith.constant 0 : i32
    %dma_start3A_513 = arith.constant 0 : i32
    %dma_start3A_514 = tpu.memref_slice %arg2[%dma_start3A_512, %dma_start3A_513] : memref<10000x128xf32, #tpu.memory_space<hbm>> -> memref<10000x128xf32, #tpu.memory_space<hbm>>
    tpu.enqueue_indirect_dma source(%dma_start3A_514 : memref<10000x128xf32, #tpu.memory_space<hbm>>) target(%arg11 : memref<80x128xf32, #tpu.memory_space<vmem>>) offsets(%dma_start3A_511 : memref<80xi32, #tpu.memory_space<vmem>>) semaphore(%arg17 : memref<!tpu.dma_semaphore, #tpu.memory_space<semaphore_mem>>)
    %dma_wait3A_515 = arith.constant 6 : i32
    %dma_wait3A_516 = arith.constant 0 : i32
    %dma_wait3A_517 = tpu.memref_slice %arg7[%dma_wait3A_515, %dma_wait3A_516] : memref<8x80xi32, #tpu.memory_space<vmem>> -> memref<1x80xi32, #tpu.memory_space<vmem>>
    %dma_wait3A_518 = tpu.memref_squeeze %dma_wait3A_517 : memref<1x80xi32, #tpu.memory_space<vmem>> -> memref<80xi32, #tpu.memory_space<vmem>>
    %dma_wait3A_519 = arith.constant 0 : i32
    %dma_wait3A_520 = arith.constant 0 : i32
    %dma_wait3A_521 = tpu.memref_slice %arg2[%dma_wait3A_519, %dma_wait3A_520] : memref<10000x128xf32, #tpu.memory_space<hbm>> -> memref<10000x128xf32, #tpu.memory_space<hbm>>
    tpu.wait_indirect_dma semaphore(%arg16 : memref<!tpu.dma_semaphore, #tpu.memory_space<semaphore_mem>>) src(%dma_wait3A_521 : memref<10000x128xf32, #tpu.memory_space<hbm>>) dst(%arg10 : memref<80x128xf32, #tpu.memory_space<vmem>>)
    %dma_start3A_522 = arith.constant 6 : i32
    %dma_start3A_523 = arith.constant 0 : i32
    %dma_start3A_524 = tpu.memref_slice %arg9[%dma_start3A_522, %dma_start3A_523] : memref<8x80xi32, #tpu.memory_space<vmem>> -> memref<1x80xi32, #tpu.memory_space<vmem>>
    %dma_start3A_525 = tpu.memref_squeeze %dma_start3A_524 : memref<1x80xi32, #tpu.memory_space<vmem>> -> memref<80xi32, #tpu.memory_space<vmem>>
    %dma_start3A_526 = arith.constant 0 : i32
    %dma_start3A_527 = arith.constant 0 : i32
    %dma_start3A_528 = tpu.memref_slice %arg24[%dma_start3A_526, %dma_start3A_527] : memref<10240x128xf32, #tpu.memory_space<vmem_shared>> -> memref<10240x128xf32, #tpu.memory_space<vmem_shared>>
    tpu.enqueue_indirect_dma source(%arg10 : memref<80x128xf32, #tpu.memory_space<vmem>>) target(%dma_start3A_528 : memref<10240x128xf32, #tpu.memory_space<vmem_shared>>) offsets(%dma_start3A_525 : memref<80xi32, #tpu.memory_space<vmem>>) semaphore(%arg20 : memref<!tpu.dma_semaphore, #tpu.memory_space<semaphore_mem>>) {add = true}
    %dma_wait3A_529 = arith.constant 6 : i32
    %dma_wait3A_530 = arith.constant 0 : i32
    %dma_wait3A_531 = tpu.memref_slice %arg9[%dma_wait3A_529, %dma_wait3A_530] : memref<8x80xi32, #tpu.memory_space<vmem>> -> memref<1x80xi32, #tpu.memory_space<vmem>>
    %dma_wait3A_532 = tpu.memref_squeeze %dma_wait3A_531 : memref<1x80xi32, #tpu.memory_space<vmem>> -> memref<80xi32, #tpu.memory_space<vmem>>
    %dma_wait3A_533 = arith.constant 0 : i32
    %dma_wait3A_534 = arith.constant 0 : i32
    %dma_wait3A_535 = tpu.memref_slice %arg24[%dma_wait3A_533, %dma_wait3A_534] : memref<10240x128xf32, #tpu.memory_space<vmem_shared>> -> memref<10240x128xf32, #tpu.memory_space<vmem_shared>>
    tpu.wait_indirect_dma semaphore(%arg22 : memref<!tpu.dma_semaphore, #tpu.memory_space<semaphore_mem>>) src(%arg12 : memref<80x128xf32, #tpu.memory_space<vmem>>) dst(%dma_wait3A_535 : memref<10240x128xf32, #tpu.memory_space<vmem_shared>>)
    %dma_wait3A_536 = arith.constant 7 : i32
    %dma_wait3A_537 = arith.constant 0 : i32
    %dma_wait3A_538 = tpu.memref_slice %arg7[%dma_wait3A_536, %dma_wait3A_537] : memref<8x80xi32, #tpu.memory_space<vmem>> -> memref<1x80xi32, #tpu.memory_space<vmem>>
    %dma_wait3A_539 = tpu.memref_squeeze %dma_wait3A_538 : memref<1x80xi32, #tpu.memory_space<vmem>> -> memref<80xi32, #tpu.memory_space<vmem>>
    %dma_wait3A_540 = arith.constant 0 : i32
    %dma_wait3A_541 = arith.constant 0 : i32
    %dma_wait3A_542 = tpu.memref_slice %arg2[%dma_wait3A_540, %dma_wait3A_541] : memref<10000x128xf32, #tpu.memory_space<hbm>> -> memref<10000x128xf32, #tpu.memory_space<hbm>>
    tpu.wait_indirect_dma semaphore(%arg17 : memref<!tpu.dma_semaphore, #tpu.memory_space<semaphore_mem>>) src(%dma_wait3A_542 : memref<10000x128xf32, #tpu.memory_space<hbm>>) dst(%arg11 : memref<80x128xf32, #tpu.memory_space<vmem>>)
    %dma_start3A_543 = arith.constant 7 : i32
    %dma_start3A_544 = arith.constant 0 : i32
    %dma_start3A_545 = tpu.memref_slice %arg9[%dma_start3A_543, %dma_start3A_544] : memref<8x80xi32, #tpu.memory_space<vmem>> -> memref<1x80xi32, #tpu.memory_space<vmem>>
    %dma_start3A_546 = tpu.memref_squeeze %dma_start3A_545 : memref<1x80xi32, #tpu.memory_space<vmem>> -> memref<80xi32, #tpu.memory_space<vmem>>
    %dma_start3A_547 = arith.constant 0 : i32
    %dma_start3A_548 = arith.constant 0 : i32
    %dma_start3A_549 = tpu.memref_slice %arg24[%dma_start3A_547, %dma_start3A_548] : memref<10240x128xf32, #tpu.memory_space<vmem_shared>> -> memref<10240x128xf32, #tpu.memory_space<vmem_shared>>
    tpu.enqueue_indirect_dma source(%arg11 : memref<80x128xf32, #tpu.memory_space<vmem>>) target(%dma_start3A_549 : memref<10240x128xf32, #tpu.memory_space<vmem_shared>>) offsets(%dma_start3A_546 : memref<80xi32, #tpu.memory_space<vmem>>) semaphore(%arg21 : memref<!tpu.dma_semaphore, #tpu.memory_space<semaphore_mem>>) {add = true}
    %dma_wait3A_550 = arith.constant 7 : i32
    %dma_wait3A_551 = arith.constant 0 : i32
    %dma_wait3A_552 = tpu.memref_slice %arg9[%dma_wait3A_550, %dma_wait3A_551] : memref<8x80xi32, #tpu.memory_space<vmem>> -> memref<1x80xi32, #tpu.memory_space<vmem>>
    %dma_wait3A_553 = tpu.memref_squeeze %dma_wait3A_552 : memref<1x80xi32, #tpu.memory_space<vmem>> -> memref<80xi32, #tpu.memory_space<vmem>>
    %dma_wait3A_554 = arith.constant 0 : i32
    %dma_wait3A_555 = arith.constant 0 : i32
    %dma_wait3A_556 = tpu.memref_slice %arg24[%dma_wait3A_554, %dma_wait3A_555] : memref<10240x128xf32, #tpu.memory_space<vmem_shared>> -> memref<10240x128xf32, #tpu.memory_space<vmem_shared>>
    tpu.wait_indirect_dma semaphore(%arg23 : memref<!tpu.dma_semaphore, #tpu.memory_space<semaphore_mem>>) src(%arg13 : memref<80x128xf32, #tpu.memory_space<vmem>>) dst(%dma_wait3A_556 : memref<10240x128xf32, #tpu.memory_space<vmem_shared>>)
    %dma_wait3A_557 = arith.constant 0 : i32
    %dma_wait3A_558 = arith.constant 0 : i32
    %dma_wait3A_559 = tpu.memref_slice %arg9[%dma_wait3A_557, %dma_wait3A_558] : memref<8x80xi32, #tpu.memory_space<vmem>> -> memref<1x80xi32, #tpu.memory_space<vmem>>
    %dma_wait3A_560 = tpu.memref_squeeze %dma_wait3A_559 : memref<1x80xi32, #tpu.memory_space<vmem>> -> memref<80xi32, #tpu.memory_space<vmem>>
    %dma_wait3A_561 = arith.constant 0 : i32
    %dma_wait3A_562 = arith.constant 0 : i32
    %dma_wait3A_563 = tpu.memref_slice %arg24[%dma_wait3A_561, %dma_wait3A_562] : memref<10240x128xf32, #tpu.memory_space<vmem_shared>> -> memref<10240x128xf32, #tpu.memory_space<vmem_shared>>
    tpu.wait_indirect_dma semaphore(%arg20 : memref<!tpu.dma_semaphore, #tpu.memory_space<semaphore_mem>>) src(%arg10 : memref<80x128xf32, #tpu.memory_space<vmem>>) dst(%dma_wait3A_563 : memref<10240x128xf32, #tpu.memory_space<vmem_shared>>)
    %dma_wait3A_564 = arith.constant 1 : i32
    %dma_wait3A_565 = arith.constant 0 : i32
    %dma_wait3A_566 = tpu.memref_slice %arg9[%dma_wait3A_564, %dma_wait3A_565] : memref<8x80xi32, #tpu.memory_space<vmem>> -> memref<1x80xi32, #tpu.memory_space<vmem>>
    %dma_wait3A_567 = tpu.memref_squeeze %dma_wait3A_566 : memref<1x80xi32, #tpu.memory_space<vmem>> -> memref<80xi32, #tpu.memory_space<vmem>>
    %dma_wait3A_568 = arith.constant 0 : i32
    %dma_wait3A_569 = arith.constant 0 : i32
    %dma_wait3A_570 = tpu.memref_slice %arg24[%dma_wait3A_568, %dma_wait3A_569] : memref<10240x128xf32, #tpu.memory_space<vmem_shared>> -> memref<10240x128xf32, #tpu.memory_space<vmem_shared>>
    tpu.wait_indirect_dma semaphore(%arg21 : memref<!tpu.dma_semaphore, #tpu.memory_space<semaphore_mem>>) src(%arg11 : memref<80x128xf32, #tpu.memory_space<vmem>>) dst(%dma_wait3A_570 : memref<10240x128xf32, #tpu.memory_space<vmem_shared>>)
    %barrier3A_571 = arith.constant 0 : index
    tpu.barrier barrier_id(%barrier3A_571)
    %mul3A_572 = arith.constant 640 : i32
    %mul3A_573 = arith.muli %arg1, %mul3A_572 : i32
    %mul3A_574 = arith.constant 640 : i32
    %mul3A_575 = arith.muli %arg1, %mul3A_574 : i32
    "tpu.region"() ({
      %run_scoped3A = tpu.sem_alloc : memref<!tpu.dma_semaphore, #tpu.memory_space<semaphore_mem>>
      %dma_start3A_576 = arith.constant 0 : i32
      %dma_start3A_577 = tpu.memref_slice %arg5[%arg0, %mul3A_575, %dma_start3A_576] : memref<2x10240x128xf32, #tpu.memory_space<hbm>> -> memref<1x640x128xf32, #tpu.memory_space<hbm>>
      %dma_start3A_578 = tpu.memref_squeeze %dma_start3A_577 : memref<1x640x128xf32, #tpu.memory_space<hbm>> -> memref<640x128xf32, #tpu.memory_space<hbm>>
      %dma_start3A_579 = arith.constant 0 : i32
      %dma_start3A_580 = tpu.memref_slice %arg24[%mul3A_573, %dma_start3A_579] : memref<10240x128xf32, #tpu.memory_space<vmem_shared>> -> memref<640x128xf32, #tpu.memory_space<vmem_shared>>
      tpu.enqueue_dma source(%dma_start3A_580 : memref<640x128xf32, #tpu.memory_space<vmem_shared>>) target(%dma_start3A_578 : memref<640x128xf32, #tpu.memory_space<hbm>>) target_semaphore(%run_scoped3A : memref<!tpu.dma_semaphore, #tpu.memory_space<semaphore_mem>>)
      %dma_wait3A_581 = arith.constant 0 : i32
      %dma_wait3A_582 = tpu.memref_slice %arg5[%arg0, %mul3A_575, %dma_wait3A_581] : memref<2x10240x128xf32, #tpu.memory_space<hbm>> -> memref<1x640x128xf32, #tpu.memory_space<hbm>>
      %dma_wait3A_583 = tpu.memref_squeeze %dma_wait3A_582 : memref<1x640x128xf32, #tpu.memory_space<hbm>> -> memref<640x128xf32, #tpu.memory_space<hbm>>
      %dma_wait3A_584 = arith.constant 0 : i32
      %dma_wait3A_585 = tpu.memref_slice %arg24[%mul3A_573, %dma_wait3A_584] : memref<10240x128xf32, #tpu.memory_space<vmem_shared>> -> memref<640x128xf32, #tpu.memory_space<vmem_shared>>
      tpu.wait_dma2 semaphore(%run_scoped3A : memref<!tpu.dma_semaphore, #tpu.memory_space<semaphore_mem>>) src(%dma_wait3A_585 : memref<640x128xf32, #tpu.memory_space<vmem_shared>>) dst(%dma_wait3A_583 : memref<640x128xf32, #tpu.memory_space<hbm>>)
      tpu.yield
    }) : () -> ()
    return
  }
}

#map = affine_map<(d0, d1) -> (0, 0)>
#map1 = affine_map<(d0, d1) -> (0, 0, 0, 0, 0)>
#map2 = affine_map<(d0, d1) -> (0, 0, 0)>
module attributes {stable_mosaic.version = 14 : i64} {
  func.func @agg_kernel(%arg0: i32, %arg1: i32, %arg2: memref<10000x128xf32, #tpu.memory_space<hbm>>, %arg3: memref<2x16x16x8x80xi32, #tpu.memory_space<hbm>>, %arg4: memref<2x16x16x8x80xi32, #tpu.memory_space<hbm>>, %arg5: memref<2x10240x128xf32, #tpu.memory_space<hbm>>, %arg6: memref<8x80xi32, #tpu.memory_space<vmem>>, %arg7: memref<8x80xi32, #tpu.memory_space<vmem>>, %arg8: memref<8x80xi32, #tpu.memory_space<vmem>>, %arg9: memref<8x80xi32, #tpu.memory_space<vmem>>, %arg10: memref<80x128xf32, #tpu.memory_space<vmem>>, %arg11: memref<80x128xf32, #tpu.memory_space<vmem>>, %arg12: memref<80x128xf32, #tpu.memory_space<vmem>>, %arg13: memref<80x128xf32, #tpu.memory_space<vmem>>, %arg14: memref<!tpu.dma_semaphore, #tpu.memory_space<semaphore_mem>>, %arg15: memref<!tpu.dma_semaphore, #tpu.memory_space<semaphore_mem>>, %arg16: memref<!tpu.dma_semaphore, #tpu.memory_space<semaphore_mem>>, %arg17: memref<!tpu.dma_semaphore, #tpu.memory_space<semaphore_mem>>, %arg18: memref<!tpu.dma_semaphore, #tpu.memory_space<semaphore_mem>>, %arg19: memref<!tpu.dma_semaphore, #tpu.memory_space<semaphore_mem>>, %arg20: memref<!tpu.dma_semaphore, #tpu.memory_space<semaphore_mem>>, %arg21: memref<!tpu.dma_semaphore, #tpu.memory_space<semaphore_mem>>, %arg22: memref<!tpu.dma_semaphore, #tpu.memory_space<semaphore_mem>>, %arg23: memref<!tpu.dma_semaphore, #tpu.memory_space<semaphore_mem>>, %arg24: memref<10240x128xf32, #tpu.memory_space<vmem_shared>>) attributes {dimension_semantics = [#tpu.dimension_semantics<core_parallel>, #tpu.dimension_semantics<subcore_parallel>], iteration_bounds = array<i64: 2, 16>, scalar_prefetch = 0 : i64, scratch_operands = 19 : i64, tpu.core_type = #tpu.core_type<sc_vector_subcore>, window_params = [{transform_indices = #map}, {transform_indices = #map1}, {transform_indices = #map1}, {transform_indices = #map2}]} {
    %broadcast_in_dim3A = arith.constant 0.000000e+00 : f32
    %broadcast_in_dim3A_0 = vector.broadcast %broadcast_in_dim3A : f32 to vector<16xf32>
    %scan3A = arith.constant 0 : i32
    %scan3A_1 = arith.constant 0 : i32
    %scan3A_2 = arith.constant 80 : i32
    %scan3A_3 = arith.addi %scan3A_1, %scan3A_2 : i32
    %scan3A_4 = arith.constant 1 : i32
    %scan3A_5 = scf.for %scan3A_576 = %scan3A_1 to %scan3A_3 step %scan3A_4 iter_args(%scan3A_577 = %scan3A) -> (i32)  : i32 {
      %swap3A = arith.index_cast %scan3A_576 : i32 to index
      %swap3A_578 = arith.constant 0 : index
      %swap3A_579 = tpu.vector_load %arg10[%swap3A, %swap3A_578] {strides = array<i32>} : memref<80x128xf32, #tpu.memory_space<vmem>>, vector<1x16xf32>,
      %swap3A_580 = vector.shape_cast %swap3A_579 : vector<1x16xf32> to vector<16xf32>
      %swap3A_581 = vector.shape_cast %broadcast_in_dim3A_0 : vector<16xf32> to vector<1x16xf32>
      tpu.vector_store %arg10[%swap3A, %swap3A_578], %swap3A_581 {strides = array<i32>} : memref<80x128xf32, #tpu.memory_space<vmem>>, vector<1x16xf32>,
      %swap3A_582 = arith.index_cast %scan3A_576 : i32 to index
      %swap3A_583 = arith.constant 16 : index
      %swap3A_584 = tpu.vector_load %arg10[%swap3A_582, %swap3A_583] {strides = array<i32>} : memref<80x128xf32, #tpu.memory_space<vmem>>, vector<1x16xf32>,
      %swap3A_585 = vector.shape_cast %swap3A_584 : vector<1x16xf32> to vector<16xf32>
      %swap3A_586 = vector.shape_cast %broadcast_in_dim3A_0 : vector<16xf32> to vector<1x16xf32>
      tpu.vector_store %arg10[%swap3A_582, %swap3A_583], %swap3A_586 {strides = array<i32>} : memref<80x128xf32, #tpu.memory_space<vmem>>, vector<1x16xf32>,
      %swap3A_587 = arith.index_cast %scan3A_576 : i32 to index
      %swap3A_588 = arith.constant 32 : index
      %swap3A_589 = tpu.vector_load %arg10[%swap3A_587, %swap3A_588] {strides = array<i32>} : memref<80x128xf32, #tpu.memory_space<vmem>>, vector<1x16xf32>,
      %swap3A_590 = vector.shape_cast %swap3A_589 : vector<1x16xf32> to vector<16xf32>
      %swap3A_591 = vector.shape_cast %broadcast_in_dim3A_0 : vector<16xf32> to vector<1x16xf32>
      tpu.vector_store %arg10[%swap3A_587, %swap3A_588], %swap3A_591 {strides = array<i32>} : memref<80x128xf32, #tpu.memory_space<vmem>>, vector<1x16xf32>,
      %swap3A_592 = arith.index_cast %scan3A_576 : i32 to index
      %swap3A_593 = arith.constant 48 : index
      %swap3A_594 = tpu.vector_load %arg10[%swap3A_592, %swap3A_593] {strides = array<i32>} : memref<80x128xf32, #tpu.memory_space<vmem>>, vector<1x16xf32>,
      %swap3A_595 = vector.shape_cast %swap3A_594 : vector<1x16xf32> to vector<16xf32>
      %swap3A_596 = vector.shape_cast %broadcast_in_dim3A_0 : vector<16xf32> to vector<1x16xf32>
      tpu.vector_store %arg10[%swap3A_592, %swap3A_593], %swap3A_596 {strides = array<i32>} : memref<80x128xf32, #tpu.memory_space<vmem>>, vector<1x16xf32>,
      %swap3A_597 = arith.index_cast %scan3A_576 : i32 to index
      %swap3A_598 = arith.constant 64 : index
      %swap3A_599 = tpu.vector_load %arg10[%swap3A_597, %swap3A_598] {strides = array<i32>} : memref<80x128xf32, #tpu.memory_space<vmem>>, vector<1x16xf32>,
      %swap3A_600 = vector.shape_cast %swap3A_599 : vector<1x16xf32> to vector<16xf32>
      %swap3A_601 = vector.shape_cast %broadcast_in_dim3A_0 : vector<16xf32> to vector<1x16xf32>
      tpu.vector_store %arg10[%swap3A_597, %swap3A_598], %swap3A_601 {strides = array<i32>} : memref<80x128xf32, #tpu.memory_space<vmem>>, vector<1x16xf32>,
      %swap3A_602 = arith.index_cast %scan3A_576 : i32 to index
      %swap3A_603 = arith.constant 80 : index
      %swap3A_604 = tpu.vector_load %arg10[%swap3A_602, %swap3A_603] {strides = array<i32>} : memref<80x128xf32, #tpu.memory_space<vmem>>, vector<1x16xf32>,
      %swap3A_605 = vector.shape_cast %swap3A_604 : vector<1x16xf32> to vector<16xf32>
      %swap3A_606 = vector.shape_cast %broadcast_in_dim3A_0 : vector<16xf32> to vector<1x16xf32>
      tpu.vector_store %arg10[%swap3A_602, %swap3A_603], %swap3A_606 {strides = array<i32>} : memref<80x128xf32, #tpu.memory_space<vmem>>, vector<1x16xf32>,
      %swap3A_607 = arith.index_cast %scan3A_576 : i32 to index
      %swap3A_608 = arith.constant 96 : index
      %swap3A_609 = tpu.vector_load %arg10[%swap3A_607, %swap3A_608] {strides = array<i32>} : memref<80x128xf32, #tpu.memory_space<vmem>>, vector<1x16xf32>,
      %swap3A_610 = vector.shape_cast %swap3A_609 : vector<1x16xf32> to vector<16xf32>
      %swap3A_611 = vector.shape_cast %broadcast_in_dim3A_0 : vector<16xf32> to vector<1x16xf32>
      tpu.vector_store %arg10[%swap3A_607, %swap3A_608], %swap3A_611 {strides = array<i32>} : memref<80x128xf32, #tpu.memory_space<vmem>>, vector<1x16xf32>,
      %swap3A_612 = arith.index_cast %scan3A_576 : i32 to index
      %swap3A_613 = arith.constant 112 : index
      %swap3A_614 = tpu.vector_load %arg10[%swap3A_612, %swap3A_613] {strides = array<i32>} : memref<80x128xf32, #tpu.memory_space<vmem>>, vector<1x16xf32>,
      %swap3A_615 = vector.shape_cast %swap3A_614 : vector<1x16xf32> to vector<16xf32>
      %swap3A_616 = vector.shape_cast %broadcast_in_dim3A_0 : vector<16xf32> to vector<1x16xf32>
      tpu.vector_store %arg10[%swap3A_612, %swap3A_613], %swap3A_616 {strides = array<i32>} : memref<80x128xf32, #tpu.memory_space<vmem>>, vector<1x16xf32>,
      %scan3A_617 = arith.constant 0 : i32
      scf.yield %scan3A_617 : i32
    }
    %scan3A_6 = arith.constant 80 : i32
    %dma_start3A = arith.constant 0 : i32
    %dma_start3A_7 = arith.constant 0 : i32
    %dma_start3A_8 = arith.constant 0 : i32
    %dma_start3A_9 = tpu.memref_slice %arg3[%arg0, %arg1, %dma_start3A, %dma_start3A_7, %dma_start3A_8] : memref<2x16x16x8x80xi32, #tpu.memory_space<hbm>> -> memref<1x1x1x8x80xi32, #tpu.memory_space<hbm>>
    %dma_start3A_10 = tpu.memref_squeeze %dma_start3A_9 : memref<1x1x1x8x80xi32, #tpu.memory_space<hbm>> -> memref<8x80xi32, #tpu.memory_space<hbm>>
    %dma_start3A_11 = arith.constant 0 : i32
    %dma_start3A_12 = arith.constant 0 : i32
    %dma_start3A_13 = tpu.memref_slice %arg3[%arg0, %arg1, %dma_start3A, %dma_start3A_11, %dma_start3A_12] : memref<2x16x16x8x80xi32, #tpu.memory_space<hbm>> -> memref<1x1x1x8x80xi32, #tpu.memory_space<hbm>>
    %dma_start3A_14 = tpu.memref_squeeze %dma_start3A_13 : memref<1x1x1x8x80xi32, #tpu.memory_space<hbm>> -> memref<8x80xi32, #tpu.memory_space<hbm>>
    tpu.enqueue_dma source(%dma_start3A_14 : memref<8x80xi32, #tpu.memory_space<hbm>>) target(%arg6 : memref<8x80xi32, #tpu.memory_space<vmem>>) target_semaphore(%arg14 : memref<!tpu.dma_semaphore, #tpu.memory_space<semaphore_mem>>)
    %dma_start3A_15 = arith.constant 0 : i32
    %dma_start3A_16 = arith.constant 0 : i32
    %dma_start3A_17 = arith.constant 0 : i32
    %dma_start3A_18 = tpu.memref_slice %arg4[%arg0, %arg1, %dma_start3A_15, %dma_start3A_16, %dma_start3A_17] : memref<2x16x16x8x80xi32, #tpu.memory_space<hbm>> -> memref<1x1x1x8x80xi32, #tpu.memory_space<hbm>>
    %dma_start3A_19 = tpu.memref_squeeze %dma_start3A_18 : memref<1x1x1x8x80xi32, #tpu.memory_space<hbm>> -> memref<8x80xi32, #tpu.memory_space<hbm>>
    %dma_start3A_20 = arith.constant 0 : i32
    %dma_start3A_21 = arith.constant 0 : i32
    %dma_start3A_22 = tpu.memref_slice %arg4[%arg0, %arg1, %dma_start3A_15, %dma_start3A_20, %dma_start3A_21] : memref<2x16x16x8x80xi32, #tpu.memory_space<hbm>> -> memref<1x1x1x8x80xi32, #tpu.memory_space<hbm>>
    %dma_start3A_23 = tpu.memref_squeeze %dma_start3A_22 : memref<1x1x1x8x80xi32, #tpu.memory_space<hbm>> -> memref<8x80xi32, #tpu.memory_space<hbm>>
    tpu.enqueue_dma source(%dma_start3A_23 : memref<8x80xi32, #tpu.memory_space<hbm>>) target(%arg8 : memref<8x80xi32, #tpu.memory_space<vmem>>) target_semaphore(%arg14 : memref<!tpu.dma_semaphore, #tpu.memory_space<semaphore_mem>>)
    %dma_start3A_24 = arith.constant 1 : i32
    %dma_start3A_25 = arith.constant 0 : i32
    %dma_start3A_26 = arith.constant 0 : i32
    %dma_start3A_27 = tpu.memref_slice %arg3[%arg0, %arg1, %dma_start3A_24, %dma_start3A_25, %dma_start3A_26] : memref<2x16x16x8x80xi32, #tpu.memory_space<hbm>> -> memref<1x1x1x8x80xi32, #tpu.memory_space<hbm>>
    %dma_start3A_28 = tpu.memref_squeeze %dma_start3A_27 : memref<1x1x1x8x80xi32, #tpu.memory_space<hbm>> -> memref<8x80xi32, #tpu.memory_space<hbm>>
    %dma_start3A_29 = arith.constant 0 : i32
    %dma_start3A_30 = arith.constant 0 : i32
    %dma_start3A_31 = tpu.memref_slice %arg3[%arg0, %arg1, %dma_start3A_24, %dma_start3A_29, %dma_start3A_30] : memref<2x16x16x8x80xi32, #tpu.memory_space<hbm>> -> memref<1x1x1x8x80xi32, #tpu.memory_space<hbm>>
    %dma_start3A_32 = tpu.memref_squeeze %dma_start3A_31 : memref<1x1x1x8x80xi32, #tpu.memory_space<hbm>> -> memref<8x80xi32, #tpu.memory_space<hbm>>
    tpu.enqueue_dma source(%dma_start3A_32 : memref<8x80xi32, #tpu.memory_space<hbm>>) target(%arg7 : memref<8x80xi32, #tpu.memory_space<vmem>>) target_semaphore(%arg15 : memref<!tpu.dma_semaphore, #tpu.memory_space<semaphore_mem>>)
    %dma_wait3A = arith.constant 0 : i32
    %dma_wait3A_33 = arith.constant 0 : i32
    %dma_wait3A_34 = arith.constant 0 : i32
    %dma_wait3A_35 = tpu.memref_slice %arg3[%arg0, %arg1, %dma_wait3A, %dma_wait3A_33, %dma_wait3A_34] : memref<2x16x16x8x80xi32, #tpu.memory_space<hbm>> -> memref<1x1x1x8x80xi32, #tpu.memory_space<hbm>>
    %dma_wait3A_36 = tpu.memref_squeeze %dma_wait3A_35 : memref<1x1x1x8x80xi32, #tpu.memory_space<hbm>> -> memref<8x80xi32, #tpu.memory_space<hbm>>
    %dma_wait3A_37 = arith.constant 0 : i32
    %dma_wait3A_38 = arith.constant 0 : i32
    %dma_wait3A_39 = tpu.memref_slice %arg3[%arg0, %arg1, %dma_wait3A, %dma_wait3A_37, %dma_wait3A_38] : memref<2x16x16x8x80xi32, #tpu.memory_space<hbm>> -> memref<1x1x1x8x80xi32, #tpu.memory_space<hbm>>
    %dma_wait3A_40 = tpu.memref_squeeze %dma_wait3A_39 : memref<1x1x1x8x80xi32, #tpu.memory_space<hbm>> -> memref<8x80xi32, #tpu.memory_space<hbm>>
    tpu.wait_dma2 semaphore(%arg14 : memref<!tpu.dma_semaphore, #tpu.memory_space<semaphore_mem>>) src(%dma_wait3A_40 : memref<8x80xi32, #tpu.memory_space<hbm>>) dst(%arg6 : memref<8x80xi32, #tpu.memory_space<vmem>>)
    %dma_wait3A_41 = arith.constant 0 : i32
    %dma_wait3A_42 = arith.constant 0 : i32
    %dma_wait3A_43 = arith.constant 0 : i32
    %dma_wait3A_44 = tpu.memref_slice %arg4[%arg0, %arg1, %dma_wait3A_41, %dma_wait3A_42, %dma_wait3A_43] : memref<2x16x16x8x80xi32, #tpu.memory_space<hbm>> -> memref<1x1x1x8x80xi32, #tpu.memory_space<hbm>>
    %dma_wait3A_45 = tpu.memref_squeeze %dma_wait3A_44 : memref<1x1x1x8x80xi32, #tpu.memory_space<hbm>> -> memref<8x80xi32, #tpu.memory_space<hbm>>
    %dma_wait3A_46 = arith.constant 0 : i32
    %dma_wait3A_47 = arith.constant 0 : i32
    %dma_wait3A_48 = tpu.memref_slice %arg4[%arg0, %arg1, %dma_wait3A_41, %dma_wait3A_46, %dma_wait3A_47] : memref<2x16x16x8x80xi32, #tpu.memory_space<hbm>> -> memref<1x1x1x8x80xi32, #tpu.memory_space<hbm>>
    %dma_wait3A_49 = tpu.memref_squeeze %dma_wait3A_48 : memref<1x1x1x8x80xi32, #tpu.memory_space<hbm>> -> memref<8x80xi32, #tpu.memory_space<hbm>>
    tpu.wait_dma2 semaphore(%arg14 : memref<!tpu.dma_semaphore, #tpu.memory_space<semaphore_mem>>) src(%dma_wait3A_49 : memref<8x80xi32, #tpu.memory_space<hbm>>) dst(%arg8 : memref<8x80xi32, #tpu.memory_space<vmem>>)
    %dma_start3A_50 = arith.constant 0 : i32
    %dma_start3A_51 = arith.constant 0 : i32
    %dma_start3A_52 = tpu.memref_slice %arg6[%dma_start3A_50, %dma_start3A_51] : memref<8x80xi32, #tpu.memory_space<vmem>> -> memref<1x80xi32, #tpu.memory_space<vmem>>
    %dma_start3A_53 = tpu.memref_squeeze %dma_start3A_52 : memref<1x80xi32, #tpu.memory_space<vmem>> -> memref<80xi32, #tpu.memory_space<vmem>>
    %dma_start3A_54 = arith.constant 0 : i32
    %dma_start3A_55 = arith.constant 0 : i32
    %dma_start3A_56 = tpu.memref_slice %arg2[%dma_start3A_54, %dma_start3A_55] : memref<10000x128xf32, #tpu.memory_space<hbm>> -> memref<10000x128xf32, #tpu.memory_space<hbm>>
    tpu.enqueue_indirect_dma source(%dma_start3A_56 : memref<10000x128xf32, #tpu.memory_space<hbm>>) target(%arg12 : memref<80x128xf32, #tpu.memory_space<vmem>>) offsets(%dma_start3A_53 : memref<80xi32, #tpu.memory_space<vmem>>) semaphore(%arg18 : memref<!tpu.dma_semaphore, #tpu.memory_space<semaphore_mem>>)
    %dma_start3A_57 = arith.constant 1 : i32
    %dma_start3A_58 = arith.constant 0 : i32
    %dma_start3A_59 = tpu.memref_slice %arg6[%dma_start3A_57, %dma_start3A_58] : memref<8x80xi32, #tpu.memory_space<vmem>> -> memref<1x80xi32, #tpu.memory_space<vmem>>
    %dma_start3A_60 = tpu.memref_squeeze %dma_start3A_59 : memref<1x80xi32, #tpu.memory_space<vmem>> -> memref<80xi32, #tpu.memory_space<vmem>>
    %dma_start3A_61 = arith.constant 0 : i32
    %dma_start3A_62 = arith.constant 0 : i32
    %dma_start3A_63 = tpu.memref_slice %arg2[%dma_start3A_61, %dma_start3A_62] : memref<10000x128xf32, #tpu.memory_space<hbm>> -> memref<10000x128xf32, #tpu.memory_space<hbm>>
    tpu.enqueue_indirect_dma source(%dma_start3A_63 : memref<10000x128xf32, #tpu.memory_space<hbm>>) target(%arg13 : memref<80x128xf32, #tpu.memory_space<vmem>>) offsets(%dma_start3A_60 : memref<80xi32, #tpu.memory_space<vmem>>) semaphore(%arg19 : memref<!tpu.dma_semaphore, #tpu.memory_space<semaphore_mem>>)
    %mul3A = arith.constant 640 : i32
    %mul3A_64 = arith.muli %arg1, %mul3A : i32
    %add3A = arith.constant 0 : i32
    %add3A_65 = arith.addi %mul3A_64, %add3A : i32
    "tpu.region"() ({
      %run_scoped3A = tpu.sem_alloc : memref<!tpu.dma_semaphore, #tpu.memory_space<semaphore_mem>>
      %dma_start3A_576 = arith.constant 0 : i32
      %dma_start3A_577 = tpu.memref_slice %arg24[%add3A_65, %dma_start3A_576] : memref<10240x128xf32, #tpu.memory_space<vmem_shared>> -> memref<80x128xf32, #tpu.memory_space<vmem_shared>>
      %dma_start3A_578 = arith.constant 0 : i32
      %dma_start3A_579 = tpu.memref_slice %arg24[%add3A_65, %dma_start3A_578] : memref<10240x128xf32, #tpu.memory_space<vmem_shared>> -> memref<80x128xf32, #tpu.memory_space<vmem_shared>>
      tpu.enqueue_dma source(%arg10 : memref<80x128xf32, #tpu.memory_space<vmem>>) target(%dma_start3A_579 : memref<80x128xf32, #tpu.memory_space<vmem_shared>>) target_semaphore(%run_scoped3A : memref<!tpu.dma_semaphore, #tpu.memory_space<semaphore_mem>>)
      %dma_wait3A_580 = arith.constant 0 : i32
      %dma_wait3A_581 = tpu.memref_slice %arg24[%add3A_65, %dma_wait3A_580] : memref<10240x128xf32, #tpu.memory_space<vmem_shared>> -> memref<80x128xf32, #tpu.memory_space<vmem_shared>>
      %dma_wait3A_582 = arith.constant 0 : i32
      %dma_wait3A_583 = tpu.memref_slice %arg24[%add3A_65, %dma_wait3A_582] : memref<10240x128xf32, #tpu.memory_space<vmem_shared>> -> memref<80x128xf32, #tpu.memory_space<vmem_shared>>
      tpu.wait_dma2 semaphore(%run_scoped3A : memref<!tpu.dma_semaphore, #tpu.memory_space<semaphore_mem>>) src(%arg10 : memref<80x128xf32, #tpu.memory_space<vmem>>) dst(%dma_wait3A_583 : memref<80x128xf32, #tpu.memory_space<vmem_shared>>)
      tpu.yield
    }) : () -> ()
    %mul3A_66 = arith.constant 640 : i32
    %mul3A_67 = arith.muli %arg1, %mul3A_66 : i32
    %add3A_68 = arith.constant 80 : i32
    %add3A_69 = arith.addi %mul3A_67, %add3A_68 : i32
    "tpu.region"() ({
      %run_scoped3A = tpu.sem_alloc : memref<!tpu.dma_semaphore, #tpu.memory_space<semaphore_mem>>
      %dma_start3A_576 = arith.constant 0 : i32
      %dma_start3A_577 = tpu.memref_slice %arg24[%add3A_69, %dma_start3A_576] : memref<10240x128xf32, #tpu.memory_space<vmem_shared>> -> memref<80x128xf32, #tpu.memory_space<vmem_shared>>
      %dma_start3A_578 = arith.constant 0 : i32
      %dma_start3A_579 = tpu.memref_slice %arg24[%add3A_69, %dma_start3A_578] : memref<10240x128xf32, #tpu.memory_space<vmem_shared>> -> memref<80x128xf32, #tpu.memory_space<vmem_shared>>
      tpu.enqueue_dma source(%arg10 : memref<80x128xf32, #tpu.memory_space<vmem>>) target(%dma_start3A_579 : memref<80x128xf32, #tpu.memory_space<vmem_shared>>) target_semaphore(%run_scoped3A : memref<!tpu.dma_semaphore, #tpu.memory_space<semaphore_mem>>)
      %dma_wait3A_580 = arith.constant 0 : i32
      %dma_wait3A_581 = tpu.memref_slice %arg24[%add3A_69, %dma_wait3A_580] : memref<10240x128xf32, #tpu.memory_space<vmem_shared>> -> memref<80x128xf32, #tpu.memory_space<vmem_shared>>
      %dma_wait3A_582 = arith.constant 0 : i32
      %dma_wait3A_583 = tpu.memref_slice %arg24[%add3A_69, %dma_wait3A_582] : memref<10240x128xf32, #tpu.memory_space<vmem_shared>> -> memref<80x128xf32, #tpu.memory_space<vmem_shared>>
      tpu.wait_dma2 semaphore(%run_scoped3A : memref<!tpu.dma_semaphore, #tpu.memory_space<semaphore_mem>>) src(%arg10 : memref<80x128xf32, #tpu.memory_space<vmem>>) dst(%dma_wait3A_583 : memref<80x128xf32, #tpu.memory_space<vmem_shared>>)
      tpu.yield
    }) : () -> ()
    %mul3A_70 = arith.constant 640 : i32
    %mul3A_71 = arith.muli %arg1, %mul3A_70 : i32
    %add3A_72 = arith.constant 160 : i32
    %add3A_73 = arith.addi %mul3A_71, %add3A_72 : i32
    "tpu.region"() ({
      %run_scoped3A = tpu.sem_alloc : memref<!tpu.dma_semaphore, #tpu.memory_space<semaphore_mem>>
      %dma_start3A_576 = arith.constant 0 : i32
      %dma_start3A_577 = tpu.memref_slice %arg24[%add3A_73, %dma_start3A_576] : memref<10240x128xf32, #tpu.memory_space<vmem_shared>> -> memref<80x128xf32, #tpu.memory_space<vmem_shared>>
      %dma_start3A_578 = arith.constant 0 : i32
      %dma_start3A_579 = tpu.memref_slice %arg24[%add3A_73, %dma_start3A_578] : memref<10240x128xf32, #tpu.memory_space<vmem_shared>> -> memref<80x128xf32, #tpu.memory_space<vmem_shared>>
      tpu.enqueue_dma source(%arg10 : memref<80x128xf32, #tpu.memory_space<vmem>>) target(%dma_start3A_579 : memref<80x128xf32, #tpu.memory_space<vmem_shared>>) target_semaphore(%run_scoped3A : memref<!tpu.dma_semaphore, #tpu.memory_space<semaphore_mem>>)
      %dma_wait3A_580 = arith.constant 0 : i32
      %dma_wait3A_581 = tpu.memref_slice %arg24[%add3A_73, %dma_wait3A_580] : memref<10240x128xf32, #tpu.memory_space<vmem_shared>> -> memref<80x128xf32, #tpu.memory_space<vmem_shared>>
      %dma_wait3A_582 = arith.constant 0 : i32
      %dma_wait3A_583 = tpu.memref_slice %arg24[%add3A_73, %dma_wait3A_582] : memref<10240x128xf32, #tpu.memory_space<vmem_shared>> -> memref<80x128xf32, #tpu.memory_space<vmem_shared>>
      tpu.wait_dma2 semaphore(%run_scoped3A : memref<!tpu.dma_semaphore, #tpu.memory_space<semaphore_mem>>) src(%arg10 : memref<80x128xf32, #tpu.memory_space<vmem>>) dst(%dma_wait3A_583 : memref<80x128xf32, #tpu.memory_space<vmem_shared>>)
      tpu.yield
    }) : () -> ()
    %mul3A_74 = arith.constant 640 : i32
    %mul3A_75 = arith.muli %arg1, %mul3A_74 : i32
    %add3A_76 = arith.constant 240 : i32
    %add3A_77 = arith.addi %mul3A_75, %add3A_76 : i32
    "tpu.region"() ({
      %run_scoped3A = tpu.sem_alloc : memref<!tpu.dma_semaphore, #tpu.memory_space<semaphore_mem>>
      %dma_start3A_576 = arith.constant 0 : i32
      %dma_start3A_577 = tpu.memref_slice %arg24[%add3A_77, %dma_start3A_576] : memref<10240x128xf32, #tpu.memory_space<vmem_shared>> -> memref<80x128xf32, #tpu.memory_space<vmem_shared>>
      %dma_start3A_578 = arith.constant 0 : i32
      %dma_start3A_579 = tpu.memref_slice %arg24[%add3A_77, %dma_start3A_578] : memref<10240x128xf32, #tpu.memory_space<vmem_shared>> -> memref<80x128xf32, #tpu.memory_space<vmem_shared>>
      tpu.enqueue_dma source(%arg10 : memref<80x128xf32, #tpu.memory_space<vmem>>) target(%dma_start3A_579 : memref<80x128xf32, #tpu.memory_space<vmem_shared>>) target_semaphore(%run_scoped3A : memref<!tpu.dma_semaphore, #tpu.memory_space<semaphore_mem>>)
      %dma_wait3A_580 = arith.constant 0 : i32
      %dma_wait3A_581 = tpu.memref_slice %arg24[%add3A_77, %dma_wait3A_580] : memref<10240x128xf32, #tpu.memory_space<vmem_shared>> -> memref<80x128xf32, #tpu.memory_space<vmem_shared>>
      %dma_wait3A_582 = arith.constant 0 : i32
      %dma_wait3A_583 = tpu.memref_slice %arg24[%add3A_77, %dma_wait3A_582] : memref<10240x128xf32, #tpu.memory_space<vmem_shared>> -> memref<80x128xf32, #tpu.memory_space<vmem_shared>>
      tpu.wait_dma2 semaphore(%run_scoped3A : memref<!tpu.dma_semaphore, #tpu.memory_space<semaphore_mem>>) src(%arg10 : memref<80x128xf32, #tpu.memory_space<vmem>>) dst(%dma_wait3A_583 : memref<80x128xf32, #tpu.memory_space<vmem_shared>>)
      tpu.yield
    }) : () -> ()
    %mul3A_78 = arith.constant 640 : i32
    %mul3A_79 = arith.muli %arg1, %mul3A_78 : i32
    %add3A_80 = arith.constant 320 : i32
    %add3A_81 = arith.addi %mul3A_79, %add3A_80 : i32
    "tpu.region"() ({
      %run_scoped3A = tpu.sem_alloc : memref<!tpu.dma_semaphore, #tpu.memory_space<semaphore_mem>>
      %dma_start3A_576 = arith.constant 0 : i32
      %dma_start3A_577 = tpu.memref_slice %arg24[%add3A_81, %dma_start3A_576] : memref<10240x128xf32, #tpu.memory_space<vmem_shared>> -> memref<80x128xf32, #tpu.memory_space<vmem_shared>>
      %dma_start3A_578 = arith.constant 0 : i32
      %dma_start3A_579 = tpu.memref_slice %arg24[%add3A_81, %dma_start3A_578] : memref<10240x128xf32, #tpu.memory_space<vmem_shared>> -> memref<80x128xf32, #tpu.memory_space<vmem_shared>>
      tpu.enqueue_dma source(%arg10 : memref<80x128xf32, #tpu.memory_space<vmem>>) target(%dma_start3A_579 : memref<80x128xf32, #tpu.memory_space<vmem_shared>>) target_semaphore(%run_scoped3A : memref<!tpu.dma_semaphore, #tpu.memory_space<semaphore_mem>>)
      %dma_wait3A_580 = arith.constant 0 : i32
      %dma_wait3A_581 = tpu.memref_slice %arg24[%add3A_81, %dma_wait3A_580] : memref<10240x128xf32, #tpu.memory_space<vmem_shared>> -> memref<80x128xf32, #tpu.memory_space<vmem_shared>>
      %dma_wait3A_582 = arith.constant 0 : i32
      %dma_wait3A_583 = tpu.memref_slice %arg24[%add3A_81, %dma_wait3A_582] : memref<10240x128xf32, #tpu.memory_space<vmem_shared>> -> memref<80x128xf32, #tpu.memory_space<vmem_shared>>
      tpu.wait_dma2 semaphore(%run_scoped3A : memref<!tpu.dma_semaphore, #tpu.memory_space<semaphore_mem>>) src(%arg10 : memref<80x128xf32, #tpu.memory_space<vmem>>) dst(%dma_wait3A_583 : memref<80x128xf32, #tpu.memory_space<vmem_shared>>)
      tpu.yield
    }) : () -> ()
    %mul3A_82 = arith.constant 640 : i32
    %mul3A_83 = arith.muli %arg1, %mul3A_82 : i32
    %add3A_84 = arith.constant 400 : i32
    %add3A_85 = arith.addi %mul3A_83, %add3A_84 : i32
    "tpu.region"() ({
      %run_scoped3A = tpu.sem_alloc : memref<!tpu.dma_semaphore, #tpu.memory_space<semaphore_mem>>
      %dma_start3A_576 = arith.constant 0 : i32
      %dma_start3A_577 = tpu.memref_slice %arg24[%add3A_85, %dma_start3A_576] : memref<10240x128xf32, #tpu.memory_space<vmem_shared>> -> memref<80x128xf32, #tpu.memory_space<vmem_shared>>
      %dma_start3A_578 = arith.constant 0 : i32
      %dma_start3A_579 = tpu.memref_slice %arg24[%add3A_85, %dma_start3A_578] : memref<10240x128xf32, #tpu.memory_space<vmem_shared>> -> memref<80x128xf32, #tpu.memory_space<vmem_shared>>
      tpu.enqueue_dma source(%arg10 : memref<80x128xf32, #tpu.memory_space<vmem>>) target(%dma_start3A_579 : memref<80x128xf32, #tpu.memory_space<vmem_shared>>) target_semaphore(%run_scoped3A : memref<!tpu.dma_semaphore, #tpu.memory_space<semaphore_mem>>)
      %dma_wait3A_580 = arith.constant 0 : i32
      %dma_wait3A_581 = tpu.memref_slice %arg24[%add3A_85, %dma_wait3A_580] : memref<10240x128xf32, #tpu.memory_space<vmem_shared>> -> memref<80x128xf32, #tpu.memory_space<vmem_shared>>
      %dma_wait3A_582 = arith.constant 0 : i32
      %dma_wait3A_583 = tpu.memref_slice %arg24[%add3A_85, %dma_wait3A_582] : memref<10240x128xf32, #tpu.memory_space<vmem_shared>> -> memref<80x128xf32, #tpu.memory_space<vmem_shared>>
      tpu.wait_dma2 semaphore(%run_scoped3A : memref<!tpu.dma_semaphore, #tpu.memory_space<semaphore_mem>>) src(%arg10 : memref<80x128xf32, #tpu.memory_space<vmem>>) dst(%dma_wait3A_583 : memref<80x128xf32, #tpu.memory_space<vmem_shared>>)
      tpu.yield
    }) : () -> ()
    %mul3A_86 = arith.constant 640 : i32
    %mul3A_87 = arith.muli %arg1, %mul3A_86 : i32
    %add3A_88 = arith.constant 480 : i32
    %add3A_89 = arith.addi %mul3A_87, %add3A_88 : i32
    "tpu.region"() ({
      %run_scoped3A = tpu.sem_alloc : memref<!tpu.dma_semaphore, #tpu.memory_space<semaphore_mem>>
      %dma_start3A_576 = arith.constant 0 : i32
      %dma_start3A_577 = tpu.memref_slice %arg24[%add3A_89, %dma_start3A_576] : memref<10240x128xf32, #tpu.memory_space<vmem_shared>> -> memref<80x128xf32, #tpu.memory_space<vmem_shared>>
      %dma_start3A_578 = arith.constant 0 : i32
      %dma_start3A_579 = tpu.memref_slice %arg24[%add3A_89, %dma_start3A_578] : memref<10240x128xf32, #tpu.memory_space<vmem_shared>> -> memref<80x128xf32, #tpu.memory_space<vmem_shared>>
      tpu.enqueue_dma source(%arg10 : memref<80x128xf32, #tpu.memory_space<vmem>>) target(%dma_start3A_579 : memref<80x128xf32, #tpu.memory_space<vmem_shared>>) target_semaphore(%run_scoped3A : memref<!tpu.dma_semaphore, #tpu.memory_space<semaphore_mem>>)
      %dma_wait3A_580 = arith.constant 0 : i32
      %dma_wait3A_581 = tpu.memref_slice %arg24[%add3A_89, %dma_wait3A_580] : memref<10240x128xf32, #tpu.memory_space<vmem_shared>> -> memref<80x128xf32, #tpu.memory_space<vmem_shared>>
      %dma_wait3A_582 = arith.constant 0 : i32
      %dma_wait3A_583 = tpu.memref_slice %arg24[%add3A_89, %dma_wait3A_582] : memref<10240x128xf32, #tpu.memory_space<vmem_shared>> -> memref<80x128xf32, #tpu.memory_space<vmem_shared>>
      tpu.wait_dma2 semaphore(%run_scoped3A : memref<!tpu.dma_semaphore, #tpu.memory_space<semaphore_mem>>) src(%arg10 : memref<80x128xf32, #tpu.memory_space<vmem>>) dst(%dma_wait3A_583 : memref<80x128xf32, #tpu.memory_space<vmem_shared>>)
      tpu.yield
    }) : () -> ()
    %mul3A_90 = arith.constant 640 : i32
    %mul3A_91 = arith.muli %arg1, %mul3A_90 : i32
    %add3A_92 = arith.constant 560 : i32
    %add3A_93 = arith.addi %mul3A_91, %add3A_92 : i32
    "tpu.region"() ({
      %run_scoped3A = tpu.sem_alloc : memref<!tpu.dma_semaphore, #tpu.memory_space<semaphore_mem>>
      %dma_start3A_576 = arith.constant 0 : i32
      %dma_start3A_577 = tpu.memref_slice %arg24[%add3A_93, %dma_start3A_576] : memref<10240x128xf32, #tpu.memory_space<vmem_shared>> -> memref<80x128xf32, #tpu.memory_space<vmem_shared>>
      %dma_start3A_578 = arith.constant 0 : i32
      %dma_start3A_579 = tpu.memref_slice %arg24[%add3A_93, %dma_start3A_578] : memref<10240x128xf32, #tpu.memory_space<vmem_shared>> -> memref<80x128xf32, #tpu.memory_space<vmem_shared>>
      tpu.enqueue_dma source(%arg10 : memref<80x128xf32, #tpu.memory_space<vmem>>) target(%dma_start3A_579 : memref<80x128xf32, #tpu.memory_space<vmem_shared>>) target_semaphore(%run_scoped3A : memref<!tpu.dma_semaphore, #tpu.memory_space<semaphore_mem>>)
      %dma_wait3A_580 = arith.constant 0 : i32
      %dma_wait3A_581 = tpu.memref_slice %arg24[%add3A_93, %dma_wait3A_580] : memref<10240x128xf32, #tpu.memory_space<vmem_shared>> -> memref<80x128xf32, #tpu.memory_space<vmem_shared>>
      %dma_wait3A_582 = arith.constant 0 : i32
      %dma_wait3A_583 = tpu.memref_slice %arg24[%add3A_93, %dma_wait3A_582] : memref<10240x128xf32, #tpu.memory_space<vmem_shared>> -> memref<80x128xf32, #tpu.memory_space<vmem_shared>>
      tpu.wait_dma2 semaphore(%run_scoped3A : memref<!tpu.dma_semaphore, #tpu.memory_space<semaphore_mem>>) src(%arg10 : memref<80x128xf32, #tpu.memory_space<vmem>>) dst(%dma_wait3A_583 : memref<80x128xf32, #tpu.memory_space<vmem_shared>>)
      tpu.yield
    }) : () -> ()
    %barrier3A = arith.constant 0 : index
    tpu.barrier barrier_id(%barrier3A)
    %dma_wait3A_94 = arith.constant 0 : i32
    %dma_wait3A_95 = arith.constant 0 : i32
    %dma_wait3A_96 = tpu.memref_slice %arg6[%dma_wait3A_94, %dma_wait3A_95] : memref<8x80xi32, #tpu.memory_space<vmem>> -> memref<1x80xi32, #tpu.memory_space<vmem>>
    %dma_wait3A_97 = tpu.memref_squeeze %dma_wait3A_96 : memref<1x80xi32, #tpu.memory_space<vmem>> -> memref<80xi32, #tpu.memory_space<vmem>>
    %dma_wait3A_98 = arith.constant 0 : i32
    %dma_wait3A_99 = arith.constant 0 : i32
    %dma_wait3A_100 = tpu.memref_slice %arg2[%dma_wait3A_98, %dma_wait3A_99] : memref<10000x128xf32, #tpu.memory_space<hbm>> -> memref<10000x128xf32, #tpu.memory_space<hbm>>
    tpu.wait_indirect_dma semaphore(%arg18 : memref<!tpu.dma_semaphore, #tpu.memory_space<semaphore_mem>>) src(%dma_wait3A_100 : memref<10000x128xf32, #tpu.memory_space<hbm>>) dst(%arg12 : memref<80x128xf32, #tpu.memory_space<vmem>>)
    %dma_start3A_101 = arith.constant 0 : i32
    %dma_start3A_102 = arith.constant 0 : i32
    %dma_start3A_103 = tpu.memref_slice %arg8[%dma_start3A_101, %dma_start3A_102] : memref<8x80xi32, #tpu.memory_space<vmem>> -> memref<1x80xi32, #tpu.memory_space<vmem>>
    %dma_start3A_104 = tpu.memref_squeeze %dma_start3A_103 : memref<1x80xi32, #tpu.memory_space<vmem>> -> memref<80xi32, #tpu.memory_space<vmem>>
    %dma_start3A_105 = arith.constant 0 : i32
    %dma_start3A_106 = arith.constant 0 : i32
    %dma_start3A_107 = tpu.memref_slice %arg24[%dma_start3A_105, %dma_start3A_106] : memref<10240x128xf32, #tpu.memory_space<vmem_shared>> -> memref<10240x128xf32, #tpu.memory_space<vmem_shared>>
    tpu.enqueue_indirect_dma source(%arg12 : memref<80x128xf32, #tpu.memory_space<vmem>>) target(%dma_start3A_107 : memref<10240x128xf32, #tpu.memory_space<vmem_shared>>) offsets(%dma_start3A_104 : memref<80xi32, #tpu.memory_space<vmem>>) semaphore(%arg22 : memref<!tpu.dma_semaphore, #tpu.memory_space<semaphore_mem>>) {add = true}
    %dma_start3A_108 = arith.constant 2 : i32
    %dma_start3A_109 = arith.constant 0 : i32
    %dma_start3A_110 = tpu.memref_slice %arg6[%dma_start3A_108, %dma_start3A_109] : memref<8x80xi32, #tpu.memory_space<vmem>> -> memref<1x80xi32, #tpu.memory_space<vmem>>
    %dma_start3A_111 = tpu.memref_squeeze %dma_start3A_110 : memref<1x80xi32, #tpu.memory_space<vmem>> -> memref<80xi32, #tpu.memory_space<vmem>>
    %dma_start3A_112 = arith.constant 0 : i32
    %dma_start3A_113 = arith.constant 0 : i32
    %dma_start3A_114 = tpu.memref_slice %arg2[%dma_start3A_112, %dma_start3A_113] : memref<10000x128xf32, #tpu.memory_space<hbm>> -> memref<10000x128xf32, #tpu.memory_space<hbm>>
    tpu.enqueue_indirect_dma source(%dma_start3A_114 : memref<10000x128xf32, #tpu.memory_space<hbm>>) target(%arg10 : memref<80x128xf32, #tpu.memory_space<vmem>>) offsets(%dma_start3A_111 : memref<80xi32, #tpu.memory_space<vmem>>) semaphore(%arg16 : memref<!tpu.dma_semaphore, #tpu.memory_space<semaphore_mem>>)
    %dma_wait3A_115 = arith.constant 1 : i32
    %dma_wait3A_116 = arith.constant 0 : i32
    %dma_wait3A_117 = tpu.memref_slice %arg6[%dma_wait3A_115, %dma_wait3A_116] : memref<8x80xi32, #tpu.memory_space<vmem>> -> memref<1x80xi32, #tpu.memory_space<vmem>>
    %dma_wait3A_118 = tpu.memref_squeeze %dma_wait3A_117 : memref<1x80xi32, #tpu.memory_space<vmem>> -> memref<80xi32, #tpu.memory_space<vmem>>
    %dma_wait3A_119 = arith.constant 0 : i32
    %dma_wait3A_120 = arith.constant 0 : i32
    %dma_wait3A_121 = tpu.memref_slice %arg2[%dma_wait3A_119, %dma_wait3A_120] : memref<10000x128xf32, #tpu.memory_space<hbm>> -> memref<10000x128xf32, #tpu.memory_space<hbm>>
    tpu.wait_indirect_dma semaphore(%arg19 : memref<!tpu.dma_semaphore, #tpu.memory_space<semaphore_mem>>) src(%dma_wait3A_121 : memref<10000x128xf32, #tpu.memory_space<hbm>>) dst(%arg13 : memref<80x128xf32, #tpu.memory_space<vmem>>)
    %dma_start3A_122 = arith.constant 1 : i32
    %dma_start3A_123 = arith.constant 0 : i32
    %dma_start3A_124 = tpu.memref_slice %arg8[%dma_start3A_122, %dma_start3A_123] : memref<8x80xi32, #tpu.memory_space<vmem>> -> memref<1x80xi32, #tpu.memory_space<vmem>>
    %dma_start3A_125 = tpu.memref_squeeze %dma_start3A_124 : memref<1x80xi32, #tpu.memory_space<vmem>> -> memref<80xi32, #tpu.memory_space<vmem>>
    %dma_start3A_126 = arith.constant 0 : i32
    %dma_start3A_127 = arith.constant 0 : i32
    %dma_start3A_128 = tpu.memref_slice %arg24[%dma_start3A_126, %dma_start3A_127] : memref<10240x128xf32, #tpu.memory_space<vmem_shared>> -> memref<10240x128xf32, #tpu.memory_space<vmem_shared>>
    tpu.enqueue_indirect_dma source(%arg13 : memref<80x128xf32, #tpu.memory_space<vmem>>) target(%dma_start3A_128 : memref<10240x128xf32, #tpu.memory_space<vmem_shared>>) offsets(%dma_start3A_125 : memref<80xi32, #tpu.memory_space<vmem>>) semaphore(%arg23 : memref<!tpu.dma_semaphore, #tpu.memory_space<semaphore_mem>>) {add = true}
    %dma_start3A_129 = arith.constant 3 : i32
    %dma_start3A_130 = arith.constant 0 : i32
    %dma_start3A_131 = tpu.memref_slice %arg6[%dma_start3A_129, %dma_start3A_130] : memref<8x80xi32, #tpu.memory_space<vmem>> -> memref<1x80xi32, #tpu.memory_space<vmem>>
    %dma_start3A_132 = tpu.memref_squeeze %dma_start3A_131 : memref<1x80xi32, #tpu.memory_space<vmem>> -> memref<80xi32, #tpu.memory_space<vmem>>
    %dma_start3A_133 = arith.constant 0 : i32
    %dma_start3A_134 = arith.constant 0 : i32
    %dma_start3A_135 = tpu.memref_slice %arg2[%dma_start3A_133, %dma_start3A_134] : memref<10000x128xf32, #tpu.memory_space<hbm>> -> memref<10000x128xf32, #tpu.memory_space<hbm>>
    tpu.enqueue_indirect_dma source(%dma_start3A_135 : memref<10000x128xf32, #tpu.memory_space<hbm>>) target(%arg11 : memref<80x128xf32, #tpu.memory_space<vmem>>) offsets(%dma_start3A_132 : memref<80xi32, #tpu.memory_space<vmem>>) semaphore(%arg17 : memref<!tpu.dma_semaphore, #tpu.memory_space<semaphore_mem>>)
    %dma_start3A_136 = arith.constant 1 : i32
    %dma_start3A_137 = arith.constant 0 : i32
    %dma_start3A_138 = arith.constant 0 : i32
    %dma_start3A_139 = tpu.memref_slice %arg4[%arg0, %arg1, %dma_start3A_136, %dma_start3A_137, %dma_start3A_138] : memref<2x16x16x8x80xi32, #tpu.memory_space<hbm>> -> memref<1x1x1x8x80xi32, #tpu.memory_space<hbm>>
    %dma_start3A_140 = tpu.memref_squeeze %dma_start3A_139 : memref<1x1x1x8x80xi32, #tpu.memory_space<hbm>> -> memref<8x80xi32, #tpu.memory_space<hbm>>
    %dma_start3A_141 = arith.constant 0 : i32
    %dma_start3A_142 = arith.constant 0 : i32
    %dma_start3A_143 = tpu.memref_slice %arg4[%arg0, %arg1, %dma_start3A_136, %dma_start3A_141, %dma_start3A_142] : memref<2x16x16x8x80xi32, #tpu.memory_space<hbm>> -> memref<1x1x1x8x80xi32, #tpu.memory_space<hbm>>
    %dma_start3A_144 = tpu.memref_squeeze %dma_start3A_143 : memref<1x1x1x8x80xi32, #tpu.memory_space<hbm>> -> memref<8x80xi32, #tpu.memory_space<hbm>>
    tpu.enqueue_dma source(%dma_start3A_144 : memref<8x80xi32, #tpu.memory_space<hbm>>) target(%arg9 : memref<8x80xi32, #tpu.memory_space<vmem>>) target_semaphore(%arg15 : memref<!tpu.dma_semaphore, #tpu.memory_space<semaphore_mem>>)
    %dma_wait3A_145 = arith.constant 2 : i32
    %dma_wait3A_146 = arith.constant 0 : i32
    %dma_wait3A_147 = tpu.memref_slice %arg6[%dma_wait3A_145, %dma_wait3A_146] : memref<8x80xi32, #tpu.memory_space<vmem>> -> memref<1x80xi32, #tpu.memory_space<vmem>>
    %dma_wait3A_148 = tpu.memref_squeeze %dma_wait3A_147 : memref<1x80xi32, #tpu.memory_space<vmem>> -> memref<80xi32, #tpu.memory_space<vmem>>
    %dma_wait3A_149 = arith.constant 0 : i32
    %dma_wait3A_150 = arith.constant 0 : i32
    %dma_wait3A_151 = tpu.memref_slice %arg2[%dma_wait3A_149, %dma_wait3A_150] : memref<10000x128xf32, #tpu.memory_space<hbm>> -> memref<10000x128xf32, #tpu.memory_space<hbm>>
    tpu.wait_indirect_dma semaphore(%arg16 : memref<!tpu.dma_semaphore, #tpu.memory_space<semaphore_mem>>) src(%dma_wait3A_151 : memref<10000x128xf32, #tpu.memory_space<hbm>>) dst(%arg10 : memref<80x128xf32, #tpu.memory_space<vmem>>)
    %dma_start3A_152 = arith.constant 2 : i32
    %dma_start3A_153 = arith.constant 0 : i32
    %dma_start3A_154 = tpu.memref_slice %arg8[%dma_start3A_152, %dma_start3A_153] : memref<8x80xi32, #tpu.memory_space<vmem>> -> memref<1x80xi32, #tpu.memory_space<vmem>>
    %dma_start3A_155 = tpu.memref_squeeze %dma_start3A_154 : memref<1x80xi32, #tpu.memory_space<vmem>> -> memref<80xi32, #tpu.memory_space<vmem>>
    %dma_start3A_156 = arith.constant 0 : i32
    %dma_start3A_157 = arith.constant 0 : i32
    %dma_start3A_158 = tpu.memref_slice %arg24[%dma_start3A_156, %dma_start3A_157] : memref<10240x128xf32, #tpu.memory_space<vmem_shared>> -> memref<10240x128xf32, #tpu.memory_space<vmem_shared>>
    tpu.enqueue_indirect_dma source(%arg10 : memref<80x128xf32, #tpu.memory_space<vmem>>) target(%dma_start3A_158 : memref<10240x128xf32, #tpu.memory_space<vmem_shared>>) offsets(%dma_start3A_155 : memref<80xi32, #tpu.memory_space<vmem>>) semaphore(%arg20 : memref<!tpu.dma_semaphore, #tpu.memory_space<semaphore_mem>>) {add = true}
    %dma_wait3A_159 = arith.constant 2 : i32
    %dma_wait3A_160 = arith.constant 0 : i32
    %dma_wait3A_161 = tpu.memref_slice %arg8[%dma_wait3A_159, %dma_wait3A_160] : memref<8x80xi32, #tpu.memory_space<vmem>> -> memref<1x80xi32, #tpu.memory_space<vmem>>
    %dma_wait3A_162 = tpu.memref_squeeze %dma_wait3A_161 : memref<1x80xi32, #tpu.memory_space<vmem>> -> memref<80xi32, #tpu.memory_space<vmem>>
    %dma_wait3A_163 = arith.constant 0 : i32
    %dma_wait3A_164 = arith.constant 0 : i32
    %dma_wait3A_165 = tpu.memref_slice %arg24[%dma_wait3A_163, %dma_wait3A_164] : memref<10240x128xf32, #tpu.memory_space<vmem_shared>> -> memref<10240x128xf32, #tpu.memory_space<vmem_shared>>
    tpu.wait_indirect_dma semaphore(%arg22 : memref<!tpu.dma_semaphore, #tpu.memory_space<semaphore_mem>>) src(%arg12 : memref<80x128xf32, #tpu.memory_space<vmem>>) dst(%dma_wait3A_165 : memref<10240x128xf32, #tpu.memory_space<vmem_shared>>)
    %dma_start3A_166 = arith.constant 4 : i32
    %dma_start3A_167 = arith.constant 0 : i32
    %dma_start3A_168 = tpu.memref_slice %arg6[%dma_start3A_166, %dma_start3A_167] : memref<8x80xi32, #tpu.memory_space<vmem>> -> memref<1x80xi32, #tpu.memory_space<vmem>>
    %dma_start3A_169 = tpu.memref_squeeze %dma_start3A_168 : memref<1x80xi32, #tpu.memory_space<vmem>> -> memref<80xi32, #tpu.memory_space<vmem>>
    %dma_start3A_170 = arith.constant 0 : i32
    %dma_start3A_171 = arith.constant 0 : i32
    %dma_start3A_172 = tpu.memref_slice %arg2[%dma_start3A_170, %dma_start3A_171] : memref<10000x128xf32, #tpu.memory_space<hbm>> -> memref<10000x128xf32, #tpu.memory_space<hbm>>
    tpu.enqueue_indirect_dma source(%dma_start3A_172 : memref<10000x128xf32, #tpu.memory_space<hbm>>) target(%arg12 : memref<80x128xf32, #tpu.memory_space<vmem>>) offsets(%dma_start3A_169 : memref<80xi32, #tpu.memory_space<vmem>>) semaphore(%arg18 : memref<!tpu.dma_semaphore, #tpu.memory_space<semaphore_mem>>)
    %dma_wait3A_173 = arith.constant 3 : i32
    %dma_wait3A_174 = arith.constant 0 : i32
    %dma_wait3A_175 = tpu.memref_slice %arg6[%dma_wait3A_173, %dma_wait3A_174] : memref<8x80xi32, #tpu.memory_space<vmem>> -> memref<1x80xi32, #tpu.memory_space<vmem>>
    %dma_wait3A_176 = tpu.memref_squeeze %dma_wait3A_175 : memref<1x80xi32, #tpu.memory_space<vmem>> -> memref<80xi32, #tpu.memory_space<vmem>>
    %dma_wait3A_177 = arith.constant 0 : i32
    %dma_wait3A_178 = arith.constant 0 : i32
    %dma_wait3A_179 = tpu.memref_slice %arg2[%dma_wait3A_177, %dma_wait3A_178] : memref<10000x128xf32, #tpu.memory_space<hbm>> -> memref<10000x128xf32, #tpu.memory_space<hbm>>
    tpu.wait_indirect_dma semaphore(%arg17 : memref<!tpu.dma_semaphore, #tpu.memory_space<semaphore_mem>>) src(%dma_wait3A_179 : memref<10000x128xf32, #tpu.memory_space<hbm>>) dst(%arg11 : memref<80x128xf32, #tpu.memory_space<vmem>>)
    %dma_start3A_180 = arith.constant 3 : i32
    %dma_start3A_181 = arith.constant 0 : i32
    %dma_start3A_182 = tpu.memref_slice %arg8[%dma_start3A_180, %dma_start3A_181] : memref<8x80xi32, #tpu.memory_space<vmem>> -> memref<1x80xi32, #tpu.memory_space<vmem>>
    %dma_start3A_183 = tpu.memref_squeeze %dma_start3A_182 : memref<1x80xi32, #tpu.memory_space<vmem>> -> memref<80xi32, #tpu.memory_space<vmem>>
    %dma_start3A_184 = arith.constant 0 : i32
    %dma_start3A_185 = arith.constant 0 : i32
    %dma_start3A_186 = tpu.memref_slice %arg24[%dma_start3A_184, %dma_start3A_185] : memref<10240x128xf32, #tpu.memory_space<vmem_shared>> -> memref<10240x128xf32, #tpu.memory_space<vmem_shared>>
    tpu.enqueue_indirect_dma source(%arg11 : memref<80x128xf32, #tpu.memory_space<vmem>>) target(%dma_start3A_186 : memref<10240x128xf32, #tpu.memory_space<vmem_shared>>) offsets(%dma_start3A_183 : memref<80xi32, #tpu.memory_space<vmem>>) semaphore(%arg21 : memref<!tpu.dma_semaphore, #tpu.memory_space<semaphore_mem>>) {add = true}
    %dma_wait3A_187 = arith.constant 3 : i32
    %dma_wait3A_188 = arith.constant 0 : i32
    %dma_wait3A_189 = tpu.memref_slice %arg8[%dma_wait3A_187, %dma_wait3A_188] : memref<8x80xi32, #tpu.memory_space<vmem>> -> memref<1x80xi32, #tpu.memory_space<vmem>>
    %dma_wait3A_190 = tpu.memref_squeeze %dma_wait3A_189 : memref<1x80xi32, #tpu.memory_space<vmem>> -> memref<80xi32, #tpu.memory_space<vmem>>
    %dma_wait3A_191 = arith.constant 0 : i32
    %dma_wait3A_192 = arith.constant 0 : i32
    %dma_wait3A_193 = tpu.memref_slice %arg24[%dma_wait3A_191, %dma_wait3A_192] : memref<10240x128xf32, #tpu.memory_space<vmem_shared>> -> memref<10240x128xf32, #tpu.memory_space<vmem_shared>>
    tpu.wait_indirect_dma semaphore(%arg23 : memref<!tpu.dma_semaphore, #tpu.memory_space<semaphore_mem>>) src(%arg13 : memref<80x128xf32, #tpu.memory_space<vmem>>) dst(%dma_wait3A_193 : memref<10240x128xf32, #tpu.memory_space<vmem_shared>>)
    %dma_start3A_194 = arith.constant 5 : i32
    %dma_start3A_195 = arith.constant 0 : i32
    %dma_start3A_196 = tpu.memref_slice %arg6[%dma_start3A_194, %dma_start3A_195] : memref<8x80xi32, #tpu.memory_space<vmem>> -> memref<1x80xi32, #tpu.memory_space<vmem>>
    %dma_start3A_197 = tpu.memref_squeeze %dma_start3A_196 : memref<1x80xi32, #tpu.memory_space<vmem>> -> memref<80xi32, #tpu.memory_space<vmem>>
    %dma_start3A_198 = arith.constant 0 : i32
    %dma_start3A_199 = arith.constant 0 : i32
    %dma_start3A_200 = tpu.memref_slice %arg2[%dma_start3A_198, %dma_start3A_199] : memref<10000x128xf32, #tpu.memory_space<hbm>> -> memref<10000x128xf32, #tpu.memory_space<hbm>>
    tpu.enqueue_indirect_dma source(%dma_start3A_200 : memref<10000x128xf32, #tpu.memory_space<hbm>>) target(%arg13 : memref<80x128xf32, #tpu.memory_space<vmem>>) offsets(%dma_start3A_197 : memref<80xi32, #tpu.memory_space<vmem>>) semaphore(%arg19 : memref<!tpu.dma_semaphore, #tpu.memory_space<semaphore_mem>>)
    %dma_wait3A_201 = arith.constant 4 : i32
    %dma_wait3A_202 = arith.constant 0 : i32
    %dma_wait3A_203 = tpu.memref_slice %arg6[%dma_wait3A_201, %dma_wait3A_202] : memref<8x80xi32, #tpu.memory_space<vmem>> -> memref<1x80xi32, #tpu.memory_space<vmem>>
    %dma_wait3A_204 = tpu.memref_squeeze %dma_wait3A_203 : memref<1x80xi32, #tpu.memory_space<vmem>> -> memref<80xi32, #tpu.memory_space<vmem>>
    %dma_wait3A_205 = arith.constant 0 : i32
    %dma_wait3A_206 = arith.constant 0 : i32
    %dma_wait3A_207 = tpu.memref_slice %arg2[%dma_wait3A_205, %dma_wait3A_206] : memref<10000x128xf32, #tpu.memory_space<hbm>> -> memref<10000x128xf32, #tpu.memory_space<hbm>>
    tpu.wait_indirect_dma semaphore(%arg18 : memref<!tpu.dma_semaphore, #tpu.memory_space<semaphore_mem>>) src(%dma_wait3A_207 : memref<10000x128xf32, #tpu.memory_space<hbm>>) dst(%arg12 : memref<80x128xf32, #tpu.memory_space<vmem>>)
    %dma_start3A_208 = arith.constant 4 : i32
    %dma_start3A_209 = arith.constant 0 : i32
    %dma_start3A_210 = tpu.memref_slice %arg8[%dma_start3A_208, %dma_start3A_209] : memref<8x80xi32, #tpu.memory_space<vmem>> -> memref<1x80xi32, #tpu.memory_space<vmem>>
    %dma_start3A_211 = tpu.memref_squeeze %dma_start3A_210 : memref<1x80xi32, #tpu.memory_space<vmem>> -> memref<80xi32, #tpu.memory_space<vmem>>
    %dma_start3A_212 = arith.constant 0 : i32
    %dma_start3A_213 = arith.constant 0 : i32
    %dma_start3A_214 = tpu.memref_slice %arg24[%dma_start3A_212, %dma_start3A_213] : memref<10240x128xf32, #tpu.memory_space<vmem_shared>> -> memref<10240x128xf32, #tpu.memory_space<vmem_shared>>
    tpu.enqueue_indirect_dma source(%arg12 : memref<80x128xf32, #tpu.memory_space<vmem>>) target(%dma_start3A_214 : memref<10240x128xf32, #tpu.memory_space<vmem_shared>>) offsets(%dma_start3A_211 : memref<80xi32, #tpu.memory_space<vmem>>) semaphore(%arg22 : memref<!tpu.dma_semaphore, #tpu.memory_space<semaphore_mem>>) {add = true}
    %dma_wait3A_215 = arith.constant 4 : i32
    %dma_wait3A_216 = arith.constant 0 : i32
    %dma_wait3A_217 = tpu.memref_slice %arg8[%dma_wait3A_215, %dma_wait3A_216] : memref<8x80xi32, #tpu.memory_space<vmem>> -> memref<1x80xi32, #tpu.memory_space<vmem>>
    %dma_wait3A_218 = tpu.memref_squeeze %dma_wait3A_217 : memref<1x80xi32, #tpu.memory_space<vmem>> -> memref<80xi32, #tpu.memory_space<vmem>>
    %dma_wait3A_219 = arith.constant 0 : i32
    %dma_wait3A_220 = arith.constant 0 : i32
    %dma_wait3A_221 = tpu.memref_slice %arg24[%dma_wait3A_219, %dma_wait3A_220] : memref<10240x128xf32, #tpu.memory_space<vmem_shared>> -> memref<10240x128xf32, #tpu.memory_space<vmem_shared>>
    tpu.wait_indirect_dma semaphore(%arg20 : memref<!tpu.dma_semaphore, #tpu.memory_space<semaphore_mem>>) src(%arg10 : memref<80x128xf32, #tpu.memory_space<vmem>>) dst(%dma_wait3A_221 : memref<10240x128xf32, #tpu.memory_space<vmem_shared>>)
    %dma_start3A_222 = arith.constant 6 : i32
    %dma_start3A_223 = arith.constant 0 : i32
    %dma_start3A_224 = tpu.memref_slice %arg6[%dma_start3A_222, %dma_start3A_223] : memref<8x80xi32, #tpu.memory_space<vmem>> -> memref<1x80xi32, #tpu.memory_space<vmem>>
    %dma_start3A_225 = tpu.memref_squeeze %dma_start3A_224 : memref<1x80xi32, #tpu.memory_space<vmem>> -> memref<80xi32, #tpu.memory_space<vmem>>
    %dma_start3A_226 = arith.constant 0 : i32
    %dma_start3A_227 = arith.constant 0 : i32
    %dma_start3A_228 = tpu.memref_slice %arg2[%dma_start3A_226, %dma_start3A_227] : memref<10000x128xf32, #tpu.memory_space<hbm>> -> memref<10000x128xf32, #tpu.memory_space<hbm>>
    tpu.enqueue_indirect_dma source(%dma_start3A_228 : memref<10000x128xf32, #tpu.memory_space<hbm>>) target(%arg10 : memref<80x128xf32, #tpu.memory_space<vmem>>) offsets(%dma_start3A_225 : memref<80xi32, #tpu.memory_space<vmem>>) semaphore(%arg16 : memref<!tpu.dma_semaphore, #tpu.memory_space<semaphore_mem>>)
    %dma_wait3A_229 = arith.constant 1 : i32
    %dma_wait3A_230 = arith.constant 0 : i32
    %dma_wait3A_231 = arith.constant 0 : i32
    %dma_wait3A_232 = tpu.memref_slice %arg3[%arg0, %arg1, %dma_wait3A_229, %dma_wait3A_230, %dma_wait3A_231] : memref<2x16x16x8x80xi32, #tpu.memory_space<hbm>> -> memref<1x1x1x8x80xi32, #tpu.memory_space<hbm>>
    %dma_wait3A_233 = tpu.memref_squeeze %dma_wait3A_232 : memref<1x1x1x8x80xi32, #tpu.memory_space<hbm>> -> memref<8x80xi32, #tpu.memory_space<hbm>>
    %dma_wait3A_234 = arith.constant 0 : i32
    %dma_wait3A_235 = arith.constant 0 : i32
    %dma_wait3A_236 = tpu.memref_slice %arg3[%arg0, %arg1, %dma_wait3A_229, %dma_wait3A_234, %dma_wait3A_235] : memref<2x16x16x8x80xi32, #tpu.memory_space<hbm>> -> memref<1x1x1x8x80xi32, #tpu.memory_space<hbm>>
    %dma_wait3A_237 = tpu.memref_squeeze %dma_wait3A_236 : memref<1x1x1x8x80xi32, #tpu.memory_space<hbm>> -> memref<8x80xi32, #tpu.memory_space<hbm>>
    tpu.wait_dma2 semaphore(%arg15 : memref<!tpu.dma_semaphore, #tpu.memory_space<semaphore_mem>>) src(%dma_wait3A_237 : memref<8x80xi32, #tpu.memory_space<hbm>>) dst(%arg7 : memref<8x80xi32, #tpu.memory_space<vmem>>)
    %dma_wait3A_238 = arith.constant 1 : i32
    %dma_wait3A_239 = arith.constant 0 : i32
    %dma_wait3A_240 = arith.constant 0 : i32
    %dma_wait3A_241 = tpu.memref_slice %arg4[%arg0, %arg1, %dma_wait3A_238, %dma_wait3A_239, %dma_wait3A_240] : memref<2x16x16x8x80xi32, #tpu.memory_space<hbm>> -> memref<1x1x1x8x80xi32, #tpu.memory_space<hbm>>
    %dma_wait3A_242 = tpu.memref_squeeze %dma_wait3A_241 : memref<1x1x1x8x80xi32, #tpu.memory_space<hbm>> -> memref<8x80xi32, #tpu.memory_space<hbm>>
    %dma_wait3A_243 = arith.constant 0 : i32
    %dma_wait3A_244 = arith.constant 0 : i32
    %dma_wait3A_245 = tpu.memref_slice %arg4[%arg0, %arg1, %dma_wait3A_238, %dma_wait3A_243, %dma_wait3A_244] : memref<2x16x16x8x80xi32, #tpu.memory_space<hbm>> -> memref<1x1x1x8x80xi32, #tpu.memory_space<hbm>>
    %dma_wait3A_246 = tpu.memref_squeeze %dma_wait3A_245 : memref<1x1x1x8x80xi32, #tpu.memory_space<hbm>> -> memref<8x80xi32, #tpu.memory_space<hbm>>
    tpu.wait_dma2 semaphore(%arg15 : memref<!tpu.dma_semaphore, #tpu.memory_space<semaphore_mem>>) src(%dma_wait3A_246 : memref<8x80xi32, #tpu.memory_space<hbm>>) dst(%arg9 : memref<8x80xi32, #tpu.memory_space<vmem>>)
    %dma_wait3A_247 = arith.constant 5 : i32
    %dma_wait3A_248 = arith.constant 0 : i32
    %dma_wait3A_249 = tpu.memref_slice %arg6[%dma_wait3A_247, %dma_wait3A_248] : memref<8x80xi32, #tpu.memory_space<vmem>> -> memref<1x80xi32, #tpu.memory_space<vmem>>
    %dma_wait3A_250 = tpu.memref_squeeze %dma_wait3A_249 : memref<1x80xi32, #tpu.memory_space<vmem>> -> memref<80xi32, #tpu.memory_space<vmem>>
    %dma_wait3A_251 = arith.constant 0 : i32
    %dma_wait3A_252 = arith.constant 0 : i32
    %dma_wait3A_253 = tpu.memref_slice %arg2[%dma_wait3A_251, %dma_wait3A_252] : memref<10000x128xf32, #tpu.memory_space<hbm>> -> memref<10000x128xf32, #tpu.memory_space<hbm>>
    tpu.wait_indirect_dma semaphore(%arg19 : memref<!tpu.dma_semaphore, #tpu.memory_space<semaphore_mem>>) src(%dma_wait3A_253 : memref<10000x128xf32, #tpu.memory_space<hbm>>) dst(%arg13 : memref<80x128xf32, #tpu.memory_space<vmem>>)
    %dma_start3A_254 = arith.constant 5 : i32
    %dma_start3A_255 = arith.constant 0 : i32
    %dma_start3A_256 = tpu.memref_slice %arg8[%dma_start3A_254, %dma_start3A_255] : memref<8x80xi32, #tpu.memory_space<vmem>> -> memref<1x80xi32, #tpu.memory_space<vmem>>
    %dma_start3A_257 = tpu.memref_squeeze %dma_start3A_256 : memref<1x80xi32, #tpu.memory_space<vmem>> -> memref<80xi32, #tpu.memory_space<vmem>>
    %dma_start3A_258 = arith.constant 0 : i32
    %dma_start3A_259 = arith.constant 0 : i32
    %dma_start3A_260 = tpu.memref_slice %arg24[%dma_start3A_258, %dma_start3A_259] : memref<10240x128xf32, #tpu.memory_space<vmem_shared>> -> memref<10240x128xf32, #tpu.memory_space<vmem_shared>>
    tpu.enqueue_indirect_dma source(%arg13 : memref<80x128xf32, #tpu.memory_space<vmem>>) target(%dma_start3A_260 : memref<10240x128xf32, #tpu.memory_space<vmem_shared>>) offsets(%dma_start3A_257 : memref<80xi32, #tpu.memory_space<vmem>>) semaphore(%arg23 : memref<!tpu.dma_semaphore, #tpu.memory_space<semaphore_mem>>) {add = true}
    %dma_wait3A_261 = arith.constant 5 : i32
    %dma_wait3A_262 = arith.constant 0 : i32
    %dma_wait3A_263 = tpu.memref_slice %arg8[%dma_wait3A_261, %dma_wait3A_262] : memref<8x80xi32, #tpu.memory_space<vmem>> -> memref<1x80xi32, #tpu.memory_space<vmem>>
    %dma_wait3A_264 = tpu.memref_squeeze %dma_wait3A_263 : memref<1x80xi32, #tpu.memory_space<vmem>> -> memref<80xi32, #tpu.memory_space<vmem>>
    %dma_wait3A_265 = arith.constant 0 : i32
    %dma_wait3A_266 = arith.constant 0 : i32
    %dma_wait3A_267 = tpu.memref_slice %arg24[%dma_wait3A_265, %dma_wait3A_266] : memref<10240x128xf32, #tpu.memory_space<vmem_shared>> -> memref<10240x128xf32, #tpu.memory_space<vmem_shared>>
    tpu.wait_indirect_dma semaphore(%arg21 : memref<!tpu.dma_semaphore, #tpu.memory_space<semaphore_mem>>) src(%arg11 : memref<80x128xf32, #tpu.memory_space<vmem>>) dst(%dma_wait3A_267 : memref<10240x128xf32, #tpu.memory_space<vmem_shared>>)
    %dma_start3A_268 = arith.constant 7 : i32
    %dma_start3A_269 = arith.constant 0 : i32
    %dma_start3A_270 = tpu.memref_slice %arg6[%dma_start3A_268, %dma_start3A_269] : memref<8x80xi32, #tpu.memory_space<vmem>> -> memref<1x80xi32, #tpu.memory_space<vmem>>
    %dma_start3A_271 = tpu.memref_squeeze %dma_start3A_270 : memref<1x80xi32, #tpu.memory_space<vmem>> -> memref<80xi32, #tpu.memory_space<vmem>>
    %dma_start3A_272 = arith.constant 0 : i32
    %dma_start3A_273 = arith.constant 0 : i32
    %dma_start3A_274 = tpu.memref_slice %arg2[%dma_start3A_272, %dma_start3A_273] : memref<10000x128xf32, #tpu.memory_space<hbm>> -> memref<10000x128xf32, #tpu.memory_space<hbm>>
    tpu.enqueue_indirect_dma source(%dma_start3A_274 : memref<10000x128xf32, #tpu.memory_space<hbm>>) target(%arg11 : memref<80x128xf32, #tpu.memory_space<vmem>>) offsets(%dma_start3A_271 : memref<80xi32, #tpu.memory_space<vmem>>) semaphore(%arg17 : memref<!tpu.dma_semaphore, #tpu.memory_space<semaphore_mem>>)
    %dma_wait3A_275 = arith.constant 6 : i32
    %dma_wait3A_276 = arith.constant 0 : i32
    %dma_wait3A_277 = tpu.memref_slice %arg6[%dma_wait3A_275, %dma_wait3A_276] : memref<8x80xi32, #tpu.memory_space<vmem>> -> memref<1x80xi32, #tpu.memory_space<vmem>>
    %dma_wait3A_278 = tpu.memref_squeeze %dma_wait3A_277 : memref<1x80xi32, #tpu.memory_space<vmem>> -> memref<80xi32, #tpu.memory_space<vmem>>
    %dma_wait3A_279 = arith.constant 0 : i32
    %dma_wait3A_280 = arith.constant 0 : i32
    %dma_wait3A_281 = tpu.memref_slice %arg2[%dma_wait3A_279, %dma_wait3A_280] : memref<10000x128xf32, #tpu.memory_space<hbm>> -> memref<10000x128xf32, #tpu.memory_space<hbm>>
    tpu.wait_indirect_dma semaphore(%arg16 : memref<!tpu.dma_semaphore, #tpu.memory_space<semaphore_mem>>) src(%dma_wait3A_281 : memref<10000x128xf32, #tpu.memory_space<hbm>>) dst(%arg10 : memref<80x128xf32, #tpu.memory_space<vmem>>)
    %dma_start3A_282 = arith.constant 6 : i32
    %dma_start3A_283 = arith.constant 0 : i32
    %dma_start3A_284 = tpu.memref_slice %arg8[%dma_start3A_282, %dma_start3A_283] : memref<8x80xi32, #tpu.memory_space<vmem>> -> memref<1x80xi32, #tpu.memory_space<vmem>>
    %dma_start3A_285 = tpu.memref_squeeze %dma_start3A_284 : memref<1x80xi32, #tpu.memory_space<vmem>> -> memref<80xi32, #tpu.memory_space<vmem>>
    %dma_start3A_286 = arith.constant 0 : i32
    %dma_start3A_287 = arith.constant 0 : i32
    %dma_start3A_288 = tpu.memref_slice %arg24[%dma_start3A_286, %dma_start3A_287] : memref<10240x128xf32, #tpu.memory_space<vmem_shared>> -> memref<10240x128xf32, #tpu.memory_space<vmem_shared>>
    tpu.enqueue_indirect_dma source(%arg10 : memref<80x128xf32, #tpu.memory_space<vmem>>) target(%dma_start3A_288 : memref<10240x128xf32, #tpu.memory_space<vmem_shared>>) offsets(%dma_start3A_285 : memref<80xi32, #tpu.memory_space<vmem>>) semaphore(%arg20 : memref<!tpu.dma_semaphore, #tpu.memory_space<semaphore_mem>>) {add = true}
    %dma_wait3A_289 = arith.constant 6 : i32
    %dma_wait3A_290 = arith.constant 0 : i32
    %dma_wait3A_291 = tpu.memref_slice %arg8[%dma_wait3A_289, %dma_wait3A_290] : memref<8x80xi32, #tpu.memory_space<vmem>> -> memref<1x80xi32, #tpu.memory_space<vmem>>
    %dma_wait3A_292 = tpu.memref_squeeze %dma_wait3A_291 : memref<1x80xi32, #tpu.memory_space<vmem>> -> memref<80xi32, #tpu.memory_space<vmem>>
    %dma_wait3A_293 = arith.constant 0 : i32
    %dma_wait3A_294 = arith.constant 0 : i32
    %dma_wait3A_295 = tpu.memref_slice %arg24[%dma_wait3A_293, %dma_wait3A_294] : memref<10240x128xf32, #tpu.memory_space<vmem_shared>> -> memref<10240x128xf32, #tpu.memory_space<vmem_shared>>
    tpu.wait_indirect_dma semaphore(%arg22 : memref<!tpu.dma_semaphore, #tpu.memory_space<semaphore_mem>>) src(%arg12 : memref<80x128xf32, #tpu.memory_space<vmem>>) dst(%dma_wait3A_295 : memref<10240x128xf32, #tpu.memory_space<vmem_shared>>)
    %dma_start3A_296 = arith.constant 0 : i32
    %dma_start3A_297 = arith.constant 0 : i32
    %dma_start3A_298 = tpu.memref_slice %arg7[%dma_start3A_296, %dma_start3A_297] : memref<8x80xi32, #tpu.memory_space<vmem>> -> memref<1x80xi32, #tpu.memory_space<vmem>>
    %dma_start3A_299 = tpu.memref_squeeze %dma_start3A_298 : memref<1x80xi32, #tpu.memory_space<vmem>> -> memref<80xi32, #tpu.memory_space<vmem>>
    %dma_start3A_300 = arith.constant 0 : i32
    %dma_start3A_301 = arith.constant 0 : i32
    %dma_start3A_302 = tpu.memref_slice %arg2[%dma_start3A_300, %dma_start3A_301] : memref<10000x128xf32, #tpu.memory_space<hbm>> -> memref<10000x128xf32, #tpu.memory_space<hbm>>
    tpu.enqueue_indirect_dma source(%dma_start3A_302 : memref<10000x128xf32, #tpu.memory_space<hbm>>) target(%arg12 : memref<80x128xf32, #tpu.memory_space<vmem>>) offsets(%dma_start3A_299 : memref<80xi32, #tpu.memory_space<vmem>>) semaphore(%arg18 : memref<!tpu.dma_semaphore, #tpu.memory_space<semaphore_mem>>)
    %dma_wait3A_303 = arith.constant 7 : i32
    %dma_wait3A_304 = arith.constant 0 : i32
    %dma_wait3A_305 = tpu.memref_slice %arg6[%dma_wait3A_303, %dma_wait3A_304] : memref<8x80xi32, #tpu.memory_space<vmem>> -> memref<1x80xi32, #tpu.memory_space<vmem>>
    %dma_wait3A_306 = tpu.memref_squeeze %dma_wait3A_305 : memref<1x80xi32, #tpu.memory_space<vmem>> -> memref<80xi32, #tpu.memory_space<vmem>>
    %dma_wait3A_307 = arith.constant 0 : i32
    %dma_wait3A_308 = arith.constant 0 : i32
    %dma_wait3A_309 = tpu.memref_slice %arg2[%dma_wait3A_307, %dma_wait3A_308] : memref<10000x128xf32, #tpu.memory_space<hbm>> -> memref<10000x128xf32, #tpu.memory_space<hbm>>
    tpu.wait_indirect_dma semaphore(%arg17 : memref<!tpu.dma_semaphore, #tpu.memory_space<semaphore_mem>>) src(%dma_wait3A_309 : memref<10000x128xf32, #tpu.memory_space<hbm>>) dst(%arg11 : memref<80x128xf32, #tpu.memory_space<vmem>>)
    %dma_start3A_310 = arith.constant 7 : i32
    %dma_start3A_311 = arith.constant 0 : i32
    %dma_start3A_312 = tpu.memref_slice %arg8[%dma_start3A_310, %dma_start3A_311] : memref<8x80xi32, #tpu.memory_space<vmem>> -> memref<1x80xi32, #tpu.memory_space<vmem>>
    %dma_start3A_313 = tpu.memref_squeeze %dma_start3A_312 : memref<1x80xi32, #tpu.memory_space<vmem>> -> memref<80xi32, #tpu.memory_space<vmem>>
    %dma_start3A_314 = arith.constant 0 : i32
    %dma_start3A_315 = arith.constant 0 : i32
    %dma_start3A_316 = tpu.memref_slice %arg24[%dma_start3A_314, %dma_start3A_315] : memref<10240x128xf32, #tpu.memory_space<vmem_shared>> -> memref<10240x128xf32, #tpu.memory_space<vmem_shared>>
    tpu.enqueue_indirect_dma source(%arg11 : memref<80x128xf32, #tpu.memory_space<vmem>>) target(%dma_start3A_316 : memref<10240x128xf32, #tpu.memory_space<vmem_shared>>) offsets(%dma_start3A_313 : memref<80xi32, #tpu.memory_space<vmem>>) semaphore(%arg21 : memref<!tpu.dma_semaphore, #tpu.memory_space<semaphore_mem>>) {add = true}
    %dma_wait3A_317 = arith.constant 7 : i32
    %dma_wait3A_318 = arith.constant 0 : i32
    %dma_wait3A_319 = tpu.memref_slice %arg8[%dma_wait3A_317, %dma_wait3A_318] : memref<8x80xi32, #tpu.memory_space<vmem>> -> memref<1x80xi32, #tpu.memory_space<vmem>>
    %dma_wait3A_320 = tpu.memref_squeeze %dma_wait3A_319 : memref<1x80xi32, #tpu.memory_space<vmem>> -> memref<80xi32, #tpu.memory_space<vmem>>
    %dma_wait3A_321 = arith.constant 0 : i32
    %dma_wait3A_322 = arith.constant 0 : i32
    %dma_wait3A_323 = tpu.memref_slice %arg24[%dma_wait3A_321, %dma_wait3A_322] : memref<10240x128xf32, #tpu.memory_space<vmem_shared>> -> memref<10240x128xf32, #tpu.memory_space<vmem_shared>>
    tpu.wait_indirect_dma semaphore(%arg23 : memref<!tpu.dma_semaphore, #tpu.memory_space<semaphore_mem>>) src(%arg13 : memref<80x128xf32, #tpu.memory_space<vmem>>) dst(%dma_wait3A_323 : memref<10240x128xf32, #tpu.memory_space<vmem_shared>>)
    %dma_start3A_324 = arith.constant 1 : i32
    %dma_start3A_325 = arith.constant 0 : i32
    %dma_start3A_326 = tpu.memref_slice %arg7[%dma_start3A_324, %dma_start3A_325] : memref<8x80xi32, #tpu.memory_space<vmem>> -> memref<1x80xi32, #tpu.memory_space<vmem>>
    %dma_start3A_327 = tpu.memref_squeeze %dma_start3A_326 : memref<1x80xi32, #tpu.memory_space<vmem>> -> memref<80xi32, #tpu.memory_space<vmem>>
    %dma_start3A_328 = arith.constant 0 : i32
    %dma_start3A_329 = arith.constant 0 : i32
    %dma_start3A_330 = tpu.memref_slice %arg2[%dma_start3A_328, %dma_start3A_329] : memref<10000x128xf32, #tpu.memory_space<hbm>> -> memref<10000x128xf32, #tpu.memory_space<hbm>>
    tpu.enqueue_indirect_dma source(%dma_start3A_330 : memref<10000x128xf32, #tpu.memory_space<hbm>>) target(%arg13 : memref<80x128xf32, #tpu.memory_space<vmem>>) offsets(%dma_start3A_327 : memref<80xi32, #tpu.memory_space<vmem>>) semaphore(%arg19 : memref<!tpu.dma_semaphore, #tpu.memory_space<semaphore_mem>>)
    %dma_start3A_331 = arith.constant 2 : i32
    %dma_start3A_332 = arith.constant 0 : i32
    %dma_start3A_333 = arith.constant 0 : i32
    %dma_start3A_334 = tpu.memref_slice %arg3[%arg0, %arg1, %dma_start3A_331, %dma_start3A_332, %dma_start3A_333] : memref<2x16x16x8x80xi32, #tpu.memory_space<hbm>> -> memref<1x1x1x8x80xi32, #tpu.memory_space<hbm>>
    %dma_start3A_335 = tpu.memref_squeeze %dma_start3A_334 : memref<1x1x1x8x80xi32, #tpu.memory_space<hbm>> -> memref<8x80xi32, #tpu.memory_space<hbm>>
    %dma_start3A_336 = arith.constant 0 : i32
    %dma_start3A_337 = arith.constant 0 : i32
    %dma_start3A_338 = tpu.memref_slice %arg3[%arg0, %arg1, %dma_start3A_331, %dma_start3A_336, %dma_start3A_337] : memref<2x16x16x8x80xi32, #tpu.memory_space<hbm>> -> memref<1x1x1x8x80xi32, #tpu.memory_space<hbm>>
    %dma_start3A_339 = tpu.memref_squeeze %dma_start3A_338 : memref<1x1x1x8x80xi32, #tpu.memory_space<hbm>> -> memref<8x80xi32, #tpu.memory_space<hbm>>
    tpu.enqueue_dma source(%dma_start3A_339 : memref<8x80xi32, #tpu.memory_space<hbm>>) target(%arg6 : memref<8x80xi32, #tpu.memory_space<vmem>>) target_semaphore(%arg14 : memref<!tpu.dma_semaphore, #tpu.memory_space<semaphore_mem>>)
    %scan3A_340 = arith.constant 0 : i32
    %scan3A_341 = arith.constant 0 : i32
    %scan3A_342 = arith.constant 7 : i32
    %scan3A_343 = arith.addi %scan3A_341, %scan3A_342 : i32
    %scan3A_344 = arith.constant 1 : i32
    %scan3A_345 = scf.for %scan3A_576 = %scan3A_341 to %scan3A_343 step %scan3A_344 iter_args(%scan3A_577 = %scan3A_340) -> (i32)  : i32 {
      %mul3A_578 = arith.constant 2 : i32
      %mul3A_579 = arith.muli %mul3A_578, %scan3A_576 : i32
      %add3A_580 = arith.constant 1 : i32
      %add3A_581 = arith.addi %mul3A_579, %add3A_580 : i32
      %mul3A_582 = arith.constant 8 : i32
      %mul3A_583 = arith.muli %add3A_581, %mul3A_582 : i32
      %add3A_584 = arith.constant 0 : i32
      %add3A_585 = arith.addi %mul3A_583, %add3A_584 : i32
      %dma_wait3A_586 = arith.constant 0 : i32
      %dma_wait3A_587 = arith.constant 0 : i32
      %dma_wait3A_588 = tpu.memref_slice %arg7[%dma_wait3A_586, %dma_wait3A_587] : memref<8x80xi32, #tpu.memory_space<vmem>> -> memref<1x80xi32, #tpu.memory_space<vmem>>
      %dma_wait3A_589 = tpu.memref_squeeze %dma_wait3A_588 : memref<1x80xi32, #tpu.memory_space<vmem>> -> memref<80xi32, #tpu.memory_space<vmem>>
      %dma_wait3A_590 = arith.constant 0 : i32
      %dma_wait3A_591 = arith.constant 0 : i32
      %dma_wait3A_592 = tpu.memref_slice %arg2[%dma_wait3A_590, %dma_wait3A_591] : memref<10000x128xf32, #tpu.memory_space<hbm>> -> memref<10000x128xf32, #tpu.memory_space<hbm>>
      tpu.wait_indirect_dma semaphore(%arg18 : memref<!tpu.dma_semaphore, #tpu.memory_space<semaphore_mem>>) src(%dma_wait3A_592 : memref<10000x128xf32, #tpu.memory_space<hbm>>) dst(%arg12 : memref<80x128xf32, #tpu.memory_space<vmem>>)
      %dma_start3A_593 = arith.constant 0 : i32
      %dma_start3A_594 = arith.constant 0 : i32
      %dma_start3A_595 = tpu.memref_slice %arg9[%dma_start3A_593, %dma_start3A_594] : memref<8x80xi32, #tpu.memory_space<vmem>> -> memref<1x80xi32, #tpu.memory_space<vmem>>
      %dma_start3A_596 = tpu.memref_squeeze %dma_start3A_595 : memref<1x80xi32, #tpu.memory_space<vmem>> -> memref<80xi32, #tpu.memory_space<vmem>>
      %dma_start3A_597 = arith.constant 0 : i32
      %dma_start3A_598 = arith.constant 0 : i32
      %dma_start3A_599 = tpu.memref_slice %arg24[%dma_start3A_597, %dma_start3A_598] : memref<10240x128xf32, #tpu.memory_space<vmem_shared>> -> memref<10240x128xf32, #tpu.memory_space<vmem_shared>>
      tpu.enqueue_indirect_dma source(%arg12 : memref<80x128xf32, #tpu.memory_space<vmem>>) target(%dma_start3A_599 : memref<10240x128xf32, #tpu.memory_space<vmem_shared>>) offsets(%dma_start3A_596 : memref<80xi32, #tpu.memory_space<vmem>>) semaphore(%arg22 : memref<!tpu.dma_semaphore, #tpu.memory_space<semaphore_mem>>) {add = true}
      %dma_wait3A_600 = arith.constant 0 : i32
      %dma_wait3A_601 = arith.constant 0 : i32
      %dma_wait3A_602 = tpu.memref_slice %arg9[%dma_wait3A_600, %dma_wait3A_601] : memref<8x80xi32, #tpu.memory_space<vmem>> -> memref<1x80xi32, #tpu.memory_space<vmem>>
      %dma_wait3A_603 = tpu.memref_squeeze %dma_wait3A_602 : memref<1x80xi32, #tpu.memory_space<vmem>> -> memref<80xi32, #tpu.memory_space<vmem>>
      %dma_wait3A_604 = arith.constant 0 : i32
      %dma_wait3A_605 = arith.constant 0 : i32
      %dma_wait3A_606 = tpu.memref_slice %arg24[%dma_wait3A_604, %dma_wait3A_605] : memref<10240x128xf32, #tpu.memory_space<vmem_shared>> -> memref<10240x128xf32, #tpu.memory_space<vmem_shared>>
      tpu.wait_indirect_dma semaphore(%arg20 : memref<!tpu.dma_semaphore, #tpu.memory_space<semaphore_mem>>) src(%arg10 : memref<80x128xf32, #tpu.memory_space<vmem>>) dst(%dma_wait3A_606 : memref<10240x128xf32, #tpu.memory_space<vmem_shared>>)
      %dma_start3A_607 = arith.constant 2 : i32
      %dma_start3A_608 = arith.constant 0 : i32
      %dma_start3A_609 = tpu.memref_slice %arg7[%dma_start3A_607, %dma_start3A_608] : memref<8x80xi32, #tpu.memory_space<vmem>> -> memref<1x80xi32, #tpu.memory_space<vmem>>
      %dma_start3A_610 = tpu.memref_squeeze %dma_start3A_609 : memref<1x80xi32, #tpu.memory_space<vmem>> -> memref<80xi32, #tpu.memory_space<vmem>>
      %dma_start3A_611 = arith.constant 0 : i32
      %dma_start3A_612 = arith.constant 0 : i32
      %dma_start3A_613 = tpu.memref_slice %arg2[%dma_start3A_611, %dma_start3A_612] : memref<10000x128xf32, #tpu.memory_space<hbm>> -> memref<10000x128xf32, #tpu.memory_space<hbm>>
      tpu.enqueue_indirect_dma source(%dma_start3A_613 : memref<10000x128xf32, #tpu.memory_space<hbm>>) target(%arg10 : memref<80x128xf32, #tpu.memory_space<vmem>>) offsets(%dma_start3A_610 : memref<80xi32, #tpu.memory_space<vmem>>) semaphore(%arg16 : memref<!tpu.dma_semaphore, #tpu.memory_space<semaphore_mem>>)
      %mul3A_614 = arith.constant 8 : i32
      %mul3A_615 = arith.muli %add3A_581, %mul3A_614 : i32
      %add3A_616 = arith.constant 1 : i32
      %add3A_617 = arith.addi %mul3A_615, %add3A_616 : i32
      %dma_wait3A_618 = arith.constant 1 : i32
      %dma_wait3A_619 = arith.constant 0 : i32
      %dma_wait3A_620 = tpu.memref_slice %arg7[%dma_wait3A_618, %dma_wait3A_619] : memref<8x80xi32, #tpu.memory_space<vmem>> -> memref<1x80xi32, #tpu.memory_space<vmem>>
      %dma_wait3A_621 = tpu.memref_squeeze %dma_wait3A_620 : memref<1x80xi32, #tpu.memory_space<vmem>> -> memref<80xi32, #tpu.memory_space<vmem>>
      %dma_wait3A_622 = arith.constant 0 : i32
      %dma_wait3A_623 = arith.constant 0 : i32
      %dma_wait3A_624 = tpu.memref_slice %arg2[%dma_wait3A_622, %dma_wait3A_623] : memref<10000x128xf32, #tpu.memory_space<hbm>> -> memref<10000x128xf32, #tpu.memory_space<hbm>>
      tpu.wait_indirect_dma semaphore(%arg19 : memref<!tpu.dma_semaphore, #tpu.memory_space<semaphore_mem>>) src(%dma_wait3A_624 : memref<10000x128xf32, #tpu.memory_space<hbm>>) dst(%arg13 : memref<80x128xf32, #tpu.memory_space<vmem>>)
      %dma_start3A_625 = arith.constant 1 : i32
      %dma_start3A_626 = arith.constant 0 : i32
      %dma_start3A_627 = tpu.memref_slice %arg9[%dma_start3A_625, %dma_start3A_626] : memref<8x80xi32, #tpu.memory_space<vmem>> -> memref<1x80xi32, #tpu.memory_space<vmem>>
      %dma_start3A_628 = tpu.memref_squeeze %dma_start3A_627 : memref<1x80xi32, #tpu.memory_space<vmem>> -> memref<80xi32, #tpu.memory_space<vmem>>
      %dma_start3A_629 = arith.constant 0 : i32
      %dma_start3A_630 = arith.constant 0 : i32
      %dma_start3A_631 = tpu.memref_slice %arg24[%dma_start3A_629, %dma_start3A_630] : memref<10240x128xf32, #tpu.memory_space<vmem_shared>> -> memref<10240x128xf32, #tpu.memory_space<vmem_shared>>
      tpu.enqueue_indirect_dma source(%arg13 : memref<80x128xf32, #tpu.memory_space<vmem>>) target(%dma_start3A_631 : memref<10240x128xf32, #tpu.memory_space<vmem_shared>>) offsets(%dma_start3A_628 : memref<80xi32, #tpu.memory_space<vmem>>) semaphore(%arg23 : memref<!tpu.dma_semaphore, #tpu.memory_space<semaphore_mem>>) {add = true}
      %dma_wait3A_632 = arith.constant 1 : i32
      %dma_wait3A_633 = arith.constant 0 : i32
      %dma_wait3A_634 = tpu.memref_slice %arg9[%dma_wait3A_632, %dma_wait3A_633] : memref<8x80xi32, #tpu.memory_space<vmem>> -> memref<1x80xi32, #tpu.memory_space<vmem>>
      %dma_wait3A_635 = tpu.memref_squeeze %dma_wait3A_634 : memref<1x80xi32, #tpu.memory_space<vmem>> -> memref<80xi32, #tpu.memory_space<vmem>>
      %dma_wait3A_636 = arith.constant 0 : i32
      %dma_wait3A_637 = arith.constant 0 : i32
      %dma_wait3A_638 = tpu.memref_slice %arg24[%dma_wait3A_636, %dma_wait3A_637] : memref<10240x128xf32, #tpu.memory_space<vmem_shared>> -> memref<10240x128xf32, #tpu.memory_space<vmem_shared>>
      tpu.wait_indirect_dma semaphore(%arg21 : memref<!tpu.dma_semaphore, #tpu.memory_space<semaphore_mem>>) src(%arg11 : memref<80x128xf32, #tpu.memory_space<vmem>>) dst(%dma_wait3A_638 : memref<10240x128xf32, #tpu.memory_space<vmem_shared>>)
      %dma_start3A_639 = arith.constant 3 : i32
      %dma_start3A_640 = arith.constant 0 : i32
      %dma_start3A_641 = tpu.memref_slice %arg7[%dma_start3A_639, %dma_start3A_640] : memref<8x80xi32, #tpu.memory_space<vmem>> -> memref<1x80xi32, #tpu.memory_space<vmem>>
      %dma_start3A_642 = tpu.memref_squeeze %dma_start3A_641 : memref<1x80xi32, #tpu.memory_space<vmem>> -> memref<80xi32, #tpu.memory_space<vmem>>
      %dma_start3A_643 = arith.constant 0 : i32
      %dma_start3A_644 = arith.constant 0 : i32
      %dma_start3A_645 = tpu.memref_slice %arg2[%dma_start3A_643, %dma_start3A_644] : memref<10000x128xf32, #tpu.memory_space<hbm>> -> memref<10000x128xf32, #tpu.memory_space<hbm>>
      tpu.enqueue_indirect_dma source(%dma_start3A_645 : memref<10000x128xf32, #tpu.memory_space<hbm>>) target(%arg11 : memref<80x128xf32, #tpu.memory_space<vmem>>) offsets(%dma_start3A_642 : memref<80xi32, #tpu.memory_space<vmem>>) semaphore(%arg17 : memref<!tpu.dma_semaphore, #tpu.memory_space<semaphore_mem>>)
      %mul3A_646 = arith.constant 8 : i32
      %mul3A_647 = arith.muli %add3A_581, %mul3A_646 : i32
      %add3A_648 = arith.constant 2 : i32
      %add3A_649 = arith.addi %mul3A_647, %add3A_648 : i32
      %add3A_650 = arith.constant 1 : i32
      %add3A_651 = arith.addi %add3A_581, %add3A_650 : i32
      %dma_start3A_652 = arith.constant 0 : i32
      %dma_start3A_653 = arith.constant 0 : i32
      %dma_start3A_654 = tpu.memref_slice %arg4[%arg0, %arg1, %add3A_651, %dma_start3A_652, %dma_start3A_653] : memref<2x16x16x8x80xi32, #tpu.memory_space<hbm>> -> memref<1x1x1x8x80xi32, #tpu.memory_space<hbm>>
      %dma_start3A_655 = tpu.memref_squeeze %dma_start3A_654 : memref<1x1x1x8x80xi32, #tpu.memory_space<hbm>> -> memref<8x80xi32, #tpu.memory_space<hbm>>
      %dma_start3A_656 = arith.constant 0 : i32
      %dma_start3A_657 = arith.constant 0 : i32
      %dma_start3A_658 = tpu.memref_slice %arg4[%arg0, %arg1, %add3A_651, %dma_start3A_656, %dma_start3A_657] : memref<2x16x16x8x80xi32, #tpu.memory_space<hbm>> -> memref<1x1x1x8x80xi32, #tpu.memory_space<hbm>>
      %dma_start3A_659 = tpu.memref_squeeze %dma_start3A_658 : memref<1x1x1x8x80xi32, #tpu.memory_space<hbm>> -> memref<8x80xi32, #tpu.memory_space<hbm>>
      tpu.enqueue_dma source(%dma_start3A_659 : memref<8x80xi32, #tpu.memory_space<hbm>>) target(%arg8 : memref<8x80xi32, #tpu.memory_space<vmem>>) target_semaphore(%arg14 : memref<!tpu.dma_semaphore, #tpu.memory_space<semaphore_mem>>)
      %dma_wait3A_660 = arith.constant 2 : i32
      %dma_wait3A_661 = arith.constant 0 : i32
      %dma_wait3A_662 = tpu.memref_slice %arg7[%dma_wait3A_660, %dma_wait3A_661] : memref<8x80xi32, #tpu.memory_space<vmem>> -> memref<1x80xi32, #tpu.memory_space<vmem>>
      %dma_wait3A_663 = tpu.memref_squeeze %dma_wait3A_662 : memref<1x80xi32, #tpu.memory_space<vmem>> -> memref<80xi32, #tpu.memory_space<vmem>>
      %dma_wait3A_664 = arith.constant 0 : i32
      %dma_wait3A_665 = arith.constant 0 : i32
      %dma_wait3A_666 = tpu.memref_slice %arg2[%dma_wait3A_664, %dma_wait3A_665] : memref<10000x128xf32, #tpu.memory_space<hbm>> -> memref<10000x128xf32, #tpu.memory_space<hbm>>
      tpu.wait_indirect_dma semaphore(%arg16 : memref<!tpu.dma_semaphore, #tpu.memory_space<semaphore_mem>>) src(%dma_wait3A_666 : memref<10000x128xf32, #tpu.memory_space<hbm>>) dst(%arg10 : memref<80x128xf32, #tpu.memory_space<vmem>>)
      %dma_start3A_667 = arith.constant 2 : i32
      %dma_start3A_668 = arith.constant 0 : i32
      %dma_start3A_669 = tpu.memref_slice %arg9[%dma_start3A_667, %dma_start3A_668] : memref<8x80xi32, #tpu.memory_space<vmem>> -> memref<1x80xi32, #tpu.memory_space<vmem>>
      %dma_start3A_670 = tpu.memref_squeeze %dma_start3A_669 : memref<1x80xi32, #tpu.memory_space<vmem>> -> memref<80xi32, #tpu.memory_space<vmem>>
      %dma_start3A_671 = arith.constant 0 : i32
      %dma_start3A_672 = arith.constant 0 : i32
      %dma_start3A_673 = tpu.memref_slice %arg24[%dma_start3A_671, %dma_start3A_672] : memref<10240x128xf32, #tpu.memory_space<vmem_shared>> -> memref<10240x128xf32, #tpu.memory_space<vmem_shared>>
      tpu.enqueue_indirect_dma source(%arg10 : memref<80x128xf32, #tpu.memory_space<vmem>>) target(%dma_start3A_673 : memref<10240x128xf32, #tpu.memory_space<vmem_shared>>) offsets(%dma_start3A_670 : memref<80xi32, #tpu.memory_space<vmem>>) semaphore(%arg20 : memref<!tpu.dma_semaphore, #tpu.memory_space<semaphore_mem>>) {add = true}
      %dma_wait3A_674 = arith.constant 2 : i32
      %dma_wait3A_675 = arith.constant 0 : i32
      %dma_wait3A_676 = tpu.memref_slice %arg9[%dma_wait3A_674, %dma_wait3A_675] : memref<8x80xi32, #tpu.memory_space<vmem>> -> memref<1x80xi32, #tpu.memory_space<vmem>>
      %dma_wait3A_677 = tpu.memref_squeeze %dma_wait3A_676 : memref<1x80xi32, #tpu.memory_space<vmem>> -> memref<80xi32, #tpu.memory_space<vmem>>
      %dma_wait3A_678 = arith.constant 0 : i32
      %dma_wait3A_679 = arith.constant 0 : i32
      %dma_wait3A_680 = tpu.memref_slice %arg24[%dma_wait3A_678, %dma_wait3A_679] : memref<10240x128xf32, #tpu.memory_space<vmem_shared>> -> memref<10240x128xf32, #tpu.memory_space<vmem_shared>>
      tpu.wait_indirect_dma semaphore(%arg22 : memref<!tpu.dma_semaphore, #tpu.memory_space<semaphore_mem>>) src(%arg12 : memref<80x128xf32, #tpu.memory_space<vmem>>) dst(%dma_wait3A_680 : memref<10240x128xf32, #tpu.memory_space<vmem_shared>>)
      %dma_start3A_681 = arith.constant 4 : i32
      %dma_start3A_682 = arith.constant 0 : i32
      %dma_start3A_683 = tpu.memref_slice %arg7[%dma_start3A_681, %dma_start3A_682] : memref<8x80xi32, #tpu.memory_space<vmem>> -> memref<1x80xi32, #tpu.memory_space<vmem>>
      %dma_start3A_684 = tpu.memref_squeeze %dma_start3A_683 : memref<1x80xi32, #tpu.memory_space<vmem>> -> memref<80xi32, #tpu.memory_space<vmem>>
      %dma_start3A_685 = arith.constant 0 : i32
      %dma_start3A_686 = arith.constant 0 : i32
      %dma_start3A_687 = tpu.memref_slice %arg2[%dma_start3A_685, %dma_start3A_686] : memref<10000x128xf32, #tpu.memory_space<hbm>> -> memref<10000x128xf32, #tpu.memory_space<hbm>>
      tpu.enqueue_indirect_dma source(%dma_start3A_687 : memref<10000x128xf32, #tpu.memory_space<hbm>>) target(%arg12 : memref<80x128xf32, #tpu.memory_space<vmem>>) offsets(%dma_start3A_684 : memref<80xi32, #tpu.memory_space<vmem>>) semaphore(%arg18 : memref<!tpu.dma_semaphore, #tpu.memory_space<semaphore_mem>>)
      %mul3A_688 = arith.constant 8 : i32
      %mul3A_689 = arith.muli %add3A_581, %mul3A_688 : i32
      %add3A_690 = arith.constant 3 : i32
      %add3A_691 = arith.addi %mul3A_689, %add3A_690 : i32
      %dma_wait3A_692 = arith.constant 3 : i32
      %dma_wait3A_693 = arith.constant 0 : i32
      %dma_wait3A_694 = tpu.memref_slice %arg7[%dma_wait3A_692, %dma_wait3A_693] : memref<8x80xi32, #tpu.memory_space<vmem>> -> memref<1x80xi32, #tpu.memory_space<vmem>>
      %dma_wait3A_695 = tpu.memref_squeeze %dma_wait3A_694 : memref<1x80xi32, #tpu.memory_space<vmem>> -> memref<80xi32, #tpu.memory_space<vmem>>
      %dma_wait3A_696 = arith.constant 0 : i32
      %dma_wait3A_697 = arith.constant 0 : i32
      %dma_wait3A_698 = tpu.memref_slice %arg2[%dma_wait3A_696, %dma_wait3A_697] : memref<10000x128xf32, #tpu.memory_space<hbm>> -> memref<10000x128xf32, #tpu.memory_space<hbm>>
      tpu.wait_indirect_dma semaphore(%arg17 : memref<!tpu.dma_semaphore, #tpu.memory_space<semaphore_mem>>) src(%dma_wait3A_698 : memref<10000x128xf32, #tpu.memory_space<hbm>>) dst(%arg11 : memref<80x128xf32, #tpu.memory_space<vmem>>)
      %dma_start3A_699 = arith.constant 3 : i32
      %dma_start3A_700 = arith.constant 0 : i32
      %dma_start3A_701 = tpu.memref_slice %arg9[%dma_start3A_699, %dma_start3A_700] : memref<8x80xi32, #tpu.memory_space<vmem>> -> memref<1x80xi32, #tpu.memory_space<vmem>>
      %dma_start3A_702 = tpu.memref_squeeze %dma_start3A_701 : memref<1x80xi32, #tpu.memory_space<vmem>> -> memref<80xi32, #tpu.memory_space<vmem>>
      %dma_start3A_703 = arith.constant 0 : i32
      %dma_start3A_704 = arith.constant 0 : i32
      %dma_start3A_705 = tpu.memref_slice %arg24[%dma_start3A_703, %dma_start3A_704] : memref<10240x128xf32, #tpu.memory_space<vmem_shared>> -> memref<10240x128xf32, #tpu.memory_space<vmem_shared>>
      tpu.enqueue_indirect_dma source(%arg11 : memref<80x128xf32, #tpu.memory_space<vmem>>) target(%dma_start3A_705 : memref<10240x128xf32, #tpu.memory_space<vmem_shared>>) offsets(%dma_start3A_702 : memref<80xi32, #tpu.memory_space<vmem>>) semaphore(%arg21 : memref<!tpu.dma_semaphore, #tpu.memory_space<semaphore_mem>>) {add = true}
      %dma_wait3A_706 = arith.constant 3 : i32
      %dma_wait3A_707 = arith.constant 0 : i32
      %dma_wait3A_708 = tpu.memref_slice %arg9[%dma_wait3A_706, %dma_wait3A_707] : memref<8x80xi32, #tpu.memory_space<vmem>> -> memref<1x80xi32, #tpu.memory_space<vmem>>
      %dma_wait3A_709 = tpu.memref_squeeze %dma_wait3A_708 : memref<1x80xi32, #tpu.memory_space<vmem>> -> memref<80xi32, #tpu.memory_space<vmem>>
      %dma_wait3A_710 = arith.constant 0 : i32
      %dma_wait3A_711 = arith.constant 0 : i32
      %dma_wait3A_712 = tpu.memref_slice %arg24[%dma_wait3A_710, %dma_wait3A_711] : memref<10240x128xf32, #tpu.memory_space<vmem_shared>> -> memref<10240x128xf32, #tpu.memory_space<vmem_shared>>
      tpu.wait_indirect_dma semaphore(%arg23 : memref<!tpu.dma_semaphore, #tpu.memory_space<semaphore_mem>>) src(%arg13 : memref<80x128xf32, #tpu.memory_space<vmem>>) dst(%dma_wait3A_712 : memref<10240x128xf32, #tpu.memory_space<vmem_shared>>)
      %dma_start3A_713 = arith.constant 5 : i32
      %dma_start3A_714 = arith.constant 0 : i32
      %dma_start3A_715 = tpu.memref_slice %arg7[%dma_start3A_713, %dma_start3A_714] : memref<8x80xi32, #tpu.memory_space<vmem>> -> memref<1x80xi32, #tpu.memory_space<vmem>>
      %dma_start3A_716 = tpu.memref_squeeze %dma_start3A_715 : memref<1x80xi32, #tpu.memory_space<vmem>> -> memref<80xi32, #tpu.memory_space<vmem>>
      %dma_start3A_717 = arith.constant 0 : i32
      %dma_start3A_718 = arith.constant 0 : i32
      %dma_start3A_719 = tpu.memref_slice %arg2[%dma_start3A_717, %dma_start3A_718] : memref<10000x128xf32, #tpu.memory_space<hbm>> -> memref<10000x128xf32, #tpu.memory_space<hbm>>
      tpu.enqueue_indirect_dma source(%dma_start3A_719 : memref<10000x128xf32, #tpu.memory_space<hbm>>) target(%arg13 : memref<80x128xf32, #tpu.memory_space<vmem>>) offsets(%dma_start3A_716 : memref<80xi32, #tpu.memory_space<vmem>>) semaphore(%arg19 : memref<!tpu.dma_semaphore, #tpu.memory_space<semaphore_mem>>)
      %mul3A_720 = arith.constant 8 : i32
      %mul3A_721 = arith.muli %add3A_581, %mul3A_720 : i32
      %add3A_722 = arith.constant 4 : i32
      %add3A_723 = arith.addi %mul3A_721, %add3A_722 : i32
      %dma_wait3A_724 = arith.constant 4 : i32
      %dma_wait3A_725 = arith.constant 0 : i32
      %dma_wait3A_726 = tpu.memref_slice %arg7[%dma_wait3A_724, %dma_wait3A_725] : memref<8x80xi32, #tpu.memory_space<vmem>> -> memref<1x80xi32, #tpu.memory_space<vmem>>
      %dma_wait3A_727 = tpu.memref_squeeze %dma_wait3A_726 : memref<1x80xi32, #tpu.memory_space<vmem>> -> memref<80xi32, #tpu.memory_space<vmem>>
      %dma_wait3A_728 = arith.constant 0 : i32
      %dma_wait3A_729 = arith.constant 0 : i32
      %dma_wait3A_730 = tpu.memref_slice %arg2[%dma_wait3A_728, %dma_wait3A_729] : memref<10000x128xf32, #tpu.memory_space<hbm>> -> memref<10000x128xf32, #tpu.memory_space<hbm>>
      tpu.wait_indirect_dma semaphore(%arg18 : memref<!tpu.dma_semaphore, #tpu.memory_space<semaphore_mem>>) src(%dma_wait3A_730 : memref<10000x128xf32, #tpu.memory_space<hbm>>) dst(%arg12 : memref<80x128xf32, #tpu.memory_space<vmem>>)
      %dma_start3A_731 = arith.constant 4 : i32
      %dma_start3A_732 = arith.constant 0 : i32
      %dma_start3A_733 = tpu.memref_slice %arg9[%dma_start3A_731, %dma_start3A_732] : memref<8x80xi32, #tpu.memory_space<vmem>> -> memref<1x80xi32, #tpu.memory_space<vmem>>
      %dma_start3A_734 = tpu.memref_squeeze %dma_start3A_733 : memref<1x80xi32, #tpu.memory_space<vmem>> -> memref<80xi32, #tpu.memory_space<vmem>>
      %dma_start3A_735 = arith.constant 0 : i32
      %dma_start3A_736 = arith.constant 0 : i32
      %dma_start3A_737 = tpu.memref_slice %arg24[%dma_start3A_735, %dma_start3A_736] : memref<10240x128xf32, #tpu.memory_space<vmem_shared>> -> memref<10240x128xf32, #tpu.memory_space<vmem_shared>>
      tpu.enqueue_indirect_dma source(%arg12 : memref<80x128xf32, #tpu.memory_space<vmem>>) target(%dma_start3A_737 : memref<10240x128xf32, #tpu.memory_space<vmem_shared>>) offsets(%dma_start3A_734 : memref<80xi32, #tpu.memory_space<vmem>>) semaphore(%arg22 : memref<!tpu.dma_semaphore, #tpu.memory_space<semaphore_mem>>) {add = true}
      %dma_wait3A_738 = arith.constant 4 : i32
      %dma_wait3A_739 = arith.constant 0 : i32
      %dma_wait3A_740 = tpu.memref_slice %arg9[%dma_wait3A_738, %dma_wait3A_739] : memref<8x80xi32, #tpu.memory_space<vmem>> -> memref<1x80xi32, #tpu.memory_space<vmem>>
      %dma_wait3A_741 = tpu.memref_squeeze %dma_wait3A_740 : memref<1x80xi32, #tpu.memory_space<vmem>> -> memref<80xi32, #tpu.memory_space<vmem>>
      %dma_wait3A_742 = arith.constant 0 : i32
      %dma_wait3A_743 = arith.constant 0 : i32
      %dma_wait3A_744 = tpu.memref_slice %arg24[%dma_wait3A_742, %dma_wait3A_743] : memref<10240x128xf32, #tpu.memory_space<vmem_shared>> -> memref<10240x128xf32, #tpu.memory_space<vmem_shared>>
      tpu.wait_indirect_dma semaphore(%arg20 : memref<!tpu.dma_semaphore, #tpu.memory_space<semaphore_mem>>) src(%arg10 : memref<80x128xf32, #tpu.memory_space<vmem>>) dst(%dma_wait3A_744 : memref<10240x128xf32, #tpu.memory_space<vmem_shared>>)
      %dma_start3A_745 = arith.constant 6 : i32
      %dma_start3A_746 = arith.constant 0 : i32
      %dma_start3A_747 = tpu.memref_slice %arg7[%dma_start3A_745, %dma_start3A_746] : memref<8x80xi32, #tpu.memory_space<vmem>> -> memref<1x80xi32, #tpu.memory_space<vmem>>
      %dma_start3A_748 = tpu.memref_squeeze %dma_start3A_747 : memref<1x80xi32, #tpu.memory_space<vmem>> -> memref<80xi32, #tpu.memory_space<vmem>>
      %dma_start3A_749 = arith.constant 0 : i32
      %dma_start3A_750 = arith.constant 0 : i32
      %dma_start3A_751 = tpu.memref_slice %arg2[%dma_start3A_749, %dma_start3A_750] : memref<10000x128xf32, #tpu.memory_space<hbm>> -> memref<10000x128xf32, #tpu.memory_space<hbm>>
      tpu.enqueue_indirect_dma source(%dma_start3A_751 : memref<10000x128xf32, #tpu.memory_space<hbm>>) target(%arg10 : memref<80x128xf32, #tpu.memory_space<vmem>>) offsets(%dma_start3A_748 : memref<80xi32, #tpu.memory_space<vmem>>) semaphore(%arg16 : memref<!tpu.dma_semaphore, #tpu.memory_space<semaphore_mem>>)
      %mul3A_752 = arith.constant 8 : i32
      %mul3A_753 = arith.muli %add3A_581, %mul3A_752 : i32
      %add3A_754 = arith.constant 5 : i32
      %add3A_755 = arith.addi %mul3A_753, %add3A_754 : i32
      %add3A_756 = arith.constant 1 : i32
      %add3A_757 = arith.addi %add3A_581, %add3A_756 : i32
      %dma_wait3A_758 = arith.constant 0 : i32
      %dma_wait3A_759 = arith.constant 0 : i32
      %dma_wait3A_760 = tpu.memref_slice %arg3[%arg0, %arg1, %add3A_757, %dma_wait3A_758, %dma_wait3A_759] : memref<2x16x16x8x80xi32, #tpu.memory_space<hbm>> -> memref<1x1x1x8x80xi32, #tpu.memory_space<hbm>>
      %dma_wait3A_761 = tpu.memref_squeeze %dma_wait3A_760 : memref<1x1x1x8x80xi32, #tpu.memory_space<hbm>> -> memref<8x80xi32, #tpu.memory_space<hbm>>
      %dma_wait3A_762 = arith.constant 0 : i32
      %dma_wait3A_763 = arith.constant 0 : i32
      %dma_wait3A_764 = tpu.memref_slice %arg3[%arg0, %arg1, %add3A_757, %dma_wait3A_762, %dma_wait3A_763] : memref<2x16x16x8x80xi32, #tpu.memory_space<hbm>> -> memref<1x1x1x8x80xi32, #tpu.memory_space<hbm>>
      %dma_wait3A_765 = tpu.memref_squeeze %dma_wait3A_764 : memref<1x1x1x8x80xi32, #tpu.memory_space<hbm>> -> memref<8x80xi32, #tpu.memory_space<hbm>>
      tpu.wait_dma2 semaphore(%arg14 : memref<!tpu.dma_semaphore, #tpu.memory_space<semaphore_mem>>) src(%dma_wait3A_765 : memref<8x80xi32, #tpu.memory_space<hbm>>) dst(%arg6 : memref<8x80xi32, #tpu.memory_space<vmem>>)
      %add3A_766 = arith.constant 1 : i32
      %add3A_767 = arith.addi %add3A_581, %add3A_766 : i32
      %dma_wait3A_768 = arith.constant 0 : i32
      %dma_wait3A_769 = arith.constant 0 : i32
      %dma_wait3A_770 = tpu.memref_slice %arg4[%arg0, %arg1, %add3A_767, %dma_wait3A_768, %dma_wait3A_769] : memref<2x16x16x8x80xi32, #tpu.memory_space<hbm>> -> memref<1x1x1x8x80xi32, #tpu.memory_space<hbm>>
      %dma_wait3A_771 = tpu.memref_squeeze %dma_wait3A_770 : memref<1x1x1x8x80xi32, #tpu.memory_space<hbm>> -> memref<8x80xi32, #tpu.memory_space<hbm>>
      %dma_wait3A_772 = arith.constant 0 : i32
      %dma_wait3A_773 = arith.constant 0 : i32
      %dma_wait3A_774 = tpu.memref_slice %arg4[%arg0, %arg1, %add3A_767, %dma_wait3A_772, %dma_wait3A_773] : memref<2x16x16x8x80xi32, #tpu.memory_space<hbm>> -> memref<1x1x1x8x80xi32, #tpu.memory_space<hbm>>
      %dma_wait3A_775 = tpu.memref_squeeze %dma_wait3A_774 : memref<1x1x1x8x80xi32, #tpu.memory_space<hbm>> -> memref<8x80xi32, #tpu.memory_space<hbm>>
      tpu.wait_dma2 semaphore(%arg14 : memref<!tpu.dma_semaphore, #tpu.memory_space<semaphore_mem>>) src(%dma_wait3A_775 : memref<8x80xi32, #tpu.memory_space<hbm>>) dst(%arg8 : memref<8x80xi32, #tpu.memory_space<vmem>>)
      %dma_wait3A_776 = arith.constant 5 : i32
      %dma_wait3A_777 = arith.constant 0 : i32
      %dma_wait3A_778 = tpu.memref_slice %arg7[%dma_wait3A_776, %dma_wait3A_777] : memref<8x80xi32, #tpu.memory_space<vmem>> -> memref<1x80xi32, #tpu.memory_space<vmem>>
      %dma_wait3A_779 = tpu.memref_squeeze %dma_wait3A_778 : memref<1x80xi32, #tpu.memory_space<vmem>> -> memref<80xi32, #tpu.memory_space<vmem>>
      %dma_wait3A_780 = arith.constant 0 : i32
      %dma_wait3A_781 = arith.constant 0 : i32
      %dma_wait3A_782 = tpu.memref_slice %arg2[%dma_wait3A_780, %dma_wait3A_781] : memref<10000x128xf32, #tpu.memory_space<hbm>> -> memref<10000x128xf32, #tpu.memory_space<hbm>>
      tpu.wait_indirect_dma semaphore(%arg19 : memref<!tpu.dma_semaphore, #tpu.memory_space<semaphore_mem>>) src(%dma_wait3A_782 : memref<10000x128xf32, #tpu.memory_space<hbm>>) dst(%arg13 : memref<80x128xf32, #tpu.memory_space<vmem>>)
      %dma_start3A_783 = arith.constant 5 : i32
      %dma_start3A_784 = arith.constant 0 : i32
      %dma_start3A_785 = tpu.memref_slice %arg9[%dma_start3A_783, %dma_start3A_784] : memref<8x80xi32, #tpu.memory_space<vmem>> -> memref<1x80xi32, #tpu.memory_space<vmem>>
      %dma_start3A_786 = tpu.memref_squeeze %dma_start3A_785 : memref<1x80xi32, #tpu.memory_space<vmem>> -> memref<80xi32, #tpu.memory_space<vmem>>
      %dma_start3A_787 = arith.constant 0 : i32
      %dma_start3A_788 = arith.constant 0 : i32
      %dma_start3A_789 = tpu.memref_slice %arg24[%dma_start3A_787, %dma_start3A_788] : memref<10240x128xf32, #tpu.memory_space<vmem_shared>> -> memref<10240x128xf32, #tpu.memory_space<vmem_shared>>
      tpu.enqueue_indirect_dma source(%arg13 : memref<80x128xf32, #tpu.memory_space<vmem>>) target(%dma_start3A_789 : memref<10240x128xf32, #tpu.memory_space<vmem_shared>>) offsets(%dma_start3A_786 : memref<80xi32, #tpu.memory_space<vmem>>) semaphore(%arg23 : memref<!tpu.dma_semaphore, #tpu.memory_space<semaphore_mem>>) {add = true}
      %dma_wait3A_790 = arith.constant 5 : i32
      %dma_wait3A_791 = arith.constant 0 : i32
      %dma_wait3A_792 = tpu.memref_slice %arg9[%dma_wait3A_790, %dma_wait3A_791] : memref<8x80xi32, #tpu.memory_space<vmem>> -> memref<1x80xi32, #tpu.memory_space<vmem>>
      %dma_wait3A_793 = tpu.memref_squeeze %dma_wait3A_792 : memref<1x80xi32, #tpu.memory_space<vmem>> -> memref<80xi32, #tpu.memory_space<vmem>>
      %dma_wait3A_794 = arith.constant 0 : i32
      %dma_wait3A_795 = arith.constant 0 : i32
      %dma_wait3A_796 = tpu.memref_slice %arg24[%dma_wait3A_794, %dma_wait3A_795] : memref<10240x128xf32, #tpu.memory_space<vmem_shared>> -> memref<10240x128xf32, #tpu.memory_space<vmem_shared>>
      tpu.wait_indirect_dma semaphore(%arg21 : memref<!tpu.dma_semaphore, #tpu.memory_space<semaphore_mem>>) src(%arg11 : memref<80x128xf32, #tpu.memory_space<vmem>>) dst(%dma_wait3A_796 : memref<10240x128xf32, #tpu.memory_space<vmem_shared>>)
      %dma_start3A_797 = arith.constant 7 : i32
      %dma_start3A_798 = arith.constant 0 : i32
      %dma_start3A_799 = tpu.memref_slice %arg7[%dma_start3A_797, %dma_start3A_798] : memref<8x80xi32, #tpu.memory_space<vmem>> -> memref<1x80xi32, #tpu.memory_space<vmem>>
      %dma_start3A_800 = tpu.memref_squeeze %dma_start3A_799 : memref<1x80xi32, #tpu.memory_space<vmem>> -> memref<80xi32, #tpu.memory_space<vmem>>
      %dma_start3A_801 = arith.constant 0 : i32
      %dma_start3A_802 = arith.constant 0 : i32
      %dma_start3A_803 = tpu.memref_slice %arg2[%dma_start3A_801, %dma_start3A_802] : memref<10000x128xf32, #tpu.memory_space<hbm>> -> memref<10000x128xf32, #tpu.memory_space<hbm>>
      tpu.enqueue_indirect_dma source(%dma_start3A_803 : memref<10000x128xf32, #tpu.memory_space<hbm>>) target(%arg11 : memref<80x128xf32, #tpu.memory_space<vmem>>) offsets(%dma_start3A_800 : memref<80xi32, #tpu.memory_space<vmem>>) semaphore(%arg17 : memref<!tpu.dma_semaphore, #tpu.memory_space<semaphore_mem>>)
      %mul3A_804 = arith.constant 8 : i32
      %mul3A_805 = arith.muli %add3A_581, %mul3A_804 : i32
      %add3A_806 = arith.constant 6 : i32
      %add3A_807 = arith.addi %mul3A_805, %add3A_806 : i32
      %dma_wait3A_808 = arith.constant 6 : i32
      %dma_wait3A_809 = arith.constant 0 : i32
      %dma_wait3A_810 = tpu.memref_slice %arg7[%dma_wait3A_808, %dma_wait3A_809] : memref<8x80xi32, #tpu.memory_space<vmem>> -> memref<1x80xi32, #tpu.memory_space<vmem>>
      %dma_wait3A_811 = tpu.memref_squeeze %dma_wait3A_810 : memref<1x80xi32, #tpu.memory_space<vmem>> -> memref<80xi32, #tpu.memory_space<vmem>>
      %dma_wait3A_812 = arith.constant 0 : i32
      %dma_wait3A_813 = arith.constant 0 : i32
      %dma_wait3A_814 = tpu.memref_slice %arg2[%dma_wait3A_812, %dma_wait3A_813] : memref<10000x128xf32, #tpu.memory_space<hbm>> -> memref<10000x128xf32, #tpu.memory_space<hbm>>
      tpu.wait_indirect_dma semaphore(%arg16 : memref<!tpu.dma_semaphore, #tpu.memory_space<semaphore_mem>>) src(%dma_wait3A_814 : memref<10000x128xf32, #tpu.memory_space<hbm>>) dst(%arg10 : memref<80x128xf32, #tpu.memory_space<vmem>>)
      %dma_start3A_815 = arith.constant 6 : i32
      %dma_start3A_816 = arith.constant 0 : i32
      %dma_start3A_817 = tpu.memref_slice %arg9[%dma_start3A_815, %dma_start3A_816] : memref<8x80xi32, #tpu.memory_space<vmem>> -> memref<1x80xi32, #tpu.memory_space<vmem>>
      %dma_start3A_818 = tpu.memref_squeeze %dma_start3A_817 : memref<1x80xi32, #tpu.memory_space<vmem>> -> memref<80xi32, #tpu.memory_space<vmem>>
      %dma_start3A_819 = arith.constant 0 : i32
      %dma_start3A_820 = arith.constant 0 : i32
      %dma_start3A_821 = tpu.memref_slice %arg24[%dma_start3A_819, %dma_start3A_820] : memref<10240x128xf32, #tpu.memory_space<vmem_shared>> -> memref<10240x128xf32, #tpu.memory_space<vmem_shared>>
      tpu.enqueue_indirect_dma source(%arg10 : memref<80x128xf32, #tpu.memory_space<vmem>>) target(%dma_start3A_821 : memref<10240x128xf32, #tpu.memory_space<vmem_shared>>) offsets(%dma_start3A_818 : memref<80xi32, #tpu.memory_space<vmem>>) semaphore(%arg20 : memref<!tpu.dma_semaphore, #tpu.memory_space<semaphore_mem>>) {add = true}
      %dma_wait3A_822 = arith.constant 6 : i32
      %dma_wait3A_823 = arith.constant 0 : i32
      %dma_wait3A_824 = tpu.memref_slice %arg9[%dma_wait3A_822, %dma_wait3A_823] : memref<8x80xi32, #tpu.memory_space<vmem>> -> memref<1x80xi32, #tpu.memory_space<vmem>>
      %dma_wait3A_825 = tpu.memref_squeeze %dma_wait3A_824 : memref<1x80xi32, #tpu.memory_space<vmem>> -> memref<80xi32, #tpu.memory_space<vmem>>
      %dma_wait3A_826 = arith.constant 0 : i32
      %dma_wait3A_827 = arith.constant 0 : i32
      %dma_wait3A_828 = tpu.memref_slice %arg24[%dma_wait3A_826, %dma_wait3A_827] : memref<10240x128xf32, #tpu.memory_space<vmem_shared>> -> memref<10240x128xf32, #tpu.memory_space<vmem_shared>>
      tpu.wait_indirect_dma semaphore(%arg22 : memref<!tpu.dma_semaphore, #tpu.memory_space<semaphore_mem>>) src(%arg12 : memref<80x128xf32, #tpu.memory_space<vmem>>) dst(%dma_wait3A_828 : memref<10240x128xf32, #tpu.memory_space<vmem_shared>>)
      %dma_start3A_829 = arith.constant 0 : i32
      %dma_start3A_830 = arith.constant 0 : i32
      %dma_start3A_831 = tpu.memref_slice %arg6[%dma_start3A_829, %dma_start3A_830] : memref<8x80xi32, #tpu.memory_space<vmem>> -> memref<1x80xi32, #tpu.memory_space<vmem>>
      %dma_start3A_832 = tpu.memref_squeeze %dma_start3A_831 : memref<1x80xi32, #tpu.memory_space<vmem>> -> memref<80xi32, #tpu.memory_space<vmem>>
      %dma_start3A_833 = arith.constant 0 : i32
      %dma_start3A_834 = arith.constant 0 : i32
      %dma_start3A_835 = tpu.memref_slice %arg2[%dma_start3A_833, %dma_start3A_834] : memref<10000x128xf32, #tpu.memory_space<hbm>> -> memref<10000x128xf32, #tpu.memory_space<hbm>>
      tpu.enqueue_indirect_dma source(%dma_start3A_835 : memref<10000x128xf32, #tpu.memory_space<hbm>>) target(%arg12 : memref<80x128xf32, #tpu.memory_space<vmem>>) offsets(%dma_start3A_832 : memref<80xi32, #tpu.memory_space<vmem>>) semaphore(%arg18 : memref<!tpu.dma_semaphore, #tpu.memory_space<semaphore_mem>>)
      %mul3A_836 = arith.constant 8 : i32
      %mul3A_837 = arith.muli %add3A_581, %mul3A_836 : i32
      %add3A_838 = arith.constant 7 : i32
      %add3A_839 = arith.addi %mul3A_837, %add3A_838 : i32
      %dma_wait3A_840 = arith.constant 7 : i32
      %dma_wait3A_841 = arith.constant 0 : i32
      %dma_wait3A_842 = tpu.memref_slice %arg7[%dma_wait3A_840, %dma_wait3A_841] : memref<8x80xi32, #tpu.memory_space<vmem>> -> memref<1x80xi32, #tpu.memory_space<vmem>>
      %dma_wait3A_843 = tpu.memref_squeeze %dma_wait3A_842 : memref<1x80xi32, #tpu.memory_space<vmem>> -> memref<80xi32, #tpu.memory_space<vmem>>
      %dma_wait3A_844 = arith.constant 0 : i32
      %dma_wait3A_845 = arith.constant 0 : i32
      %dma_wait3A_846 = tpu.memref_slice %arg2[%dma_wait3A_844, %dma_wait3A_845] : memref<10000x128xf32, #tpu.memory_space<hbm>> -> memref<10000x128xf32, #tpu.memory_space<hbm>>
      tpu.wait_indirect_dma semaphore(%arg17 : memref<!tpu.dma_semaphore, #tpu.memory_space<semaphore_mem>>) src(%dma_wait3A_846 : memref<10000x128xf32, #tpu.memory_space<hbm>>) dst(%arg11 : memref<80x128xf32, #tpu.memory_space<vmem>>)
      %dma_start3A_847 = arith.constant 7 : i32
      %dma_start3A_848 = arith.constant 0 : i32
      %dma_start3A_849 = tpu.memref_slice %arg9[%dma_start3A_847, %dma_start3A_848] : memref<8x80xi32, #tpu.memory_space<vmem>> -> memref<1x80xi32, #tpu.memory_space<vmem>>
      %dma_start3A_850 = tpu.memref_squeeze %dma_start3A_849 : memref<1x80xi32, #tpu.memory_space<vmem>> -> memref<80xi32, #tpu.memory_space<vmem>>
      %dma_start3A_851 = arith.constant 0 : i32
      %dma_start3A_852 = arith.constant 0 : i32
      %dma_start3A_853 = tpu.memref_slice %arg24[%dma_start3A_851, %dma_start3A_852] : memref<10240x128xf32, #tpu.memory_space<vmem_shared>> -> memref<10240x128xf32, #tpu.memory_space<vmem_shared>>
      tpu.enqueue_indirect_dma source(%arg11 : memref<80x128xf32, #tpu.memory_space<vmem>>) target(%dma_start3A_853 : memref<10240x128xf32, #tpu.memory_space<vmem_shared>>) offsets(%dma_start3A_850 : memref<80xi32, #tpu.memory_space<vmem>>) semaphore(%arg21 : memref<!tpu.dma_semaphore, #tpu.memory_space<semaphore_mem>>) {add = true}
      %dma_wait3A_854 = arith.constant 7 : i32
      %dma_wait3A_855 = arith.constant 0 : i32
      %dma_wait3A_856 = tpu.memref_slice %arg9[%dma_wait3A_854, %dma_wait3A_855] : memref<8x80xi32, #tpu.memory_space<vmem>> -> memref<1x80xi32, #tpu.memory_space<vmem>>
      %dma_wait3A_857 = tpu.memref_squeeze %dma_wait3A_856 : memref<1x80xi32, #tpu.memory_space<vmem>> -> memref<80xi32, #tpu.memory_space<vmem>>
      %dma_wait3A_858 = arith.constant 0 : i32
      %dma_wait3A_859 = arith.constant 0 : i32
      %dma_wait3A_860 = tpu.memref_slice %arg24[%dma_wait3A_858, %dma_wait3A_859] : memref<10240x128xf32, #tpu.memory_space<vmem_shared>> -> memref<10240x128xf32, #tpu.memory_space<vmem_shared>>
      tpu.wait_indirect_dma semaphore(%arg23 : memref<!tpu.dma_semaphore, #tpu.memory_space<semaphore_mem>>) src(%arg13 : memref<80x128xf32, #tpu.memory_space<vmem>>) dst(%dma_wait3A_860 : memref<10240x128xf32, #tpu.memory_space<vmem_shared>>)
      %dma_start3A_861 = arith.constant 1 : i32
      %dma_start3A_862 = arith.constant 0 : i32
      %dma_start3A_863 = tpu.memref_slice %arg6[%dma_start3A_861, %dma_start3A_862] : memref<8x80xi32, #tpu.memory_space<vmem>> -> memref<1x80xi32, #tpu.memory_space<vmem>>
      %dma_start3A_864 = tpu.memref_squeeze %dma_start3A_863 : memref<1x80xi32, #tpu.memory_space<vmem>> -> memref<80xi32, #tpu.memory_space<vmem>>
      %dma_start3A_865 = arith.constant 0 : i32
      %dma_start3A_866 = arith.constant 0 : i32
      %dma_start3A_867 = tpu.memref_slice %arg2[%dma_start3A_865, %dma_start3A_866] : memref<10000x128xf32, #tpu.memory_space<hbm>> -> memref<10000x128xf32, #tpu.memory_space<hbm>>
      tpu.enqueue_indirect_dma source(%dma_start3A_867 : memref<10000x128xf32, #tpu.memory_space<hbm>>) target(%arg13 : memref<80x128xf32, #tpu.memory_space<vmem>>) offsets(%dma_start3A_864 : memref<80xi32, #tpu.memory_space<vmem>>) semaphore(%arg19 : memref<!tpu.dma_semaphore, #tpu.memory_space<semaphore_mem>>)
      %add3A_868 = arith.constant 2 : i32
      %add3A_869 = arith.addi %add3A_581, %add3A_868 : i32
      %lt3A = arith.constant 16 : i32
      %lt3A_870 = arith.cmpi slt, %add3A_869, %lt3A : i32
      %convert_element_type3A = arith.extui %lt3A_870 : i1 to i32
      %cond3A = arith.constant 0 : i32
      %cond3A_871 = arith.cmpi ne, %convert_element_type3A, %cond3A : i32
      scf.if %cond3A_871 {
        %add3A_1170 = arith.constant 2 : i32
        %add3A_1171 = arith.addi %add3A_581, %add3A_1170 : i32
        %dma_start3A_1172 = arith.constant 0 : i32
        %dma_start3A_1173 = arith.constant 0 : i32
        %dma_start3A_1174 = tpu.memref_slice %arg3[%arg0, %arg1, %add3A_1171, %dma_start3A_1172, %dma_start3A_1173] : memref<2x16x16x8x80xi32, #tpu.memory_space<hbm>> -> memref<1x1x1x8x80xi32, #tpu.memory_space<hbm>>
        %dma_start3A_1175 = tpu.memref_squeeze %dma_start3A_1174 : memref<1x1x1x8x80xi32, #tpu.memory_space<hbm>> -> memref<8x80xi32, #tpu.memory_space<hbm>>
        %dma_start3A_1176 = arith.constant 0 : i32
        %dma_start3A_1177 = arith.constant 0 : i32
        %dma_start3A_1178 = tpu.memref_slice %arg3[%arg0, %arg1, %add3A_1171, %dma_start3A_1176, %dma_start3A_1177] : memref<2x16x16x8x80xi32, #tpu.memory_space<hbm>> -> memref<1x1x1x8x80xi32, #tpu.memory_space<hbm>>
        %dma_start3A_1179 = tpu.memref_squeeze %dma_start3A_1178 : memref<1x1x1x8x80xi32, #tpu.memory_space<hbm>> -> memref<8x80xi32, #tpu.memory_space<hbm>>
        tpu.enqueue_dma source(%dma_start3A_1179 : memref<8x80xi32, #tpu.memory_space<hbm>>) target(%arg7 : memref<8x80xi32, #tpu.memory_space<vmem>>) target_semaphore(%arg15 : memref<!tpu.dma_semaphore, #tpu.memory_space<semaphore_mem>>)
      } else {
      }
      %mul3A_872 = arith.constant 2 : i32
      %mul3A_873 = arith.muli %mul3A_872, %scan3A_576 : i32
      %add3A_874 = arith.constant 2 : i32
      %add3A_875 = arith.addi %mul3A_873, %add3A_874 : i32
      %mul3A_876 = arith.constant 8 : i32
      %mul3A_877 = arith.muli %add3A_875, %mul3A_876 : i32
      %add3A_878 = arith.constant 0 : i32
      %add3A_879 = arith.addi %mul3A_877, %add3A_878 : i32
      %dma_wait3A_880 = arith.constant 0 : i32
      %dma_wait3A_881 = arith.constant 0 : i32
      %dma_wait3A_882 = tpu.memref_slice %arg6[%dma_wait3A_880, %dma_wait3A_881] : memref<8x80xi32, #tpu.memory_space<vmem>> -> memref<1x80xi32, #tpu.memory_space<vmem>>
      %dma_wait3A_883 = tpu.memref_squeeze %dma_wait3A_882 : memref<1x80xi32, #tpu.memory_space<vmem>> -> memref<80xi32, #tpu.memory_space<vmem>>
      %dma_wait3A_884 = arith.constant 0 : i32
      %dma_wait3A_885 = arith.constant 0 : i32
      %dma_wait3A_886 = tpu.memref_slice %arg2[%dma_wait3A_884, %dma_wait3A_885] : memref<10000x128xf32, #tpu.memory_space<hbm>> -> memref<10000x128xf32, #tpu.memory_space<hbm>>
      tpu.wait_indirect_dma semaphore(%arg18 : memref<!tpu.dma_semaphore, #tpu.memory_space<semaphore_mem>>) src(%dma_wait3A_886 : memref<10000x128xf32, #tpu.memory_space<hbm>>) dst(%arg12 : memref<80x128xf32, #tpu.memory_space<vmem>>)
      %dma_start3A_887 = arith.constant 0 : i32
      %dma_start3A_888 = arith.constant 0 : i32
      %dma_start3A_889 = tpu.memref_slice %arg8[%dma_start3A_887, %dma_start3A_888] : memref<8x80xi32, #tpu.memory_space<vmem>> -> memref<1x80xi32, #tpu.memory_space<vmem>>
      %dma_start3A_890 = tpu.memref_squeeze %dma_start3A_889 : memref<1x80xi32, #tpu.memory_space<vmem>> -> memref<80xi32, #tpu.memory_space<vmem>>
      %dma_start3A_891 = arith.constant 0 : i32
      %dma_start3A_892 = arith.constant 0 : i32
      %dma_start3A_893 = tpu.memref_slice %arg24[%dma_start3A_891, %dma_start3A_892] : memref<10240x128xf32, #tpu.memory_space<vmem_shared>> -> memref<10240x128xf32, #tpu.memory_space<vmem_shared>>
      tpu.enqueue_indirect_dma source(%arg12 : memref<80x128xf32, #tpu.memory_space<vmem>>) target(%dma_start3A_893 : memref<10240x128xf32, #tpu.memory_space<vmem_shared>>) offsets(%dma_start3A_890 : memref<80xi32, #tpu.memory_space<vmem>>) semaphore(%arg22 : memref<!tpu.dma_semaphore, #tpu.memory_space<semaphore_mem>>) {add = true}
      %dma_wait3A_894 = arith.constant 0 : i32
      %dma_wait3A_895 = arith.constant 0 : i32
      %dma_wait3A_896 = tpu.memref_slice %arg8[%dma_wait3A_894, %dma_wait3A_895] : memref<8x80xi32, #tpu.memory_space<vmem>> -> memref<1x80xi32, #tpu.memory_space<vmem>>
      %dma_wait3A_897 = tpu.memref_squeeze %dma_wait3A_896 : memref<1x80xi32, #tpu.memory_space<vmem>> -> memref<80xi32, #tpu.memory_space<vmem>>
      %dma_wait3A_898 = arith.constant 0 : i32
      %dma_wait3A_899 = arith.constant 0 : i32
      %dma_wait3A_900 = tpu.memref_slice %arg24[%dma_wait3A_898, %dma_wait3A_899] : memref<10240x128xf32, #tpu.memory_space<vmem_shared>> -> memref<10240x128xf32, #tpu.memory_space<vmem_shared>>
      tpu.wait_indirect_dma semaphore(%arg20 : memref<!tpu.dma_semaphore, #tpu.memory_space<semaphore_mem>>) src(%arg10 : memref<80x128xf32, #tpu.memory_space<vmem>>) dst(%dma_wait3A_900 : memref<10240x128xf32, #tpu.memory_space<vmem_shared>>)
      %dma_start3A_901 = arith.constant 2 : i32
      %dma_start3A_902 = arith.constant 0 : i32
      %dma_start3A_903 = tpu.memref_slice %arg6[%dma_start3A_901, %dma_start3A_902] : memref<8x80xi32, #tpu.memory_space<vmem>> -> memref<1x80xi32, #tpu.memory_space<vmem>>
      %dma_start3A_904 = tpu.memref_squeeze %dma_start3A_903 : memref<1x80xi32, #tpu.memory_space<vmem>> -> memref<80xi32, #tpu.memory_space<vmem>>
      %dma_start3A_905 = arith.constant 0 : i32
      %dma_start3A_906 = arith.constant 0 : i32
      %dma_start3A_907 = tpu.memref_slice %arg2[%dma_start3A_905, %dma_start3A_906] : memref<10000x128xf32, #tpu.memory_space<hbm>> -> memref<10000x128xf32, #tpu.memory_space<hbm>>
      tpu.enqueue_indirect_dma source(%dma_start3A_907 : memref<10000x128xf32, #tpu.memory_space<hbm>>) target(%arg10 : memref<80x128xf32, #tpu.memory_space<vmem>>) offsets(%dma_start3A_904 : memref<80xi32, #tpu.memory_space<vmem>>) semaphore(%arg16 : memref<!tpu.dma_semaphore, #tpu.memory_space<semaphore_mem>>)
      %mul3A_908 = arith.constant 8 : i32
      %mul3A_909 = arith.muli %add3A_875, %mul3A_908 : i32
      %add3A_910 = arith.constant 1 : i32
      %add3A_911 = arith.addi %mul3A_909, %add3A_910 : i32
      %dma_wait3A_912 = arith.constant 1 : i32
      %dma_wait3A_913 = arith.constant 0 : i32
      %dma_wait3A_914 = tpu.memref_slice %arg6[%dma_wait3A_912, %dma_wait3A_913] : memref<8x80xi32, #tpu.memory_space<vmem>> -> memref<1x80xi32, #tpu.memory_space<vmem>>
      %dma_wait3A_915 = tpu.memref_squeeze %dma_wait3A_914 : memref<1x80xi32, #tpu.memory_space<vmem>> -> memref<80xi32, #tpu.memory_space<vmem>>
      %dma_wait3A_916 = arith.constant 0 : i32
      %dma_wait3A_917 = arith.constant 0 : i32
      %dma_wait3A_918 = tpu.memref_slice %arg2[%dma_wait3A_916, %dma_wait3A_917] : memref<10000x128xf32, #tpu.memory_space<hbm>> -> memref<10000x128xf32, #tpu.memory_space<hbm>>
      tpu.wait_indirect_dma semaphore(%arg19 : memref<!tpu.dma_semaphore, #tpu.memory_space<semaphore_mem>>) src(%dma_wait3A_918 : memref<10000x128xf32, #tpu.memory_space<hbm>>) dst(%arg13 : memref<80x128xf32, #tpu.memory_space<vmem>>)
      %dma_start3A_919 = arith.constant 1 : i32
      %dma_start3A_920 = arith.constant 0 : i32
      %dma_start3A_921 = tpu.memref_slice %arg8[%dma_start3A_919, %dma_start3A_920] : memref<8x80xi32, #tpu.memory_space<vmem>> -> memref<1x80xi32, #tpu.memory_space<vmem>>
      %dma_start3A_922 = tpu.memref_squeeze %dma_start3A_921 : memref<1x80xi32, #tpu.memory_space<vmem>> -> memref<80xi32, #tpu.memory_space<vmem>>
      %dma_start3A_923 = arith.constant 0 : i32
      %dma_start3A_924 = arith.constant 0 : i32
      %dma_start3A_925 = tpu.memref_slice %arg24[%dma_start3A_923, %dma_start3A_924] : memref<10240x128xf32, #tpu.memory_space<vmem_shared>> -> memref<10240x128xf32, #tpu.memory_space<vmem_shared>>
      tpu.enqueue_indirect_dma source(%arg13 : memref<80x128xf32, #tpu.memory_space<vmem>>) target(%dma_start3A_925 : memref<10240x128xf32, #tpu.memory_space<vmem_shared>>) offsets(%dma_start3A_922 : memref<80xi32, #tpu.memory_space<vmem>>) semaphore(%arg23 : memref<!tpu.dma_semaphore, #tpu.memory_space<semaphore_mem>>) {add = true}
      %dma_wait3A_926 = arith.constant 1 : i32
      %dma_wait3A_927 = arith.constant 0 : i32
      %dma_wait3A_928 = tpu.memref_slice %arg8[%dma_wait3A_926, %dma_wait3A_927] : memref<8x80xi32, #tpu.memory_space<vmem>> -> memref<1x80xi32, #tpu.memory_space<vmem>>
      %dma_wait3A_929 = tpu.memref_squeeze %dma_wait3A_928 : memref<1x80xi32, #tpu.memory_space<vmem>> -> memref<80xi32, #tpu.memory_space<vmem>>
      %dma_wait3A_930 = arith.constant 0 : i32
      %dma_wait3A_931 = arith.constant 0 : i32
      %dma_wait3A_932 = tpu.memref_slice %arg24[%dma_wait3A_930, %dma_wait3A_931] : memref<10240x128xf32, #tpu.memory_space<vmem_shared>> -> memref<10240x128xf32, #tpu.memory_space<vmem_shared>>
      tpu.wait_indirect_dma semaphore(%arg21 : memref<!tpu.dma_semaphore, #tpu.memory_space<semaphore_mem>>) src(%arg11 : memref<80x128xf32, #tpu.memory_space<vmem>>) dst(%dma_wait3A_932 : memref<10240x128xf32, #tpu.memory_space<vmem_shared>>)
      %dma_start3A_933 = arith.constant 3 : i32
      %dma_start3A_934 = arith.constant 0 : i32
      %dma_start3A_935 = tpu.memref_slice %arg6[%dma_start3A_933, %dma_start3A_934] : memref<8x80xi32, #tpu.memory_space<vmem>> -> memref<1x80xi32, #tpu.memory_space<vmem>>
      %dma_start3A_936 = tpu.memref_squeeze %dma_start3A_935 : memref<1x80xi32, #tpu.memory_space<vmem>> -> memref<80xi32, #tpu.memory_space<vmem>>
      %dma_start3A_937 = arith.constant 0 : i32
      %dma_start3A_938 = arith.constant 0 : i32
      %dma_start3A_939 = tpu.memref_slice %arg2[%dma_start3A_937, %dma_start3A_938] : memref<10000x128xf32, #tpu.memory_space<hbm>> -> memref<10000x128xf32, #tpu.memory_space<hbm>>
      tpu.enqueue_indirect_dma source(%dma_start3A_939 : memref<10000x128xf32, #tpu.memory_space<hbm>>) target(%arg11 : memref<80x128xf32, #tpu.memory_space<vmem>>) offsets(%dma_start3A_936 : memref<80xi32, #tpu.memory_space<vmem>>) semaphore(%arg17 : memref<!tpu.dma_semaphore, #tpu.memory_space<semaphore_mem>>)
      %mul3A_940 = arith.constant 8 : i32
      %mul3A_941 = arith.muli %add3A_875, %mul3A_940 : i32
      %add3A_942 = arith.constant 2 : i32
      %add3A_943 = arith.addi %mul3A_941, %add3A_942 : i32
      %add3A_944 = arith.constant 1 : i32
      %add3A_945 = arith.addi %add3A_875, %add3A_944 : i32
      %dma_start3A_946 = arith.constant 0 : i32
      %dma_start3A_947 = arith.constant 0 : i32
      %dma_start3A_948 = tpu.memref_slice %arg4[%arg0, %arg1, %add3A_945, %dma_start3A_946, %dma_start3A_947] : memref<2x16x16x8x80xi32, #tpu.memory_space<hbm>> -> memref<1x1x1x8x80xi32, #tpu.memory_space<hbm>>
      %dma_start3A_949 = tpu.memref_squeeze %dma_start3A_948 : memref<1x1x1x8x80xi32, #tpu.memory_space<hbm>> -> memref<8x80xi32, #tpu.memory_space<hbm>>
      %dma_start3A_950 = arith.constant 0 : i32
      %dma_start3A_951 = arith.constant 0 : i32
      %dma_start3A_952 = tpu.memref_slice %arg4[%arg0, %arg1, %add3A_945, %dma_start3A_950, %dma_start3A_951] : memref<2x16x16x8x80xi32, #tpu.memory_space<hbm>> -> memref<1x1x1x8x80xi32, #tpu.memory_space<hbm>>
      %dma_start3A_953 = tpu.memref_squeeze %dma_start3A_952 : memref<1x1x1x8x80xi32, #tpu.memory_space<hbm>> -> memref<8x80xi32, #tpu.memory_space<hbm>>
      tpu.enqueue_dma source(%dma_start3A_953 : memref<8x80xi32, #tpu.memory_space<hbm>>) target(%arg9 : memref<8x80xi32, #tpu.memory_space<vmem>>) target_semaphore(%arg15 : memref<!tpu.dma_semaphore, #tpu.memory_space<semaphore_mem>>)
      %dma_wait3A_954 = arith.constant 2 : i32
      %dma_wait3A_955 = arith.constant 0 : i32
      %dma_wait3A_956 = tpu.memref_slice %arg6[%dma_wait3A_954, %dma_wait3A_955] : memref<8x80xi32, #tpu.memory_space<vmem>> -> memref<1x80xi32, #tpu.memory_space<vmem>>
      %dma_wait3A_957 = tpu.memref_squeeze %dma_wait3A_956 : memref<1x80xi32, #tpu.memory_space<vmem>> -> memref<80xi32, #tpu.memory_space<vmem>>
      %dma_wait3A_958 = arith.constant 0 : i32
      %dma_wait3A_959 = arith.constant 0 : i32
      %dma_wait3A_960 = tpu.memref_slice %arg2[%dma_wait3A_958, %dma_wait3A_959] : memref<10000x128xf32, #tpu.memory_space<hbm>> -> memref<10000x128xf32, #tpu.memory_space<hbm>>
      tpu.wait_indirect_dma semaphore(%arg16 : memref<!tpu.dma_semaphore, #tpu.memory_space<semaphore_mem>>) src(%dma_wait3A_960 : memref<10000x128xf32, #tpu.memory_space<hbm>>) dst(%arg10 : memref<80x128xf32, #tpu.memory_space<vmem>>)
      %dma_start3A_961 = arith.constant 2 : i32
      %dma_start3A_962 = arith.constant 0 : i32
      %dma_start3A_963 = tpu.memref_slice %arg8[%dma_start3A_961, %dma_start3A_962] : memref<8x80xi32, #tpu.memory_space<vmem>> -> memref<1x80xi32, #tpu.memory_space<vmem>>
      %dma_start3A_964 = tpu.memref_squeeze %dma_start3A_963 : memref<1x80xi32, #tpu.memory_space<vmem>> -> memref<80xi32, #tpu.memory_space<vmem>>
      %dma_start3A_965 = arith.constant 0 : i32
      %dma_start3A_966 = arith.constant 0 : i32
      %dma_start3A_967 = tpu.memref_slice %arg24[%dma_start3A_965, %dma_start3A_966] : memref<10240x128xf32, #tpu.memory_space<vmem_shared>> -> memref<10240x128xf32, #tpu.memory_space<vmem_shared>>
      tpu.enqueue_indirect_dma source(%arg10 : memref<80x128xf32, #tpu.memory_space<vmem>>) target(%dma_start3A_967 : memref<10240x128xf32, #tpu.memory_space<vmem_shared>>) offsets(%dma_start3A_964 : memref<80xi32, #tpu.memory_space<vmem>>) semaphore(%arg20 : memref<!tpu.dma_semaphore, #tpu.memory_space<semaphore_mem>>) {add = true}
      %dma_wait3A_968 = arith.constant 2 : i32
      %dma_wait3A_969 = arith.constant 0 : i32
      %dma_wait3A_970 = tpu.memref_slice %arg8[%dma_wait3A_968, %dma_wait3A_969] : memref<8x80xi32, #tpu.memory_space<vmem>> -> memref<1x80xi32, #tpu.memory_space<vmem>>
      %dma_wait3A_971 = tpu.memref_squeeze %dma_wait3A_970 : memref<1x80xi32, #tpu.memory_space<vmem>> -> memref<80xi32, #tpu.memory_space<vmem>>
      %dma_wait3A_972 = arith.constant 0 : i32
      %dma_wait3A_973 = arith.constant 0 : i32
      %dma_wait3A_974 = tpu.memref_slice %arg24[%dma_wait3A_972, %dma_wait3A_973] : memref<10240x128xf32, #tpu.memory_space<vmem_shared>> -> memref<10240x128xf32, #tpu.memory_space<vmem_shared>>
      tpu.wait_indirect_dma semaphore(%arg22 : memref<!tpu.dma_semaphore, #tpu.memory_space<semaphore_mem>>) src(%arg12 : memref<80x128xf32, #tpu.memory_space<vmem>>) dst(%dma_wait3A_974 : memref<10240x128xf32, #tpu.memory_space<vmem_shared>>)
      %dma_start3A_975 = arith.constant 4 : i32
      %dma_start3A_976 = arith.constant 0 : i32
      %dma_start3A_977 = tpu.memref_slice %arg6[%dma_start3A_975, %dma_start3A_976] : memref<8x80xi32, #tpu.memory_space<vmem>> -> memref<1x80xi32, #tpu.memory_space<vmem>>
      %dma_start3A_978 = tpu.memref_squeeze %dma_start3A_977 : memref<1x80xi32, #tpu.memory_space<vmem>> -> memref<80xi32, #tpu.memory_space<vmem>>
      %dma_start3A_979 = arith.constant 0 : i32
      %dma_start3A_980 = arith.constant 0 : i32
      %dma_start3A_981 = tpu.memref_slice %arg2[%dma_start3A_979, %dma_start3A_980] : memref<10000x128xf32, #tpu.memory_space<hbm>> -> memref<10000x128xf32, #tpu.memory_space<hbm>>
      tpu.enqueue_indirect_dma source(%dma_start3A_981 : memref<10000x128xf32, #tpu.memory_space<hbm>>) target(%arg12 : memref<80x128xf32, #tpu.memory_space<vmem>>) offsets(%dma_start3A_978 : memref<80xi32, #tpu.memory_space<vmem>>) semaphore(%arg18 : memref<!tpu.dma_semaphore, #tpu.memory_space<semaphore_mem>>)
      %mul3A_982 = arith.constant 8 : i32
      %mul3A_983 = arith.muli %add3A_875, %mul3A_982 : i32
      %add3A_984 = arith.constant 3 : i32
      %add3A_985 = arith.addi %mul3A_983, %add3A_984 : i32
      %dma_wait3A_986 = arith.constant 3 : i32
      %dma_wait3A_987 = arith.constant 0 : i32
      %dma_wait3A_988 = tpu.memref_slice %arg6[%dma_wait3A_986, %dma_wait3A_987] : memref<8x80xi32, #tpu.memory_space<vmem>> -> memref<1x80xi32, #tpu.memory_space<vmem>>
      %dma_wait3A_989 = tpu.memref_squeeze %dma_wait3A_988 : memref<1x80xi32, #tpu.memory_space<vmem>> -> memref<80xi32, #tpu.memory_space<vmem>>
      %dma_wait3A_990 = arith.constant 0 : i32
      %dma_wait3A_991 = arith.constant 0 : i32
      %dma_wait3A_992 = tpu.memref_slice %arg2[%dma_wait3A_990, %dma_wait3A_991] : memref<10000x128xf32, #tpu.memory_space<hbm>> -> memref<10000x128xf32, #tpu.memory_space<hbm>>
      tpu.wait_indirect_dma semaphore(%arg17 : memref<!tpu.dma_semaphore, #tpu.memory_space<semaphore_mem>>) src(%dma_wait3A_992 : memref<10000x128xf32, #tpu.memory_space<hbm>>) dst(%arg11 : memref<80x128xf32, #tpu.memory_space<vmem>>)
      %dma_start3A_993 = arith.constant 3 : i32
      %dma_start3A_994 = arith.constant 0 : i32
      %dma_start3A_995 = tpu.memref_slice %arg8[%dma_start3A_993, %dma_start3A_994] : memref<8x80xi32, #tpu.memory_space<vmem>> -> memref<1x80xi32, #tpu.memory_space<vmem>>
      %dma_start3A_996 = tpu.memref_squeeze %dma_start3A_995 : memref<1x80xi32, #tpu.memory_space<vmem>> -> memref<80xi32, #tpu.memory_space<vmem>>
      %dma_start3A_997 = arith.constant 0 : i32
      %dma_start3A_998 = arith.constant 0 : i32
      %dma_start3A_999 = tpu.memref_slice %arg24[%dma_start3A_997, %dma_start3A_998] : memref<10240x128xf32, #tpu.memory_space<vmem_shared>> -> memref<10240x128xf32, #tpu.memory_space<vmem_shared>>
      tpu.enqueue_indirect_dma source(%arg11 : memref<80x128xf32, #tpu.memory_space<vmem>>) target(%dma_start3A_999 : memref<10240x128xf32, #tpu.memory_space<vmem_shared>>) offsets(%dma_start3A_996 : memref<80xi32, #tpu.memory_space<vmem>>) semaphore(%arg21 : memref<!tpu.dma_semaphore, #tpu.memory_space<semaphore_mem>>) {add = true}
      %dma_wait3A_1000 = arith.constant 3 : i32
      %dma_wait3A_1001 = arith.constant 0 : i32
      %dma_wait3A_1002 = tpu.memref_slice %arg8[%dma_wait3A_1000, %dma_wait3A_1001] : memref<8x80xi32, #tpu.memory_space<vmem>> -> memref<1x80xi32, #tpu.memory_space<vmem>>
      %dma_wait3A_1003 = tpu.memref_squeeze %dma_wait3A_1002 : memref<1x80xi32, #tpu.memory_space<vmem>> -> memref<80xi32, #tpu.memory_space<vmem>>
      %dma_wait3A_1004 = arith.constant 0 : i32
      %dma_wait3A_1005 = arith.constant 0 : i32
      %dma_wait3A_1006 = tpu.memref_slice %arg24[%dma_wait3A_1004, %dma_wait3A_1005] : memref<10240x128xf32, #tpu.memory_space<vmem_shared>> -> memref<10240x128xf32, #tpu.memory_space<vmem_shared>>
      tpu.wait_indirect_dma semaphore(%arg23 : memref<!tpu.dma_semaphore, #tpu.memory_space<semaphore_mem>>) src(%arg13 : memref<80x128xf32, #tpu.memory_space<vmem>>) dst(%dma_wait3A_1006 : memref<10240x128xf32, #tpu.memory_space<vmem_shared>>)
      %dma_start3A_1007 = arith.constant 5 : i32
      %dma_start3A_1008 = arith.constant 0 : i32
      %dma_start3A_1009 = tpu.memref_slice %arg6[%dma_start3A_1007, %dma_start3A_1008] : memref<8x80xi32, #tpu.memory_space<vmem>> -> memref<1x80xi32, #tpu.memory_space<vmem>>
      %dma_start3A_1010 = tpu.memref_squeeze %dma_start3A_1009 : memref<1x80xi32, #tpu.memory_space<vmem>> -> memref<80xi32, #tpu.memory_space<vmem>>
      %dma_start3A_1011 = arith.constant 0 : i32
      %dma_start3A_1012 = arith.constant 0 : i32
      %dma_start3A_1013 = tpu.memref_slice %arg2[%dma_start3A_1011, %dma_start3A_1012] : memref<10000x128xf32, #tpu.memory_space<hbm>> -> memref<10000x128xf32, #tpu.memory_space<hbm>>
      tpu.enqueue_indirect_dma source(%dma_start3A_1013 : memref<10000x128xf32, #tpu.memory_space<hbm>>) target(%arg13 : memref<80x128xf32, #tpu.memory_space<vmem>>) offsets(%dma_start3A_1010 : memref<80xi32, #tpu.memory_space<vmem>>) semaphore(%arg19 : memref<!tpu.dma_semaphore, #tpu.memory_space<semaphore_mem>>)
      %mul3A_1014 = arith.constant 8 : i32
      %mul3A_1015 = arith.muli %add3A_875, %mul3A_1014 : i32
      %add3A_1016 = arith.constant 4 : i32
      %add3A_1017 = arith.addi %mul3A_1015, %add3A_1016 : i32
      %dma_wait3A_1018 = arith.constant 4 : i32
      %dma_wait3A_1019 = arith.constant 0 : i32
      %dma_wait3A_1020 = tpu.memref_slice %arg6[%dma_wait3A_1018, %dma_wait3A_1019] : memref<8x80xi32, #tpu.memory_space<vmem>> -> memref<1x80xi32, #tpu.memory_space<vmem>>
      %dma_wait3A_1021 = tpu.memref_squeeze %dma_wait3A_1020 : memref<1x80xi32, #tpu.memory_space<vmem>> -> memref<80xi32, #tpu.memory_space<vmem>>
      %dma_wait3A_1022 = arith.constant 0 : i32
      %dma_wait3A_1023 = arith.constant 0 : i32
      %dma_wait3A_1024 = tpu.memref_slice %arg2[%dma_wait3A_1022, %dma_wait3A_1023] : memref<10000x128xf32, #tpu.memory_space<hbm>> -> memref<10000x128xf32, #tpu.memory_space<hbm>>
      tpu.wait_indirect_dma semaphore(%arg18 : memref<!tpu.dma_semaphore, #tpu.memory_space<semaphore_mem>>) src(%dma_wait3A_1024 : memref<10000x128xf32, #tpu.memory_space<hbm>>) dst(%arg12 : memref<80x128xf32, #tpu.memory_space<vmem>>)
      %dma_start3A_1025 = arith.constant 4 : i32
      %dma_start3A_1026 = arith.constant 0 : i32
      %dma_start3A_1027 = tpu.memref_slice %arg8[%dma_start3A_1025, %dma_start3A_1026] : memref<8x80xi32, #tpu.memory_space<vmem>> -> memref<1x80xi32, #tpu.memory_space<vmem>>
      %dma_start3A_1028 = tpu.memref_squeeze %dma_start3A_1027 : memref<1x80xi32, #tpu.memory_space<vmem>> -> memref<80xi32, #tpu.memory_space<vmem>>
      %dma_start3A_1029 = arith.constant 0 : i32
      %dma_start3A_1030 = arith.constant 0 : i32
      %dma_start3A_1031 = tpu.memref_slice %arg24[%dma_start3A_1029, %dma_start3A_1030] : memref<10240x128xf32, #tpu.memory_space<vmem_shared>> -> memref<10240x128xf32, #tpu.memory_space<vmem_shared>>
      tpu.enqueue_indirect_dma source(%arg12 : memref<80x128xf32, #tpu.memory_space<vmem>>) target(%dma_start3A_1031 : memref<10240x128xf32, #tpu.memory_space<vmem_shared>>) offsets(%dma_start3A_1028 : memref<80xi32, #tpu.memory_space<vmem>>) semaphore(%arg22 : memref<!tpu.dma_semaphore, #tpu.memory_space<semaphore_mem>>) {add = true}
      %dma_wait3A_1032 = arith.constant 4 : i32
      %dma_wait3A_1033 = arith.constant 0 : i32
      %dma_wait3A_1034 = tpu.memref_slice %arg8[%dma_wait3A_1032, %dma_wait3A_1033] : memref<8x80xi32, #tpu.memory_space<vmem>> -> memref<1x80xi32, #tpu.memory_space<vmem>>
      %dma_wait3A_1035 = tpu.memref_squeeze %dma_wait3A_1034 : memref<1x80xi32, #tpu.memory_space<vmem>> -> memref<80xi32, #tpu.memory_space<vmem>>
      %dma_wait3A_1036 = arith.constant 0 : i32
      %dma_wait3A_1037 = arith.constant 0 : i32
      %dma_wait3A_1038 = tpu.memref_slice %arg24[%dma_wait3A_1036, %dma_wait3A_1037] : memref<10240x128xf32, #tpu.memory_space<vmem_shared>> -> memref<10240x128xf32, #tpu.memory_space<vmem_shared>>
      tpu.wait_indirect_dma semaphore(%arg20 : memref<!tpu.dma_semaphore, #tpu.memory_space<semaphore_mem>>) src(%arg10 : memref<80x128xf32, #tpu.memory_space<vmem>>) dst(%dma_wait3A_1038 : memref<10240x128xf32, #tpu.memory_space<vmem_shared>>)
      %dma_start3A_1039 = arith.constant 6 : i32
      %dma_start3A_1040 = arith.constant 0 : i32
      %dma_start3A_1041 = tpu.memref_slice %arg6[%dma_start3A_1039, %dma_start3A_1040] : memref<8x80xi32, #tpu.memory_space<vmem>> -> memref<1x80xi32, #tpu.memory_space<vmem>>
      %dma_start3A_1042 = tpu.memref_squeeze %dma_start3A_1041 : memref<1x80xi32, #tpu.memory_space<vmem>> -> memref<80xi32, #tpu.memory_space<vmem>>
      %dma_start3A_1043 = arith.constant 0 : i32
      %dma_start3A_1044 = arith.constant 0 : i32
      %dma_start3A_1045 = tpu.memref_slice %arg2[%dma_start3A_1043, %dma_start3A_1044] : memref<10000x128xf32, #tpu.memory_space<hbm>> -> memref<10000x128xf32, #tpu.memory_space<hbm>>
      tpu.enqueue_indirect_dma source(%dma_start3A_1045 : memref<10000x128xf32, #tpu.memory_space<hbm>>) target(%arg10 : memref<80x128xf32, #tpu.memory_space<vmem>>) offsets(%dma_start3A_1042 : memref<80xi32, #tpu.memory_space<vmem>>) semaphore(%arg16 : memref<!tpu.dma_semaphore, #tpu.memory_space<semaphore_mem>>)
      %mul3A_1046 = arith.constant 8 : i32
      %mul3A_1047 = arith.muli %add3A_875, %mul3A_1046 : i32
      %add3A_1048 = arith.constant 5 : i32
      %add3A_1049 = arith.addi %mul3A_1047, %add3A_1048 : i32
      %add3A_1050 = arith.constant 1 : i32
      %add3A_1051 = arith.addi %add3A_875, %add3A_1050 : i32
      %dma_wait3A_1052 = arith.constant 0 : i32
      %dma_wait3A_1053 = arith.constant 0 : i32
      %dma_wait3A_1054 = tpu.memref_slice %arg3[%arg0, %arg1, %add3A_1051, %dma_wait3A_1052, %dma_wait3A_1053] : memref<2x16x16x8x80xi32, #tpu.memory_space<hbm>> -> memref<1x1x1x8x80xi32, #tpu.memory_space<hbm>>
      %dma_wait3A_1055 = tpu.memref_squeeze %dma_wait3A_1054 : memref<1x1x1x8x80xi32, #tpu.memory_space<hbm>> -> memref<8x80xi32, #tpu.memory_space<hbm>>
      %dma_wait3A_1056 = arith.constant 0 : i32
      %dma_wait3A_1057 = arith.constant 0 : i32
      %dma_wait3A_1058 = tpu.memref_slice %arg3[%arg0, %arg1, %add3A_1051, %dma_wait3A_1056, %dma_wait3A_1057] : memref<2x16x16x8x80xi32, #tpu.memory_space<hbm>> -> memref<1x1x1x8x80xi32, #tpu.memory_space<hbm>>
      %dma_wait3A_1059 = tpu.memref_squeeze %dma_wait3A_1058 : memref<1x1x1x8x80xi32, #tpu.memory_space<hbm>> -> memref<8x80xi32, #tpu.memory_space<hbm>>
      tpu.wait_dma2 semaphore(%arg15 : memref<!tpu.dma_semaphore, #tpu.memory_space<semaphore_mem>>) src(%dma_wait3A_1059 : memref<8x80xi32, #tpu.memory_space<hbm>>) dst(%arg7 : memref<8x80xi32, #tpu.memory_space<vmem>>)
      %add3A_1060 = arith.constant 1 : i32
      %add3A_1061 = arith.addi %add3A_875, %add3A_1060 : i32
      %dma_wait3A_1062 = arith.constant 0 : i32
      %dma_wait3A_1063 = arith.constant 0 : i32
      %dma_wait3A_1064 = tpu.memref_slice %arg4[%arg0, %arg1, %add3A_1061, %dma_wait3A_1062, %dma_wait3A_1063] : memref<2x16x16x8x80xi32, #tpu.memory_space<hbm>> -> memref<1x1x1x8x80xi32, #tpu.memory_space<hbm>>
      %dma_wait3A_1065 = tpu.memref_squeeze %dma_wait3A_1064 : memref<1x1x1x8x80xi32, #tpu.memory_space<hbm>> -> memref<8x80xi32, #tpu.memory_space<hbm>>
      %dma_wait3A_1066 = arith.constant 0 : i32
      %dma_wait3A_1067 = arith.constant 0 : i32
      %dma_wait3A_1068 = tpu.memref_slice %arg4[%arg0, %arg1, %add3A_1061, %dma_wait3A_1066, %dma_wait3A_1067] : memref<2x16x16x8x80xi32, #tpu.memory_space<hbm>> -> memref<1x1x1x8x80xi32, #tpu.memory_space<hbm>>
      %dma_wait3A_1069 = tpu.memref_squeeze %dma_wait3A_1068 : memref<1x1x1x8x80xi32, #tpu.memory_space<hbm>> -> memref<8x80xi32, #tpu.memory_space<hbm>>
      tpu.wait_dma2 semaphore(%arg15 : memref<!tpu.dma_semaphore, #tpu.memory_space<semaphore_mem>>) src(%dma_wait3A_1069 : memref<8x80xi32, #tpu.memory_space<hbm>>) dst(%arg9 : memref<8x80xi32, #tpu.memory_space<vmem>>)
      %dma_wait3A_1070 = arith.constant 5 : i32
      %dma_wait3A_1071 = arith.constant 0 : i32
      %dma_wait3A_1072 = tpu.memref_slice %arg6[%dma_wait3A_1070, %dma_wait3A_1071] : memref<8x80xi32, #tpu.memory_space<vmem>> -> memref<1x80xi32, #tpu.memory_space<vmem>>
      %dma_wait3A_1073 = tpu.memref_squeeze %dma_wait3A_1072 : memref<1x80xi32, #tpu.memory_space<vmem>> -> memref<80xi32, #tpu.memory_space<vmem>>
      %dma_wait3A_1074 = arith.constant 0 : i32
      %dma_wait3A_1075 = arith.constant 0 : i32
      %dma_wait3A_1076 = tpu.memref_slice %arg2[%dma_wait3A_1074, %dma_wait3A_1075] : memref<10000x128xf32, #tpu.memory_space<hbm>> -> memref<10000x128xf32, #tpu.memory_space<hbm>>
      tpu.wait_indirect_dma semaphore(%arg19 : memref<!tpu.dma_semaphore, #tpu.memory_space<semaphore_mem>>) src(%dma_wait3A_1076 : memref<10000x128xf32, #tpu.memory_space<hbm>>) dst(%arg13 : memref<80x128xf32, #tpu.memory_space<vmem>>)
      %dma_start3A_1077 = arith.constant 5 : i32
      %dma_start3A_1078 = arith.constant 0 : i32
      %dma_start3A_1079 = tpu.memref_slice %arg8[%dma_start3A_1077, %dma_start3A_1078] : memref<8x80xi32, #tpu.memory_space<vmem>> -> memref<1x80xi32, #tpu.memory_space<vmem>>
      %dma_start3A_1080 = tpu.memref_squeeze %dma_start3A_1079 : memref<1x80xi32, #tpu.memory_space<vmem>> -> memref<80xi32, #tpu.memory_space<vmem>>
      %dma_start3A_1081 = arith.constant 0 : i32
      %dma_start3A_1082 = arith.constant 0 : i32
      %dma_start3A_1083 = tpu.memref_slice %arg24[%dma_start3A_1081, %dma_start3A_1082] : memref<10240x128xf32, #tpu.memory_space<vmem_shared>> -> memref<10240x128xf32, #tpu.memory_space<vmem_shared>>
      tpu.enqueue_indirect_dma source(%arg13 : memref<80x128xf32, #tpu.memory_space<vmem>>) target(%dma_start3A_1083 : memref<10240x128xf32, #tpu.memory_space<vmem_shared>>) offsets(%dma_start3A_1080 : memref<80xi32, #tpu.memory_space<vmem>>) semaphore(%arg23 : memref<!tpu.dma_semaphore, #tpu.memory_space<semaphore_mem>>) {add = true}
      %dma_wait3A_1084 = arith.constant 5 : i32
      %dma_wait3A_1085 = arith.constant 0 : i32
      %dma_wait3A_1086 = tpu.memref_slice %arg8[%dma_wait3A_1084, %dma_wait3A_1085] : memref<8x80xi32, #tpu.memory_space<vmem>> -> memref<1x80xi32, #tpu.memory_space<vmem>>
      %dma_wait3A_1087 = tpu.memref_squeeze %dma_wait3A_1086 : memref<1x80xi32, #tpu.memory_space<vmem>> -> memref<80xi32, #tpu.memory_space<vmem>>
      %dma_wait3A_1088 = arith.constant 0 : i32
      %dma_wait3A_1089 = arith.constant 0 : i32
      %dma_wait3A_1090 = tpu.memref_slice %arg24[%dma_wait3A_1088, %dma_wait3A_1089] : memref<10240x128xf32, #tpu.memory_space<vmem_shared>> -> memref<10240x128xf32, #tpu.memory_space<vmem_shared>>
      tpu.wait_indirect_dma semaphore(%arg21 : memref<!tpu.dma_semaphore, #tpu.memory_space<semaphore_mem>>) src(%arg11 : memref<80x128xf32, #tpu.memory_space<vmem>>) dst(%dma_wait3A_1090 : memref<10240x128xf32, #tpu.memory_space<vmem_shared>>)
      %dma_start3A_1091 = arith.constant 7 : i32
      %dma_start3A_1092 = arith.constant 0 : i32
      %dma_start3A_1093 = tpu.memref_slice %arg6[%dma_start3A_1091, %dma_start3A_1092] : memref<8x80xi32, #tpu.memory_space<vmem>> -> memref<1x80xi32, #tpu.memory_space<vmem>>
      %dma_start3A_1094 = tpu.memref_squeeze %dma_start3A_1093 : memref<1x80xi32, #tpu.memory_space<vmem>> -> memref<80xi32, #tpu.memory_space<vmem>>
      %dma_start3A_1095 = arith.constant 0 : i32
      %dma_start3A_1096 = arith.constant 0 : i32
      %dma_start3A_1097 = tpu.memref_slice %arg2[%dma_start3A_1095, %dma_start3A_1096] : memref<10000x128xf32, #tpu.memory_space<hbm>> -> memref<10000x128xf32, #tpu.memory_space<hbm>>
      tpu.enqueue_indirect_dma source(%dma_start3A_1097 : memref<10000x128xf32, #tpu.memory_space<hbm>>) target(%arg11 : memref<80x128xf32, #tpu.memory_space<vmem>>) offsets(%dma_start3A_1094 : memref<80xi32, #tpu.memory_space<vmem>>) semaphore(%arg17 : memref<!tpu.dma_semaphore, #tpu.memory_space<semaphore_mem>>)
      %mul3A_1098 = arith.constant 8 : i32
      %mul3A_1099 = arith.muli %add3A_875, %mul3A_1098 : i32
      %add3A_1100 = arith.constant 6 : i32
      %add3A_1101 = arith.addi %mul3A_1099, %add3A_1100 : i32
      %dma_wait3A_1102 = arith.constant 6 : i32
      %dma_wait3A_1103 = arith.constant 0 : i32
      %dma_wait3A_1104 = tpu.memref_slice %arg6[%dma_wait3A_1102, %dma_wait3A_1103] : memref<8x80xi32, #tpu.memory_space<vmem>> -> memref<1x80xi32, #tpu.memory_space<vmem>>
      %dma_wait3A_1105 = tpu.memref_squeeze %dma_wait3A_1104 : memref<1x80xi32, #tpu.memory_space<vmem>> -> memref<80xi32, #tpu.memory_space<vmem>>
      %dma_wait3A_1106 = arith.constant 0 : i32
      %dma_wait3A_1107 = arith.constant 0 : i32
      %dma_wait3A_1108 = tpu.memref_slice %arg2[%dma_wait3A_1106, %dma_wait3A_1107] : memref<10000x128xf32, #tpu.memory_space<hbm>> -> memref<10000x128xf32, #tpu.memory_space<hbm>>
      tpu.wait_indirect_dma semaphore(%arg16 : memref<!tpu.dma_semaphore, #tpu.memory_space<semaphore_mem>>) src(%dma_wait3A_1108 : memref<10000x128xf32, #tpu.memory_space<hbm>>) dst(%arg10 : memref<80x128xf32, #tpu.memory_space<vmem>>)
      %dma_start3A_1109 = arith.constant 6 : i32
      %dma_start3A_1110 = arith.constant 0 : i32
      %dma_start3A_1111 = tpu.memref_slice %arg8[%dma_start3A_1109, %dma_start3A_1110] : memref<8x80xi32, #tpu.memory_space<vmem>> -> memref<1x80xi32, #tpu.memory_space<vmem>>
      %dma_start3A_1112 = tpu.memref_squeeze %dma_start3A_1111 : memref<1x80xi32, #tpu.memory_space<vmem>> -> memref<80xi32, #tpu.memory_space<vmem>>
      %dma_start3A_1113 = arith.constant 0 : i32
      %dma_start3A_1114 = arith.constant 0 : i32
      %dma_start3A_1115 = tpu.memref_slice %arg24[%dma_start3A_1113, %dma_start3A_1114] : memref<10240x128xf32, #tpu.memory_space<vmem_shared>> -> memref<10240x128xf32, #tpu.memory_space<vmem_shared>>
      tpu.enqueue_indirect_dma source(%arg10 : memref<80x128xf32, #tpu.memory_space<vmem>>) target(%dma_start3A_1115 : memref<10240x128xf32, #tpu.memory_space<vmem_shared>>) offsets(%dma_start3A_1112 : memref<80xi32, #tpu.memory_space<vmem>>) semaphore(%arg20 : memref<!tpu.dma_semaphore, #tpu.memory_space<semaphore_mem>>) {add = true}
      %dma_wait3A_1116 = arith.constant 6 : i32
      %dma_wait3A_1117 = arith.constant 0 : i32
      %dma_wait3A_1118 = tpu.memref_slice %arg8[%dma_wait3A_1116, %dma_wait3A_1117] : memref<8x80xi32, #tpu.memory_space<vmem>> -> memref<1x80xi32, #tpu.memory_space<vmem>>
      %dma_wait3A_1119 = tpu.memref_squeeze %dma_wait3A_1118 : memref<1x80xi32, #tpu.memory_space<vmem>> -> memref<80xi32, #tpu.memory_space<vmem>>
      %dma_wait3A_1120 = arith.constant 0 : i32
      %dma_wait3A_1121 = arith.constant 0 : i32
      %dma_wait3A_1122 = tpu.memref_slice %arg24[%dma_wait3A_1120, %dma_wait3A_1121] : memref<10240x128xf32, #tpu.memory_space<vmem_shared>> -> memref<10240x128xf32, #tpu.memory_space<vmem_shared>>
      tpu.wait_indirect_dma semaphore(%arg22 : memref<!tpu.dma_semaphore, #tpu.memory_space<semaphore_mem>>) src(%arg12 : memref<80x128xf32, #tpu.memory_space<vmem>>) dst(%dma_wait3A_1122 : memref<10240x128xf32, #tpu.memory_space<vmem_shared>>)
      %dma_start3A_1123 = arith.constant 0 : i32
      %dma_start3A_1124 = arith.constant 0 : i32
      %dma_start3A_1125 = tpu.memref_slice %arg7[%dma_start3A_1123, %dma_start3A_1124] : memref<8x80xi32, #tpu.memory_space<vmem>> -> memref<1x80xi32, #tpu.memory_space<vmem>>
      %dma_start3A_1126 = tpu.memref_squeeze %dma_start3A_1125 : memref<1x80xi32, #tpu.memory_space<vmem>> -> memref<80xi32, #tpu.memory_space<vmem>>
      %dma_start3A_1127 = arith.constant 0 : i32
      %dma_start3A_1128 = arith.constant 0 : i32
      %dma_start3A_1129 = tpu.memref_slice %arg2[%dma_start3A_1127, %dma_start3A_1128] : memref<10000x128xf32, #tpu.memory_space<hbm>> -> memref<10000x128xf32, #tpu.memory_space<hbm>>
      tpu.enqueue_indirect_dma source(%dma_start3A_1129 : memref<10000x128xf32, #tpu.memory_space<hbm>>) target(%arg12 : memref<80x128xf32, #tpu.memory_space<vmem>>) offsets(%dma_start3A_1126 : memref<80xi32, #tpu.memory_space<vmem>>) semaphore(%arg18 : memref<!tpu.dma_semaphore, #tpu.memory_space<semaphore_mem>>)
      %mul3A_1130 = arith.constant 8 : i32
      %mul3A_1131 = arith.muli %add3A_875, %mul3A_1130 : i32
      %add3A_1132 = arith.constant 7 : i32
      %add3A_1133 = arith.addi %mul3A_1131, %add3A_1132 : i32
      %dma_wait3A_1134 = arith.constant 7 : i32
      %dma_wait3A_1135 = arith.constant 0 : i32
      %dma_wait3A_1136 = tpu.memref_slice %arg6[%dma_wait3A_1134, %dma_wait3A_1135] : memref<8x80xi32, #tpu.memory_space<vmem>> -> memref<1x80xi32, #tpu.memory_space<vmem>>
      %dma_wait3A_1137 = tpu.memref_squeeze %dma_wait3A_1136 : memref<1x80xi32, #tpu.memory_space<vmem>> -> memref<80xi32, #tpu.memory_space<vmem>>
      %dma_wait3A_1138 = arith.constant 0 : i32
      %dma_wait3A_1139 = arith.constant 0 : i32
      %dma_wait3A_1140 = tpu.memref_slice %arg2[%dma_wait3A_1138, %dma_wait3A_1139] : memref<10000x128xf32, #tpu.memory_space<hbm>> -> memref<10000x128xf32, #tpu.memory_space<hbm>>
      tpu.wait_indirect_dma semaphore(%arg17 : memref<!tpu.dma_semaphore, #tpu.memory_space<semaphore_mem>>) src(%dma_wait3A_1140 : memref<10000x128xf32, #tpu.memory_space<hbm>>) dst(%arg11 : memref<80x128xf32, #tpu.memory_space<vmem>>)
      %dma_start3A_1141 = arith.constant 7 : i32
      %dma_start3A_1142 = arith.constant 0 : i32
      %dma_start3A_1143 = tpu.memref_slice %arg8[%dma_start3A_1141, %dma_start3A_1142] : memref<8x80xi32, #tpu.memory_space<vmem>> -> memref<1x80xi32, #tpu.memory_space<vmem>>
      %dma_start3A_1144 = tpu.memref_squeeze %dma_start3A_1143 : memref<1x80xi32, #tpu.memory_space<vmem>> -> memref<80xi32, #tpu.memory_space<vmem>>
      %dma_start3A_1145 = arith.constant 0 : i32
      %dma_start3A_1146 = arith.constant 0 : i32
      %dma_start3A_1147 = tpu.memref_slice %arg24[%dma_start3A_1145, %dma_start3A_1146] : memref<10240x128xf32, #tpu.memory_space<vmem_shared>> -> memref<10240x128xf32, #tpu.memory_space<vmem_shared>>
      tpu.enqueue_indirect_dma source(%arg11 : memref<80x128xf32, #tpu.memory_space<vmem>>) target(%dma_start3A_1147 : memref<10240x128xf32, #tpu.memory_space<vmem_shared>>) offsets(%dma_start3A_1144 : memref<80xi32, #tpu.memory_space<vmem>>) semaphore(%arg21 : memref<!tpu.dma_semaphore, #tpu.memory_space<semaphore_mem>>) {add = true}
      %dma_wait3A_1148 = arith.constant 7 : i32
      %dma_wait3A_1149 = arith.constant 0 : i32
      %dma_wait3A_1150 = tpu.memref_slice %arg8[%dma_wait3A_1148, %dma_wait3A_1149] : memref<8x80xi32, #tpu.memory_space<vmem>> -> memref<1x80xi32, #tpu.memory_space<vmem>>
      %dma_wait3A_1151 = tpu.memref_squeeze %dma_wait3A_1150 : memref<1x80xi32, #tpu.memory_space<vmem>> -> memref<80xi32, #tpu.memory_space<vmem>>
      %dma_wait3A_1152 = arith.constant 0 : i32
      %dma_wait3A_1153 = arith.constant 0 : i32
      %dma_wait3A_1154 = tpu.memref_slice %arg24[%dma_wait3A_1152, %dma_wait3A_1153] : memref<10240x128xf32, #tpu.memory_space<vmem_shared>> -> memref<10240x128xf32, #tpu.memory_space<vmem_shared>>
      tpu.wait_indirect_dma semaphore(%arg23 : memref<!tpu.dma_semaphore, #tpu.memory_space<semaphore_mem>>) src(%arg13 : memref<80x128xf32, #tpu.memory_space<vmem>>) dst(%dma_wait3A_1154 : memref<10240x128xf32, #tpu.memory_space<vmem_shared>>)
      %dma_start3A_1155 = arith.constant 1 : i32
      %dma_start3A_1156 = arith.constant 0 : i32
      %dma_start3A_1157 = tpu.memref_slice %arg7[%dma_start3A_1155, %dma_start3A_1156] : memref<8x80xi32, #tpu.memory_space<vmem>> -> memref<1x80xi32, #tpu.memory_space<vmem>>
      %dma_start3A_1158 = tpu.memref_squeeze %dma_start3A_1157 : memref<1x80xi32, #tpu.memory_space<vmem>> -> memref<80xi32, #tpu.memory_space<vmem>>
      %dma_start3A_1159 = arith.constant 0 : i32
      %dma_start3A_1160 = arith.constant 0 : i32
      %dma_start3A_1161 = tpu.memref_slice %arg2[%dma_start3A_1159, %dma_start3A_1160] : memref<10000x128xf32, #tpu.memory_space<hbm>> -> memref<10000x128xf32, #tpu.memory_space<hbm>>
      tpu.enqueue_indirect_dma source(%dma_start3A_1161 : memref<10000x128xf32, #tpu.memory_space<hbm>>) target(%arg13 : memref<80x128xf32, #tpu.memory_space<vmem>>) offsets(%dma_start3A_1158 : memref<80xi32, #tpu.memory_space<vmem>>) semaphore(%arg19 : memref<!tpu.dma_semaphore, #tpu.memory_space<semaphore_mem>>)
      %add3A_1162 = arith.constant 2 : i32
      %add3A_1163 = arith.addi %add3A_875, %add3A_1162 : i32
      %lt3A_1164 = arith.constant 16 : i32
      %lt3A_1165 = arith.cmpi slt, %add3A_1163, %lt3A_1164 : i32
      %convert_element_type3A_1166 = arith.extui %lt3A_1165 : i1 to i32
      %cond3A_1167 = arith.constant 0 : i32
      %cond3A_1168 = arith.cmpi ne, %convert_element_type3A_1166, %cond3A_1167 : i32
      scf.if %cond3A_1168 {
        %add3A_1170 = arith.constant 2 : i32
        %add3A_1171 = arith.addi %add3A_875, %add3A_1170 : i32
        %dma_start3A_1172 = arith.constant 0 : i32
        %dma_start3A_1173 = arith.constant 0 : i32
        %dma_start3A_1174 = tpu.memref_slice %arg3[%arg0, %arg1, %add3A_1171, %dma_start3A_1172, %dma_start3A_1173] : memref<2x16x16x8x80xi32, #tpu.memory_space<hbm>> -> memref<1x1x1x8x80xi32, #tpu.memory_space<hbm>>
        %dma_start3A_1175 = tpu.memref_squeeze %dma_start3A_1174 : memref<1x1x1x8x80xi32, #tpu.memory_space<hbm>> -> memref<8x80xi32, #tpu.memory_space<hbm>>
        %dma_start3A_1176 = arith.constant 0 : i32
        %dma_start3A_1177 = arith.constant 0 : i32
        %dma_start3A_1178 = tpu.memref_slice %arg3[%arg0, %arg1, %add3A_1171, %dma_start3A_1176, %dma_start3A_1177] : memref<2x16x16x8x80xi32, #tpu.memory_space<hbm>> -> memref<1x1x1x8x80xi32, #tpu.memory_space<hbm>>
        %dma_start3A_1179 = tpu.memref_squeeze %dma_start3A_1178 : memref<1x1x1x8x80xi32, #tpu.memory_space<hbm>> -> memref<8x80xi32, #tpu.memory_space<hbm>>
        tpu.enqueue_dma source(%dma_start3A_1179 : memref<8x80xi32, #tpu.memory_space<hbm>>) target(%arg6 : memref<8x80xi32, #tpu.memory_space<vmem>>) target_semaphore(%arg14 : memref<!tpu.dma_semaphore, #tpu.memory_space<semaphore_mem>>)
      } else {
      }
      %scan3A_1169 = arith.constant 0 : i32
      scf.yield %scan3A_1169 : i32
    }
    %scan3A_346 = arith.constant 7 : i32
    %dma_wait3A_347 = arith.constant 0 : i32
    %dma_wait3A_348 = arith.constant 0 : i32
    %dma_wait3A_349 = tpu.memref_slice %arg7[%dma_wait3A_347, %dma_wait3A_348] : memref<8x80xi32, #tpu.memory_space<vmem>> -> memref<1x80xi32, #tpu.memory_space<vmem>>
    %dma_wait3A_350 = tpu.memref_squeeze %dma_wait3A_349 : memref<1x80xi32, #tpu.memory_space<vmem>> -> memref<80xi32, #tpu.memory_space<vmem>>
    %dma_wait3A_351 = arith.constant 0 : i32
    %dma_wait3A_352 = arith.constant 0 : i32
    %dma_wait3A_353 = tpu.memref_slice %arg2[%dma_wait3A_351, %dma_wait3A_352] : memref<10000x128xf32, #tpu.memory_space<hbm>> -> memref<10000x128xf32, #tpu.memory_space<hbm>>
    tpu.wait_indirect_dma semaphore(%arg18 : memref<!tpu.dma_semaphore, #tpu.memory_space<semaphore_mem>>) src(%dma_wait3A_353 : memref<10000x128xf32, #tpu.memory_space<hbm>>) dst(%arg12 : memref<80x128xf32, #tpu.memory_space<vmem>>)
    %dma_start3A_354 = arith.constant 0 : i32
    %dma_start3A_355 = arith.constant 0 : i32
    %dma_start3A_356 = tpu.memref_slice %arg9[%dma_start3A_354, %dma_start3A_355] : memref<8x80xi32, #tpu.memory_space<vmem>> -> memref<1x80xi32, #tpu.memory_space<vmem>>
    %dma_start3A_357 = tpu.memref_squeeze %dma_start3A_356 : memref<1x80xi32, #tpu.memory_space<vmem>> -> memref<80xi32, #tpu.memory_space<vmem>>
    %dma_start3A_358 = arith.constant 0 : i32
    %dma_start3A_359 = arith.constant 0 : i32
    %dma_start3A_360 = tpu.memref_slice %arg24[%dma_start3A_358, %dma_start3A_359] : memref<10240x128xf32, #tpu.memory_space<vmem_shared>> -> memref<10240x128xf32, #tpu.memory_space<vmem_shared>>
    tpu.enqueue_indirect_dma source(%arg12 : memref<80x128xf32, #tpu.memory_space<vmem>>) target(%dma_start3A_360 : memref<10240x128xf32, #tpu.memory_space<vmem_shared>>) offsets(%dma_start3A_357 : memref<80xi32, #tpu.memory_space<vmem>>) semaphore(%arg22 : memref<!tpu.dma_semaphore, #tpu.memory_space<semaphore_mem>>) {add = true}
    %dma_wait3A_361 = arith.constant 0 : i32
    %dma_wait3A_362 = arith.constant 0 : i32
    %dma_wait3A_363 = tpu.memref_slice %arg9[%dma_wait3A_361, %dma_wait3A_362] : memref<8x80xi32, #tpu.memory_space<vmem>> -> memref<1x80xi32, #tpu.memory_space<vmem>>
    %dma_wait3A_364 = tpu.memref_squeeze %dma_wait3A_363 : memref<1x80xi32, #tpu.memory_space<vmem>> -> memref<80xi32, #tpu.memory_space<vmem>>
    %dma_wait3A_365 = arith.constant 0 : i32
    %dma_wait3A_366 = arith.constant 0 : i32
    %dma_wait3A_367 = tpu.memref_slice %arg24[%dma_wait3A_365, %dma_wait3A_366] : memref<10240x128xf32, #tpu.memory_space<vmem_shared>> -> memref<10240x128xf32, #tpu.memory_space<vmem_shared>>
    tpu.wait_indirect_dma semaphore(%arg20 : memref<!tpu.dma_semaphore, #tpu.memory_space<semaphore_mem>>) src(%arg10 : memref<80x128xf32, #tpu.memory_space<vmem>>) dst(%dma_wait3A_367 : memref<10240x128xf32, #tpu.memory_space<vmem_shared>>)
    %dma_start3A_368 = arith.constant 2 : i32
    %dma_start3A_369 = arith.constant 0 : i32
    %dma_start3A_370 = tpu.memref_slice %arg7[%dma_start3A_368, %dma_start3A_369] : memref<8x80xi32, #tpu.memory_space<vmem>> -> memref<1x80xi32, #tpu.memory_space<vmem>>
    %dma_start3A_371 = tpu.memref_squeeze %dma_start3A_370 : memref<1x80xi32, #tpu.memory_space<vmem>> -> memref<80xi32, #tpu.memory_space<vmem>>
    %dma_start3A_372 = arith.constant 0 : i32
    %dma_start3A_373 = arith.constant 0 : i32
    %dma_start3A_374 = tpu.memref_slice %arg2[%dma_start3A_372, %dma_start3A_373] : memref<10000x128xf32, #tpu.memory_space<hbm>> -> memref<10000x128xf32, #tpu.memory_space<hbm>>
    tpu.enqueue_indirect_dma source(%dma_start3A_374 : memref<10000x128xf32, #tpu.memory_space<hbm>>) target(%arg10 : memref<80x128xf32, #tpu.memory_space<vmem>>) offsets(%dma_start3A_371 : memref<80xi32, #tpu.memory_space<vmem>>) semaphore(%arg16 : memref<!tpu.dma_semaphore, #tpu.memory_space<semaphore_mem>>)
    %dma_wait3A_375 = arith.constant 1 : i32
    %dma_wait3A_376 = arith.constant 0 : i32
    %dma_wait3A_377 = tpu.memref_slice %arg7[%dma_wait3A_375, %dma_wait3A_376] : memref<8x80xi32, #tpu.memory_space<vmem>> -> memref<1x80xi32, #tpu.memory_space<vmem>>
    %dma_wait3A_378 = tpu.memref_squeeze %dma_wait3A_377 : memref<1x80xi32, #tpu.memory_space<vmem>> -> memref<80xi32, #tpu.memory_space<vmem>>
    %dma_wait3A_379 = arith.constant 0 : i32
    %dma_wait3A_380 = arith.constant 0 : i32
    %dma_wait3A_381 = tpu.memref_slice %arg2[%dma_wait3A_379, %dma_wait3A_380] : memref<10000x128xf32, #tpu.memory_space<hbm>> -> memref<10000x128xf32, #tpu.memory_space<hbm>>
    tpu.wait_indirect_dma semaphore(%arg19 : memref<!tpu.dma_semaphore, #tpu.memory_space<semaphore_mem>>) src(%dma_wait3A_381 : memref<10000x128xf32, #tpu.memory_space<hbm>>) dst(%arg13 : memref<80x128xf32, #tpu.memory_space<vmem>>)
    %dma_start3A_382 = arith.constant 1 : i32
    %dma_start3A_383 = arith.constant 0 : i32
    %dma_start3A_384 = tpu.memref_slice %arg9[%dma_start3A_382, %dma_start3A_383] : memref<8x80xi32, #tpu.memory_space<vmem>> -> memref<1x80xi32, #tpu.memory_space<vmem>>
    %dma_start3A_385 = tpu.memref_squeeze %dma_start3A_384 : memref<1x80xi32, #tpu.memory_space<vmem>> -> memref<80xi32, #tpu.memory_space<vmem>>
    %dma_start3A_386 = arith.constant 0 : i32
    %dma_start3A_387 = arith.constant 0 : i32
    %dma_start3A_388 = tpu.memref_slice %arg24[%dma_start3A_386, %dma_start3A_387] : memref<10240x128xf32, #tpu.memory_space<vmem_shared>> -> memref<10240x128xf32, #tpu.memory_space<vmem_shared>>
    tpu.enqueue_indirect_dma source(%arg13 : memref<80x128xf32, #tpu.memory_space<vmem>>) target(%dma_start3A_388 : memref<10240x128xf32, #tpu.memory_space<vmem_shared>>) offsets(%dma_start3A_385 : memref<80xi32, #tpu.memory_space<vmem>>) semaphore(%arg23 : memref<!tpu.dma_semaphore, #tpu.memory_space<semaphore_mem>>) {add = true}
    %dma_wait3A_389 = arith.constant 1 : i32
    %dma_wait3A_390 = arith.constant 0 : i32
    %dma_wait3A_391 = tpu.memref_slice %arg9[%dma_wait3A_389, %dma_wait3A_390] : memref<8x80xi32, #tpu.memory_space<vmem>> -> memref<1x80xi32, #tpu.memory_space<vmem>>
    %dma_wait3A_392 = tpu.memref_squeeze %dma_wait3A_391 : memref<1x80xi32, #tpu.memory_space<vmem>> -> memref<80xi32, #tpu.memory_space<vmem>>
    %dma_wait3A_393 = arith.constant 0 : i32
    %dma_wait3A_394 = arith.constant 0 : i32
    %dma_wait3A_395 = tpu.memref_slice %arg24[%dma_wait3A_393, %dma_wait3A_394] : memref<10240x128xf32, #tpu.memory_space<vmem_shared>> -> memref<10240x128xf32, #tpu.memory_space<vmem_shared>>
    tpu.wait_indirect_dma semaphore(%arg21 : memref<!tpu.dma_semaphore, #tpu.memory_space<semaphore_mem>>) src(%arg11 : memref<80x128xf32, #tpu.memory_space<vmem>>) dst(%dma_wait3A_395 : memref<10240x128xf32, #tpu.memory_space<vmem_shared>>)
    %dma_start3A_396 = arith.constant 3 : i32
    %dma_start3A_397 = arith.constant 0 : i32
    %dma_start3A_398 = tpu.memref_slice %arg7[%dma_start3A_396, %dma_start3A_397] : memref<8x80xi32, #tpu.memory_space<vmem>> -> memref<1x80xi32, #tpu.memory_space<vmem>>
    %dma_start3A_399 = tpu.memref_squeeze %dma_start3A_398 : memref<1x80xi32, #tpu.memory_space<vmem>> -> memref<80xi32, #tpu.memory_space<vmem>>
    %dma_start3A_400 = arith.constant 0 : i32
    %dma_start3A_401 = arith.constant 0 : i32
    %dma_start3A_402 = tpu.memref_slice %arg2[%dma_start3A_400, %dma_start3A_401] : memref<10000x128xf32, #tpu.memory_space<hbm>> -> memref<10000x128xf32, #tpu.memory_space<hbm>>
    tpu.enqueue_indirect_dma source(%dma_start3A_402 : memref<10000x128xf32, #tpu.memory_space<hbm>>) target(%arg11 : memref<80x128xf32, #tpu.memory_space<vmem>>) offsets(%dma_start3A_399 : memref<80xi32, #tpu.memory_space<vmem>>) semaphore(%arg17 : memref<!tpu.dma_semaphore, #tpu.memory_space<semaphore_mem>>)
    %dma_wait3A_403 = arith.constant 2 : i32
    %dma_wait3A_404 = arith.constant 0 : i32
    %dma_wait3A_405 = tpu.memref_slice %arg7[%dma_wait3A_403, %dma_wait3A_404] : memref<8x80xi32, #tpu.memory_space<vmem>> -> memref<1x80xi32, #tpu.memory_space<vmem>>
    %dma_wait3A_406 = tpu.memref_squeeze %dma_wait3A_405 : memref<1x80xi32, #tpu.memory_space<vmem>> -> memref<80xi32, #tpu.memory_space<vmem>>
    %dma_wait3A_407 = arith.constant 0 : i32
    %dma_wait3A_408 = arith.constant 0 : i32
    %dma_wait3A_409 = tpu.memref_slice %arg2[%dma_wait3A_407, %dma_wait3A_408] : memref<10000x128xf32, #tpu.memory_space<hbm>> -> memref<10000x128xf32, #tpu.memory_space<hbm>>
    tpu.wait_indirect_dma semaphore(%arg16 : memref<!tpu.dma_semaphore, #tpu.memory_space<semaphore_mem>>) src(%dma_wait3A_409 : memref<10000x128xf32, #tpu.memory_space<hbm>>) dst(%arg10 : memref<80x128xf32, #tpu.memory_space<vmem>>)
    %dma_start3A_410 = arith.constant 2 : i32
    %dma_start3A_411 = arith.constant 0 : i32
    %dma_start3A_412 = tpu.memref_slice %arg9[%dma_start3A_410, %dma_start3A_411] : memref<8x80xi32, #tpu.memory_space<vmem>> -> memref<1x80xi32, #tpu.memory_space<vmem>>
    %dma_start3A_413 = tpu.memref_squeeze %dma_start3A_412 : memref<1x80xi32, #tpu.memory_space<vmem>> -> memref<80xi32, #tpu.memory_space<vmem>>
    %dma_start3A_414 = arith.constant 0 : i32
    %dma_start3A_415 = arith.constant 0 : i32
    %dma_start3A_416 = tpu.memref_slice %arg24[%dma_start3A_414, %dma_start3A_415] : memref<10240x128xf32, #tpu.memory_space<vmem_shared>> -> memref<10240x128xf32, #tpu.memory_space<vmem_shared>>
    tpu.enqueue_indirect_dma source(%arg10 : memref<80x128xf32, #tpu.memory_space<vmem>>) target(%dma_start3A_416 : memref<10240x128xf32, #tpu.memory_space<vmem_shared>>) offsets(%dma_start3A_413 : memref<80xi32, #tpu.memory_space<vmem>>) semaphore(%arg20 : memref<!tpu.dma_semaphore, #tpu.memory_space<semaphore_mem>>) {add = true}
    %dma_wait3A_417 = arith.constant 2 : i32
    %dma_wait3A_418 = arith.constant 0 : i32
    %dma_wait3A_419 = tpu.memref_slice %arg9[%dma_wait3A_417, %dma_wait3A_418] : memref<8x80xi32, #tpu.memory_space<vmem>> -> memref<1x80xi32, #tpu.memory_space<vmem>>
    %dma_wait3A_420 = tpu.memref_squeeze %dma_wait3A_419 : memref<1x80xi32, #tpu.memory_space<vmem>> -> memref<80xi32, #tpu.memory_space<vmem>>
    %dma_wait3A_421 = arith.constant 0 : i32
    %dma_wait3A_422 = arith.constant 0 : i32
    %dma_wait3A_423 = tpu.memref_slice %arg24[%dma_wait3A_421, %dma_wait3A_422] : memref<10240x128xf32, #tpu.memory_space<vmem_shared>> -> memref<10240x128xf32, #tpu.memory_space<vmem_shared>>
    tpu.wait_indirect_dma semaphore(%arg22 : memref<!tpu.dma_semaphore, #tpu.memory_space<semaphore_mem>>) src(%arg12 : memref<80x128xf32, #tpu.memory_space<vmem>>) dst(%dma_wait3A_423 : memref<10240x128xf32, #tpu.memory_space<vmem_shared>>)
    %dma_start3A_424 = arith.constant 4 : i32
    %dma_start3A_425 = arith.constant 0 : i32
    %dma_start3A_426 = tpu.memref_slice %arg7[%dma_start3A_424, %dma_start3A_425] : memref<8x80xi32, #tpu.memory_space<vmem>> -> memref<1x80xi32, #tpu.memory_space<vmem>>
    %dma_start3A_427 = tpu.memref_squeeze %dma_start3A_426 : memref<1x80xi32, #tpu.memory_space<vmem>> -> memref<80xi32, #tpu.memory_space<vmem>>
    %dma_start3A_428 = arith.constant 0 : i32
    %dma_start3A_429 = arith.constant 0 : i32
    %dma_start3A_430 = tpu.memref_slice %arg2[%dma_start3A_428, %dma_start3A_429] : memref<10000x128xf32, #tpu.memory_space<hbm>> -> memref<10000x128xf32, #tpu.memory_space<hbm>>
    tpu.enqueue_indirect_dma source(%dma_start3A_430 : memref<10000x128xf32, #tpu.memory_space<hbm>>) target(%arg12 : memref<80x128xf32, #tpu.memory_space<vmem>>) offsets(%dma_start3A_427 : memref<80xi32, #tpu.memory_space<vmem>>) semaphore(%arg18 : memref<!tpu.dma_semaphore, #tpu.memory_space<semaphore_mem>>)
    %dma_wait3A_431 = arith.constant 3 : i32
    %dma_wait3A_432 = arith.constant 0 : i32
    %dma_wait3A_433 = tpu.memref_slice %arg7[%dma_wait3A_431, %dma_wait3A_432] : memref<8x80xi32, #tpu.memory_space<vmem>> -> memref<1x80xi32, #tpu.memory_space<vmem>>
    %dma_wait3A_434 = tpu.memref_squeeze %dma_wait3A_433 : memref<1x80xi32, #tpu.memory_space<vmem>> -> memref<80xi32, #tpu.memory_space<vmem>>
    %dma_wait3A_435 = arith.constant 0 : i32
    %dma_wait3A_436 = arith.constant 0 : i32
    %dma_wait3A_437 = tpu.memref_slice %arg2[%dma_wait3A_435, %dma_wait3A_436] : memref<10000x128xf32, #tpu.memory_space<hbm>> -> memref<10000x128xf32, #tpu.memory_space<hbm>>
    tpu.wait_indirect_dma semaphore(%arg17 : memref<!tpu.dma_semaphore, #tpu.memory_space<semaphore_mem>>) src(%dma_wait3A_437 : memref<10000x128xf32, #tpu.memory_space<hbm>>) dst(%arg11 : memref<80x128xf32, #tpu.memory_space<vmem>>)
    %dma_start3A_438 = arith.constant 3 : i32
    %dma_start3A_439 = arith.constant 0 : i32
    %dma_start3A_440 = tpu.memref_slice %arg9[%dma_start3A_438, %dma_start3A_439] : memref<8x80xi32, #tpu.memory_space<vmem>> -> memref<1x80xi32, #tpu.memory_space<vmem>>
    %dma_start3A_441 = tpu.memref_squeeze %dma_start3A_440 : memref<1x80xi32, #tpu.memory_space<vmem>> -> memref<80xi32, #tpu.memory_space<vmem>>
    %dma_start3A_442 = arith.constant 0 : i32
    %dma_start3A_443 = arith.constant 0 : i32
    %dma_start3A_444 = tpu.memref_slice %arg24[%dma_start3A_442, %dma_start3A_443] : memref<10240x128xf32, #tpu.memory_space<vmem_shared>> -> memref<10240x128xf32, #tpu.memory_space<vmem_shared>>
    tpu.enqueue_indirect_dma source(%arg11 : memref<80x128xf32, #tpu.memory_space<vmem>>) target(%dma_start3A_444 : memref<10240x128xf32, #tpu.memory_space<vmem_shared>>) offsets(%dma_start3A_441 : memref<80xi32, #tpu.memory_space<vmem>>) semaphore(%arg21 : memref<!tpu.dma_semaphore, #tpu.memory_space<semaphore_mem>>) {add = true}
    %dma_wait3A_445 = arith.constant 3 : i32
    %dma_wait3A_446 = arith.constant 0 : i32
    %dma_wait3A_447 = tpu.memref_slice %arg9[%dma_wait3A_445, %dma_wait3A_446] : memref<8x80xi32, #tpu.memory_space<vmem>> -> memref<1x80xi32, #tpu.memory_space<vmem>>
    %dma_wait3A_448 = tpu.memref_squeeze %dma_wait3A_447 : memref<1x80xi32, #tpu.memory_space<vmem>> -> memref<80xi32, #tpu.memory_space<vmem>>
    %dma_wait3A_449 = arith.constant 0 : i32
    %dma_wait3A_450 = arith.constant 0 : i32
    %dma_wait3A_451 = tpu.memref_slice %arg24[%dma_wait3A_449, %dma_wait3A_450] : memref<10240x128xf32, #tpu.memory_space<vmem_shared>> -> memref<10240x128xf32, #tpu.memory_space<vmem_shared>>
    tpu.wait_indirect_dma semaphore(%arg23 : memref<!tpu.dma_semaphore, #tpu.memory_space<semaphore_mem>>) src(%arg13 : memref<80x128xf32, #tpu.memory_space<vmem>>) dst(%dma_wait3A_451 : memref<10240x128xf32, #tpu.memory_space<vmem_shared>>)
    %dma_start3A_452 = arith.constant 5 : i32
    %dma_start3A_453 = arith.constant 0 : i32
    %dma_start3A_454 = tpu.memref_slice %arg7[%dma_start3A_452, %dma_start3A_453] : memref<8x80xi32, #tpu.memory_space<vmem>> -> memref<1x80xi32, #tpu.memory_space<vmem>>
    %dma_start3A_455 = tpu.memref_squeeze %dma_start3A_454 : memref<1x80xi32, #tpu.memory_space<vmem>> -> memref<80xi32, #tpu.memory_space<vmem>>
    %dma_start3A_456 = arith.constant 0 : i32
    %dma_start3A_457 = arith.constant 0 : i32
    %dma_start3A_458 = tpu.memref_slice %arg2[%dma_start3A_456, %dma_start3A_457] : memref<10000x128xf32, #tpu.memory_space<hbm>> -> memref<10000x128xf32, #tpu.memory_space<hbm>>
    tpu.enqueue_indirect_dma source(%dma_start3A_458 : memref<10000x128xf32, #tpu.memory_space<hbm>>) target(%arg13 : memref<80x128xf32, #tpu.memory_space<vmem>>) offsets(%dma_start3A_455 : memref<80xi32, #tpu.memory_space<vmem>>) semaphore(%arg19 : memref<!tpu.dma_semaphore, #tpu.memory_space<semaphore_mem>>)
    %dma_wait3A_459 = arith.constant 4 : i32
    %dma_wait3A_460 = arith.constant 0 : i32
    %dma_wait3A_461 = tpu.memref_slice %arg7[%dma_wait3A_459, %dma_wait3A_460] : memref<8x80xi32, #tpu.memory_space<vmem>> -> memref<1x80xi32, #tpu.memory_space<vmem>>
    %dma_wait3A_462 = tpu.memref_squeeze %dma_wait3A_461 : memref<1x80xi32, #tpu.memory_space<vmem>> -> memref<80xi32, #tpu.memory_space<vmem>>
    %dma_wait3A_463 = arith.constant 0 : i32
    %dma_wait3A_464 = arith.constant 0 : i32
    %dma_wait3A_465 = tpu.memref_slice %arg2[%dma_wait3A_463, %dma_wait3A_464] : memref<10000x128xf32, #tpu.memory_space<hbm>> -> memref<10000x128xf32, #tpu.memory_space<hbm>>
    tpu.wait_indirect_dma semaphore(%arg18 : memref<!tpu.dma_semaphore, #tpu.memory_space<semaphore_mem>>) src(%dma_wait3A_465 : memref<10000x128xf32, #tpu.memory_space<hbm>>) dst(%arg12 : memref<80x128xf32, #tpu.memory_space<vmem>>)
    %dma_start3A_466 = arith.constant 4 : i32
    %dma_start3A_467 = arith.constant 0 : i32
    %dma_start3A_468 = tpu.memref_slice %arg9[%dma_start3A_466, %dma_start3A_467] : memref<8x80xi32, #tpu.memory_space<vmem>> -> memref<1x80xi32, #tpu.memory_space<vmem>>
    %dma_start3A_469 = tpu.memref_squeeze %dma_start3A_468 : memref<1x80xi32, #tpu.memory_space<vmem>> -> memref<80xi32, #tpu.memory_space<vmem>>
    %dma_start3A_470 = arith.constant 0 : i32
    %dma_start3A_471 = arith.constant 0 : i32
    %dma_start3A_472 = tpu.memref_slice %arg24[%dma_start3A_470, %dma_start3A_471] : memref<10240x128xf32, #tpu.memory_space<vmem_shared>> -> memref<10240x128xf32, #tpu.memory_space<vmem_shared>>
    tpu.enqueue_indirect_dma source(%arg12 : memref<80x128xf32, #tpu.memory_space<vmem>>) target(%dma_start3A_472 : memref<10240x128xf32, #tpu.memory_space<vmem_shared>>) offsets(%dma_start3A_469 : memref<80xi32, #tpu.memory_space<vmem>>) semaphore(%arg22 : memref<!tpu.dma_semaphore, #tpu.memory_space<semaphore_mem>>) {add = true}
    %dma_wait3A_473 = arith.constant 4 : i32
    %dma_wait3A_474 = arith.constant 0 : i32
    %dma_wait3A_475 = tpu.memref_slice %arg9[%dma_wait3A_473, %dma_wait3A_474] : memref<8x80xi32, #tpu.memory_space<vmem>> -> memref<1x80xi32, #tpu.memory_space<vmem>>
    %dma_wait3A_476 = tpu.memref_squeeze %dma_wait3A_475 : memref<1x80xi32, #tpu.memory_space<vmem>> -> memref<80xi32, #tpu.memory_space<vmem>>
    %dma_wait3A_477 = arith.constant 0 : i32
    %dma_wait3A_478 = arith.constant 0 : i32
    %dma_wait3A_479 = tpu.memref_slice %arg24[%dma_wait3A_477, %dma_wait3A_478] : memref<10240x128xf32, #tpu.memory_space<vmem_shared>> -> memref<10240x128xf32, #tpu.memory_space<vmem_shared>>
    tpu.wait_indirect_dma semaphore(%arg20 : memref<!tpu.dma_semaphore, #tpu.memory_space<semaphore_mem>>) src(%arg10 : memref<80x128xf32, #tpu.memory_space<vmem>>) dst(%dma_wait3A_479 : memref<10240x128xf32, #tpu.memory_space<vmem_shared>>)
    %dma_start3A_480 = arith.constant 6 : i32
    %dma_start3A_481 = arith.constant 0 : i32
    %dma_start3A_482 = tpu.memref_slice %arg7[%dma_start3A_480, %dma_start3A_481] : memref<8x80xi32, #tpu.memory_space<vmem>> -> memref<1x80xi32, #tpu.memory_space<vmem>>
    %dma_start3A_483 = tpu.memref_squeeze %dma_start3A_482 : memref<1x80xi32, #tpu.memory_space<vmem>> -> memref<80xi32, #tpu.memory_space<vmem>>
    %dma_start3A_484 = arith.constant 0 : i32
    %dma_start3A_485 = arith.constant 0 : i32
    %dma_start3A_486 = tpu.memref_slice %arg2[%dma_start3A_484, %dma_start3A_485] : memref<10000x128xf32, #tpu.memory_space<hbm>> -> memref<10000x128xf32, #tpu.memory_space<hbm>>
    tpu.enqueue_indirect_dma source(%dma_start3A_486 : memref<10000x128xf32, #tpu.memory_space<hbm>>) target(%arg10 : memref<80x128xf32, #tpu.memory_space<vmem>>) offsets(%dma_start3A_483 : memref<80xi32, #tpu.memory_space<vmem>>) semaphore(%arg16 : memref<!tpu.dma_semaphore, #tpu.memory_space<semaphore_mem>>)
    %dma_wait3A_487 = arith.constant 5 : i32
    %dma_wait3A_488 = arith.constant 0 : i32
    %dma_wait3A_489 = tpu.memref_slice %arg7[%dma_wait3A_487, %dma_wait3A_488] : memref<8x80xi32, #tpu.memory_space<vmem>> -> memref<1x80xi32, #tpu.memory_space<vmem>>
    %dma_wait3A_490 = tpu.memref_squeeze %dma_wait3A_489 : memref<1x80xi32, #tpu.memory_space<vmem>> -> memref<80xi32, #tpu.memory_space<vmem>>
    %dma_wait3A_491 = arith.constant 0 : i32
    %dma_wait3A_492 = arith.constant 0 : i32
    %dma_wait3A_493 = tpu.memref_slice %arg2[%dma_wait3A_491, %dma_wait3A_492] : memref<10000x128xf32, #tpu.memory_space<hbm>> -> memref<10000x128xf32, #tpu.memory_space<hbm>>
    tpu.wait_indirect_dma semaphore(%arg19 : memref<!tpu.dma_semaphore, #tpu.memory_space<semaphore_mem>>) src(%dma_wait3A_493 : memref<10000x128xf32, #tpu.memory_space<hbm>>) dst(%arg13 : memref<80x128xf32, #tpu.memory_space<vmem>>)
    %dma_start3A_494 = arith.constant 5 : i32
    %dma_start3A_495 = arith.constant 0 : i32
    %dma_start3A_496 = tpu.memref_slice %arg9[%dma_start3A_494, %dma_start3A_495] : memref<8x80xi32, #tpu.memory_space<vmem>> -> memref<1x80xi32, #tpu.memory_space<vmem>>
    %dma_start3A_497 = tpu.memref_squeeze %dma_start3A_496 : memref<1x80xi32, #tpu.memory_space<vmem>> -> memref<80xi32, #tpu.memory_space<vmem>>
    %dma_start3A_498 = arith.constant 0 : i32
    %dma_start3A_499 = arith.constant 0 : i32
    %dma_start3A_500 = tpu.memref_slice %arg24[%dma_start3A_498, %dma_start3A_499] : memref<10240x128xf32, #tpu.memory_space<vmem_shared>> -> memref<10240x128xf32, #tpu.memory_space<vmem_shared>>
    tpu.enqueue_indirect_dma source(%arg13 : memref<80x128xf32, #tpu.memory_space<vmem>>) target(%dma_start3A_500 : memref<10240x128xf32, #tpu.memory_space<vmem_shared>>) offsets(%dma_start3A_497 : memref<80xi32, #tpu.memory_space<vmem>>) semaphore(%arg23 : memref<!tpu.dma_semaphore, #tpu.memory_space<semaphore_mem>>) {add = true}
    %dma_wait3A_501 = arith.constant 5 : i32
    %dma_wait3A_502 = arith.constant 0 : i32
    %dma_wait3A_503 = tpu.memref_slice %arg9[%dma_wait3A_501, %dma_wait3A_502] : memref<8x80xi32, #tpu.memory_space<vmem>> -> memref<1x80xi32, #tpu.memory_space<vmem>>
    %dma_wait3A_504 = tpu.memref_squeeze %dma_wait3A_503 : memref<1x80xi32, #tpu.memory_space<vmem>> -> memref<80xi32, #tpu.memory_space<vmem>>
    %dma_wait3A_505 = arith.constant 0 : i32
    %dma_wait3A_506 = arith.constant 0 : i32
    %dma_wait3A_507 = tpu.memref_slice %arg24[%dma_wait3A_505, %dma_wait3A_506] : memref<10240x128xf32, #tpu.memory_space<vmem_shared>> -> memref<10240x128xf32, #tpu.memory_space<vmem_shared>>
    tpu.wait_indirect_dma semaphore(%arg21 : memref<!tpu.dma_semaphore, #tpu.memory_space<semaphore_mem>>) src(%arg11 : memref<80x128xf32, #tpu.memory_space<vmem>>) dst(%dma_wait3A_507 : memref<10240x128xf32, #tpu.memory_space<vmem_shared>>)
    %dma_start3A_508 = arith.constant 7 : i32
    %dma_start3A_509 = arith.constant 0 : i32
    %dma_start3A_510 = tpu.memref_slice %arg7[%dma_start3A_508, %dma_start3A_509] : memref<8x80xi32, #tpu.memory_space<vmem>> -> memref<1x80xi32, #tpu.memory_space<vmem>>
    %dma_start3A_511 = tpu.memref_squeeze %dma_start3A_510 : memref<1x80xi32, #tpu.memory_space<vmem>> -> memref<80xi32, #tpu.memory_space<vmem>>
    %dma_start3A_512 = arith.constant 0 : i32
    %dma_start3A_513 = arith.constant 0 : i32
    %dma_start3A_514 = tpu.memref_slice %arg2[%dma_start3A_512, %dma_start3A_513] : memref<10000x128xf32, #tpu.memory_space<hbm>> -> memref<10000x128xf32, #tpu.memory_space<hbm>>
    tpu.enqueue_indirect_dma source(%dma_start3A_514 : memref<10000x128xf32, #tpu.memory_space<hbm>>) target(%arg11 : memref<80x128xf32, #tpu.memory_space<vmem>>) offsets(%dma_start3A_511 : memref<80xi32, #tpu.memory_space<vmem>>) semaphore(%arg17 : memref<!tpu.dma_semaphore, #tpu.memory_space<semaphore_mem>>)
    %dma_wait3A_515 = arith.constant 6 : i32
    %dma_wait3A_516 = arith.constant 0 : i32
    %dma_wait3A_517 = tpu.memref_slice %arg7[%dma_wait3A_515, %dma_wait3A_516] : memref<8x80xi32, #tpu.memory_space<vmem>> -> memref<1x80xi32, #tpu.memory_space<vmem>>
    %dma_wait3A_518 = tpu.memref_squeeze %dma_wait3A_517 : memref<1x80xi32, #tpu.memory_space<vmem>> -> memref<80xi32, #tpu.memory_space<vmem>>
    %dma_wait3A_519 = arith.constant 0 : i32
    %dma_wait3A_520 = arith.constant 0 : i32
    %dma_wait3A_521 = tpu.memref_slice %arg2[%dma_wait3A_519, %dma_wait3A_520] : memref<10000x128xf32, #tpu.memory_space<hbm>> -> memref<10000x128xf32, #tpu.memory_space<hbm>>
    tpu.wait_indirect_dma semaphore(%arg16 : memref<!tpu.dma_semaphore, #tpu.memory_space<semaphore_mem>>) src(%dma_wait3A_521 : memref<10000x128xf32, #tpu.memory_space<hbm>>) dst(%arg10 : memref<80x128xf32, #tpu.memory_space<vmem>>)
    %dma_start3A_522 = arith.constant 6 : i32
    %dma_start3A_523 = arith.constant 0 : i32
    %dma_start3A_524 = tpu.memref_slice %arg9[%dma_start3A_522, %dma_start3A_523] : memref<8x80xi32, #tpu.memory_space<vmem>> -> memref<1x80xi32, #tpu.memory_space<vmem>>
    %dma_start3A_525 = tpu.memref_squeeze %dma_start3A_524 : memref<1x80xi32, #tpu.memory_space<vmem>> -> memref<80xi32, #tpu.memory_space<vmem>>
    %dma_start3A_526 = arith.constant 0 : i32
    %dma_start3A_527 = arith.constant 0 : i32
    %dma_start3A_528 = tpu.memref_slice %arg24[%dma_start3A_526, %dma_start3A_527] : memref<10240x128xf32, #tpu.memory_space<vmem_shared>> -> memref<10240x128xf32, #tpu.memory_space<vmem_shared>>
    tpu.enqueue_indirect_dma source(%arg10 : memref<80x128xf32, #tpu.memory_space<vmem>>) target(%dma_start3A_528 : memref<10240x128xf32, #tpu.memory_space<vmem_shared>>) offsets(%dma_start3A_525 : memref<80xi32, #tpu.memory_space<vmem>>) semaphore(%arg20 : memref<!tpu.dma_semaphore, #tpu.memory_space<semaphore_mem>>) {add = true}
    %dma_wait3A_529 = arith.constant 6 : i32
    %dma_wait3A_530 = arith.constant 0 : i32
    %dma_wait3A_531 = tpu.memref_slice %arg9[%dma_wait3A_529, %dma_wait3A_530] : memref<8x80xi32, #tpu.memory_space<vmem>> -> memref<1x80xi32, #tpu.memory_space<vmem>>
    %dma_wait3A_532 = tpu.memref_squeeze %dma_wait3A_531 : memref<1x80xi32, #tpu.memory_space<vmem>> -> memref<80xi32, #tpu.memory_space<vmem>>
    %dma_wait3A_533 = arith.constant 0 : i32
    %dma_wait3A_534 = arith.constant 0 : i32
    %dma_wait3A_535 = tpu.memref_slice %arg24[%dma_wait3A_533, %dma_wait3A_534] : memref<10240x128xf32, #tpu.memory_space<vmem_shared>> -> memref<10240x128xf32, #tpu.memory_space<vmem_shared>>
    tpu.wait_indirect_dma semaphore(%arg22 : memref<!tpu.dma_semaphore, #tpu.memory_space<semaphore_mem>>) src(%arg12 : memref<80x128xf32, #tpu.memory_space<vmem>>) dst(%dma_wait3A_535 : memref<10240x128xf32, #tpu.memory_space<vmem_shared>>)
    %dma_wait3A_536 = arith.constant 7 : i32
    %dma_wait3A_537 = arith.constant 0 : i32
    %dma_wait3A_538 = tpu.memref_slice %arg7[%dma_wait3A_536, %dma_wait3A_537] : memref<8x80xi32, #tpu.memory_space<vmem>> -> memref<1x80xi32, #tpu.memory_space<vmem>>
    %dma_wait3A_539 = tpu.memref_squeeze %dma_wait3A_538 : memref<1x80xi32, #tpu.memory_space<vmem>> -> memref<80xi32, #tpu.memory_space<vmem>>
    %dma_wait3A_540 = arith.constant 0 : i32
    %dma_wait3A_541 = arith.constant 0 : i32
    %dma_wait3A_542 = tpu.memref_slice %arg2[%dma_wait3A_540, %dma_wait3A_541] : memref<10000x128xf32, #tpu.memory_space<hbm>> -> memref<10000x128xf32, #tpu.memory_space<hbm>>
    tpu.wait_indirect_dma semaphore(%arg17 : memref<!tpu.dma_semaphore, #tpu.memory_space<semaphore_mem>>) src(%dma_wait3A_542 : memref<10000x128xf32, #tpu.memory_space<hbm>>) dst(%arg11 : memref<80x128xf32, #tpu.memory_space<vmem>>)
    %dma_start3A_543 = arith.constant 7 : i32
    %dma_start3A_544 = arith.constant 0 : i32
    %dma_start3A_545 = tpu.memref_slice %arg9[%dma_start3A_543, %dma_start3A_544] : memref<8x80xi32, #tpu.memory_space<vmem>> -> memref<1x80xi32, #tpu.memory_space<vmem>>
    %dma_start3A_546 = tpu.memref_squeeze %dma_start3A_545 : memref<1x80xi32, #tpu.memory_space<vmem>> -> memref<80xi32, #tpu.memory_space<vmem>>
    %dma_start3A_547 = arith.constant 0 : i32
    %dma_start3A_548 = arith.constant 0 : i32
    %dma_start3A_549 = tpu.memref_slice %arg24[%dma_start3A_547, %dma_start3A_548] : memref<10240x128xf32, #tpu.memory_space<vmem_shared>> -> memref<10240x128xf32, #tpu.memory_space<vmem_shared>>
    tpu.enqueue_indirect_dma source(%arg11 : memref<80x128xf32, #tpu.memory_space<vmem>>) target(%dma_start3A_549 : memref<10240x128xf32, #tpu.memory_space<vmem_shared>>) offsets(%dma_start3A_546 : memref<80xi32, #tpu.memory_space<vmem>>) semaphore(%arg21 : memref<!tpu.dma_semaphore, #tpu.memory_space<semaphore_mem>>) {add = true}
    %dma_wait3A_550 = arith.constant 7 : i32
    %dma_wait3A_551 = arith.constant 0 : i32
    %dma_wait3A_552 = tpu.memref_slice %arg9[%dma_wait3A_550, %dma_wait3A_551] : memref<8x80xi32, #tpu.memory_space<vmem>> -> memref<1x80xi32, #tpu.memory_space<vmem>>
    %dma_wait3A_553 = tpu.memref_squeeze %dma_wait3A_552 : memref<1x80xi32, #tpu.memory_space<vmem>> -> memref<80xi32, #tpu.memory_space<vmem>>
    %dma_wait3A_554 = arith.constant 0 : i32
    %dma_wait3A_555 = arith.constant 0 : i32
    %dma_wait3A_556 = tpu.memref_slice %arg24[%dma_wait3A_554, %dma_wait3A_555] : memref<10240x128xf32, #tpu.memory_space<vmem_shared>> -> memref<10240x128xf32, #tpu.memory_space<vmem_shared>>
    tpu.wait_indirect_dma semaphore(%arg23 : memref<!tpu.dma_semaphore, #tpu.memory_space<semaphore_mem>>) src(%arg13 : memref<80x128xf32, #tpu.memory_space<vmem>>) dst(%dma_wait3A_556 : memref<10240x128xf32, #tpu.memory_space<vmem_shared>>)
    %dma_wait3A_557 = arith.constant 0 : i32
    %dma_wait3A_558 = arith.constant 0 : i32
    %dma_wait3A_559 = tpu.memref_slice %arg9[%dma_wait3A_557, %dma_wait3A_558] : memref<8x80xi32, #tpu.memory_space<vmem>> -> memref<1x80xi32, #tpu.memory_space<vmem>>
    %dma_wait3A_560 = tpu.memref_squeeze %dma_wait3A_559 : memref<1x80xi32, #tpu.memory_space<vmem>> -> memref<80xi32, #tpu.memory_space<vmem>>
    %dma_wait3A_561 = arith.constant 0 : i32
    %dma_wait3A_562 = arith.constant 0 : i32
    %dma_wait3A_563 = tpu.memref_slice %arg24[%dma_wait3A_561, %dma_wait3A_562] : memref<10240x128xf32, #tpu.memory_space<vmem_shared>> -> memref<10240x128xf32, #tpu.memory_space<vmem_shared>>
    tpu.wait_indirect_dma semaphore(%arg20 : memref<!tpu.dma_semaphore, #tpu.memory_space<semaphore_mem>>) src(%arg10 : memref<80x128xf32, #tpu.memory_space<vmem>>) dst(%dma_wait3A_563 : memref<10240x128xf32, #tpu.memory_space<vmem_shared>>)
    %dma_wait3A_564 = arith.constant 1 : i32
    %dma_wait3A_565 = arith.constant 0 : i32
    %dma_wait3A_566 = tpu.memref_slice %arg9[%dma_wait3A_564, %dma_wait3A_565] : memref<8x80xi32, #tpu.memory_space<vmem>> -> memref<1x80xi32, #tpu.memory_space<vmem>>
    %dma_wait3A_567 = tpu.memref_squeeze %dma_wait3A_566 : memref<1x80xi32, #tpu.memory_space<vmem>> -> memref<80xi32, #tpu.memory_space<vmem>>
    %dma_wait3A_568 = arith.constant 0 : i32
    %dma_wait3A_569 = arith.constant 0 : i32
    %dma_wait3A_570 = tpu.memref_slice %arg24[%dma_wait3A_568, %dma_wait3A_569] : memref<10240x128xf32, #tpu.memory_space<vmem_shared>> -> memref<10240x128xf32, #tpu.memory_space<vmem_shared>>
    tpu.wait_indirect_dma semaphore(%arg21 : memref<!tpu.dma_semaphore, #tpu.memory_space<semaphore_mem>>) src(%arg11 : memref<80x128xf32, #tpu.memory_space<vmem>>) dst(%dma_wait3A_570 : memref<10240x128xf32, #tpu.memory_space<vmem_shared>>)
    %barrier3A_571 = arith.constant 0 : index
    tpu.barrier barrier_id(%barrier3A_571)
    %mul3A_572 = arith.constant 640 : i32
    %mul3A_573 = arith.muli %arg1, %mul3A_572 : i32
    %mul3A_574 = arith.constant 640 : i32
    %mul3A_575 = arith.muli %arg1, %mul3A_574 : i32
    "tpu.region"() ({
      %run_scoped3A = tpu.sem_alloc : memref<!tpu.dma_semaphore, #tpu.memory_space<semaphore_mem>>
      %dma_start3A_576 = arith.constant 0 : i32
      %dma_start3A_577 = tpu.memref_slice %arg5[%arg0, %mul3A_575, %dma_start3A_576] : memref<2x10240x128xf32, #tpu.memory_space<hbm>> -> memref<1x640x128xf32, #tpu.memory_space<hbm>>
      %dma_start3A_578 = tpu.memref_squeeze %dma_start3A_577 : memref<1x640x128xf32, #tpu.memory_space<hbm>> -> memref<640x128xf32, #tpu.memory_space<hbm>>
      %dma_start3A_579 = arith.constant 0 : i32
      %dma_start3A_580 = tpu.memref_slice %arg24[%mul3A_573, %dma_start3A_579] : memref<10240x128xf32, #tpu.memory_space<vmem_shared>> -> memref<640x128xf32, #tpu.memory_space<vmem_shared>>
      tpu.enqueue_dma source(%dma_start3A_580 : memref<640x128xf32, #tpu.memory_space<vmem_shared>>) target(%dma_start3A_578 : memref<640x128xf32, #tpu.memory_space<hbm>>) target_semaphore(%run_scoped3A : memref<!tpu.dma_semaphore, #tpu.memory_space<semaphore_mem>>)
      %dma_wait3A_581 = arith.constant 0 : i32
      %dma_wait3A_582 = tpu.memref_slice %arg5[%arg0, %mul3A_575, %dma_wait3A_581] : memref<2x10240x128xf32, #tpu.memory_space<hbm>> -> memref<1x640x128xf32, #tpu.memory_space<hbm>>
      %dma_wait3A_583 = tpu.memref_squeeze %dma_wait3A_582 : memref<1x640x128xf32, #tpu.memory_space<hbm>> -> memref<640x128xf32, #tpu.memory_space<hbm>>
      %dma_wait3A_584 = arith.constant 0 : i32
      %dma_wait3A_585 = tpu.memref_slice %arg24[%mul3A_573, %dma_wait3A_584] : memref<10240x128xf32, #tpu.memory_space<vmem_shared>> -> memref<640x128xf32, #tpu.memory_space<vmem_shared>>
      tpu.wait_dma2 semaphore(%run_scoped3A : memref<!tpu.dma_semaphore, #tpu.memory_space<semaphore_mem>>) src(%dma_wait3A_585 : memref<640x128xf32, #tpu.memory_space<vmem_shared>>) dst(%dma_wait3A_583 : memref<640x128xf32, #tpu.memory_space<hbm>>)
      tpu.yield
    }) : () -> ()
    return
  }
}

module attributes {stable_mosaic.version = 14 : i64} {
  func.func @body(%arg0: i32, %arg1: memref<2x1000x128xf32, #tpu.memory_space<vmem>>, %arg2: memref<1000x1xf32, #tpu.memory_space<vmem>>, %arg3: memref<1000x128xf32, #tpu.memory_space<vmem>>, %arg4: memref<128x128xf32, #tpu.memory_space<vmem>>, %arg5: memref<1x128xf32, #tpu.memory_space<vmem>>, %arg6: memref<128x128xf32, #tpu.memory_space<vmem>>, %arg7: memref<1000x128xf32, #tpu.memory_space<vmem>>) attributes {dimension_semantics = [#tpu.dimension_semantics<arbitrary>], iteration_bounds = array<i64: 10>, scalar_prefetch = 0 : i64, scratch_operands = 0 : i64, tpu.core_type = #tpu.core_type<tc>, window_params = [{transform_indices = @transform_0, window_bounds = array<i64: 2, 1000, 128>}, {transform_indices = @transform_1, window_bounds = array<i64: 1000, 1>}, {transform_indices = @transform_2, window_bounds = array<i64: 1000, 128>}, {pipeline_mode = #tpu.pipeline_mode<synchronous>, transform_indices = @transform_3, window_bounds = array<i64: 128, 128>}, {pipeline_mode = #tpu.pipeline_mode<synchronous>, transform_indices = @transform_4, window_bounds = array<i64: 1, 128>}, {pipeline_mode = #tpu.pipeline_mode<synchronous>, transform_indices = @transform_5, window_bounds = array<i64: 128, 128>}, {transform_indices = @transform_6, window_bounds = array<i64: 1000, 128>}]} {
    %get3A = arith.constant 0 : index
    %get3A_0 = arith.constant 0 : index
    %get3A_1 = vector.load %arg2[%get3A, %get3A_0] : memref<1000x1xf32, #tpu.memory_space<vmem>>, vector<1000x1xf32>
    %max3A = arith.constant 1.000000e+00 : f32
    %max3A_2 = vector.broadcast %max3A : f32 to vector<1000x1xf32>
    %max3A_3 = arith.maximumf %get3A_1, %max3A_2 : vector<1000x1xf32>
    %div3A = arith.constant 1.000000e+00 : f32
    %div3A_4 = vector.broadcast %div3A : f32 to vector<1000x1xf32>
    %div3A_5 = arith.divf %div3A_4, %max3A_3 : vector<1000x1xf32>
    %get3A_6 = arith.constant 0 : index
    %get3A_7 = arith.constant 0 : index
    %get3A_8 = arith.constant 0 : index
    %get3A_9 = vector.load %arg1[%get3A_6, %get3A_7, %get3A_8] : memref<2x1000x128xf32, #tpu.memory_space<vmem>>, vector<1x1000x128xf32>
    %get3A_10 = vector.shape_cast %get3A_9 : vector<1x1000x128xf32> to vector<1000x128xf32>
    %get3A_11 = arith.constant 1 : index
    %get3A_12 = arith.constant 0 : index
    %get3A_13 = arith.constant 0 : index
    %get3A_14 = vector.load %arg1[%get3A_11, %get3A_12, %get3A_13] : memref<2x1000x128xf32, #tpu.memory_space<vmem>>, vector<1x1000x128xf32>
    %get3A_15 = vector.shape_cast %get3A_14 : vector<1x1000x128xf32> to vector<1000x128xf32>
    %add3A = arith.addf %get3A_10, %get3A_15 : vector<1000x128xf32>
    %mul3A = vector.broadcast %div3A_5 : vector<1000x1xf32> to vector<1000x128xf32>
    %mul3A_16 = arith.mulf %add3A, %mul3A : vector<1000x128xf32>
    %get3A_17 = arith.constant 0 : index
    %get3A_18 = arith.constant 0 : index
    %get3A_19 = vector.load %arg4[%get3A_17, %get3A_18] : memref<128x128xf32, #tpu.memory_space<vmem>>, vector<128x128xf32>
    %dot_general3A = arith.constant dense<0.000000e+00> : vector<1000x128xf32>
    %dot_general3A_20 = tpu.matmul %mul3A_16, %get3A_19, %dot_general3A {dimension_numbers = #tpu.dot_dimension_numbers<[1], [1], [0], [0], [0, 0, 1, 0], [], []>, precision = #tpu.contract_precision<fp32>, transpose_lhs_hint = false} : vector<1000x128xf32>, vector<128x128xf32>, vector<1000x128xf32> -> vector<1000x128xf32>
    %get3A_21 = arith.constant 0 : index
    %get3A_22 = arith.constant 0 : index
    %get3A_23 = vector.load %arg3[%get3A_21, %get3A_22] : memref<1000x128xf32, #tpu.memory_space<vmem>>, vector<1000x128xf32>
    %get3A_24 = arith.constant 0 : index
    %get3A_25 = arith.constant 0 : index
    %get3A_26 = vector.load %arg6[%get3A_24, %get3A_25] : memref<128x128xf32, #tpu.memory_space<vmem>>, vector<128x128xf32>
    %dot_general3A_27 = arith.constant dense<0.000000e+00> : vector<1000x128xf32>
    %dot_general3A_28 = tpu.matmul %get3A_23, %get3A_26, %dot_general3A_27 {dimension_numbers = #tpu.dot_dimension_numbers<[1], [1], [0], [0], [0, 0, 1, 0], [], []>, precision = #tpu.contract_precision<fp32>, transpose_lhs_hint = false} : vector<1000x128xf32>, vector<128x128xf32>, vector<1000x128xf32> -> vector<1000x128xf32>
    %add3A_29 = arith.addf %dot_general3A_20, %dot_general3A_28 : vector<1000x128xf32>
    %get3A_30 = arith.constant 0 : index
    %get3A_31 = arith.constant 0 : index
    %get3A_32 = vector.load %arg5[%get3A_30, %get3A_31] : memref<1x128xf32, #tpu.memory_space<vmem>>, vector<1x128xf32>
    %add3A_33 = vector.broadcast %get3A_32 : vector<1x128xf32> to vector<1000x128xf32>
    %add3A_34 = arith.addf %add3A_29, %add3A_33 : vector<1000x128xf32>
    %max3A_35 = arith.constant 0.000000e+00 : f32
    %max3A_36 = vector.broadcast %max3A_35 : f32 to vector<1000x128xf32>
    %max3A_37 = arith.maximumf %add3A_34, %max3A_36 : vector<1000x128xf32>
    %swap3A = arith.constant 0 : index
    %swap3A_38 = arith.constant 0 : index
    %swap3A_39 = vector.load %arg7[%swap3A, %swap3A_38] : memref<1000x128xf32, #tpu.memory_space<vmem>>, vector<1000x128xf32>
    tpu.vector_store %arg7[%swap3A, %swap3A_38], %max3A_37 {strides = array<i32>} : memref<1000x128xf32, #tpu.memory_space<vmem>>, vector<1000x128xf32>,
    return
  }
  func.func @transform_0(%arg0: i32) -> (i32, i32, i32) {
    %c0_i32 = arith.constant 0 : i32
    %c0_i32_0 = arith.constant 0 : i32
    %c0_i32_1 = arith.constant 0 : i32
    return %c0_i32, %arg0, %c0_i32_0 : i32, i32, i32
  }
  func.func @transform_1(%arg0: i32) -> (i32, i32) {
    %c0_i32 = arith.constant 0 : i32
    %c0_i32_0 = arith.constant 0 : i32
    return %arg0, %c0_i32 : i32, i32
  }
  func.func @transform_2(%arg0: i32) -> (i32, i32) {
    %c0_i32 = arith.constant 0 : i32
    %c0_i32_0 = arith.constant 0 : i32
    return %arg0, %c0_i32 : i32, i32
  }
  func.func @transform_3(%arg0: i32) -> (i32, i32) {
    %c0_i32 = arith.constant 0 : i32
    %c0_i32_0 = arith.constant 0 : i32
    %c0_i32_1 = arith.constant 0 : i32
    return %c0_i32, %c0_i32_0 : i32, i32
  }
  func.func @transform_4(%arg0: i32) -> (i32, i32) {
    %c0_i32 = arith.constant 0 : i32
    %c0_i32_0 = arith.constant 0 : i32
    %c0_i32_1 = arith.constant 0 : i32
    return %c0_i32, %c0_i32_0 : i32, i32
  }
  func.func @transform_5(%arg0: i32) -> (i32, i32) {
    %c0_i32 = arith.constant 0 : i32
    %c0_i32_0 = arith.constant 0 : i32
    %c0_i32_1 = arith.constant 0 : i32
    return %c0_i32, %c0_i32_0 : i32, i32
  }
  func.func @transform_6(%arg0: i32) -> (i32, i32) {
    %c0_i32 = arith.constant 0 : i32
    %c0_i32_0 = arith.constant 0 : i32
    return %arg0, %c0_i32 : i32, i32
  }
}

module attributes {stable_mosaic.version = 14 : i64} {
  func.func @body(%arg0: i32, %arg1: memref<2x1000x128xf32, #tpu.memory_space<vmem>>, %arg2: memref<1000x1xf32, #tpu.memory_space<vmem>>, %arg3: memref<1000x128xf32, #tpu.memory_space<vmem>>, %arg4: memref<128x128xf32, #tpu.memory_space<vmem>>, %arg5: memref<1x128xf32, #tpu.memory_space<vmem>>, %arg6: memref<128x128xf32, #tpu.memory_space<vmem>>, %arg7: memref<1000x128xf32, #tpu.memory_space<vmem>>) attributes {dimension_semantics = [#tpu.dimension_semantics<arbitrary>], iteration_bounds = array<i64: 10>, scalar_prefetch = 0 : i64, scratch_operands = 0 : i64, tpu.core_type = #tpu.core_type<tc>, window_params = [{transform_indices = @transform_0, window_bounds = array<i64: 2, 1000, 128>}, {transform_indices = @transform_1, window_bounds = array<i64: 1000, 1>}, {transform_indices = @transform_2, window_bounds = array<i64: 1000, 128>}, {pipeline_mode = #tpu.pipeline_mode<synchronous>, transform_indices = @transform_3, window_bounds = array<i64: 128, 128>}, {pipeline_mode = #tpu.pipeline_mode<synchronous>, transform_indices = @transform_4, window_bounds = array<i64: 1, 128>}, {pipeline_mode = #tpu.pipeline_mode<synchronous>, transform_indices = @transform_5, window_bounds = array<i64: 128, 128>}, {transform_indices = @transform_6, window_bounds = array<i64: 1000, 128>}]} {
    %get3A = arith.constant 0 : index
    %get3A_0 = arith.constant 0 : index
    %get3A_1 = vector.load %arg2[%get3A, %get3A_0] : memref<1000x1xf32, #tpu.memory_space<vmem>>, vector<1000x1xf32>
    %max3A = arith.constant 1.000000e+00 : f32
    %max3A_2 = vector.broadcast %max3A : f32 to vector<1000x1xf32>
    %max3A_3 = arith.maximumf %get3A_1, %max3A_2 : vector<1000x1xf32>
    %div3A = arith.constant 1.000000e+00 : f32
    %div3A_4 = vector.broadcast %div3A : f32 to vector<1000x1xf32>
    %div3A_5 = arith.divf %div3A_4, %max3A_3 : vector<1000x1xf32>
    %get3A_6 = arith.constant 0 : index
    %get3A_7 = arith.constant 0 : index
    %get3A_8 = arith.constant 0 : index
    %get3A_9 = vector.load %arg1[%get3A_6, %get3A_7, %get3A_8] : memref<2x1000x128xf32, #tpu.memory_space<vmem>>, vector<1x1000x128xf32>
    %get3A_10 = vector.shape_cast %get3A_9 : vector<1x1000x128xf32> to vector<1000x128xf32>
    %get3A_11 = arith.constant 1 : index
    %get3A_12 = arith.constant 0 : index
    %get3A_13 = arith.constant 0 : index
    %get3A_14 = vector.load %arg1[%get3A_11, %get3A_12, %get3A_13] : memref<2x1000x128xf32, #tpu.memory_space<vmem>>, vector<1x1000x128xf32>
    %get3A_15 = vector.shape_cast %get3A_14 : vector<1x1000x128xf32> to vector<1000x128xf32>
    %add3A = arith.addf %get3A_10, %get3A_15 : vector<1000x128xf32>
    %mul3A = vector.broadcast %div3A_5 : vector<1000x1xf32> to vector<1000x128xf32>
    %mul3A_16 = arith.mulf %add3A, %mul3A : vector<1000x128xf32>
    %get3A_17 = arith.constant 0 : index
    %get3A_18 = arith.constant 0 : index
    %get3A_19 = vector.load %arg4[%get3A_17, %get3A_18] : memref<128x128xf32, #tpu.memory_space<vmem>>, vector<128x128xf32>
    %dot_general3A = arith.constant dense<0.000000e+00> : vector<1000x128xf32>
    %dot_general3A_20 = tpu.matmul %mul3A_16, %get3A_19, %dot_general3A {dimension_numbers = #tpu.dot_dimension_numbers<[1], [1], [0], [0], [0, 0, 1, 0], [], []>, precision = #tpu.contract_precision<fp32>, transpose_lhs_hint = false} : vector<1000x128xf32>, vector<128x128xf32>, vector<1000x128xf32> -> vector<1000x128xf32>
    %get3A_21 = arith.constant 0 : index
    %get3A_22 = arith.constant 0 : index
    %get3A_23 = vector.load %arg3[%get3A_21, %get3A_22] : memref<1000x128xf32, #tpu.memory_space<vmem>>, vector<1000x128xf32>
    %get3A_24 = arith.constant 0 : index
    %get3A_25 = arith.constant 0 : index
    %get3A_26 = vector.load %arg6[%get3A_24, %get3A_25] : memref<128x128xf32, #tpu.memory_space<vmem>>, vector<128x128xf32>
    %dot_general3A_27 = arith.constant dense<0.000000e+00> : vector<1000x128xf32>
    %dot_general3A_28 = tpu.matmul %get3A_23, %get3A_26, %dot_general3A_27 {dimension_numbers = #tpu.dot_dimension_numbers<[1], [1], [0], [0], [0, 0, 1, 0], [], []>, precision = #tpu.contract_precision<fp32>, transpose_lhs_hint = false} : vector<1000x128xf32>, vector<128x128xf32>, vector<1000x128xf32> -> vector<1000x128xf32>
    %add3A_29 = arith.addf %dot_general3A_20, %dot_general3A_28 : vector<1000x128xf32>
    %get3A_30 = arith.constant 0 : index
    %get3A_31 = arith.constant 0 : index
    %get3A_32 = vector.load %arg5[%get3A_30, %get3A_31] : memref<1x128xf32, #tpu.memory_space<vmem>>, vector<1x128xf32>
    %add3A_33 = vector.broadcast %get3A_32 : vector<1x128xf32> to vector<1000x128xf32>
    %add3A_34 = arith.addf %add3A_29, %add3A_33 : vector<1000x128xf32>
    %swap3A = arith.constant 0 : index
    %swap3A_35 = arith.constant 0 : index
    %swap3A_36 = vector.load %arg7[%swap3A, %swap3A_35] : memref<1000x128xf32, #tpu.memory_space<vmem>>, vector<1000x128xf32>
    tpu.vector_store %arg7[%swap3A, %swap3A_35], %add3A_34 {strides = array<i32>} : memref<1000x128xf32, #tpu.memory_space<vmem>>, vector<1000x128xf32>,
    return
  }
  func.func @transform_0(%arg0: i32) -> (i32, i32, i32) {
    %c0_i32 = arith.constant 0 : i32
    %c0_i32_0 = arith.constant 0 : i32
    %c0_i32_1 = arith.constant 0 : i32
    return %c0_i32, %arg0, %c0_i32_0 : i32, i32, i32
  }
  func.func @transform_1(%arg0: i32) -> (i32, i32) {
    %c0_i32 = arith.constant 0 : i32
    %c0_i32_0 = arith.constant 0 : i32
    return %arg0, %c0_i32 : i32, i32
  }
  func.func @transform_2(%arg0: i32) -> (i32, i32) {
    %c0_i32 = arith.constant 0 : i32
    %c0_i32_0 = arith.constant 0 : i32
    return %arg0, %c0_i32 : i32, i32
  }
  func.func @transform_3(%arg0: i32) -> (i32, i32) {
    %c0_i32 = arith.constant 0 : i32
    %c0_i32_0 = arith.constant 0 : i32
    %c0_i32_1 = arith.constant 0 : i32
    return %c0_i32, %c0_i32_0 : i32, i32
  }
  func.func @transform_4(%arg0: i32) -> (i32, i32) {
    %c0_i32 = arith.constant 0 : i32
    %c0_i32_0 = arith.constant 0 : i32
    %c0_i32_1 = arith.constant 0 : i32
    return %c0_i32, %c0_i32_0 : i32, i32
  }
  func.func @transform_5(%arg0: i32) -> (i32, i32) {
    %c0_i32 = arith.constant 0 : i32
    %c0_i32_0 = arith.constant 0 : i32
    %c0_i32_1 = arith.constant 0 : i32
    return %c0_i32, %c0_i32_0 : i32, i32
  }
  func.func @transform_6(%arg0: i32) -> (i32, i32) {
    %c0_i32 = arith.constant 0 : i32
    %c0_i32_0 = arith.constant 0 : i32
    return %arg0, %c0_i32 : i32, i32
  }
}

</mosaic_0001>

<sc_bundles>
// kernel: kernel.10.cloned.1.call-start
scs
__scs_entry_jumppad:
0x0: {  	(pc) =	sbr.rel $0x88, $3  }
0x1: {  	(tag) =	ssettag $0x0;
	lr =	simm.s32 $0x1  }
0x2: {  	[smem:$0x3F99] =	sst lr;
	_ =	strace $0xD0000000  }
0x3: {  	_ = 	snop  }
0x4: {  	_ = 	snop  }
0x5: {  	_ = 	snop  }
0x6: {  	_ = 	snop  }
0x7: {  	_ = 	snop  }
__scs_overlays_trampoline_lowered:
0x8: {  	[smem:$0x3FA8] =	sst s0  }
0x9: {  	[smem:$0x3FA9] =	sst s1  }
0xa: {  	[smem:$0x3FAA] =	sst s2  }
0xb: {  	[smem:$0x3FAB] =	sst s3  }
0xc: {  	[smem:$0x3FAC] =	sst s4  }
0xd: {  	[smem:$0x3FAD] =	sst s5  }
0xe: {  	[smem:$0x3FAE] =	sst s6  }
0xf: {  	[smem:$0x3FAF] =	sst s7  }
0x10: {  	[smem:$0x3FB0] =	sst s8  }
0x11: {  	[smem:$0x3FB1] =	sst s9;
	s0 =	simm.s32 @!p0 $0x0  }
0x12: {  	s1 =	sld [smem:$0x3F97];
	s0 =	simm.s32 @p0 $0x1  }
0x13: {  	[smem:$0x3FB2] =	sst s0;
	s0 =	simm.s32 @!p1 $0x0  }
0x14: {  	s2 =	sld [smem:$0x3F96];
	s0 =	simm.s32 @p1 $0x1  }
0x15: {  	[smem:$0x3FB3] =	sst s0;
	s0 =	simm.s32 @!p2 $0x0  }
0x16: {  	s3 =	sld [smem:$0x3FDB];
	s0 =	simm.s32 @p2 $0x1  }
0x17: {  	s4 =	simm.s32 $0x1BF5;
	[smem:$0x3FB5] =	sst s0  }
0x18: {  	s0 =	sld [smem:$0x3F98];
	_ =	swait.ge [sflag:s4], $0x0  }
0x19: {  	s7 =	sld [smem:$0x3F99]  }
0x1a: {  	s8 =	sadd.s32 $0xFFFFE003, lr  }
0x1b: {  	s9 =	sadd.s32 $0xFFFFFEF7, lr;
	s5 =	simm.s32 $0xFFFFFFFF;
	p2 =	slt.u32 s8, $0xFFFFF086  }
0x1c: {  	p1 =	slt.u32 s9, $0xF7A;
	s5 =	simm.s32 @!p2 $0x0  }
0x1d: {  	s5 =	simm.s32 @p1 $0x1;
	p0 =	seq.s32 s7, s2  }
0x1e: {  	s7 =	smul.u32 @!p0 $0xF7A, s2;
	p2 =	seq.s32 @!p0 s5, $0x0  }
0x1f: {  	s9 =	smul.u32 $0xF7A, s1;
	s8 =	simm.s32 @!p0 $0x1BF5;
	p2 =	por !p2, p0  }
0x20: {  	[sflag:s8] =	ssyncset.s32 @!p0 $0xFFFFF086;
	s6 =	sadd.s32 @!p0 s3, s7;
	s7 =	simm.s32 @!p0 $0x108  }
0x21: {  	s3 =	sadd.s32 s3, s9;
	s6 =	sadd.s32 @!p0 $0x88, s6;
	s7 =	simm.s32 @p2 $0x1082  }
0x22: {  	[simem:s7], [sflag:s8] =	dma.local @!p0 [hbm:s6], $0xF7A  }
0x23: {  	s9 =	sor.u32 $0xD0000000, s2;
	s6 =	simm.s32 $0x108;
	_ =	swait.ge @!p0 [sflag:s8], $0x0  }
0x24: {  	s3 =	sadd.s32 $0x88, s3;
	s6 =	simm.s32 @!p1 $0x1082;
	[sflag:s4] =	ssyncset.s32 $0xFFFFF086  }
0x25: {  	[simem:s6], [sflag:s4] =	dma.local [hbm:s3], $0xF7A  }
0x26: {  	[smem:$0x3F99] =	sst s1;
	(tag) =	ssettag s2;
	_ =	strace s9  }
0x27: {  	s1 =	sld [smem:$0x3FA9]  }
0x28: {  	s2 =	sld [smem:$0x3FAA]  }
0x29: {  	s4 =	sld [smem:$0x3FAC]  }
0x2a: {  	p0 =	seq.s32 s5, $0x0;
	s5 =	sld [smem:$0x3FAD]  }
0x2b: {  	s6 =	sld [smem:$0x3FAE]  }
0x2c: {  	s7 =	sld [smem:$0x3FAF]  }
0x2d: {  	s3 =	simm.s32 $0x108;
	s8 =	sld [smem:$0x3FB0]  }
0x2e: {  	s3 =	simm.s32 @!p0 $0x1082;
	s9 =	sld [smem:$0x3FB1]  }
0x2f: {  	lr =	sadd.s32 s0, s3;
	s0 =	sld [smem:$0x3FA8]  }
0x30: {  	s3 =	sld [smem:$0x3FAB]  }
0x31: {  	[smem:$0x3FB4] =	sst s10  }
0x32: {  	s10 =	sld [smem:$0x3FB2];
	_ =	sdelay $0x3  }
0x33: {  	p0 =	seq.s32 s10, $0x1;
	s10 =	sld [smem:$0x3FB4];
	_ =	sdelay $0x3  }
0x34: {  	[smem:$0x3FB4] =	sst s10  }
0x35: {  	s10 =	sld [smem:$0x3FB3];
	_ =	sdelay $0x3  }
0x36: {  	p1 =	seq.s32 s10, $0x1;
	s10 =	sld [smem:$0x3FB4];
	_ =	sdelay $0x3  }
0x37: {  	[smem:$0x3FB4] =	sst s10  }
0x38: {  	s10 =	sld [smem:$0x3FB5]  }
0x39: {  	_ = 	snop;
	(pc) =	sbr.ind lr, $3  }
0x3a: {  	_ = 	snop  }
0x3b: {  	_ = 	snop  }
0x3c: {  	p2 =	seq.s32 s10, $0x1;
	s10 =	sld [smem:$0x3FB4]  }
0x3d: {  	_ =	shalt  }
0x3e: {  	_ =	shalt  }
0x3f: {  	_ =	shalt  }
0x40: {  	_ =	shalt  }
0x41: {  	_ =	shalt  }
0x42: {  	_ =	shalt  }
0x43: {  	_ =	shalt  }
0x44: {  	_ =	shalt  }
0x45: {  	_ =	shalt  }
0x46: {  	_ =	shalt  }
0x47: {  	_ =	shalt  }
0x48: {  	_ =	shalt  }
0x49: {  	_ =	shalt  }
0x4a: {  	_ =	shalt  }
0x4b: {  	_ =	shalt  }
0x4c: {  	_ =	shalt  }
0x4d: {  	_ =	shalt  }
0x4e: {  	_ =	shalt  }
0x4f: {  	_ =	shalt  }
0x50: {  	_ =	shalt  }
0x51: {  	_ =	shalt  }
0x52: {  	_ =	shalt  }
0x53: {  	_ =	shalt  }
0x54: {  	_ =	shalt  }
0x55: {  	_ =	shalt  }
0x56: {  	_ =	shalt  }
0x57: {  	_ =	shalt  }
0x58: {  	_ =	shalt  }
0x59: {  	_ =	shalt  }
0x5a: {  	_ =	shalt  }
0x5b: {  	_ =	shalt  }
0x5c: {  	_ =	shalt  }
0x5d: {  	_ =	shalt  }
0x5e: {  	_ =	shalt  }
0x5f: {  	_ =	shalt  }
0x60: {  	_ =	shalt  }
0x61: {  	_ =	shalt  }
0x62: {  	_ =	shalt  }
0x63: {  	_ =	shalt  }
0x64: {  	_ =	shalt  }
0x65: {  	_ =	shalt  }
0x66: {  	_ =	shalt  }
0x67: {  	_ =	shalt  }
0x68: {  	_ =	shalt  }
0x69: {  	_ =	shalt  }
0x6a: {  	_ =	shalt  }
0x6b: {  	_ =	shalt  }
0x6c: {  	_ =	shalt  }
0x6d: {  	_ =	shalt  }
0x6e: {  	_ =	shalt  }
0x6f: {  	_ =	shalt  }
0x70: {  	_ =	shalt  }
0x71: {  	_ =	shalt  }
0x72: {  	_ =	shalt  }
0x73: {  	_ =	shalt  }
0x74: {  	_ =	shalt  }
0x75: {  	_ =	shalt  }
0x76: {  	_ =	shalt  }
0x77: {  	_ =	shalt  }
0x78: {  	_ =	shalt  }
0x79: {  	_ =	shalt  }
0x7a: {  	_ =	shalt  }
0x7b: {  	_ =	shalt  }
0x7c: {  	_ =	shalt  }
0x7d: {  	_ =	shalt  }
0x7e: {  	_ =	shalt  }
0x7f: {  	_ =	shalt  }
0x80: {  	_ =	shalt  }
0x81: {  	_ =	shalt  }
0x82: {  	_ =	shalt  }
0x83: {  	_ =	shalt  }
0x84: {  	_ =	shalt  }
0x85: {  	_ =	shalt  }
0x86: {  	_ =	shalt  }
0x87: {  	_ =	shalt  }
.Lfunc_end0:
.L_simem_size_0:
called_computation.1_lowered:
.L_overlay_start_0:
0x88: {  	s2 =	sld [smem:$0x3FD9]  }
0x89: {  	s3 =	sld [smem:$0x3FFE];
	_ =	sdelay $0x1  }
0x8a: {  	s1 =	srdreg.scid  }
0x8b: {  	s0 =	sand.u32 $0x1, s1  }
0x8c: {  	s17 =	sshll.u32 s0, $0xA;
	s2 =	sadd.s32 s3, s2  }
0x8d: {  	s2 =	sadd.s32 s2, s17  }
0x8e: {  	[smem:$0x3FC0] =	sst s2  }
0x8f: {  	_ = 	snop  }
0x90: {  	s18 =	sld [smem:$0x3FC9];
	(tm) =	ssettm $0x1  }
0x91: {  	s19 =	sld [smem:$0x3FFB];
	_ =	sdelay $0x3  }
0x92: {  	_ =	strace s19  }
0x93: {  	s2 =	sld [smem:$0x3FFC];
	_ =	sdelay $0x3  }
0x94: {  	_ =	strace s2  }
0x95: {  	s2 =	sld [smem:$0x3FFD];
	_ =	sdelay $0x3  }
0x96: {  	_ =	strace s2  }
0x97: {  	_ =	strace $0x8FFFFFFF  }
0x98: {  	s20 =	sld [smem:$0x3FDB];
	_ =	sdelay $0x1  }
0x99: {  	s4 =	simm.s32 $_scs_section_size  }
0x9a: {  	s5 =	simm.s32 $_size__tile_overlayer_lowered;
	s6 =	simm.s32 $_tile_overlayer_lowered  }
0x9b: {  	s7 =	simm.s32 $0x1BFF;
	s21 =	sshll.u32 s6, $0x1;
	s4 =	sadd.s32 s4, s20  }
0x9c: {  	s22 =	simm.s32 $0x0;
	s5 =	sshll.u32 s5, $0x1;
	s6 =	sadd.s32 s21, s4  }
0x9d: {  	[timem:s22], [sflag:s7] =	dma.local [hbm:s6], s5  }
0x9e: {  	_ =	swait.ge [sflag:s7], s5  }
0x9f: {  	s5 =	ssub.s32 $0x0, s5;
	[sflag:s7] =	ssyncset.done $0x0  }
0xa0: {  	[sflag:s7] =	ssyncadd.s32 s5;
	_ =	sdelay $0x1  }
0xa1: {  	s23 =	simm.s32 $0x1B8B  }
0xa2: {  	_ =	swait.ge [sflag:s23], $0x1  }
0xa3: {  	[sflag:s23] =	ssyncset.done $0x0  }
0xa4: {  	[sflag:s23] =	ssyncadd.s32 $0xFFFFFFFF  }
0xa5: {  	s5 =	sld [smem:$0x0]  }
0xa6: {  	s6 =	sand.u32 $0xFFFFFFFE, s1  }
0xa7: {  	p0 =	sne.s32 s1, s6  }
0xa8: {  	s6 =	sshll.u32 @p0 s6, $0xE  }
0xa9: {  	s6 =	sadd.s32 @p0 $0x11B8D, s6;
	s7 =	sshll.u32 @p0 s5, $0x11  }
0xaa: {  	s6 =	sor.u32 @p0 s7, s6  }
0xab: {  	[sflag:s6] =	ssyncadd.remote.s32 @p0 $0x1;
	_ =	sdelay $0x1  }
0xac: {  	s6 =	simm.s32 @p0 $0x1B8D  }
0xad: {  	_ =	swait.eq @p0 [sflag:s6], $0x1  }
0xae: {  	[sflag:s6] =	ssyncadd.s32 @p0 $0xFFFFFFFF  }
0xaf: {  	s7 =	sshll.u32 @!p0 s1, $0xE  }
0xb0: {  	s7 =	sor.u32 @!p0 $0x4000, s7;
	s6 =	simm.s32 @!p0 $0x1B8D  }
0xb1: {  	s5 =	sshll.u32 @!p0 s5, $0x11;
	s7 =	sadd.s32 @!p0 $0x11B8D, s7;
	_ =	swait.eq @!p0 [sflag:s6], $0x1  }
0xb2: {  	s5 =	sor.u32 @!p0 s5, s7;
	[sflag:s6] =	ssyncadd.s32 @!p0 $0xFFFFFFFF  }
0xb3: {  	s25 =	simm.s32 $0x1B8E;
	s24 =	sld [smem:$0x3FFE];
	[sflag:s5] =	ssyncadd.remote.s32 @!p0 $0x1  }
0xb4: {  	s26 =	simm.s32 $execute0_lowered;
	[smem:$0x3FD2] =	sst s25  }
0xb5: {  	s6 =	sshll.u32 s26, $0x1;
	_ =	strace $0x80000049;
	[dreg:$0x1] =	wrdreg $0xFFFFFFFF  }
0xb6: {  	s28 =	simm.s32 $_size_execute0_lowered;
	s4 =	sadd.s32 s4, s6;
	[dreg:$0x0] =	wrdreg $0x0  }
0xb7: {  	s6 =	sshll.u32 s28, $0x1;
	[dreg:$0x2] =	wrdreg s4  }
0xb8: {  	[dreg:$0x3] =	wrdreg s6  }
0xb9: {  	[dreg:$0x4] =	wrdreg $0xC0  }
0xba: {  	_ =	task [dreg:s22], $0x5FFFF  }
0xbb: {  	[dreg:$0x1] =	wrdreg $0xFFFFFFFF  }
0xbc: {  	[dreg:$0x0] =	wrdreg $0x60  }
0xbd: {  	[dreg:$0x2] =	wrdreg s18  }
0xbe: {  	[dreg:$0x3] =	wrdreg s24  }
0xbf: {  	[dreg:$0x4] =	wrdreg $0xB0000  }
0xc0: {  	[dreg:$0x5] =	wrdreg $0xA  }
0xc1: {  	_ =	task.clear_ibuf [dreg:s22], $0x6FFFF;
	_ =	strace $0x90000049  }
0xc2: {  	s29 =	simm.s32 $0xA;
	_ =	strace $0x8000004B  }
0xc3: {  	_ =	swait.ge [sflag:s29], $0x1  }
0xc4: {  	[sflag:s29] =	ssyncadd.s32 $0xFFFFFFFF  }
0xc5: {  	_ =	strace $0x9000004B  }
0xc6: {  	_ =	sfence  }
0xc7: {  	s30 =	sld [smem:$0x0];
	_ =	sdelay $0x2  }
0xc8: {  	s31 =	sshll.u32 s1, $0xD;
	s1 =	sshrl.u32 s1, $0x2  }
0xc9: {  	s4 =	sand.u32 $0x4000, s31;
	s1 =	sadd.s32 s1, s30  }
0xca: {  	s0 =	sor.u32 s4, s0;
	s1 =	sshll.u32 s1, $0x11  }
0xcb: {  	s0 =	sor.u32 s1, s0  }
0xcc: {  	s0 =	sadd.s32 $0x8F2B, s0  }
0xcd: {  	[sflag:s0] =	ssyncadd.remote.s32 $0x1  }
0xce: {  	_ =	sfence.sel $0xFFFF  }
0xcf: {  	[dreg:$0x0] =	wrdreg $0xFFFFFFFF;
	(pc) =	sbr.abs _section_cstart, $3  }
0xd0: {  	[dreg:$0x1] =	wrdreg $0xFFFFFFFF  }
0xd1: {  	_ =	task.clear_ibuf [dreg:s22], $0x2FFFF;
	_ =	strace $0x9FFFFFFF  }
0xd2: {  	(tm) =	ssettm $0x7FFFFFFF  }
0xd3: {  	_ =	shalt  }
tec
execute0_lowered:
.L_overlay_start_1:
0x0: {  	(tag) =	ssettag $0x1  }
0x1: {  	s0 =	rddreg [dreg:$0x0]  }
0x2: {  	s1 =	rddreg [dreg:$0x1];
	s2 =	srdreg.scid  }
0x3: {  	s3 =	rddreg [dreg:$0x2];
	s11 =	stileid.u32  }
0x4: {  	s4 =	simm.s32 $0x0;
	s28 =	simm.s32 $0x50;
	s29 =	simm.s32 $0x6000  }
0x5: {  	s31 =	simm.s32 $0x8800;
	s30 =	simm.s32 $0x7;
	s6 =	smul.u32 $0x14000, s11  }
0x6: {  	s2 =	sand.u32 $0x1, s2;
	[smem:$0x7FF] =	sst s4;
	s25 =	smul.u32 $0x50000, s11  }
0x7: {  	s7 =	sadd.s32 $0x1E00, s1;
	s9 =	sshll.u32 s11, $0xE;
	s5 =	smul.u32 $0x140000, s2  }
0x8: {  	_ =	strace $0x8000004A;
	s8 =	ssub.s32 $0x2, s2;
	s2 =	sshll.u32 s2, $0x12  }
0x9: {  	s10 =	sshrl.u32 s8, $0x1;
	s2 =	sor.u32 s9, s2;
	s9 =	sshrl.u32 s25, $0x2  }
0xa: {  	s5 =	sadd.s32 s6, s5;
	s6 =	sadd.s32 $0x11E00, s1;
	s26 =	ssub.s32 s8, s10  }
0xb: {  	s11 =	sshrl.u32 s2, $0x3;
	s15 =	sadd.s32 s9, s3;
	s24 =	sor.u32 $0x800, s2  }
0xc: {  	s25 =	sor.u32 $0x1000, s2;
	s2 =	sor.u32 $0xC00, s2;
	s10 =	simm.s32 $0x2  }
0xd: {  	s5 =	sshrl.u32 s5, $0x3;
	s8 =	sadd.s32 s7, s11;
	[dreg:$0x7] =	wrdreg s15  }
0xe: {  	s12 =	sadd.s32 s6, s11;
	s9 =	sadd.s32 $0x2800, s15;
	[dreg:$0x5] =	wrdreg s8  }
0xf: {  	s13 =	sor.u32 $0x80, s11;
	s16 =	sadd.s32 $0x5000, s15;
	[dreg:$0x8] =	wrdreg s9  }
0x10: {  	s17 =	sadd.s32 $0x7800, s15;
	s18 =	sadd.s32 $0xA000, s15;
	[dreg:$0x9] =	wrdreg s16  }
0x11: {  	s19 =	sadd.s32 $0xC800, s15;
	s20 =	sadd.s32 $0xF000, s15;
	[dreg:$0xa] =	wrdreg s17  }
0x12: {  	s23 =	smax.u32 s26, $0x1;
	s26 =	sshrl.u32 s25, $0x3;
	[dreg:$0xb] =	wrdreg s18  }
0x13: {  	s2 =	sshrl.u32 s2, $0x3;
	s25 =	simm.s32 $0x400;
	[dreg:$0xc] =	wrdreg s19  }
0x14: {  	s1 =	sadd.s32 s5, s1;
	s14 =	sadd.s32 s6, s13;
	[dreg:$0xd] =	wrdreg s20  }
0x15: {  	s8 =	sadd.s32 $0x11800, s15;
	s21 =	sadd.s32 s7, s13;
	[dreg:$0x4] =	wrdreg s12  }
0x16: {  	s22 =	sadd.s32 $0x100, s12;
	[dreg:$0x12] =	wrdreg s23;
	s23 =	sadd.s32 s2, s6  }
0x17: {  	s18 =	simm.s32 $0x80;
	s9 =	simm.s32 $0x6;
	s12 =	simm.s32 $0x3800  }
0x18: {  	s13 =	simm.s32 $0xC00;
	s16 =	simm.s32 $0x9;
	[dreg:$0x6] =	wrdreg s14  }
0x19: {  	s5 =	simm.s32 $0x4;
	s19 =	simm.s32 $0xA;
	[dreg:$0xe] =	wrdreg s8  }
0x1a: {  	s15 =	simm.s32 $0x8;
	s17 =	simm.s32 $0x0;
	[dreg:$0xf] =	wrdreg s21  }
.Ltmp0:
0x1b: {  	[dreg:$0x10] =	wrdreg s22;
	s1 =	sadd.s32 $0x21E00, s1;
	(pc) =	sbr.rel .LBB2_1-.Ltmp0, $4  }
0x1c: {  	s21 =	sadd.s32 s26, s6;
	s22 =	sadd.s32 s2, s7;
	s26 =	simm.s32 $0x1  }
0x1d: {  	s6 =	simm.s32 $0x5;
	s14 =	simm.s32 $0x3;
	s2 =	simm.s32 $0xF00  }
0x1e: {  	[dreg:$0x11] =	wrdreg s1;
	s1 =	sshrl.u32 s24, $0x3;
	s24 =	simm.s32 $0x800  }
0x1f: {  	v0 =	vimm.f32 $0.0e+00;
	s20 =	sadd.s32 s1, s7;
	s1 =	simm.s32 $0x1000;
	s7 =	simm.s32 $0xF80  }
.LBB2_6:
0x20: {  	_ =	swait.ge [sflag:s6], $0x2800  }
0x21: {  	[sflag:s6] =	ssyncset.done $0x0  }
0x22: {  	[sflag:s6] =	ssyncadd.s32 $0xFFFFD800  }
0x23: {  	[spmem:s3] =	stream.indirect.scatter.add.f32 [tilespmem:s29], [sflag:$0x9], $0x80, s13, s28, $0xb8;
	[tilespmem:$0x1F000] =	vst v63  }
0x24: {  	_ =	swait.ge [sflag:s30], $0x2800  }
0x25: {  	[sflag:s30] =	ssyncset.done $0x0  }
0x26: {  	s8 =	simm.s32 $0x500;
	[sflag:s30] =	ssyncadd.s32 $0xFFFFD800  }
0x27: {  	[tilespmem:s1], [sflag:$0x3] =	stream.indirect.gather [hbm4b:s0+s28], $0x80, s8, s28, $0xb8;
	[tilespmem:$0x1F000] =	vst v63  }
0x28: {  	_ =	swait.ge [sflag:s9], $0x2800  }
0x29: {  	[sflag:s9] =	ssyncset.done $0x0  }
0x2a: {  	s18 =	simm.s32 $0xC80;
	[sflag:s9] =	ssyncadd.s32 $0xFFFFD800  }
0x2b: {  	[spmem:s3] =	stream.indirect.scatter.add.f32 [tilespmem:s31], [sflag:$0xA], $0x80, s18, s28, $0xb8;
	[tilespmem:$0x1F000] =	vst v63  }
0x2c: {  	_ =	swait.ge [sflag:s15], $0x2800  }
0x2d: {  	[sflag:s15] =	ssyncset.done $0x0  }
0x2e: {  	s11 =	simm.s32 $0x580;
	[sflag:s15] =	ssyncadd.s32 $0xFFFFD800  }
0x2f: {  	[tilespmem:s12], [sflag:$0x4] =	stream.indirect.gather [hbm4b:s0+s28], $0x80, s11, s28, $0xb8;
	[tilespmem:$0x1F000] =	vst v63  }
0x30: {  	_ =	swait.ge [sflag:s14], $0x2800  }
0x31: {  	[sflag:s14] =	ssyncset.done $0x0  }
0x32: {  	s17 =	simm.s32 $0xD00;
	[sflag:s14] =	ssyncadd.s32 $0xFFFFD800  }
0x33: {  	[spmem:s3] =	stream.indirect.scatter.add.f32 [tilespmem:s1], [sflag:$0x7], $0x80, s17, s28, $0xb8;
	[tilespmem:$0x1F000] =	vst v63  }
0x34: {  	_ =	swait.ge [sflag:s16], $0x2800  }
0x35: {  	[sflag:s16] =	ssyncset.done $0x0  }
0x36: {  	s18 =	simm.s32 $0x600;
	[sflag:s16] =	ssyncadd.s32 $0xFFFFD800  }
0x37: {  	[tilespmem:s29], [sflag:$0x5] =	stream.indirect.gather [hbm4b:s0+s28], $0x80, s18, s28, $0xb8;
	[tilespmem:$0x1F000] =	vst v63  }
0x38: {  	_ =	swait.ge [sflag:s5], $0x2800  }
0x39: {  	[sflag:s5] =	ssyncset.done $0x0  }
0x3a: {  	s11 =	simm.s32 $0xD80;
	[sflag:s5] =	ssyncadd.s32 $0xFFFFD800  }
0x3b: {  	[spmem:s3] =	stream.indirect.scatter.add.f32 [tilespmem:s12], [sflag:$0x8], $0x80, s11, s28, $0xb8;
	[tilespmem:$0x1F000] =	vst v63  }
0x3c: {  	_ =	swait.ge [sflag:s19], $0x2800  }
0x3d: {  	[sflag:s19] =	ssyncset.done $0x0  }
0x3e: {  	s17 =	simm.s32 $0x680;
	[sflag:s19] =	ssyncadd.s32 $0xFFFFD800  }
0x3f: {  	[tilespmem:s31], [sflag:$0x6] =	stream.indirect.gather [hbm4b:s0+s28], $0x80, s17, s28, $0xb8;
	[tilespmem:$0x1F000] =	vst v63  }
0x40: {  	_ =	swait.ge [sflag:s6], $0x2800  }
0x41: {  	[sflag:s6] =	ssyncset.done $0x0  }
0x42: {  	s18 =	simm.s32 $0xE00;
	[sflag:s6] =	ssyncadd.s32 $0xFFFFD800  }
0x43: {  	[spmem:s3] =	stream.indirect.scatter.add.f32 [tilespmem:s29], [sflag:$0x9], $0x80, s18, s28, $0xb8;
	[tilespmem:$0x1F000] =	vst v63  }
0x44: {  	_ =	swait.ge [sflag:s30], $0x2800  }
0x45: {  	[sflag:s30] =	ssyncset.done $0x0  }
0x46: {  	s11 =	simm.s32 $0x700;
	[sflag:s30] =	ssyncadd.s32 $0xFFFFD800  }
0x47: {  	[tilespmem:s1], [sflag:$0x3] =	stream.indirect.gather [hbm4b:s0+s28], $0x80, s11, s28, $0xb8;
	[tilespmem:$0x1F000] =	vst v63  }
0x48: {  	_ =	swait.ge [sflag:s9], $0x2800  }
0x49: {  	[sflag:s9] =	ssyncset.done $0x0  }
0x4a: {  	s17 =	simm.s32 $0xE80;
	[sflag:s9] =	ssyncadd.s32 $0xFFFFD800  }
0x4b: {  	[spmem:s3] =	stream.indirect.scatter.add.f32 [tilespmem:s31], [sflag:$0xA], $0x80, s17, s28, $0xb8;
	[tilespmem:$0x1F000] =	vst v63  }
0x4c: {  	_ =	swait.ge [sflag:s15], $0x2800  }
0x4d: {  	[sflag:s15] =	ssyncset.done $0x0  }
0x4e: {  	s18 =	simm.s32 $0x780;
	[sflag:s15] =	ssyncadd.s32 $0xFFFFD800  }
0x4f: {  	[tilespmem:s12], [sflag:$0x4] =	stream.indirect.gather [hbm4b:s0+s28], $0x80, s18, s28, $0xb8;
	[tilespmem:$0x1F000] =	vst v63  }
0x50: {  	_ =	swait.ge [sflag:s14], $0x2800  }
0x51: {  	[sflag:s14] =	ssyncset.done $0x0  }
0x52: {  	[sflag:s14] =	ssyncadd.s32 $0xFFFFD800  }
0x53: {  	[spmem:s3] =	stream.indirect.scatter.add.f32 [tilespmem:s1], [sflag:$0x7], $0x80, s2, s28, $0xb8;
	[tilespmem:$0x1F000] =	vst v63  }
0x54: {  	_ =	swait.ge [sflag:s16], $0x2800  }
0x55: {  	[sflag:s16] =	ssyncset.done $0x0  }
0x56: {  	[sflag:s16] =	ssyncadd.s32 $0xFFFFD800  }
0x57: {  	_ =	swait.ge [sflag:s5], $0x2800  }
0x58: {  	[sflag:s5] =	ssyncset.done $0x0  }
0x59: {  	[sflag:s5] =	ssyncadd.s32 $0xFFFFD800  }
0x5a: {  	[spmem:s3] =	stream.indirect.scatter.add.f32 [tilespmem:s12], [sflag:$0x8], $0x80, s7, s28, $0xb8;
	[tilespmem:$0x1F000] =	vst v63  }
0x5b: {  	_ =	swait.ge [sflag:s19], $0x2800  }
0x5c: {  	[sflag:s19] =	ssyncset.done $0x0  }
0x5d: {  	[sflag:s19] =	ssyncadd.s32 $0xFFFFD800  }
0x5e: {  	_ =	swait.ge [sflag:s30], $0x2800  }
0x5f: {  	[sflag:s30] =	ssyncset.done $0x0  }
0x60: {  	[sflag:s30] =	ssyncadd.s32 $0xFFFFD800  }
0x61: {  	_ =	swait.ge [sflag:s15], $0x2800  }
0x62: {  	[sflag:s15] =	ssyncset.done $0x0  }
0x63: {  	[sflag:s15] =	ssyncadd.s32 $0xFFFFD800  }
0x64: {  	s11 =	stileid.u32;
	[bflag:$0x0] =	sbarrier.arrive $0xFFFF  }
0x65: {  	s8 =	simm.s32 $0xB;
	s11 =	sshll.u32 s11, $0x6;
	s17 =	rddreg [dreg:$0x7]  }
0x66: {  	s11 =	sor.u32 $0x1C0B, s11;
	s18 =	rddreg [dreg:$0x11];
	s17 =	sshrl.u32 s17, $0x3  }
0x67: {  	[hbm:s18], [sflag:s11] =	dma.local [spmem:s17], $0x2800  }
0x68: {  	_ =	swait.ge [sflag:s8], $0x2800  }
0x69: {  	s11 =	rddreg [dreg:$0x13]  }
0x6a: {  	s17 =	sadd.s32 $0x1, s11;
	s11 =	rddreg [dreg:$0x12]  }
0x6b: {  	p0 =	sne.s32 s17, s11  }
.Ltmp1:
0x6c: {  	_ = 	snop;
	(pc) =	sbr.rel @!p0 .LBB2_7-.Ltmp1, $3  }
0x6d: {  	_ =	sdelay $0x1  }
0x6e: {  	[sflag:s8] =	ssyncset.done $0x0  }
0x6f: {  	s18 =	simm.s32 $0x80;
	[sflag:s8] =	ssyncadd.s32 $0xFFFFD800  }
.LBB2_1:
0x70: {  	[dreg:$0x13] =	wrdreg s17;
	s11 =	simm.s32 $0x0;
	s17 =	simm.s32 $0x200  }
.LBB2_2:
0x71: {  	p0 =	sne.s32 s17, $0x9E00;
	[tilespmem:s11+$0x1070] =	vst v0  }
0x72: {  	[tilespmem:s11+$0x1000] =	vst v0  }
0x73: {  	[tilespmem:s11+$0x1010] =	vst v0  }
.Ltmp2:
0x74: {  	[tilespmem:s11+$0x1020] =	vst v0;
	(pc) =	sbr.rel @p0 .LBB2_2-.Ltmp2, $4  }
0x75: {  	[tilespmem:s11+$0x1030] =	vst v0  }
0x76: {  	[tilespmem:s11+$0x1040] =	vst v0  }
0x77: {  	[tilespmem:s11+$0x1050] =	vst v0  }
0x78: {  	[tilespmem:s11+$0x1060] =	vst v0;
	s11 =	sshra.s32 s17, $0x2;
	s17 =	sadd.s32 $0x200, s17  }
0x79: {  	[tilespmem:s11+$0x1070] =	vst v0  }
0x7a: {  	[tilespmem:s11+$0x1000] =	vst v0  }
0x7b: {  	[tilespmem:s11+$0x1010] =	vst v0  }
0x7c: {  	[tilespmem:s11+$0x1020] =	vst v0  }
0x7d: {  	[tilespmem:s11+$0x1030] =	vst v0  }
0x7e: {  	[tilespmem:s11+$0x1040] =	vst v0  }
0x7f: {  	[tilespmem:s11+$0x1050] =	vst v0  }
0x80: {  	[tilespmem:s11+$0x1060] =	vst v0;
	s11 =	simm.s32 $0x0;
	s17 =	rddreg [dreg:$0x4]  }
0x81: {  	[tilespmem:s11], [sflag:$0x1] =	stream.linear.gather [hbm4b:s17+s11], $0x400, $0x38;
	[tilespmem:$0x1F000] =	vst v63  }
0x82: {  	s8 =	rddreg [dreg:$0x5]  }
0x83: {  	[tilespmem:s24], [sflag:$0x1] =	stream.linear.gather [hbm4b:s8+s11], $0x400, $0x38;
	[tilespmem:$0x1F000] =	vst v63  }
0x84: {  	s8 =	rddreg [dreg:$0x6]  }
0x85: {  	[tilespmem:s25], [sflag:$0x2] =	stream.linear.gather [hbm4b:s8+s11], $0x400, $0x38;
	[tilespmem:$0x1F000] =	vst v63  }
0x86: {  	_ =	swait.ge [sflag:s26], $0x400  }
0x87: {  	[sflag:s26] =	ssyncset.done $0x0  }
0x88: {  	[sflag:s26] =	ssyncadd.s32 $0xFFFFFC00  }
0x89: {  	_ =	swait.ge [sflag:s26], $0x400  }
0x8a: {  	[sflag:s26] =	ssyncset.done $0x0  }
0x8b: {  	[sflag:s26] =	ssyncadd.s32 $0xFFFFFC00  }
0x8c: {  	[tilespmem:s29], [sflag:$0x5] =	stream.indirect.gather [hbm4b:s0+s28], $0x80, s11, s28, $0xb8;
	[tilespmem:$0x1F000] =	vst v63  }
0x8d: {  	_ = 	snop  }
0x8e: {  	[tilespmem:s31], [sflag:$0x6] =	stream.indirect.gather [hbm4b:s0+s28], $0x80, s18, s28, $0xb8;
	[tilespmem:$0x1F000] =	vst v63  }
0x8f: {  	s8 =	rddreg [dreg:$0x7]  }
0x90: {  	[spmem:s8] =	stream.linear.scatter [tilespmem:s1], [sflag:$0xB], $0x2800, $0x38;
	[tilespmem:$0x1F000] =	vst v63  }
0x91: {  	s8 =	simm.s32 $0xB  }
0x92: {  	_ =	swait.ge [sflag:s8], $0x2800  }
0x93: {  	[sflag:s8] =	ssyncset.done $0x0  }
0x94: {  	s17 =	rddreg [dreg:$0x8];
	[sflag:s8] =	ssyncadd.s32 $0xFFFFD800  }
0x95: {  	[spmem:s17] =	stream.linear.scatter [tilespmem:s1], [sflag:$0xB], $0x2800, $0x38;
	[tilespmem:$0x1F000] =	vst v63  }
0x96: {  	_ =	swait.ge [sflag:s8], $0x2800  }
0x97: {  	[sflag:s8] =	ssyncset.done $0x0  }
0x98: {  	s17 =	rddreg [dreg:$0x9];
	[sflag:s8] =	ssyncadd.s32 $0xFFFFD800  }
0x99: {  	[spmem:s17] =	stream.linear.scatter [tilespmem:s1], [sflag:$0xB], $0x2800, $0x38;
	[tilespmem:$0x1F000] =	vst v63  }
0x9a: {  	_ =	swait.ge [sflag:s8], $0x2800  }
0x9b: {  	[sflag:s8] =	ssyncset.done $0x0  }
0x9c: {  	s17 =	rddreg [dreg:$0xa];
	[sflag:s8] =	ssyncadd.s32 $0xFFFFD800  }
0x9d: {  	[spmem:s17] =	stream.linear.scatter [tilespmem:s1], [sflag:$0xB], $0x2800, $0x38;
	[tilespmem:$0x1F000] =	vst v63  }
0x9e: {  	_ =	swait.ge [sflag:s8], $0x2800  }
0x9f: {  	[sflag:s8] =	ssyncset.done $0x0  }
0xa0: {  	s17 =	rddreg [dreg:$0xb];
	[sflag:s8] =	ssyncadd.s32 $0xFFFFD800  }
0xa1: {  	[spmem:s17] =	stream.linear.scatter [tilespmem:s1], [sflag:$0xB], $0x2800, $0x38;
	[tilespmem:$0x1F000] =	vst v63  }
0xa2: {  	_ =	swait.ge [sflag:s8], $0x2800  }
0xa3: {  	[sflag:s8] =	ssyncset.done $0x0  }
0xa4: {  	s17 =	rddreg [dreg:$0xc];
	[sflag:s8] =	ssyncadd.s32 $0xFFFFD800  }
0xa5: {  	[spmem:s17] =	stream.linear.scatter [tilespmem:s1], [sflag:$0xB], $0x2800, $0x38;
	[tilespmem:$0x1F000] =	vst v63  }
0xa6: {  	_ =	swait.ge [sflag:s8], $0x2800  }
0xa7: {  	[sflag:s8] =	ssyncset.done $0x0  }
0xa8: {  	s17 =	rddreg [dreg:$0xd];
	[sflag:s8] =	ssyncadd.s32 $0xFFFFD800  }
0xa9: {  	[spmem:s17] =	stream.linear.scatter [tilespmem:s1], [sflag:$0xB], $0x2800, $0x38;
	[tilespmem:$0x1F000] =	vst v63  }
0xaa: {  	_ =	swait.ge [sflag:s8], $0x2800  }
0xab: {  	[sflag:s8] =	ssyncset.done $0x0  }
0xac: {  	s17 =	rddreg [dreg:$0xe];
	[sflag:s8] =	ssyncadd.s32 $0xFFFFD800  }
0xad: {  	[spmem:s17] =	stream.linear.scatter [tilespmem:s1], [sflag:$0xB], $0x2800, $0x38;
	[tilespmem:$0x1F000] =	vst v63  }
0xae: {  	_ =	swait.ge [sflag:s8], $0x2800  }
0xaf: {  	[sflag:s8] =	ssyncset.done $0x0  }
0xb0: {  	[sflag:s8] =	ssyncadd.s32 $0xFFFFD800  }
0xb1: {  	[bflag:$0x0] =	sbarrier.arrive $0xFFFF  }
0xb2: {  	_ =	swait.ge [sflag:s6], $0x2800  }
0xb3: {  	[sflag:s6] =	ssyncset.done $0x0  }
0xb4: {  	[sflag:s6] =	ssyncadd.s32 $0xFFFFD800  }
0xb5: {  	[spmem:s3] =	stream.indirect.scatter.add.f32 [tilespmem:s29], [sflag:$0x9], $0x80, s24, s28, $0xb8;
	[tilespmem:$0x1F000] =	vst v63  }
0xb6: {  	s8 =	simm.s32 $0x100  }
0xb7: {  	[tilespmem:s1], [sflag:$0x3] =	stream.indirect.gather [hbm4b:s0+s28], $0x80, s8, s28, $0xb8;
	[tilespmem:$0x1F000] =	vst v63  }
0xb8: {  	_ =	swait.ge [sflag:s9], $0x2800  }
0xb9: {  	[sflag:s9] =	ssyncset.done $0x0  }
0xba: {  	s17 =	simm.s32 $0x880;
	[sflag:s9] =	ssyncadd.s32 $0xFFFFD800  }
0xbb: {  	[spmem:s3] =	stream.indirect.scatter.add.f32 [tilespmem:s31], [sflag:$0xA], $0x80, s17, s28, $0xb8;
	[tilespmem:$0x1F000] =	vst v63  }
0xbc: {  	s17 =	simm.s32 $0x180  }
0xbd: {  	[tilespmem:s12], [sflag:$0x4] =	stream.indirect.gather [hbm4b:s0+s28], $0x80, s17, s28, $0xb8;
	[tilespmem:$0x1F000] =	vst v63  }
0xbe: {  	s17 =	rddreg [dreg:$0xf]  }
0xbf: {  	[tilespmem:s13], [sflag:$0x2] =	stream.linear.gather [hbm4b:s17+s11], $0x400, $0x38;
	[tilespmem:$0x1F000] =	vst v63  }
0xc0: {  	_ =	swait.ge [sflag:s14], $0x2800  }
0xc1: {  	[sflag:s14] =	ssyncset.done $0x0  }
0xc2: {  	s17 =	simm.s32 $0x900;
	[sflag:s14] =	ssyncadd.s32 $0xFFFFD800  }
0xc3: {  	[spmem:s3] =	stream.indirect.scatter.add.f32 [tilespmem:s1], [sflag:$0x7], $0x80, s17, s28, $0xb8;
	[tilespmem:$0x1F000] =	vst v63  }
0xc4: {  	_ =	swait.ge [sflag:s16], $0x2800  }
0xc5: {  	[sflag:s16] =	ssyncset.done $0x0  }
0xc6: {  	s17 =	simm.s32 $0x200;
	[sflag:s16] =	ssyncadd.s32 $0xFFFFD800  }
0xc7: {  	[tilespmem:s29], [sflag:$0x5] =	stream.indirect.gather [hbm4b:s0+s28], $0x80, s17, s28, $0xb8;
	[tilespmem:$0x1F000] =	vst v63  }
0xc8: {  	_ =	swait.ge [sflag:s5], $0x2800  }
0xc9: {  	[sflag:s5] =	ssyncset.done $0x0  }
0xca: {  	s17 =	simm.s32 $0x980;
	[sflag:s5] =	ssyncadd.s32 $0xFFFFD800  }
0xcb: {  	[spmem:s3] =	stream.indirect.scatter.add.f32 [tilespmem:s12], [sflag:$0x8], $0x80, s17, s28, $0xb8;
	[tilespmem:$0x1F000] =	vst v63  }
0xcc: {  	_ =	swait.ge [sflag:s19], $0x2800  }
0xcd: {  	[sflag:s19] =	ssyncset.done $0x0  }
0xce: {  	s17 =	simm.s32 $0x280;
	[sflag:s19] =	ssyncadd.s32 $0xFFFFD800  }
0xcf: {  	[tilespmem:s31], [sflag:$0x6] =	stream.indirect.gather [hbm4b:s0+s28], $0x80, s17, s28, $0xb8;
	[tilespmem:$0x1F000] =	vst v63  }
0xd0: {  	_ =	swait.ge [sflag:s6], $0x2800  }
0xd1: {  	[sflag:s6] =	ssyncset.done $0x0  }
0xd2: {  	s17 =	simm.s32 $0xA00;
	[sflag:s6] =	ssyncadd.s32 $0xFFFFD800  }
0xd3: {  	[spmem:s3] =	stream.indirect.scatter.add.f32 [tilespmem:s29], [sflag:$0x9], $0x80, s17, s28, $0xb8;
	[tilespmem:$0x1F000] =	vst v63  }
0xd4: {  	_ =	swait.ge [sflag:s30], $0x2800  }
0xd5: {  	[sflag:s30] =	ssyncset.done $0x0  }
0xd6: {  	s17 =	simm.s32 $0x300;
	[sflag:s30] =	ssyncadd.s32 $0xFFFFD800  }
0xd7: {  	[tilespmem:s1], [sflag:$0x3] =	stream.indirect.gather [hbm4b:s0+s28], $0x80, s17, s28, $0xb8;
	[tilespmem:$0x1F000] =	vst v63  }
0xd8: {  	_ =	swait.ge [sflag:s10], $0x400  }
0xd9: {  	[sflag:s10] =	ssyncset.done $0x0  }
0xda: {  	[sflag:s10] =	ssyncadd.s32 $0xFFFFFC00  }
0xdb: {  	_ =	swait.ge [sflag:s10], $0x400  }
0xdc: {  	[sflag:s10] =	ssyncset.done $0x0  }
0xdd: {  	[sflag:s10] =	ssyncadd.s32 $0xFFFFFC00  }
0xde: {  	_ =	swait.ge [sflag:s9], $0x2800  }
0xdf: {  	[sflag:s9] =	ssyncset.done $0x0  }
0xe0: {  	s17 =	simm.s32 $0xA80;
	[sflag:s9] =	ssyncadd.s32 $0xFFFFD800  }
0xe1: {  	[spmem:s3] =	stream.indirect.scatter.add.f32 [tilespmem:s31], [sflag:$0xA], $0x80, s17, s28, $0xb8;
	[tilespmem:$0x1F000] =	vst v63  }
0xe2: {  	_ =	swait.ge [sflag:s15], $0x2800  }
0xe3: {  	[sflag:s15] =	ssyncset.done $0x0  }
0xe4: {  	s17 =	simm.s32 $0x380;
	[sflag:s15] =	ssyncadd.s32 $0xFFFFD800  }
0xe5: {  	[tilespmem:s12], [sflag:$0x4] =	stream.indirect.gather [hbm4b:s0+s28], $0x80, s17, s28, $0xb8;
	[tilespmem:$0x1F000] =	vst v63  }
0xe6: {  	_ =	swait.ge [sflag:s14], $0x2800  }
0xe7: {  	[sflag:s14] =	ssyncset.done $0x0  }
0xe8: {  	s17 =	simm.s32 $0xB00;
	[sflag:s14] =	ssyncadd.s32 $0xFFFFD800  }
0xe9: {  	[spmem:s3] =	stream.indirect.scatter.add.f32 [tilespmem:s1], [sflag:$0x7], $0x80, s17, s28, $0xb8;
	[tilespmem:$0x1F000] =	vst v63  }
0xea: {  	_ =	swait.ge [sflag:s16], $0x2800  }
0xeb: {  	[sflag:s16] =	ssyncset.done $0x0  }
0xec: {  	[sflag:s16] =	ssyncadd.s32 $0xFFFFD800  }
0xed: {  	[tilespmem:s29], [sflag:$0x5] =	stream.indirect.gather [hbm4b:s0+s28], $0x80, s25, s28, $0xb8;
	[tilespmem:$0x1F000] =	vst v63  }
0xee: {  	_ =	swait.ge [sflag:s5], $0x2800  }
0xef: {  	[sflag:s5] =	ssyncset.done $0x0  }
0xf0: {  	s17 =	simm.s32 $0xB80;
	[sflag:s5] =	ssyncadd.s32 $0xFFFFD800  }
0xf1: {  	[spmem:s3] =	stream.indirect.scatter.add.f32 [tilespmem:s12], [sflag:$0x8], $0x80, s17, s28, $0xb8;
	[tilespmem:$0x1F000] =	vst v63  }
0xf2: {  	_ =	swait.ge [sflag:s19], $0x2800  }
0xf3: {  	[sflag:s19] =	ssyncset.done $0x0  }
0xf4: {  	s17 =	simm.s32 $0x480;
	[sflag:s19] =	ssyncadd.s32 $0xFFFFD800  }
0xf5: {  	[tilespmem:s31], [sflag:$0x6] =	stream.indirect.gather [hbm4b:s0+s28], $0x80, s17, s28, $0xb8;
	[tilespmem:$0x1F000] =	vst v63  }
0xf6: {  	s17 =	rddreg [dreg:$0x10]  }
0xf7: {  	[tilespmem:s11], [sflag:$0x1] =	stream.linear.gather [hbm4b:s17+s11], $0x400, $0x38;
	[tilespmem:$0x1F000] =	vst v63  }
.LBB2_4:
0xf8: {  	_ =	swait.ge [sflag:s6], $0x2800  }
0xf9: {  	[sflag:s6] =	ssyncset.done $0x0  }
0xfa: {  	[sflag:s6] =	ssyncadd.s32 $0xFFFFD800  }
0xfb: {  	[spmem:s3] =	stream.indirect.scatter.add.f32 [tilespmem:s29], [sflag:$0x9], $0x80, s13, s28, $0xb8;
	[tilespmem:$0x1F000] =	vst v63  }
0xfc: {  	_ =	swait.ge [sflag:s30], $0x2800  }
0xfd: {  	[sflag:s30] =	ssyncset.done $0x0  }
0xfe: {  	s17 =	simm.s32 $0x500;
	[sflag:s30] =	ssyncadd.s32 $0xFFFFD800  }
0xff: {  	[tilespmem:s1], [sflag:$0x3] =	stream.indirect.gather [hbm4b:s0+s28], $0x80, s17, s28, $0xb8;
	[tilespmem:$0x1F000] =	vst v63  }
0x100: {  	_ =	swait.ge [sflag:s9], $0x2800  }
0x101: {  	[sflag:s9] =	ssyncset.done $0x0  }
0x102: {  	s17 =	simm.s32 $0xC80;
	[sflag:s9] =	ssyncadd.s32 $0xFFFFD800  }
0x103: {  	[spmem:s3] =	stream.indirect.scatter.add.f32 [tilespmem:s31], [sflag:$0xA], $0x80, s17, s28, $0xb8;
	[tilespmem:$0x1F000] =	vst v63  }
0x104: {  	_ =	swait.ge [sflag:s15], $0x2800  }
0x105: {  	[sflag:s15] =	ssyncset.done $0x0  }
0x106: {  	s17 =	simm.s32 $0x580;
	[sflag:s15] =	ssyncadd.s32 $0xFFFFD800  }
0x107: {  	[tilespmem:s12], [sflag:$0x4] =	stream.indirect.gather [hbm4b:s0+s28], $0x80, s17, s28, $0xb8;
	[tilespmem:$0x1F000] =	vst v63  }
0x108: {  	s17 =	sadd.s32 s11, s20  }
0x109: {  	[tilespmem:s24], [sflag:$0x1] =	stream.linear.gather [hbm4b:s17+s4], $0x400, $0x38;
	[tilespmem:$0x1F000] =	vst v63  }
0x10a: {  	_ =	swait.ge [sflag:s14], $0x2800  }
0x10b: {  	[sflag:s14] =	ssyncset.done $0x0  }
0x10c: {  	s17 =	simm.s32 $0xD00;
	[sflag:s14] =	ssyncadd.s32 $0xFFFFD800  }
0x10d: {  	[spmem:s3] =	stream.indirect.scatter.add.f32 [tilespmem:s1], [sflag:$0x7], $0x80, s17, s28, $0xb8;
	[tilespmem:$0x1F000] =	vst v63  }
0x10e: {  	_ =	swait.ge [sflag:s16], $0x2800  }
0x10f: {  	[sflag:s16] =	ssyncset.done $0x0  }
0x110: {  	s17 =	simm.s32 $0x600;
	[sflag:s16] =	ssyncadd.s32 $0xFFFFD800  }
0x111: {  	[tilespmem:s29], [sflag:$0x5] =	stream.indirect.gather [hbm4b:s0+s28], $0x80, s17, s28, $0xb8;
	[tilespmem:$0x1F000] =	vst v63  }
0x112: {  	_ =	swait.ge [sflag:s5], $0x2800  }
0x113: {  	[sflag:s5] =	ssyncset.done $0x0  }
0x114: {  	s17 =	simm.s32 $0xD80;
	[sflag:s5] =	ssyncadd.s32 $0xFFFFD800  }
0x115: {  	[spmem:s3] =	stream.indirect.scatter.add.f32 [tilespmem:s12], [sflag:$0x8], $0x80, s17, s28, $0xb8;
	[tilespmem:$0x1F000] =	vst v63  }
0x116: {  	_ =	swait.ge [sflag:s19], $0x2800  }
0x117: {  	[sflag:s19] =	ssyncset.done $0x0  }
0x118: {  	s17 =	simm.s32 $0x680;
	[sflag:s19] =	ssyncadd.s32 $0xFFFFD800  }
0x119: {  	[tilespmem:s31], [sflag:$0x6] =	stream.indirect.gather [hbm4b:s0+s28], $0x80, s17, s28, $0xb8;
	[tilespmem:$0x1F000] =	vst v63  }
0x11a: {  	_ =	swait.ge [sflag:s6], $0x2800  }
0x11b: {  	[sflag:s6] =	ssyncset.done $0x0  }
0x11c: {  	s17 =	simm.s32 $0xE00;
	[sflag:s6] =	ssyncadd.s32 $0xFFFFD800  }
0x11d: {  	[spmem:s3] =	stream.indirect.scatter.add.f32 [tilespmem:s29], [sflag:$0x9], $0x80, s17, s28, $0xb8;
	[tilespmem:$0x1F000] =	vst v63  }
0x11e: {  	_ =	swait.ge [sflag:s30], $0x2800  }
0x11f: {  	[sflag:s30] =	ssyncset.done $0x0  }
0x120: {  	s17 =	simm.s32 $0x700;
	[sflag:s30] =	ssyncadd.s32 $0xFFFFD800  }
0x121: {  	[tilespmem:s1], [sflag:$0x3] =	stream.indirect.gather [hbm4b:s0+s28], $0x80, s17, s28, $0xb8;
	[tilespmem:$0x1F000] =	vst v63  }
0x122: {  	_ =	swait.ge [sflag:s26], $0x400  }
0x123: {  	[sflag:s26] =	ssyncset.done $0x0  }
0x124: {  	[sflag:s26] =	ssyncadd.s32 $0xFFFFFC00  }
0x125: {  	_ =	swait.ge [sflag:s26], $0x400  }
0x126: {  	[sflag:s26] =	ssyncset.done $0x0  }
0x127: {  	[sflag:s26] =	ssyncadd.s32 $0xFFFFFC00  }
0x128: {  	_ =	swait.ge [sflag:s9], $0x2800  }
0x129: {  	[sflag:s9] =	ssyncset.done $0x0  }
0x12a: {  	s17 =	simm.s32 $0xE80;
	[sflag:s9] =	ssyncadd.s32 $0xFFFFD800  }
0x12b: {  	[spmem:s3] =	stream.indirect.scatter.add.f32 [tilespmem:s31], [sflag:$0xA], $0x80, s17, s28, $0xb8;
	[tilespmem:$0x1F000] =	vst v63  }
0x12c: {  	_ =	swait.ge [sflag:s15], $0x2800  }
0x12d: {  	[sflag:s15] =	ssyncset.done $0x0  }
0x12e: {  	s17 =	simm.s32 $0x780;
	[sflag:s15] =	ssyncadd.s32 $0xFFFFD800  }
0x12f: {  	[tilespmem:s12], [sflag:$0x4] =	stream.indirect.gather [hbm4b:s0+s28], $0x80, s17, s28, $0xb8;
	[tilespmem:$0x1F000] =	vst v63  }
0x130: {  	_ =	swait.ge [sflag:s14], $0x2800  }
0x131: {  	[sflag:s14] =	ssyncset.done $0x0  }
0x132: {  	[sflag:s14] =	ssyncadd.s32 $0xFFFFD800  }
0x133: {  	[spmem:s3] =	stream.indirect.scatter.add.f32 [tilespmem:s1], [sflag:$0x7], $0x80, s2, s28, $0xb8;
	[tilespmem:$0x1F000] =	vst v63  }
0x134: {  	_ =	swait.ge [sflag:s16], $0x2800  }
0x135: {  	[sflag:s16] =	ssyncset.done $0x0  }
0x136: {  	[sflag:s16] =	ssyncadd.s32 $0xFFFFD800  }
0x137: {  	[tilespmem:s29], [sflag:$0x5] =	stream.indirect.gather [hbm4b:s0+s28], $0x80, s4, s28, $0xb8;
	[tilespmem:$0x1F000] =	vst v63  }
0x138: {  	_ =	swait.ge [sflag:s5], $0x2800  }
0x139: {  	[sflag:s5] =	ssyncset.done $0x0  }
0x13a: {  	[sflag:s5] =	ssyncadd.s32 $0xFFFFD800  }
0x13b: {  	[spmem:s3] =	stream.indirect.scatter.add.f32 [tilespmem:s12], [sflag:$0x8], $0x80, s7, s28, $0xb8;
	[tilespmem:$0x1F000] =	vst v63  }
0x13c: {  	_ =	swait.ge [sflag:s19], $0x2800  }
0x13d: {  	[sflag:s19] =	ssyncset.done $0x0  }
0x13e: {  	[sflag:s19] =	ssyncadd.s32 $0xFFFFD800  }
0x13f: {  	[tilespmem:s31], [sflag:$0x6] =	stream.indirect.gather [hbm4b:s0+s28], $0x80, s18, s28, $0xb8;
	[tilespmem:$0x1F000] =	vst v63  }
0x140: {  	s17 =	sadd.s32 s11, s23  }
0x141: {  	[tilespmem:s25], [sflag:$0x2] =	stream.linear.gather [hbm4b:s17+s4], $0x400, $0x38;
	[tilespmem:$0x1F000] =	vst v63  }
0x142: {  	_ =	swait.ge [sflag:s6], $0x2800  }
0x143: {  	[sflag:s6] =	ssyncset.done $0x0  }
0x144: {  	[sflag:s6] =	ssyncadd.s32 $0xFFFFD800  }
0x145: {  	[spmem:s3] =	stream.indirect.scatter.add.f32 [tilespmem:s29], [sflag:$0x9], $0x80, s24, s28, $0xb8;
	[tilespmem:$0x1F000] =	vst v63  }
0x146: {  	_ =	swait.ge [sflag:s30], $0x2800  }
0x147: {  	[sflag:s30] =	ssyncset.done $0x0  }
0x148: {  	[sflag:s30] =	ssyncadd.s32 $0xFFFFD800  }
0x149: {  	[tilespmem:s1], [sflag:$0x3] =	stream.indirect.gather [hbm4b:s0+s28], $0x80, s8, s28, $0xb8;
	[tilespmem:$0x1F000] =	vst v63  }
0x14a: {  	_ =	swait.ge [sflag:s9], $0x2800  }
0x14b: {  	[sflag:s9] =	ssyncset.done $0x0  }
0x14c: {  	s17 =	simm.s32 $0x880;
	[sflag:s9] =	ssyncadd.s32 $0xFFFFD800  }
0x14d: {  	[spmem:s3] =	stream.indirect.scatter.add.f32 [tilespmem:s31], [sflag:$0xA], $0x80, s17, s28, $0xb8;
	[tilespmem:$0x1F000] =	vst v63  }
0x14e: {  	_ =	swait.ge [sflag:s15], $0x2800  }
0x14f: {  	[sflag:s15] =	ssyncset.done $0x0  }
0x150: {  	s17 =	simm.s32 $0x180;
	[sflag:s15] =	ssyncadd.s32 $0xFFFFD800  }
0x151: {  	[tilespmem:s12], [sflag:$0x4] =	stream.indirect.gather [hbm4b:s0+s28], $0x80, s17, s28, $0xb8;
	[tilespmem:$0x1F000] =	vst v63  }
0x152: {  	s17 =	sadd.s32 s11, s22  }
0x153: {  	[tilespmem:s13], [sflag:$0x2] =	stream.linear.gather [hbm4b:s17+s4], $0x400, $0x38;
	[tilespmem:$0x1F000] =	vst v63  }
0x154: {  	_ =	swait.ge [sflag:s14], $0x2800  }
0x155: {  	[sflag:s14] =	ssyncset.done $0x0  }
0x156: {  	s17 =	simm.s32 $0x900;
	[sflag:s14] =	ssyncadd.s32 $0xFFFFD800  }
0x157: {  	[spmem:s3] =	stream.indirect.scatter.add.f32 [tilespmem:s1], [sflag:$0x7], $0x80, s17, s28, $0xb8;
	[tilespmem:$0x1F000] =	vst v63  }
0x158: {  	_ =	swait.ge [sflag:s16], $0x2800  }
0x159: {  	[sflag:s16] =	ssyncset.done $0x0  }
0x15a: {  	s17 =	simm.s32 $0x200;
	[sflag:s16] =	ssyncadd.s32 $0xFFFFD800  }
0x15b: {  	[tilespmem:s29], [sflag:$0x5] =	stream.indirect.gather [hbm4b:s0+s28], $0x80, s17, s28, $0xb8;
	[tilespmem:$0x1F000] =	vst v63  }
0x15c: {  	_ =	swait.ge [sflag:s5], $0x2800  }
0x15d: {  	[sflag:s5] =	ssyncset.done $0x0  }
0x15e: {  	s17 =	simm.s32 $0x980;
	[sflag:s5] =	ssyncadd.s32 $0xFFFFD800  }
0x15f: {  	[spmem:s3] =	stream.indirect.scatter.add.f32 [tilespmem:s12], [sflag:$0x8], $0x80, s17, s28, $0xb8;
	[tilespmem:$0x1F000] =	vst v63  }
0x160: {  	_ =	swait.ge [sflag:s19], $0x2800  }
0x161: {  	[sflag:s19] =	ssyncset.done $0x0  }
0x162: {  	s17 =	simm.s32 $0x280;
	[sflag:s19] =	ssyncadd.s32 $0xFFFFD800  }
0x163: {  	[tilespmem:s31], [sflag:$0x6] =	stream.indirect.gather [hbm4b:s0+s28], $0x80, s17, s28, $0xb8;
	[tilespmem:$0x1F000] =	vst v63  }
0x164: {  	_ =	swait.ge [sflag:s6], $0x2800  }
0x165: {  	[sflag:s6] =	ssyncset.done $0x0  }
0x166: {  	s17 =	simm.s32 $0xA00;
	[sflag:s6] =	ssyncadd.s32 $0xFFFFD800  }
0x167: {  	[spmem:s3] =	stream.indirect.scatter.add.f32 [tilespmem:s29], [sflag:$0x9], $0x80, s17, s28, $0xb8;
	[tilespmem:$0x1F000] =	vst v63  }
0x168: {  	_ =	swait.ge [sflag:s30], $0x2800  }
0x169: {  	[sflag:s30] =	ssyncset.done $0x0  }
0x16a: {  	s17 =	simm.s32 $0x300;
	[sflag:s30] =	ssyncadd.s32 $0xFFFFD800  }
0x16b: {  	[tilespmem:s1], [sflag:$0x3] =	stream.indirect.gather [hbm4b:s0+s28], $0x80, s17, s28, $0xb8;
	[tilespmem:$0x1F000] =	vst v63  }
0x16c: {  	_ =	swait.ge [sflag:s10], $0x400  }
0x16d: {  	[sflag:s10] =	ssyncset.done $0x0  }
0x16e: {  	[sflag:s10] =	ssyncadd.s32 $0xFFFFFC00  }
0x16f: {  	_ =	swait.ge [sflag:s10], $0x400  }
0x170: {  	[sflag:s10] =	ssyncset.done $0x0  }
0x171: {  	[sflag:s10] =	ssyncadd.s32 $0xFFFFFC00  }
0x172: {  	_ =	swait.ge [sflag:s9], $0x2800  }
0x173: {  	[sflag:s9] =	ssyncset.done $0x0  }
0x174: {  	s17 =	simm.s32 $0xA80;
	[sflag:s9] =	ssyncadd.s32 $0xFFFFD800  }
0x175: {  	[spmem:s3] =	stream.indirect.scatter.add.f32 [tilespmem:s31], [sflag:$0xA], $0x80, s17, s28, $0xb8;
	[tilespmem:$0x1F000] =	vst v63  }
0x176: {  	_ =	swait.ge [sflag:s15], $0x2800  }
0x177: {  	[sflag:s15] =	ssyncset.done $0x0  }
0x178: {  	s17 =	simm.s32 $0x380;
	[sflag:s15] =	ssyncadd.s32 $0xFFFFD800  }
0x179: {  	[tilespmem:s12], [sflag:$0x4] =	stream.indirect.gather [hbm4b:s0+s28], $0x80, s17, s28, $0xb8;
	[tilespmem:$0x1F000] =	vst v63  }
0x17a: {  	_ =	swait.ge [sflag:s14], $0x2800  }
0x17b: {  	[sflag:s14] =	ssyncset.done $0x0  }
0x17c: {  	s17 =	simm.s32 $0xB00;
	[sflag:s14] =	ssyncadd.s32 $0xFFFFD800  }
0x17d: {  	[spmem:s3] =	stream.indirect.scatter.add.f32 [tilespmem:s1], [sflag:$0x7], $0x80, s17, s28, $0xb8;
	[tilespmem:$0x1F000] =	vst v63  }
0x17e: {  	_ =	swait.ge [sflag:s16], $0x2800  }
0x17f: {  	[sflag:s16] =	ssyncset.done $0x0  }
0x180: {  	[sflag:s16] =	ssyncadd.s32 $0xFFFFD800  }
0x181: {  	[tilespmem:s29], [sflag:$0x5] =	stream.indirect.gather [hbm4b:s0+s28], $0x80, s25, s28, $0xb8;
	[tilespmem:$0x1F000] =	vst v63  }
0x182: {  	_ =	swait.ge [sflag:s5], $0x2800  }
0x183: {  	[sflag:s5] =	ssyncset.done $0x0  }
0x184: {  	p0 =	seq.s32 s11, $0x600;
	s17 =	simm.s32 $0xB80;
	[sflag:s5] =	ssyncadd.s32 $0xFFFFD800  }
0x185: {  	[spmem:s3] =	stream.indirect.scatter.add.f32 [tilespmem:s12], [sflag:$0x8], $0x80, s17, s28, $0xb8;
	[tilespmem:$0x1F000] =	vst v63  }
.Ltmp3:
0x186: {  	_ = 	snop;
	(pc) =	sbr.rel @p0 .LBB2_6-.Ltmp3, $4  }
0x187: {  	_ =	swait.ge [sflag:s19], $0x2800  }
0x188: {  	[sflag:s19] =	ssyncset.done $0x0  }
0x189: {  	s17 =	simm.s32 $0x480;
	[sflag:s19] =	ssyncadd.s32 $0xFFFFD800  }
0x18a: {  	[tilespmem:s31], [sflag:$0x6] =	stream.indirect.gather [hbm4b:s0+s28], $0x80, s17, s28, $0xb8;
	[tilespmem:$0x1F000] =	vst v63  }
.Ltmp4:
0x18b: {  	(pc) =	sbr.rel .LBB2_4-.Ltmp4, $3  }
0x18c: {  	_ =	sdelay $0x1  }
0x18d: {  	s17 =	sadd.s32 s11, s21;
	s11 =	sadd.s32 $0x100, s11  }
0x18e: {  	[tilespmem:s4], [sflag:$0x1] =	stream.linear.gather [hbm4b:s17+s4], $0x400, $0x38;
	[tilespmem:$0x1F000] =	vst v63  }
.LBB2_7:
0x18f: {  	_ =	sfence.sel $0x180000  }
0x190: {  	[bflag:$0x0] =	sbarrier.arrive $0xFFFF  }
0x191: {  	_ =	strace $0x9000004A  }
0x192: {  	s0 =	stileid.u32;
	[bflag:$0x2] =	sbarrier.arrive $0xFFFF  }
0x193: {  	p0 =	sne.s32 s0, $0x0;
	s0 =	rddreg [dreg:$0x3]  }
0x194: {  	s0 =	sadd.s32 @!p0 $0x100000, s0  }
0x195: {  	[sflag:s0] =	ssyncadd.tile.s32 @!p0 $0x1;
	_ =	shalt  }
.Lfunc_end2:
_tile_overlayer_lowered:
.L_overlay_start_2:
0x196: {  	(tag) =	ssettag $0x2  }
0x197: {  	s0 =	rddreg [dreg:$0x0];
	s2 =	stileid.u32  }
0x198: {  	s1 =	rddreg [dreg:$0x1];
	p0 =	sne.s32 s2, $0x0  }
0x199: {  	s3 =	rddreg [dreg:$0x2];
	[bflag:$0x3] =	sbarrier.arrive $0xFFFF;
	s2 =	simm.s32 @!p0 $0x1C0B  }
0x19a: {  	[timem:s3], [sflag:s2] =	dma.local @!p0 [hbm:s0], s1  }
0x19b: {  	s0 =	simm.s32 @!p0 $0xB  }
0x19c: {  	_ =	swait.ge @!p0 [sflag:s0], s1  }
0x19d: {  	s1 =	ssub.s32 @!p0 $0x0, s1;
	[sflag:s0] =	ssyncset.done @!p0 $0x0  }
0x19e: {  	[sflag:s0] =	ssyncadd.s32 @!p0 s1  }
0x19f: {  	[bflag:$0x3] =	sbarrier.arrive $0xFFFF  }
0x1a0: {  	_ =	shalt  }

// kernel: kernel.13.cloned.1.call-start
scs
__scs_entry_jumppad:
0x0: {  	(pc) =	sbr.rel $0x88, $3  }
0x1: {  	(tag) =	ssettag $0x0;
	lr =	simm.s32 $0x1  }
0x2: {  	[smem:$0x3F99] =	sst lr;
	_ =	strace $0xD0000000  }
0x3: {  	_ = 	snop  }
0x4: {  	_ = 	snop  }
0x5: {  	_ = 	snop  }
0x6: {  	_ = 	snop  }
0x7: {  	_ = 	snop  }
__scs_overlays_trampoline_lowered:
0x8: {  	[smem:$0x3FA8] =	sst s0  }
0x9: {  	[smem:$0x3FA9] =	sst s1  }
0xa: {  	[smem:$0x3FAA] =	sst s2  }
0xb: {  	[smem:$0x3FAB] =	sst s3  }
0xc: {  	[smem:$0x3FAC] =	sst s4  }
0xd: {  	[smem:$0x3FAD] =	sst s5  }
0xe: {  	[smem:$0x3FAE] =	sst s6  }
0xf: {  	[smem:$0x3FAF] =	sst s7  }
0x10: {  	[smem:$0x3FB0] =	sst s8  }
0x11: {  	[smem:$0x3FB1] =	sst s9;
	s0 =	simm.s32 @!p0 $0x0  }
0x12: {  	s1 =	sld [smem:$0x3F97];
	s0 =	simm.s32 @p0 $0x1  }
0x13: {  	[smem:$0x3FB2] =	sst s0;
	s0 =	simm.s32 @!p1 $0x0  }
0x14: {  	s2 =	sld [smem:$0x3F96];
	s0 =	simm.s32 @p1 $0x1  }
0x15: {  	[smem:$0x3FB3] =	sst s0;
	s0 =	simm.s32 @!p2 $0x0  }
0x16: {  	s3 =	sld [smem:$0x3FDB];
	s0 =	simm.s32 @p2 $0x1  }
0x17: {  	s4 =	simm.s32 $0x1BF5;
	[smem:$0x3FB5] =	sst s0  }
0x18: {  	s0 =	sld [smem:$0x3F98];
	_ =	swait.ge [sflag:s4], $0x0  }
0x19: {  	s7 =	sld [smem:$0x3F99]  }
0x1a: {  	s8 =	sadd.s32 $0xFFFFE003, lr  }
0x1b: {  	s9 =	sadd.s32 $0xFFFFFEF7, lr;
	s5 =	simm.s32 $0xFFFFFFFF;
	p2 =	slt.u32 s8, $0xFFFFF086  }
0x1c: {  	p1 =	slt.u32 s9, $0xF7A;
	s5 =	simm.s32 @!p2 $0x0  }
0x1d: {  	s5 =	simm.s32 @p1 $0x1;
	p0 =	seq.s32 s7, s2  }
0x1e: {  	s7 =	smul.u32 @!p0 $0xF7A, s2;
	p2 =	seq.s32 @!p0 s5, $0x0  }
0x1f: {  	s9 =	smul.u32 $0xF7A, s1;
	s8 =	simm.s32 @!p0 $0x1BF5;
	p2 =	por !p2, p0  }
0x20: {  	[sflag:s8] =	ssyncset.s32 @!p0 $0xFFFFF086;
	s6 =	sadd.s32 @!p0 s3, s7;
	s7 =	simm.s32 @!p0 $0x108  }
0x21: {  	s3 =	sadd.s32 s3, s9;
	s6 =	sadd.s32 @!p0 $0x88, s6;
	s7 =	simm.s32 @p2 $0x1082  }
0x22: {  	[simem:s7], [sflag:s8] =	dma.local @!p0 [hbm:s6], $0xF7A  }
0x23: {  	s9 =	sor.u32 $0xD0000000, s2;
	s6 =	simm.s32 $0x108;
	_ =	swait.ge @!p0 [sflag:s8], $0x0  }
0x24: {  	s3 =	sadd.s32 $0x88, s3;
	s6 =	simm.s32 @!p1 $0x1082;
	[sflag:s4] =	ssyncset.s32 $0xFFFFF086  }
0x25: {  	[simem:s6], [sflag:s4] =	dma.local [hbm:s3], $0xF7A  }
0x26: {  	[smem:$0x3F99] =	sst s1;
	(tag) =	ssettag s2;
	_ =	strace s9  }
0x27: {  	s1 =	sld [smem:$0x3FA9]  }
0x28: {  	s2 =	sld [smem:$0x3FAA]  }
0x29: {  	s4 =	sld [smem:$0x3FAC]  }
0x2a: {  	p0 =	seq.s32 s5, $0x0;
	s5 =	sld [smem:$0x3FAD]  }
0x2b: {  	s6 =	sld [smem:$0x3FAE]  }
0x2c: {  	s7 =	sld [smem:$0x3FAF]  }
0x2d: {  	s3 =	simm.s32 $0x108;
	s8 =	sld [smem:$0x3FB0]  }
0x2e: {  	s3 =	simm.s32 @!p0 $0x1082;
	s9 =	sld [smem:$0x3FB1]  }
0x2f: {  	lr =	sadd.s32 s0, s3;
	s0 =	sld [smem:$0x3FA8]  }
0x30: {  	s3 =	sld [smem:$0x3FAB]  }
0x31: {  	[smem:$0x3FB4] =	sst s10  }
0x32: {  	s10 =	sld [smem:$0x3FB2];
	_ =	sdelay $0x3  }
0x33: {  	p0 =	seq.s32 s10, $0x1;
	s10 =	sld [smem:$0x3FB4];
	_ =	sdelay $0x3  }
0x34: {  	[smem:$0x3FB4] =	sst s10  }
0x35: {  	s10 =	sld [smem:$0x3FB3];
	_ =	sdelay $0x3  }
0x36: {  	p1 =	seq.s32 s10, $0x1;
	s10 =	sld [smem:$0x3FB4];
	_ =	sdelay $0x3  }
0x37: {  	[smem:$0x3FB4] =	sst s10  }
0x38: {  	s10 =	sld [smem:$0x3FB5]  }
0x39: {  	_ = 	snop;
	(pc) =	sbr.ind lr, $3  }
0x3a: {  	_ = 	snop  }
0x3b: {  	_ = 	snop  }
0x3c: {  	p2 =	seq.s32 s10, $0x1;
	s10 =	sld [smem:$0x3FB4]  }
0x3d: {  	_ =	shalt  }
0x3e: {  	_ =	shalt  }
0x3f: {  	_ =	shalt  }
0x40: {  	_ =	shalt  }
0x41: {  	_ =	shalt  }
0x42: {  	_ =	shalt  }
0x43: {  	_ =	shalt  }
0x44: {  	_ =	shalt  }
0x45: {  	_ =	shalt  }
0x46: {  	_ =	shalt  }
0x47: {  	_ =	shalt  }
0x48: {  	_ =	shalt  }
0x49: {  	_ =	shalt  }
0x4a: {  	_ =	shalt  }
0x4b: {  	_ =	shalt  }
0x4c: {  	_ =	shalt  }
0x4d: {  	_ =	shalt  }
0x4e: {  	_ =	shalt  }
0x4f: {  	_ =	shalt  }
0x50: {  	_ =	shalt  }
0x51: {  	_ =	shalt  }
0x52: {  	_ =	shalt  }
0x53: {  	_ =	shalt  }
0x54: {  	_ =	shalt  }
0x55: {  	_ =	shalt  }
0x56: {  	_ =	shalt  }
0x57: {  	_ =	shalt  }
0x58: {  	_ =	shalt  }
0x59: {  	_ =	shalt  }
0x5a: {  	_ =	shalt  }
0x5b: {  	_ =	shalt  }
0x5c: {  	_ =	shalt  }
0x5d: {  	_ =	shalt  }
0x5e: {  	_ =	shalt  }
0x5f: {  	_ =	shalt  }
0x60: {  	_ =	shalt  }
0x61: {  	_ =	shalt  }
0x62: {  	_ =	shalt  }
0x63: {  	_ =	shalt  }
0x64: {  	_ =	shalt  }
0x65: {  	_ =	shalt  }
0x66: {  	_ =	shalt  }
0x67: {  	_ =	shalt  }
0x68: {  	_ =	shalt  }
0x69: {  	_ =	shalt  }
0x6a: {  	_ =	shalt  }
0x6b: {  	_ =	shalt  }
0x6c: {  	_ =	shalt  }
0x6d: {  	_ =	shalt  }
0x6e: {  	_ =	shalt  }
0x6f: {  	_ =	shalt  }
0x70: {  	_ =	shalt  }
0x71: {  	_ =	shalt  }
0x72: {  	_ =	shalt  }
0x73: {  	_ =	shalt  }
0x74: {  	_ =	shalt  }
0x75: {  	_ =	shalt  }
0x76: {  	_ =	shalt  }
0x77: {  	_ =	shalt  }
0x78: {  	_ =	shalt  }
0x79: {  	_ =	shalt  }
0x7a: {  	_ =	shalt  }
0x7b: {  	_ =	shalt  }
0x7c: {  	_ =	shalt  }
0x7d: {  	_ =	shalt  }
0x7e: {  	_ =	shalt  }
0x7f: {  	_ =	shalt  }
0x80: {  	_ =	shalt  }
0x81: {  	_ =	shalt  }
0x82: {  	_ =	shalt  }
0x83: {  	_ =	shalt  }
0x84: {  	_ =	shalt  }
0x85: {  	_ =	shalt  }
0x86: {  	_ =	shalt  }
0x87: {  	_ =	shalt  }
.Lfunc_end0:
.L_simem_size_0:
called_computation.2_lowered:
.L_overlay_start_0:
0x88: {  	s2 =	sld [smem:$0x3FD9]  }
0x89: {  	s3 =	sld [smem:$0x3FFE];
	_ =	sdelay $0x1  }
0x8a: {  	s1 =	srdreg.scid  }
0x8b: {  	s0 =	sand.u32 $0x1, s1  }
0x8c: {  	s17 =	sshll.u32 s0, $0xA;
	s2 =	sadd.s32 s3, s2  }
0x8d: {  	s2 =	sadd.s32 s2, s17  }
0x8e: {  	[smem:$0x3FC0] =	sst s2  }
0x8f: {  	_ = 	snop  }
0x90: {  	s2 =	sld [smem:$0x3FD0];
	(tm) =	ssettm $0x1  }
0x91: {  	s18 =	sld [smem:$0x3FFB];
	_ =	sdelay $0x3  }
0x92: {  	_ =	strace s18  }
0x93: {  	s3 =	sld [smem:$0x3FFC];
	_ =	sdelay $0x3  }
0x94: {  	_ =	strace s3  }
0x95: {  	s3 =	sld [smem:$0x3FFD];
	_ =	sdelay $0x3  }
0x96: {  	_ =	strace s3  }
0x97: {  	_ =	strace $0x8FFFFFFF  }
0x98: {  	s19 =	sld [smem:$0x3FDB];
	_ =	sdelay $0x1  }
0x99: {  	s4 =	simm.s32 $_scs_section_size  }
0x9a: {  	s5 =	simm.s32 $_size__tile_overlayer_lowered;
	s6 =	simm.s32 $_tile_overlayer_lowered  }
0x9b: {  	s22 =	simm.s32 $0x1BFF;
	s21 =	sshll.u32 s6, $0x1;
	s3 =	sadd.s32 s4, s19  }
0x9c: {  	s7 =	simm.s32 $0x0;
	s20 =	sshll.u32 s5, $0x1;
	s5 =	sadd.s32 s21, s3  }
0x9d: {  	[timem:s7], [sflag:s22] =	dma.local [hbm:s5], s20  }
0x9e: {  	_ =	swait.ge [sflag:s22], s20  }
0x9f: {  	s4 =	ssub.s32 $0x0, s20;
	[sflag:s22] =	ssyncset.done $0x0  }
0xa0: {  	[sflag:s22] =	ssyncadd.s32 s4;
	_ =	sdelay $0x1  }
0xa1: {  	s23 =	simm.s32 $0x1B8B  }
0xa2: {  	_ =	swait.ge [sflag:s23], $0x1  }
0xa3: {  	[sflag:s23] =	ssyncset.done $0x0  }
0xa4: {  	s25 =	simm.s32 $0x1B8E;
	s24 =	sld [smem:$0x3FFE];
	[sflag:s23] =	ssyncadd.s32 $0xFFFFFFFF  }
0xa5: {  	s26 =	simm.s32 $execute0_lowered;
	[smem:$0x3FD2] =	sst s25  }
0xa6: {  	s5 =	sshll.u32 s26, $0x1;
	_ =	strace $0x8000004C;
	[dreg:$0x1] =	wrdreg $0xFFFFFFFF  }
0xa7: {  	s28 =	simm.s32 $_size_execute0_lowered;
	s3 =	sadd.s32 s3, s5;
	[dreg:$0x0] =	wrdreg $0x0  }
0xa8: {  	s5 =	sshll.u32 s28, $0x1;
	[dreg:$0x2] =	wrdreg s3  }
0xa9: {  	[dreg:$0x3] =	wrdreg s5  }
0xaa: {  	[dreg:$0x4] =	wrdreg $0xC0  }
0xab: {  	_ =	task [dreg:s7], $0x5FFFF  }
0xac: {  	[dreg:$0x1] =	wrdreg $0xFFFFFFFF  }
0xad: {  	[dreg:$0x0] =	wrdreg $0x60  }
0xae: {  	[dreg:$0x2] =	wrdreg s2  }
0xaf: {  	[dreg:$0x3] =	wrdreg s24  }
0xb0: {  	[dreg:$0x4] =	wrdreg $0xB0000  }
0xb1: {  	[dreg:$0x5] =	wrdreg $0x9  }
0xb2: {  	_ =	task.clear_ibuf [dreg:s7], $0x6FFFF;
	_ =	strace $0x9000004C  }
0xb3: {  	s29 =	simm.s32 $0x9;
	_ =	strace $0x8000004E  }
0xb4: {  	_ =	swait.ge [sflag:s29], $0x1  }
0xb5: {  	[sflag:s29] =	ssyncadd.s32 $0xFFFFFFFF  }
0xb6: {  	_ =	strace $0x9000004E  }
0xb7: {  	_ =	sfence  }
0xb8: {  	s30 =	sld [smem:$0x0];
	_ =	sdelay $0x2  }
0xb9: {  	s31 =	sshll.u32 s1, $0xD;
	s1 =	sshrl.u32 s1, $0x2  }
0xba: {  	s3 =	sand.u32 $0x4000, s31;
	s1 =	sadd.s32 s1, s30  }
0xbb: {  	s0 =	sor.u32 s3, s0;
	s1 =	sshll.u32 s1, $0x11  }
0xbc: {  	s0 =	sor.u32 s1, s0  }
0xbd: {  	s0 =	sadd.s32 $0x8F2B, s0  }
0xbe: {  	[sflag:s0] =	ssyncadd.remote.s32 $0x1  }
0xbf: {  	_ =	sfence.sel $0xFFFF  }
0xc0: {  	[dreg:$0x0] =	wrdreg $0xFFFFFFFF;
	(pc) =	sbr.abs _section_cstart, $3  }
0xc1: {  	[dreg:$0x1] =	wrdreg $0xFFFFFFFF  }
0xc2: {  	_ =	task.clear_ibuf [dreg:s7], $0x2FFFF;
	_ =	strace $0x9FFFFFFF  }
0xc3: {  	(tm) =	ssettm $0x7FFFFFFF  }
tec
execute0_lowered:
.L_overlay_start_1:
0x0: {  	(tag) =	ssettag $0x1  }
0x1: {  	s0 =	rddreg [dreg:$0x0]  }
0x2: {  	s1 =	rddreg [dreg:$0x1];
	s2 =	srdreg.scid  }
0x3: {  	s3 =	rddreg [dreg:$0x2];
	s11 =	stileid.u32  }
0x4: {  	s4 =	simm.s32 $0x0;
	s28 =	simm.s32 $0x50;
	s29 =	simm.s32 $0x6000  }
0x5: {  	s31 =	simm.s32 $0x8800;
	s30 =	simm.s32 $0x7;
	s6 =	smul.u32 $0x14000, s11  }
0x6: {  	s2 =	sand.u32 $0x1, s2;
	[smem:$0x7FF] =	sst s4;
	s25 =	smul.u32 $0x50000, s11  }
0x7: {  	s7 =	sadd.s32 $0x1E00, s1;
	s9 =	sshll.u32 s11, $0xE;
	s5 =	smul.u32 $0x140000, s2  }
0x8: {  	_ =	strace $0x8000004D;
	s8 =	ssub.s32 $0x2, s2;
	s2 =	sshll.u32 s2, $0x12  }
0x9: {  	s10 =	sshrl.u32 s8, $0x1;
	s2 =	sor.u32 s9, s2;
	s9 =	sshrl.u32 s25, $0x2  }
0xa: {  	s5 =	sadd.s32 s6, s5;
	s6 =	sadd.s32 $0x11E00, s1;
	s26 =	ssub.s32 s8, s10  }
0xb: {  	s11 =	sshrl.u32 s2, $0x3;
	s15 =	sadd.s32 s9, s3;
	s24 =	sor.u32 $0x800, s2  }
0xc: {  	s25 =	sor.u32 $0x1000, s2;
	s2 =	sor.u32 $0xC00, s2;
	s10 =	simm.s32 $0x2  }
0xd: {  	s5 =	sshrl.u32 s5, $0x3;
	s8 =	sadd.s32 s7, s11;
	[dreg:$0x7] =	wrdreg s15  }
0xe: {  	s12 =	sadd.s32 s6, s11;
	s9 =	sadd.s32 $0x2800, s15;
	[dreg:$0x5] =	wrdreg s8  }
0xf: {  	s13 =	sor.u32 $0x80, s11;
	s16 =	sadd.s32 $0x5000, s15;
	[dreg:$0x8] =	wrdreg s9  }
0x10: {  	s17 =	sadd.s32 $0x7800, s15;
	s18 =	sadd.s32 $0xA000, s15;
	[dreg:$0x9] =	wrdreg s16  }
0x11: {  	s19 =	sadd.s32 $0xC800, s15;
	s20 =	sadd.s32 $0xF000, s15;
	[dreg:$0xa] =	wrdreg s17  }
0x12: {  	s23 =	smax.u32 s26, $0x1;
	s26 =	sshrl.u32 s25, $0x3;
	[dreg:$0xb] =	wrdreg s18  }
0x13: {  	s2 =	sshrl.u32 s2, $0x3;
	s25 =	simm.s32 $0x400;
	[dreg:$0xc] =	wrdreg s19  }
0x14: {  	s1 =	sadd.s32 s5, s1;
	s14 =	sadd.s32 s6, s13;
	[dreg:$0xd] =	wrdreg s20  }
0x15: {  	s8 =	sadd.s32 $0x11800, s15;
	s21 =	sadd.s32 s7, s13;
	[dreg:$0x4] =	wrdreg s12  }
0x16: {  	s22 =	sadd.s32 $0x100, s12;
	[dreg:$0x12] =	wrdreg s23;
	s23 =	sadd.s32 s2, s6  }
0x17: {  	s18 =	simm.s32 $0x80;
	s9 =	simm.s32 $0x6;
	s12 =	simm.s32 $0x3800  }
0x18: {  	s13 =	simm.s32 $0xC00;
	s16 =	simm.s32 $0x9;
	[dreg:$0x6] =	wrdreg s14  }
0x19: {  	s5 =	simm.s32 $0x4;
	s19 =	simm.s32 $0xA;
	[dreg:$0xe] =	wrdreg s8  }
0x1a: {  	s15 =	simm.s32 $0x8;
	s17 =	simm.s32 $0x0;
	[dreg:$0xf] =	wrdreg s21  }
.Ltmp0:
0x1b: {  	[dreg:$0x10] =	wrdreg s22;
	s1 =	sadd.s32 $0x21E00, s1;
	(pc) =	sbr.rel .LBB2_1-.Ltmp0, $4  }
0x1c: {  	s21 =	sadd.s32 s26, s6;
	s22 =	sadd.s32 s2, s7;
	s26 =	simm.s32 $0x1  }
0x1d: {  	s6 =	simm.s32 $0x5;
	s14 =	simm.s32 $0x3;
	s2 =	simm.s32 $0xF00  }
0x1e: {  	[dreg:$0x11] =	wrdreg s1;
	s1 =	sshrl.u32 s24, $0x3;
	s24 =	simm.s32 $0x800  }
0x1f: {  	v0 =	vimm.f32 $0.0e+00;
	s20 =	sadd.s32 s1, s7;
	s1 =	simm.s32 $0x1000;
	s7 =	simm.s32 $0xF80  }
.LBB2_6:
0x20: {  	_ =	swait.ge [sflag:s6], $0x2800  }
0x21: {  	[sflag:s6] =	ssyncset.done $0x0  }
0x22: {  	[sflag:s6] =	ssyncadd.s32 $0xFFFFD800  }
0x23: {  	[spmem:s3] =	stream.indirect.scatter.add.f32 [tilespmem:s29], [sflag:$0x9], $0x80, s13, s28, $0xb8;
	[tilespmem:$0x1F000] =	vst v63  }
0x24: {  	_ =	swait.ge [sflag:s30], $0x2800  }
0x25: {  	[sflag:s30] =	ssyncset.done $0x0  }
0x26: {  	s8 =	simm.s32 $0x500;
	[sflag:s30] =	ssyncadd.s32 $0xFFFFD800  }
0x27: {  	[tilespmem:s1], [sflag:$0x3] =	stream.indirect.gather [hbm4b:s0+s28], $0x80, s8, s28, $0xb8;
	[tilespmem:$0x1F000] =	vst v63  }
0x28: {  	_ =	swait.ge [sflag:s9], $0x2800  }
0x29: {  	[sflag:s9] =	ssyncset.done $0x0  }
0x2a: {  	s18 =	simm.s32 $0xC80;
	[sflag:s9] =	ssyncadd.s32 $0xFFFFD800  }
0x2b: {  	[spmem:s3] =	stream.indirect.scatter.add.f32 [tilespmem:s31], [sflag:$0xA], $0x80, s18, s28, $0xb8;
	[tilespmem:$0x1F000] =	vst v63  }
0x2c: {  	_ =	swait.ge [sflag:s15], $0x2800  }
0x2d: {  	[sflag:s15] =	ssyncset.done $0x0  }
0x2e: {  	s11 =	simm.s32 $0x580;
	[sflag:s15] =	ssyncadd.s32 $0xFFFFD800  }
0x2f: {  	[tilespmem:s12], [sflag:$0x4] =	stream.indirect.gather [hbm4b:s0+s28], $0x80, s11, s28, $0xb8;
	[tilespmem:$0x1F000] =	vst v63  }
0x30: {  	_ =	swait.ge [sflag:s14], $0x2800  }
0x31: {  	[sflag:s14] =	ssyncset.done $0x0  }
0x32: {  	s17 =	simm.s32 $0xD00;
	[sflag:s14] =	ssyncadd.s32 $0xFFFFD800  }
0x33: {  	[spmem:s3] =	stream.indirect.scatter.add.f32 [tilespmem:s1], [sflag:$0x7], $0x80, s17, s28, $0xb8;
	[tilespmem:$0x1F000] =	vst v63  }
0x34: {  	_ =	swait.ge [sflag:s16], $0x2800  }
0x35: {  	[sflag:s16] =	ssyncset.done $0x0  }
0x36: {  	s18 =	simm.s32 $0x600;
	[sflag:s16] =	ssyncadd.s32 $0xFFFFD800  }
0x37: {  	[tilespmem:s29], [sflag:$0x5] =	stream.indirect.gather [hbm4b:s0+s28], $0x80, s18, s28, $0xb8;
	[tilespmem:$0x1F000] =	vst v63  }
0x38: {  	_ =	swait.ge [sflag:s5], $0x2800  }
0x39: {  	[sflag:s5] =	ssyncset.done $0x0  }
0x3a: {  	s11 =	simm.s32 $0xD80;
	[sflag:s5] =	ssyncadd.s32 $0xFFFFD800  }
0x3b: {  	[spmem:s3] =	stream.indirect.scatter.add.f32 [tilespmem:s12], [sflag:$0x8], $0x80, s11, s28, $0xb8;
	[tilespmem:$0x1F000] =	vst v63  }
0x3c: {  	_ =	swait.ge [sflag:s19], $0x2800  }
0x3d: {  	[sflag:s19] =	ssyncset.done $0x0  }
0x3e: {  	s17 =	simm.s32 $0x680;
	[sflag:s19] =	ssyncadd.s32 $0xFFFFD800  }
0x3f: {  	[tilespmem:s31], [sflag:$0x6] =	stream.indirect.gather [hbm4b:s0+s28], $0x80, s17, s28, $0xb8;
	[tilespmem:$0x1F000] =	vst v63  }
0x40: {  	_ =	swait.ge [sflag:s6], $0x2800  }
0x41: {  	[sflag:s6] =	ssyncset.done $0x0  }
0x42: {  	s18 =	simm.s32 $0xE00;
	[sflag:s6] =	ssyncadd.s32 $0xFFFFD800  }
0x43: {  	[spmem:s3] =	stream.indirect.scatter.add.f32 [tilespmem:s29], [sflag:$0x9], $0x80, s18, s28, $0xb8;
	[tilespmem:$0x1F000] =	vst v63  }
0x44: {  	_ =	swait.ge [sflag:s30], $0x2800  }
0x45: {  	[sflag:s30] =	ssyncset.done $0x0  }
0x46: {  	s11 =	simm.s32 $0x700;
	[sflag:s30] =	ssyncadd.s32 $0xFFFFD800  }
0x47: {  	[tilespmem:s1], [sflag:$0x3] =	stream.indirect.gather [hbm4b:s0+s28], $0x80, s11, s28, $0xb8;
	[tilespmem:$0x1F000] =	vst v63  }
0x48: {  	_ =	swait.ge [sflag:s9], $0x2800  }
0x49: {  	[sflag:s9] =	ssyncset.done $0x0  }
0x4a: {  	s17 =	simm.s32 $0xE80;
	[sflag:s9] =	ssyncadd.s32 $0xFFFFD800  }
0x4b: {  	[spmem:s3] =	stream.indirect.scatter.add.f32 [tilespmem:s31], [sflag:$0xA], $0x80, s17, s28, $0xb8;
	[tilespmem:$0x1F000] =	vst v63  }
0x4c: {  	_ =	swait.ge [sflag:s15], $0x2800  }
0x4d: {  	[sflag:s15] =	ssyncset.done $0x0  }
0x4e: {  	s18 =	simm.s32 $0x780;
	[sflag:s15] =	ssyncadd.s32 $0xFFFFD800  }
0x4f: {  	[tilespmem:s12], [sflag:$0x4] =	stream.indirect.gather [hbm4b:s0+s28], $0x80, s18, s28, $0xb8;
	[tilespmem:$0x1F000] =	vst v63  }
0x50: {  	_ =	swait.ge [sflag:s14], $0x2800  }
0x51: {  	[sflag:s14] =	ssyncset.done $0x0  }
0x52: {  	[sflag:s14] =	ssyncadd.s32 $0xFFFFD800  }
0x53: {  	[spmem:s3] =	stream.indirect.scatter.add.f32 [tilespmem:s1], [sflag:$0x7], $0x80, s2, s28, $0xb8;
	[tilespmem:$0x1F000] =	vst v63  }
0x54: {  	_ =	swait.ge [sflag:s16], $0x2800  }
0x55: {  	[sflag:s16] =	ssyncset.done $0x0  }
0x56: {  	[sflag:s16] =	ssyncadd.s32 $0xFFFFD800  }
0x57: {  	_ =	swait.ge [sflag:s5], $0x2800  }
0x58: {  	[sflag:s5] =	ssyncset.done $0x0  }
0x59: {  	[sflag:s5] =	ssyncadd.s32 $0xFFFFD800  }
0x5a: {  	[spmem:s3] =	stream.indirect.scatter.add.f32 [tilespmem:s12], [sflag:$0x8], $0x80, s7, s28, $0xb8;
	[tilespmem:$0x1F000] =	vst v63  }
0x5b: {  	_ =	swait.ge [sflag:s19], $0x2800  }
0x5c: {  	[sflag:s19] =	ssyncset.done $0x0  }
0x5d: {  	[sflag:s19] =	ssyncadd.s32 $0xFFFFD800  }
0x5e: {  	_ =	swait.ge [sflag:s30], $0x2800  }
0x5f: {  	[sflag:s30] =	ssyncset.done $0x0  }
0x60: {  	[sflag:s30] =	ssyncadd.s32 $0xFFFFD800  }
0x61: {  	_ =	swait.ge [sflag:s15], $0x2800  }
0x62: {  	[sflag:s15] =	ssyncset.done $0x0  }
0x63: {  	[sflag:s15] =	ssyncadd.s32 $0xFFFFD800  }
0x64: {  	s11 =	stileid.u32;
	[bflag:$0x0] =	sbarrier.arrive $0xFFFF  }
0x65: {  	s8 =	simm.s32 $0xB;
	s11 =	sshll.u32 s11, $0x6;
	s17 =	rddreg [dreg:$0x7]  }
0x66: {  	s11 =	sor.u32 $0x1C0B, s11;
	s18 =	rddreg [dreg:$0x11];
	s17 =	sshrl.u32 s17, $0x3  }
0x67: {  	[hbm:s18], [sflag:s11] =	dma.local [spmem:s17], $0x2800  }
0x68: {  	_ =	swait.ge [sflag:s8], $0x2800  }
0x69: {  	s11 =	rddreg [dreg:$0x13]  }
0x6a: {  	s17 =	sadd.s32 $0x1, s11;
	s11 =	rddreg [dreg:$0x12]  }
0x6b: {  	p0 =	sne.s32 s17, s11  }
.Ltmp1:
0x6c: {  	_ = 	snop;
	(pc) =	sbr.rel @!p0 .LBB2_7-.Ltmp1, $3  }
0x6d: {  	_ =	sdelay $0x1  }
0x6e: {  	[sflag:s8] =	ssyncset.done $0x0  }
0x6f: {  	s18 =	simm.s32 $0x80;
	[sflag:s8] =	ssyncadd.s32 $0xFFFFD800  }
.LBB2_1:
0x70: {  	[dreg:$0x13] =	wrdreg s17;
	s11 =	simm.s32 $0x0;
	s17 =	simm.s32 $0x200  }
.LBB2_2:
0x71: {  	p0 =	sne.s32 s17, $0x9E00;
	[tilespmem:s11+$0x1070] =	vst v0  }
0x72: {  	[tilespmem:s11+$0x1000] =	vst v0  }
0x73: {  	[tilespmem:s11+$0x1010] =	vst v0  }
.Ltmp2:
0x74: {  	[tilespmem:s11+$0x1020] =	vst v0;
	(pc) =	sbr.rel @p0 .LBB2_2-.Ltmp2, $4  }
0x75: {  	[tilespmem:s11+$0x1030] =	vst v0  }
0x76: {  	[tilespmem:s11+$0x1040] =	vst v0  }
0x77: {  	[tilespmem:s11+$0x1050] =	vst v0  }
0x78: {  	[tilespmem:s11+$0x1060] =	vst v0;
	s11 =	sshra.s32 s17, $0x2;
	s17 =	sadd.s32 $0x200, s17  }
0x79: {  	[tilespmem:s11+$0x1070] =	vst v0  }
0x7a: {  	[tilespmem:s11+$0x1000] =	vst v0  }
0x7b: {  	[tilespmem:s11+$0x1010] =	vst v0  }
0x7c: {  	[tilespmem:s11+$0x1020] =	vst v0  }
0x7d: {  	[tilespmem:s11+$0x1030] =	vst v0  }
0x7e: {  	[tilespmem:s11+$0x1040] =	vst v0  }
0x7f: {  	[tilespmem:s11+$0x1050] =	vst v0  }
0x80: {  	[tilespmem:s11+$0x1060] =	vst v0;
	s11 =	simm.s32 $0x0;
	s17 =	rddreg [dreg:$0x4]  }
0x81: {  	[tilespmem:s11], [sflag:$0x1] =	stream.linear.gather [hbm4b:s17+s11], $0x400, $0x38;
	[tilespmem:$0x1F000] =	vst v63  }
0x82: {  	s8 =	rddreg [dreg:$0x5]  }
0x83: {  	[tilespmem:s24], [sflag:$0x1] =	stream.linear.gather [hbm4b:s8+s11], $0x400, $0x38;
	[tilespmem:$0x1F000] =	vst v63  }
0x84: {  	s8 =	rddreg [dreg:$0x6]  }
0x85: {  	[tilespmem:s25], [sflag:$0x2] =	stream.linear.gather [hbm4b:s8+s11], $0x400, $0x38;
	[tilespmem:$0x1F000] =	vst v63  }
0x86: {  	_ =	swait.ge [sflag:s26], $0x400  }
0x87: {  	[sflag:s26] =	ssyncset.done $0x0  }
0x88: {  	[sflag:s26] =	ssyncadd.s32 $0xFFFFFC00  }
0x89: {  	_ =	swait.ge [sflag:s26], $0x400  }
0x8a: {  	[sflag:s26] =	ssyncset.done $0x0  }
0x8b: {  	[sflag:s26] =	ssyncadd.s32 $0xFFFFFC00  }
0x8c: {  	[tilespmem:s29], [sflag:$0x5] =	stream.indirect.gather [hbm4b:s0+s28], $0x80, s11, s28, $0xb8;
	[tilespmem:$0x1F000] =	vst v63  }
0x8d: {  	_ = 	snop  }
0x8e: {  	[tilespmem:s31], [sflag:$0x6] =	stream.indirect.gather [hbm4b:s0+s28], $0x80, s18, s28, $0xb8;
	[tilespmem:$0x1F000] =	vst v63  }
0x8f: {  	s8 =	rddreg [dreg:$0x7]  }
0x90: {  	[spmem:s8] =	stream.linear.scatter [tilespmem:s1], [sflag:$0xB], $0x2800, $0x38;
	[tilespmem:$0x1F000] =	vst v63  }
0x91: {  	s8 =	simm.s32 $0xB  }
0x92: {  	_ =	swait.ge [sflag:s8], $0x2800  }
0x93: {  	[sflag:s8] =	ssyncset.done $0x0  }
0x94: {  	s17 =	rddreg [dreg:$0x8];
	[sflag:s8] =	ssyncadd.s32 $0xFFFFD800  }
0x95: {  	[spmem:s17] =	stream.linear.scatter [tilespmem:s1], [sflag:$0xB], $0x2800, $0x38;
	[tilespmem:$0x1F000] =	vst v63  }
0x96: {  	_ =	swait.ge [sflag:s8], $0x2800  }
0x97: {  	[sflag:s8] =	ssyncset.done $0x0  }
0x98: {  	s17 =	rddreg [dreg:$0x9];
	[sflag:s8] =	ssyncadd.s32 $0xFFFFD800  }
0x99: {  	[spmem:s17] =	stream.linear.scatter [tilespmem:s1], [sflag:$0xB], $0x2800, $0x38;
	[tilespmem:$0x1F000] =	vst v63  }
0x9a: {  	_ =	swait.ge [sflag:s8], $0x2800  }
0x9b: {  	[sflag:s8] =	ssyncset.done $0x0  }
0x9c: {  	s17 =	rddreg [dreg:$0xa];
	[sflag:s8] =	ssyncadd.s32 $0xFFFFD800  }
0x9d: {  	[spmem:s17] =	stream.linear.scatter [tilespmem:s1], [sflag:$0xB], $0x2800, $0x38;
	[tilespmem:$0x1F000] =	vst v63  }
0x9e: {  	_ =	swait.ge [sflag:s8], $0x2800  }
0x9f: {  	[sflag:s8] =	ssyncset.done $0x0  }
0xa0: {  	s17 =	rddreg [dreg:$0xb];
	[sflag:s8] =	ssyncadd.s32 $0xFFFFD800  }
0xa1: {  	[spmem:s17] =	stream.linear.scatter [tilespmem:s1], [sflag:$0xB], $0x2800, $0x38;
	[tilespmem:$0x1F000] =	vst v63  }
0xa2: {  	_ =	swait.ge [sflag:s8], $0x2800  }
0xa3: {  	[sflag:s8] =	ssyncset.done $0x0  }
0xa4: {  	s17 =	rddreg [dreg:$0xc];
	[sflag:s8] =	ssyncadd.s32 $0xFFFFD800  }
0xa5: {  	[spmem:s17] =	stream.linear.scatter [tilespmem:s1], [sflag:$0xB], $0x2800, $0x38;
	[tilespmem:$0x1F000] =	vst v63  }
0xa6: {  	_ =	swait.ge [sflag:s8], $0x2800  }
0xa7: {  	[sflag:s8] =	ssyncset.done $0x0  }
0xa8: {  	s17 =	rddreg [dreg:$0xd];
	[sflag:s8] =	ssyncadd.s32 $0xFFFFD800  }
0xa9: {  	[spmem:s17] =	stream.linear.scatter [tilespmem:s1], [sflag:$0xB], $0x2800, $0x38;
	[tilespmem:$0x1F000] =	vst v63  }
0xaa: {  	_ =	swait.ge [sflag:s8], $0x2800  }
0xab: {  	[sflag:s8] =	ssyncset.done $0x0  }
0xac: {  	s17 =	rddreg [dreg:$0xe];
	[sflag:s8] =	ssyncadd.s32 $0xFFFFD800  }
0xad: {  	[spmem:s17] =	stream.linear.scatter [tilespmem:s1], [sflag:$0xB], $0x2800, $0x38;
	[tilespmem:$0x1F000] =	vst v63  }
0xae: {  	_ =	swait.ge [sflag:s8], $0x2800  }
0xaf: {  	[sflag:s8] =	ssyncset.done $0x0  }
0xb0: {  	[sflag:s8] =	ssyncadd.s32 $0xFFFFD800  }
0xb1: {  	[bflag:$0x0] =	sbarrier.arrive $0xFFFF  }
0xb2: {  	_ =	swait.ge [sflag:s6], $0x2800  }
0xb3: {  	[sflag:s6] =	ssyncset.done $0x0  }
0xb4: {  	[sflag:s6] =	ssyncadd.s32 $0xFFFFD800  }
0xb5: {  	[spmem:s3] =	stream.indirect.scatter.add.f32 [tilespmem:s29], [sflag:$0x9], $0x80, s24, s28, $0xb8;
	[tilespmem:$0x1F000] =	vst v63  }
0xb6: {  	s8 =	simm.s32 $0x100  }
0xb7: {  	[tilespmem:s1], [sflag:$0x3] =	stream.indirect.gather [hbm4b:s0+s28], $0x80, s8, s28, $0xb8;
	[tilespmem:$0x1F000] =	vst v63  }
0xb8: {  	_ =	swait.ge [sflag:s9], $0x2800  }
0xb9: {  	[sflag:s9] =	ssyncset.done $0x0  }
0xba: {  	s17 =	simm.s32 $0x880;
	[sflag:s9] =	ssyncadd.s32 $0xFFFFD800  }
0xbb: {  	[spmem:s3] =	stream.indirect.scatter.add.f32 [tilespmem:s31], [sflag:$0xA], $0x80, s17, s28, $0xb8;
	[tilespmem:$0x1F000] =	vst v63  }
0xbc: {  	s17 =	simm.s32 $0x180  }
0xbd: {  	[tilespmem:s12], [sflag:$0x4] =	stream.indirect.gather [hbm4b:s0+s28], $0x80, s17, s28, $0xb8;
	[tilespmem:$0x1F000] =	vst v63  }
0xbe: {  	s17 =	rddreg [dreg:$0xf]  }
0xbf: {  	[tilespmem:s13], [sflag:$0x2] =	stream.linear.gather [hbm4b:s17+s11], $0x400, $0x38;
	[tilespmem:$0x1F000] =	vst v63  }
0xc0: {  	_ =	swait.ge [sflag:s14], $0x2800  }
0xc1: {  	[sflag:s14] =	ssyncset.done $0x0  }
0xc2: {  	s17 =	simm.s32 $0x900;
	[sflag:s14] =	ssyncadd.s32 $0xFFFFD800  }
0xc3: {  	[spmem:s3] =	stream.indirect.scatter.add.f32 [tilespmem:s1], [sflag:$0x7], $0x80, s17, s28, $0xb8;
	[tilespmem:$0x1F000] =	vst v63  }
0xc4: {  	_ =	swait.ge [sflag:s16], $0x2800  }
0xc5: {  	[sflag:s16] =	ssyncset.done $0x0  }
0xc6: {  	s17 =	simm.s32 $0x200;
	[sflag:s16] =	ssyncadd.s32 $0xFFFFD800  }
0xc7: {  	[tilespmem:s29], [sflag:$0x5] =	stream.indirect.gather [hbm4b:s0+s28], $0x80, s17, s28, $0xb8;
	[tilespmem:$0x1F000] =	vst v63  }
0xc8: {  	_ =	swait.ge [sflag:s5], $0x2800  }
0xc9: {  	[sflag:s5] =	ssyncset.done $0x0  }
0xca: {  	s17 =	simm.s32 $0x980;
	[sflag:s5] =	ssyncadd.s32 $0xFFFFD800  }
0xcb: {  	[spmem:s3] =	stream.indirect.scatter.add.f32 [tilespmem:s12], [sflag:$0x8], $0x80, s17, s28, $0xb8;
	[tilespmem:$0x1F000] =	vst v63  }
0xcc: {  	_ =	swait.ge [sflag:s19], $0x2800  }
0xcd: {  	[sflag:s19] =	ssyncset.done $0x0  }
0xce: {  	s17 =	simm.s32 $0x280;
	[sflag:s19] =	ssyncadd.s32 $0xFFFFD800  }
0xcf: {  	[tilespmem:s31], [sflag:$0x6] =	stream.indirect.gather [hbm4b:s0+s28], $0x80, s17, s28, $0xb8;
	[tilespmem:$0x1F000] =	vst v63  }
0xd0: {  	_ =	swait.ge [sflag:s6], $0x2800  }
0xd1: {  	[sflag:s6] =	ssyncset.done $0x0  }
0xd2: {  	s17 =	simm.s32 $0xA00;
	[sflag:s6] =	ssyncadd.s32 $0xFFFFD800  }
0xd3: {  	[spmem:s3] =	stream.indirect.scatter.add.f32 [tilespmem:s29], [sflag:$0x9], $0x80, s17, s28, $0xb8;
	[tilespmem:$0x1F000] =	vst v63  }
0xd4: {  	_ =	swait.ge [sflag:s30], $0x2800  }
0xd5: {  	[sflag:s30] =	ssyncset.done $0x0  }
0xd6: {  	s17 =	simm.s32 $0x300;
	[sflag:s30] =	ssyncadd.s32 $0xFFFFD800  }
0xd7: {  	[tilespmem:s1], [sflag:$0x3] =	stream.indirect.gather [hbm4b:s0+s28], $0x80, s17, s28, $0xb8;
	[tilespmem:$0x1F000] =	vst v63  }
0xd8: {  	_ =	swait.ge [sflag:s10], $0x400  }
0xd9: {  	[sflag:s10] =	ssyncset.done $0x0  }
0xda: {  	[sflag:s10] =	ssyncadd.s32 $0xFFFFFC00  }
0xdb: {  	_ =	swait.ge [sflag:s10], $0x400  }
0xdc: {  	[sflag:s10] =	ssyncset.done $0x0  }
0xdd: {  	[sflag:s10] =	ssyncadd.s32 $0xFFFFFC00  }
0xde: {  	_ =	swait.ge [sflag:s9], $0x2800  }
0xdf: {  	[sflag:s9] =	ssyncset.done $0x0  }
0xe0: {  	s17 =	simm.s32 $0xA80;
	[sflag:s9] =	ssyncadd.s32 $0xFFFFD800  }
0xe1: {  	[spmem:s3] =	stream.indirect.scatter.add.f32 [tilespmem:s31], [sflag:$0xA], $0x80, s17, s28, $0xb8;
	[tilespmem:$0x1F000] =	vst v63  }
0xe2: {  	_ =	swait.ge [sflag:s15], $0x2800  }
0xe3: {  	[sflag:s15] =	ssyncset.done $0x0  }
0xe4: {  	s17 =	simm.s32 $0x380;
	[sflag:s15] =	ssyncadd.s32 $0xFFFFD800  }
0xe5: {  	[tilespmem:s12], [sflag:$0x4] =	stream.indirect.gather [hbm4b:s0+s28], $0x80, s17, s28, $0xb8;
	[tilespmem:$0x1F000] =	vst v63  }
0xe6: {  	_ =	swait.ge [sflag:s14], $0x2800  }
0xe7: {  	[sflag:s14] =	ssyncset.done $0x0  }
0xe8: {  	s17 =	simm.s32 $0xB00;
	[sflag:s14] =	ssyncadd.s32 $0xFFFFD800  }
0xe9: {  	[spmem:s3] =	stream.indirect.scatter.add.f32 [tilespmem:s1], [sflag:$0x7], $0x80, s17, s28, $0xb8;
	[tilespmem:$0x1F000] =	vst v63  }
0xea: {  	_ =	swait.ge [sflag:s16], $0x2800  }
0xeb: {  	[sflag:s16] =	ssyncset.done $0x0  }
0xec: {  	[sflag:s16] =	ssyncadd.s32 $0xFFFFD800  }
0xed: {  	[tilespmem:s29], [sflag:$0x5] =	stream.indirect.gather [hbm4b:s0+s28], $0x80, s25, s28, $0xb8;
	[tilespmem:$0x1F000] =	vst v63  }
0xee: {  	_ =	swait.ge [sflag:s5], $0x2800  }
0xef: {  	[sflag:s5] =	ssyncset.done $0x0  }
0xf0: {  	s17 =	simm.s32 $0xB80;
	[sflag:s5] =	ssyncadd.s32 $0xFFFFD800  }
0xf1: {  	[spmem:s3] =	stream.indirect.scatter.add.f32 [tilespmem:s12], [sflag:$0x8], $0x80, s17, s28, $0xb8;
	[tilespmem:$0x1F000] =	vst v63  }
0xf2: {  	_ =	swait.ge [sflag:s19], $0x2800  }
0xf3: {  	[sflag:s19] =	ssyncset.done $0x0  }
0xf4: {  	s17 =	simm.s32 $0x480;
	[sflag:s19] =	ssyncadd.s32 $0xFFFFD800  }
0xf5: {  	[tilespmem:s31], [sflag:$0x6] =	stream.indirect.gather [hbm4b:s0+s28], $0x80, s17, s28, $0xb8;
	[tilespmem:$0x1F000] =	vst v63  }
0xf6: {  	s17 =	rddreg [dreg:$0x10]  }
0xf7: {  	[tilespmem:s11], [sflag:$0x1] =	stream.linear.gather [hbm4b:s17+s11], $0x400, $0x38;
	[tilespmem:$0x1F000] =	vst v63  }
.LBB2_4:
0xf8: {  	_ =	swait.ge [sflag:s6], $0x2800  }
0xf9: {  	[sflag:s6] =	ssyncset.done $0x0  }
0xfa: {  	[sflag:s6] =	ssyncadd.s32 $0xFFFFD800  }
0xfb: {  	[spmem:s3] =	stream.indirect.scatter.add.f32 [tilespmem:s29], [sflag:$0x9], $0x80, s13, s28, $0xb8;
	[tilespmem:$0x1F000] =	vst v63  }
0xfc: {  	_ =	swait.ge [sflag:s30], $0x2800  }
0xfd: {  	[sflag:s30] =	ssyncset.done $0x0  }
0xfe: {  	s17 =	simm.s32 $0x500;
	[sflag:s30] =	ssyncadd.s32 $0xFFFFD800  }
0xff: {  	[tilespmem:s1], [sflag:$0x3] =	stream.indirect.gather [hbm4b:s0+s28], $0x80, s17, s28, $0xb8;
	[tilespmem:$0x1F000] =	vst v63  }
0x100: {  	_ =	swait.ge [sflag:s9], $0x2800  }
0x101: {  	[sflag:s9] =	ssyncset.done $0x0  }
0x102: {  	s17 =	simm.s32 $0xC80;
	[sflag:s9] =	ssyncadd.s32 $0xFFFFD800  }
0x103: {  	[spmem:s3] =	stream.indirect.scatter.add.f32 [tilespmem:s31], [sflag:$0xA], $0x80, s17, s28, $0xb8;
	[tilespmem:$0x1F000] =	vst v63  }
0x104: {  	_ =	swait.ge [sflag:s15], $0x2800  }
0x105: {  	[sflag:s15] =	ssyncset.done $0x0  }
0x106: {  	s17 =	simm.s32 $0x580;
	[sflag:s15] =	ssyncadd.s32 $0xFFFFD800  }
0x107: {  	[tilespmem:s12], [sflag:$0x4] =	stream.indirect.gather [hbm4b:s0+s28], $0x80, s17, s28, $0xb8;
	[tilespmem:$0x1F000] =	vst v63  }
0x108: {  	s17 =	sadd.s32 s11, s20  }
0x109: {  	[tilespmem:s24], [sflag:$0x1] =	stream.linear.gather [hbm4b:s17+s4], $0x400, $0x38;
	[tilespmem:$0x1F000] =	vst v63  }
0x10a: {  	_ =	swait.ge [sflag:s14], $0x2800  }
0x10b: {  	[sflag:s14] =	ssyncset.done $0x0  }
0x10c: {  	s17 =	simm.s32 $0xD00;
	[sflag:s14] =	ssyncadd.s32 $0xFFFFD800  }
0x10d: {  	[spmem:s3] =	stream.indirect.scatter.add.f32 [tilespmem:s1], [sflag:$0x7], $0x80, s17, s28, $0xb8;
	[tilespmem:$0x1F000] =	vst v63  }
0x10e: {  	_ =	swait.ge [sflag:s16], $0x2800  }
0x10f: {  	[sflag:s16] =	ssyncset.done $0x0  }
0x110: {  	s17 =	simm.s32 $0x600;
	[sflag:s16] =	ssyncadd.s32 $0xFFFFD800  }
0x111: {  	[tilespmem:s29], [sflag:$0x5] =	stream.indirect.gather [hbm4b:s0+s28], $0x80, s17, s28, $0xb8;
	[tilespmem:$0x1F000] =	vst v63  }
0x112: {  	_ =	swait.ge [sflag:s5], $0x2800  }
0x113: {  	[sflag:s5] =	ssyncset.done $0x0  }
0x114: {  	s17 =	simm.s32 $0xD80;
	[sflag:s5] =	ssyncadd.s32 $0xFFFFD800  }
0x115: {  	[spmem:s3] =	stream.indirect.scatter.add.f32 [tilespmem:s12], [sflag:$0x8], $0x80, s17, s28, $0xb8;
	[tilespmem:$0x1F000] =	vst v63  }
0x116: {  	_ =	swait.ge [sflag:s19], $0x2800  }
0x117: {  	[sflag:s19] =	ssyncset.done $0x0  }
0x118: {  	s17 =	simm.s32 $0x680;
	[sflag:s19] =	ssyncadd.s32 $0xFFFFD800  }
0x119: {  	[tilespmem:s31], [sflag:$0x6] =	stream.indirect.gather [hbm4b:s0+s28], $0x80, s17, s28, $0xb8;
	[tilespmem:$0x1F000] =	vst v63  }
0x11a: {  	_ =	swait.ge [sflag:s6], $0x2800  }
0x11b: {  	[sflag:s6] =	ssyncset.done $0x0  }
0x11c: {  	s17 =	simm.s32 $0xE00;
	[sflag:s6] =	ssyncadd.s32 $0xFFFFD800  }
0x11d: {  	[spmem:s3] =	stream.indirect.scatter.add.f32 [tilespmem:s29], [sflag:$0x9], $0x80, s17, s28, $0xb8;
	[tilespmem:$0x1F000] =	vst v63  }
0x11e: {  	_ =	swait.ge [sflag:s30], $0x2800  }
0x11f: {  	[sflag:s30] =	ssyncset.done $0x0  }
0x120: {  	s17 =	simm.s32 $0x700;
	[sflag:s30] =	ssyncadd.s32 $0xFFFFD800  }
0x121: {  	[tilespmem:s1], [sflag:$0x3] =	stream.indirect.gather [hbm4b:s0+s28], $0x80, s17, s28, $0xb8;
	[tilespmem:$0x1F000] =	vst v63  }
0x122: {  	_ =	swait.ge [sflag:s26], $0x400  }
0x123: {  	[sflag:s26] =	ssyncset.done $0x0  }
0x124: {  	[sflag:s26] =	ssyncadd.s32 $0xFFFFFC00  }
0x125: {  	_ =	swait.ge [sflag:s26], $0x400  }
0x126: {  	[sflag:s26] =	ssyncset.done $0x0  }
0x127: {  	[sflag:s26] =	ssyncadd.s32 $0xFFFFFC00  }
0x128: {  	_ =	swait.ge [sflag:s9], $0x2800  }
0x129: {  	[sflag:s9] =	ssyncset.done $0x0  }
0x12a: {  	s17 =	simm.s32 $0xE80;
	[sflag:s9] =	ssyncadd.s32 $0xFFFFD800  }
0x12b: {  	[spmem:s3] =	stream.indirect.scatter.add.f32 [tilespmem:s31], [sflag:$0xA], $0x80, s17, s28, $0xb8;
	[tilespmem:$0x1F000] =	vst v63  }
0x12c: {  	_ =	swait.ge [sflag:s15], $0x2800  }
0x12d: {  	[sflag:s15] =	ssyncset.done $0x0  }
0x12e: {  	s17 =	simm.s32 $0x780;
	[sflag:s15] =	ssyncadd.s32 $0xFFFFD800  }
0x12f: {  	[tilespmem:s12], [sflag:$0x4] =	stream.indirect.gather [hbm4b:s0+s28], $0x80, s17, s28, $0xb8;
	[tilespmem:$0x1F000] =	vst v63  }
0x130: {  	_ =	swait.ge [sflag:s14], $0x2800  }
0x131: {  	[sflag:s14] =	ssyncset.done $0x0  }
0x132: {  	[sflag:s14] =	ssyncadd.s32 $0xFFFFD800  }
0x133: {  	[spmem:s3] =	stream.indirect.scatter.add.f32 [tilespmem:s1], [sflag:$0x7], $0x80, s2, s28, $0xb8;
	[tilespmem:$0x1F000] =	vst v63  }
0x134: {  	_ =	swait.ge [sflag:s16], $0x2800  }
0x135: {  	[sflag:s16] =	ssyncset.done $0x0  }
0x136: {  	[sflag:s16] =	ssyncadd.s32 $0xFFFFD800  }
0x137: {  	[tilespmem:s29], [sflag:$0x5] =	stream.indirect.gather [hbm4b:s0+s28], $0x80, s4, s28, $0xb8;
	[tilespmem:$0x1F000] =	vst v63  }
0x138: {  	_ =	swait.ge [sflag:s5], $0x2800  }
0x139: {  	[sflag:s5] =	ssyncset.done $0x0  }
0x13a: {  	[sflag:s5] =	ssyncadd.s32 $0xFFFFD800  }
0x13b: {  	[spmem:s3] =	stream.indirect.scatter.add.f32 [tilespmem:s12], [sflag:$0x8], $0x80, s7, s28, $0xb8;
	[tilespmem:$0x1F000] =	vst v63  }
0x13c: {  	_ =	swait.ge [sflag:s19], $0x2800  }
0x13d: {  	[sflag:s19] =	ssyncset.done $0x0  }
0x13e: {  	[sflag:s19] =	ssyncadd.s32 $0xFFFFD800  }
0x13f: {  	[tilespmem:s31], [sflag:$0x6] =	stream.indirect.gather [hbm4b:s0+s28], $0x80, s18, s28, $0xb8;
	[tilespmem:$0x1F000] =	vst v63  }
0x140: {  	s17 =	sadd.s32 s11, s23  }
0x141: {  	[tilespmem:s25], [sflag:$0x2] =	stream.linear.gather [hbm4b:s17+s4], $0x400, $0x38;
	[tilespmem:$0x1F000] =	vst v63  }
0x142: {  	_ =	swait.ge [sflag:s6], $0x2800  }
0x143: {  	[sflag:s6] =	ssyncset.done $0x0  }
0x144: {  	[sflag:s6] =	ssyncadd.s32 $0xFFFFD800  }
0x145: {  	[spmem:s3] =	stream.indirect.scatter.add.f32 [tilespmem:s29], [sflag:$0x9], $0x80, s24, s28, $0xb8;
	[tilespmem:$0x1F000] =	vst v63  }
0x146: {  	_ =	swait.ge [sflag:s30], $0x2800  }
0x147: {  	[sflag:s30] =	ssyncset.done $0x0  }
0x148: {  	[sflag:s30] =	ssyncadd.s32 $0xFFFFD800  }
0x149: {  	[tilespmem:s1], [sflag:$0x3] =	stream.indirect.gather [hbm4b:s0+s28], $0x80, s8, s28, $0xb8;
	[tilespmem:$0x1F000] =	vst v63  }
0x14a: {  	_ =	swait.ge [sflag:s9], $0x2800  }
0x14b: {  	[sflag:s9] =	ssyncset.done $0x0  }
0x14c: {  	s17 =	simm.s32 $0x880;
	[sflag:s9] =	ssyncadd.s32 $0xFFFFD800  }
0x14d: {  	[spmem:s3] =	stream.indirect.scatter.add.f32 [tilespmem:s31], [sflag:$0xA], $0x80, s17, s28, $0xb8;
	[tilespmem:$0x1F000] =	vst v63  }
0x14e: {  	_ =	swait.ge [sflag:s15], $0x2800  }
0x14f: {  	[sflag:s15] =	ssyncset.done $0x0  }
0x150: {  	s17 =	simm.s32 $0x180;
	[sflag:s15] =	ssyncadd.s32 $0xFFFFD800  }
0x151: {  	[tilespmem:s12], [sflag:$0x4] =	stream.indirect.gather [hbm4b:s0+s28], $0x80, s17, s28, $0xb8;
	[tilespmem:$0x1F000] =	vst v63  }
0x152: {  	s17 =	sadd.s32 s11, s22  }
0x153: {  	[tilespmem:s13], [sflag:$0x2] =	stream.linear.gather [hbm4b:s17+s4], $0x400, $0x38;
	[tilespmem:$0x1F000] =	vst v63  }
0x154: {  	_ =	swait.ge [sflag:s14], $0x2800  }
0x155: {  	[sflag:s14] =	ssyncset.done $0x0  }
0x156: {  	s17 =	simm.s32 $0x900;
	[sflag:s14] =	ssyncadd.s32 $0xFFFFD800  }
0x157: {  	[spmem:s3] =	stream.indirect.scatter.add.f32 [tilespmem:s1], [sflag:$0x7], $0x80, s17, s28, $0xb8;
	[tilespmem:$0x1F000] =	vst v63  }
0x158: {  	_ =	swait.ge [sflag:s16], $0x2800  }
0x159: {  	[sflag:s16] =	ssyncset.done $0x0  }
0x15a: {  	s17 =	simm.s32 $0x200;
	[sflag:s16] =	ssyncadd.s32 $0xFFFFD800  }
0x15b: {  	[tilespmem:s29], [sflag:$0x5] =	stream.indirect.gather [hbm4b:s0+s28], $0x80, s17, s28, $0xb8;
	[tilespmem:$0x1F000] =	vst v63  }
0x15c: {  	_ =	swait.ge [sflag:s5], $0x2800  }
0x15d: {  	[sflag:s5] =	ssyncset.done $0x0  }
0x15e: {  	s17 =	simm.s32 $0x980;
	[sflag:s5] =	ssyncadd.s32 $0xFFFFD800  }
0x15f: {  	[spmem:s3] =	stream.indirect.scatter.add.f32 [tilespmem:s12], [sflag:$0x8], $0x80, s17, s28, $0xb8;
	[tilespmem:$0x1F000] =	vst v63  }
0x160: {  	_ =	swait.ge [sflag:s19], $0x2800  }
0x161: {  	[sflag:s19] =	ssyncset.done $0x0  }
0x162: {  	s17 =	simm.s32 $0x280;
	[sflag:s19] =	ssyncadd.s32 $0xFFFFD800  }
0x163: {  	[tilespmem:s31], [sflag:$0x6] =	stream.indirect.gather [hbm4b:s0+s28], $0x80, s17, s28, $0xb8;
	[tilespmem:$0x1F000] =	vst v63  }
0x164: {  	_ =	swait.ge [sflag:s6], $0x2800  }
0x165: {  	[sflag:s6] =	ssyncset.done $0x0  }
0x166: {  	s17 =	simm.s32 $0xA00;
	[sflag:s6] =	ssyncadd.s32 $0xFFFFD800  }
0x167: {  	[spmem:s3] =	stream.indirect.scatter.add.f32 [tilespmem:s29], [sflag:$0x9], $0x80, s17, s28, $0xb8;
	[tilespmem:$0x1F000] =	vst v63  }
0x168: {  	_ =	swait.ge [sflag:s30], $0x2800  }
0x169: {  	[sflag:s30] =	ssyncset.done $0x0  }
0x16a: {  	s17 =	simm.s32 $0x300;
	[sflag:s30] =	ssyncadd.s32 $0xFFFFD800  }
0x16b: {  	[tilespmem:s1], [sflag:$0x3] =	stream.indirect.gather [hbm4b:s0+s28], $0x80, s17, s28, $0xb8;
	[tilespmem:$0x1F000] =	vst v63  }
0x16c: {  	_ =	swait.ge [sflag:s10], $0x400  }
0x16d: {  	[sflag:s10] =	ssyncset.done $0x0  }
0x16e: {  	[sflag:s10] =	ssyncadd.s32 $0xFFFFFC00  }
0x16f: {  	_ =	swait.ge [sflag:s10], $0x400  }
0x170: {  	[sflag:s10] =	ssyncset.done $0x0  }
0x171: {  	[sflag:s10] =	ssyncadd.s32 $0xFFFFFC00  }
0x172: {  	_ =	swait.ge [sflag:s9], $0x2800  }
0x173: {  	[sflag:s9] =	ssyncset.done $0x0  }
0x174: {  	s17 =	simm.s32 $0xA80;
	[sflag:s9] =	ssyncadd.s32 $0xFFFFD800  }
0x175: {  	[spmem:s3] =	stream.indirect.scatter.add.f32 [tilespmem:s31], [sflag:$0xA], $0x80, s17, s28, $0xb8;
	[tilespmem:$0x1F000] =	vst v63  }
0x176: {  	_ =	swait.ge [sflag:s15], $0x2800  }
0x177: {  	[sflag:s15] =	ssyncset.done $0x0  }
0x178: {  	s17 =	simm.s32 $0x380;
	[sflag:s15] =	ssyncadd.s32 $0xFFFFD800  }
0x179: {  	[tilespmem:s12], [sflag:$0x4] =	stream.indirect.gather [hbm4b:s0+s28], $0x80, s17, s28, $0xb8;
	[tilespmem:$0x1F000] =	vst v63  }
0x17a: {  	_ =	swait.ge [sflag:s14], $0x2800  }
0x17b: {  	[sflag:s14] =	ssyncset.done $0x0  }
0x17c: {  	s17 =	simm.s32 $0xB00;
	[sflag:s14] =	ssyncadd.s32 $0xFFFFD800  }
0x17d: {  	[spmem:s3] =	stream.indirect.scatter.add.f32 [tilespmem:s1], [sflag:$0x7], $0x80, s17, s28, $0xb8;
	[tilespmem:$0x1F000] =	vst v63  }
0x17e: {  	_ =	swait.ge [sflag:s16], $0x2800  }
0x17f: {  	[sflag:s16] =	ssyncset.done $0x0  }
0x180: {  	[sflag:s16] =	ssyncadd.s32 $0xFFFFD800  }
0x181: {  	[tilespmem:s29], [sflag:$0x5] =	stream.indirect.gather [hbm4b:s0+s28], $0x80, s25, s28, $0xb8;
	[tilespmem:$0x1F000] =	vst v63  }
0x182: {  	_ =	swait.ge [sflag:s5], $0x2800  }
0x183: {  	[sflag:s5] =	ssyncset.done $0x0  }
0x184: {  	p0 =	seq.s32 s11, $0x600;
	s17 =	simm.s32 $0xB80;
	[sflag:s5] =	ssyncadd.s32 $0xFFFFD800  }
0x185: {  	[spmem:s3] =	stream.indirect.scatter.add.f32 [tilespmem:s12], [sflag:$0x8], $0x80, s17, s28, $0xb8;
	[tilespmem:$0x1F000] =	vst v63  }
.Ltmp3:
0x186: {  	_ = 	snop;
	(pc) =	sbr.rel @p0 .LBB2_6-.Ltmp3, $4  }
0x187: {  	_ =	swait.ge [sflag:s19], $0x2800  }
0x188: {  	[sflag:s19] =	ssyncset.done $0x0  }
0x189: {  	s17 =	simm.s32 $0x480;
	[sflag:s19] =	ssyncadd.s32 $0xFFFFD800  }
0x18a: {  	[tilespmem:s31], [sflag:$0x6] =	stream.indirect.gather [hbm4b:s0+s28], $0x80, s17, s28, $0xb8;
	[tilespmem:$0x1F000] =	vst v63  }
.Ltmp4:
0x18b: {  	(pc) =	sbr.rel .LBB2_4-.Ltmp4, $3  }
0x18c: {  	_ =	sdelay $0x1  }
0x18d: {  	s17 =	sadd.s32 s11, s21;
	s11 =	sadd.s32 $0x100, s11  }
0x18e: {  	[tilespmem:s4], [sflag:$0x1] =	stream.linear.gather [hbm4b:s17+s4], $0x400, $0x38;
	[tilespmem:$0x1F000] =	vst v63  }
.LBB2_7:
0x18f: {  	_ =	sfence.sel $0x180000  }
0x190: {  	[bflag:$0x0] =	sbarrier.arrive $0xFFFF  }
0x191: {  	_ =	strace $0x9000004D  }
0x192: {  	s0 =	stileid.u32;
	[bflag:$0x2] =	sbarrier.arrive $0xFFFF  }
0x193: {  	p0 =	sne.s32 s0, $0x0;
	s0 =	rddreg [dreg:$0x3]  }
0x194: {  	s0 =	sadd.s32 @!p0 $0x100000, s0  }
0x195: {  	[sflag:s0] =	ssyncadd.tile.s32 @!p0 $0x1;
	_ =	shalt  }
.Lfunc_end2:
_tile_overlayer_lowered:
.L_overlay_start_2:
0x196: {  	(tag) =	ssettag $0x2  }
0x197: {  	s0 =	rddreg [dreg:$0x0];
	s2 =	stileid.u32  }
0x198: {  	s1 =	rddreg [dreg:$0x1];
	p0 =	sne.s32 s2, $0x0  }
0x199: {  	s3 =	rddreg [dreg:$0x2];
	[bflag:$0x3] =	sbarrier.arrive $0xFFFF;
	s2 =	simm.s32 @!p0 $0x1C0B  }
0x19a: {  	[timem:s3], [sflag:s2] =	dma.local @!p0 [hbm:s0], s1  }
0x19b: {  	s0 =	simm.s32 @!p0 $0xB  }
0x19c: {  	_ =	swait.ge @!p0 [sflag:s0], s1  }
0x19d: {  	s1 =	ssub.s32 @!p0 $0x0, s1;
	[sflag:s0] =	ssyncset.done @!p0 $0x0  }
0x19e: {  	[sflag:s0] =	ssyncadd.s32 @!p0 s1  }
0x19f: {  	[bflag:$0x3] =	sbarrier.arrive $0xFFFF  }
0x1a0: {  	_ =	shalt  }

// kernel: kernel.7.cloned.1.call-start
scs
__scs_entry_jumppad:
0x0: {  	(pc) =	sbr.rel $0x88, $3  }
0x1: {  	(tag) =	ssettag $0x0;
	lr =	simm.s32 $0x1  }
0x2: {  	[smem:$0x3F99] =	sst lr;
	_ =	strace $0xD0000000  }
0x3: {  	_ = 	snop  }
0x4: {  	_ = 	snop  }
0x5: {  	_ = 	snop  }
0x6: {  	_ = 	snop  }
0x7: {  	_ = 	snop  }
__scs_overlays_trampoline_lowered:
0x8: {  	[smem:$0x3FA8] =	sst s0  }
0x9: {  	[smem:$0x3FA9] =	sst s1  }
0xa: {  	[smem:$0x3FAA] =	sst s2  }
0xb: {  	[smem:$0x3FAB] =	sst s3  }
0xc: {  	[smem:$0x3FAC] =	sst s4  }
0xd: {  	[smem:$0x3FAD] =	sst s5  }
0xe: {  	[smem:$0x3FAE] =	sst s6  }
0xf: {  	[smem:$0x3FAF] =	sst s7  }
0x10: {  	[smem:$0x3FB0] =	sst s8  }
0x11: {  	[smem:$0x3FB1] =	sst s9;
	s0 =	simm.s32 @!p0 $0x0  }
0x12: {  	s1 =	sld [smem:$0x3F97];
	s0 =	simm.s32 @p0 $0x1  }
0x13: {  	[smem:$0x3FB2] =	sst s0;
	s0 =	simm.s32 @!p1 $0x0  }
0x14: {  	s2 =	sld [smem:$0x3F96];
	s0 =	simm.s32 @p1 $0x1  }
0x15: {  	[smem:$0x3FB3] =	sst s0;
	s0 =	simm.s32 @!p2 $0x0  }
0x16: {  	s3 =	sld [smem:$0x3FDB];
	s0 =	simm.s32 @p2 $0x1  }
0x17: {  	s4 =	simm.s32 $0x1BF5;
	[smem:$0x3FB5] =	sst s0  }
0x18: {  	s0 =	sld [smem:$0x3F98];
	_ =	swait.ge [sflag:s4], $0x0  }
0x19: {  	s7 =	sld [smem:$0x3F99]  }
0x1a: {  	s8 =	sadd.s32 $0xFFFFE003, lr  }
0x1b: {  	s9 =	sadd.s32 $0xFFFFFEF7, lr;
	s5 =	simm.s32 $0xFFFFFFFF;
	p2 =	slt.u32 s8, $0xFFFFF086  }
0x1c: {  	p1 =	slt.u32 s9, $0xF7A;
	s5 =	simm.s32 @!p2 $0x0  }
0x1d: {  	s5 =	simm.s32 @p1 $0x1;
	p0 =	seq.s32 s7, s2  }
0x1e: {  	s7 =	smul.u32 @!p0 $0xF7A, s2;
	p2 =	seq.s32 @!p0 s5, $0x0  }
0x1f: {  	s9 =	smul.u32 $0xF7A, s1;
	s8 =	simm.s32 @!p0 $0x1BF5;
	p2 =	por !p2, p0  }
0x20: {  	[sflag:s8] =	ssyncset.s32 @!p0 $0xFFFFF086;
	s6 =	sadd.s32 @!p0 s3, s7;
	s7 =	simm.s32 @!p0 $0x108  }
0x21: {  	s3 =	sadd.s32 s3, s9;
	s6 =	sadd.s32 @!p0 $0x88, s6;
	s7 =	simm.s32 @p2 $0x1082  }
0x22: {  	[simem:s7], [sflag:s8] =	dma.local @!p0 [hbm:s6], $0xF7A  }
0x23: {  	s9 =	sor.u32 $0xD0000000, s2;
	s6 =	simm.s32 $0x108;
	_ =	swait.ge @!p0 [sflag:s8], $0x0  }
0x24: {  	s3 =	sadd.s32 $0x88, s3;
	s6 =	simm.s32 @!p1 $0x1082;
	[sflag:s4] =	ssyncset.s32 $0xFFFFF086  }
0x25: {  	[simem:s6], [sflag:s4] =	dma.local [hbm:s3], $0xF7A  }
0x26: {  	[smem:$0x3F99] =	sst s1;
	(tag) =	ssettag s2;
	_ =	strace s9  }
0x27: {  	s1 =	sld [smem:$0x3FA9]  }
0x28: {  	s2 =	sld [smem:$0x3FAA]  }
0x29: {  	s4 =	sld [smem:$0x3FAC]  }
0x2a: {  	p0 =	seq.s32 s5, $0x0;
	s5 =	sld [smem:$0x3FAD]  }
0x2b: {  	s6 =	sld [smem:$0x3FAE]  }
0x2c: {  	s7 =	sld [smem:$0x3FAF]  }
0x2d: {  	s3 =	simm.s32 $0x108;
	s8 =	sld [smem:$0x3FB0]  }
0x2e: {  	s3 =	simm.s32 @!p0 $0x1082;
	s9 =	sld [smem:$0x3FB1]  }
0x2f: {  	lr =	sadd.s32 s0, s3;
	s0 =	sld [smem:$0x3FA8]  }
0x30: {  	s3 =	sld [smem:$0x3FAB]  }
0x31: {  	[smem:$0x3FB4] =	sst s10  }
0x32: {  	s10 =	sld [smem:$0x3FB2];
	_ =	sdelay $0x3  }
0x33: {  	p0 =	seq.s32 s10, $0x1;
	s10 =	sld [smem:$0x3FB4];
	_ =	sdelay $0x3  }
0x34: {  	[smem:$0x3FB4] =	sst s10  }
0x35: {  	s10 =	sld [smem:$0x3FB3];
	_ =	sdelay $0x3  }
0x36: {  	p1 =	seq.s32 s10, $0x1;
	s10 =	sld [smem:$0x3FB4];
	_ =	sdelay $0x3  }
0x37: {  	[smem:$0x3FB4] =	sst s10  }
0x38: {  	s10 =	sld [smem:$0x3FB5]  }
0x39: {  	_ = 	snop;
	(pc) =	sbr.ind lr, $3  }
0x3a: {  	_ = 	snop  }
0x3b: {  	_ = 	snop  }
0x3c: {  	p2 =	seq.s32 s10, $0x1;
	s10 =	sld [smem:$0x3FB4]  }
0x3d: {  	_ =	shalt  }
0x3e: {  	_ =	shalt  }
0x3f: {  	_ =	shalt  }
0x40: {  	_ =	shalt  }
0x41: {  	_ =	shalt  }
0x42: {  	_ =	shalt  }
0x43: {  	_ =	shalt  }
0x44: {  	_ =	shalt  }
0x45: {  	_ =	shalt  }
0x46: {  	_ =	shalt  }
0x47: {  	_ =	shalt  }
0x48: {  	_ =	shalt  }
0x49: {  	_ =	shalt  }
0x4a: {  	_ =	shalt  }
0x4b: {  	_ =	shalt  }
0x4c: {  	_ =	shalt  }
0x4d: {  	_ =	shalt  }
0x4e: {  	_ =	shalt  }
0x4f: {  	_ =	shalt  }
0x50: {  	_ =	shalt  }
0x51: {  	_ =	shalt  }
0x52: {  	_ =	shalt  }
0x53: {  	_ =	shalt  }
0x54: {  	_ =	shalt  }
0x55: {  	_ =	shalt  }
0x56: {  	_ =	shalt  }
0x57: {  	_ =	shalt  }
0x58: {  	_ =	shalt  }
0x59: {  	_ =	shalt  }
0x5a: {  	_ =	shalt  }
0x5b: {  	_ =	shalt  }
0x5c: {  	_ =	shalt  }
0x5d: {  	_ =	shalt  }
0x5e: {  	_ =	shalt  }
0x5f: {  	_ =	shalt  }
0x60: {  	_ =	shalt  }
0x61: {  	_ =	shalt  }
0x62: {  	_ =	shalt  }
0x63: {  	_ =	shalt  }
0x64: {  	_ =	shalt  }
0x65: {  	_ =	shalt  }
0x66: {  	_ =	shalt  }
0x67: {  	_ =	shalt  }
0x68: {  	_ =	shalt  }
0x69: {  	_ =	shalt  }
0x6a: {  	_ =	shalt  }
0x6b: {  	_ =	shalt  }
0x6c: {  	_ =	shalt  }
0x6d: {  	_ =	shalt  }
0x6e: {  	_ =	shalt  }
0x6f: {  	_ =	shalt  }
0x70: {  	_ =	shalt  }
0x71: {  	_ =	shalt  }
0x72: {  	_ =	shalt  }
0x73: {  	_ =	shalt  }
0x74: {  	_ =	shalt  }
0x75: {  	_ =	shalt  }
0x76: {  	_ =	shalt  }
0x77: {  	_ =	shalt  }
0x78: {  	_ =	shalt  }
0x79: {  	_ =	shalt  }
0x7a: {  	_ =	shalt  }
0x7b: {  	_ =	shalt  }
0x7c: {  	_ =	shalt  }
0x7d: {  	_ =	shalt  }
0x7e: {  	_ =	shalt  }
0x7f: {  	_ =	shalt  }
0x80: {  	_ =	shalt  }
0x81: {  	_ =	shalt  }
0x82: {  	_ =	shalt  }
0x83: {  	_ =	shalt  }
0x84: {  	_ =	shalt  }
0x85: {  	_ =	shalt  }
0x86: {  	_ =	shalt  }
0x87: {  	_ =	shalt  }
.Lfunc_end0:
.L_simem_size_0:
called_computation_lowered:
.L_overlay_start_0:
0x88: {  	s2 =	sld [smem:$0x3FD9]  }
0x89: {  	s3 =	sld [smem:$0x3FFE];
	_ =	sdelay $0x1  }
0x8a: {  	s1 =	srdreg.scid  }
0x8b: {  	s0 =	sand.u32 $0x1, s1  }
0x8c: {  	s17 =	sshll.u32 s0, $0xA;
	s2 =	sadd.s32 s3, s2  }
0x8d: {  	s2 =	sadd.s32 s2, s17  }
0x8e: {  	[smem:$0x3FC0] =	sst s2  }
0x8f: {  	_ = 	snop  }
0x90: {  	s2 =	sld [smem:$0x3FD0];
	(tm) =	ssettm $0x1  }
0x91: {  	s18 =	sld [smem:$0x3FFB];
	_ =	sdelay $0x3  }
0x92: {  	_ =	strace s18  }
0x93: {  	s3 =	sld [smem:$0x3FFC];
	_ =	sdelay $0x3  }
0x94: {  	_ =	strace s3  }
0x95: {  	s3 =	sld [smem:$0x3FFD];
	_ =	sdelay $0x3  }
0x96: {  	_ =	strace s3  }
0x97: {  	_ =	strace $0x8FFFFFFF  }
0x98: {  	s19 =	sld [smem:$0x3FDB];
	_ =	sdelay $0x1  }
0x99: {  	s4 =	simm.s32 $_scs_section_size  }
0x9a: {  	s5 =	simm.s32 $_size__tile_overlayer_lowered;
	s6 =	simm.s32 $_tile_overlayer_lowered  }
0x9b: {  	s22 =	simm.s32 $0x1BFF;
	s21 =	sshll.u32 s6, $0x1;
	s3 =	sadd.s32 s4, s19  }
0x9c: {  	s7 =	simm.s32 $0x0;
	s20 =	sshll.u32 s5, $0x1;
	s5 =	sadd.s32 s21, s3  }
0x9d: {  	[timem:s7], [sflag:s22] =	dma.local [hbm:s5], s20  }
0x9e: {  	_ =	swait.ge [sflag:s22], s20  }
0x9f: {  	s4 =	ssub.s32 $0x0, s20;
	[sflag:s22] =	ssyncset.done $0x0  }
0xa0: {  	[sflag:s22] =	ssyncadd.s32 s4;
	_ =	sdelay $0x1  }
0xa1: {  	s23 =	simm.s32 $0x1B8B  }
0xa2: {  	_ =	swait.ge [sflag:s23], $0x1  }
0xa3: {  	[sflag:s23] =	ssyncset.done $0x0  }
0xa4: {  	s25 =	simm.s32 $0x1B8E;
	s24 =	sld [smem:$0x3FFE];
	[sflag:s23] =	ssyncadd.s32 $0xFFFFFFFF  }
0xa5: {  	s26 =	simm.s32 $execute0_lowered;
	[smem:$0x3FD2] =	sst s25  }
0xa6: {  	s5 =	sshll.u32 s26, $0x1;
	_ =	strace $0x80000046;
	[dreg:$0x1] =	wrdreg $0xFFFFFFFF  }
0xa7: {  	s28 =	simm.s32 $_size_execute0_lowered;
	s3 =	sadd.s32 s3, s5;
	[dreg:$0x0] =	wrdreg $0x0  }
0xa8: {  	s5 =	sshll.u32 s28, $0x1;
	[dreg:$0x2] =	wrdreg s3  }
0xa9: {  	[dreg:$0x3] =	wrdreg s5  }
0xaa: {  	[dreg:$0x4] =	wrdreg $0xC0  }
0xab: {  	_ =	task [dreg:s7], $0x5FFFF  }
0xac: {  	[dreg:$0x1] =	wrdreg $0xFFFFFFFF  }
0xad: {  	[dreg:$0x0] =	wrdreg $0x60  }
0xae: {  	[dreg:$0x2] =	wrdreg s24  }
0xaf: {  	[dreg:$0x3] =	wrdreg s2  }
0xb0: {  	[dreg:$0x4] =	wrdreg $0x41000  }
0xb1: {  	[dreg:$0x5] =	wrdreg $0x9  }
0xb2: {  	_ =	task.clear_ibuf [dreg:s7], $0x6FFFF;
	_ =	strace $0x90000046  }
0xb3: {  	s29 =	simm.s32 $0x9;
	_ =	strace $0x80000048  }
0xb4: {  	_ =	swait.ge [sflag:s29], $0x1  }
0xb5: {  	[sflag:s29] =	ssyncadd.s32 $0xFFFFFFFF  }
0xb6: {  	_ =	strace $0x90000048  }
0xb7: {  	_ =	sfence  }
0xb8: {  	s30 =	sld [smem:$0x0];
	_ =	sdelay $0x2  }
0xb9: {  	s31 =	sshll.u32 s1, $0xD;
	s1 =	sshrl.u32 s1, $0x2  }
0xba: {  	s3 =	sand.u32 $0x4000, s31;
	s1 =	sadd.s32 s1, s30  }
0xbb: {  	s0 =	sor.u32 s3, s0;
	s1 =	sshll.u32 s1, $0x11  }
0xbc: {  	s0 =	sor.u32 s1, s0  }
0xbd: {  	s0 =	sadd.s32 $0x8F2B, s0  }
0xbe: {  	[sflag:s0] =	ssyncadd.remote.s32 $0x1  }
0xbf: {  	_ =	sfence.sel $0xFFFF  }
0xc0: {  	[dreg:$0x0] =	wrdreg $0xFFFFFFFF;
	(pc) =	sbr.abs _section_cstart, $3  }
0xc1: {  	[dreg:$0x1] =	wrdreg $0xFFFFFFFF  }
0xc2: {  	_ =	task.clear_ibuf [dreg:s7], $0x2FFFF;
	_ =	strace $0x9FFFFFFF  }
0xc3: {  	(tm) =	ssettm $0x7FFFFFFF  }
tec
execute0_lowered:
.L_overlay_start_1:
0x0: {  	(tag) =	ssettag $0x1  }
0x1: {  	s4 =	rddreg [dreg:$0x0]  }
0x2: {  	s13 =	rddreg [dreg:$0x1]  }
0x3: {  	s1 =	rddreg [dreg:$0x2]  }
0x4: {  	s0 =	rddreg [dreg:$0x3]  }
0x5: {  	s3 =	simm.s32 $0x0;
	s5 =	srdreg.scid;
	s2 =	stileid.u32  }
0x6: {  	s16 =	simm.s32 $0x4080;
	s17 =	simm.s32 $0x50;
	s18 =	simm.s32 $0x4000  }
0x7: {  	s21 =	simm.s32 $0x0;
	[smem:$0x7FF] =	sst s3;
	s5 =	sand.u32 $0x1, s5  }
0x8: {  	s6 =	sshll.u32 s2, $0xB;
	s9 =	smul.u32 $0x280, s2;
	s19 =	sshll.u32 s2, $0x6  }
0x9: {  	_ =	strace $0x80000047;
	s7 =	ssub.s32 $0x2, s5;
	s4 =	sadd.s32 s6, s4  }
0xa: {  	s8 =	sshll.u32 s5, $0xF;
	s10 =	smul.u32 $0x2800, s5;
	s19 =	sor.u32 $0x1C01, s19  }
0xb: {  	s31 =	sshrl.u32 s7, $0x1;
	s8 =	sadd.s32 s8, s4;
	s4 =	sadd.s32 s9, s1  }
0xc: {  	s14 =	ssub.s32 s7, s31;
	s5 =	sadd.s32 $0x1E00, s8;
	s6 =	sadd.s32 $0x50, s4  }
0xd: {  	s7 =	sadd.s32 $0xA0, s4;
	s8 =	sadd.s32 $0xF0, s4;
	s11 =	sadd.s32 s9, s10  }
0xe: {  	s9 =	sadd.s32 $0x140, s4;
	s10 =	sadd.s32 $0x190, s4;
	s12 =	sadd.s32 $0x230, s4  }
0xf: {  	s20 =	sshrl.u32 s4, $0x3;
	s15 =	sshrl.u32 s11, $0x3;
	s11 =	sadd.s32 $0x1E0, s4  }
0x10: {  	v0 =	vimm.f32 $1.000000000e+00;
	v1 =	vimm.f32 $0.0e+00;
	s14 =	smax.u32 s14, $0x1;
	s13 =	sadd.s32 s13, s15;
	s15 =	simm.s32 $0x1  }
.LBB2_1:
0x11: {  	[tilespmem:$0x4000] =	vst v0  }
0x12: {  	[tilespmem:$0x4080] =	vst v1  }
0x13: {  	[tilespmem:$0x4010] =	vst v0  }
0x14: {  	[tilespmem:$0x4090] =	vst v1  }
0x15: {  	[tilespmem:$0x4020] =	vst v0  }
0x16: {  	[tilespmem:$0x40A0] =	vst v1  }
0x17: {  	[tilespmem:$0x4030] =	vst v0  }
0x18: {  	[tilespmem:$0x40B0] =	vst v1  }
0x19: {  	[tilespmem:$0x4040] =	vst v0  }
0x1a: {  	[tilespmem:$0x40C0] =	vst v1  }
0x1b: {  	[tilespmem:s3], [sflag:$0x1] =	stream.linear.gather [hbm4b:s5+s3], $0x4000, $0x38;
	[tilespmem:$0x4380] =	vst v63  }
0x1c: {  	_ =	swait.ge [sflag:s15], $0x4000  }
0x1d: {  	[sflag:s15] =	ssyncset.done $0x0  }
0x1e: {  	[sflag:s15] =	ssyncadd.s32 $0xFFFFC000  }
0x1f: {  	[spmem:s4] =	stream.linear.scatter [tilespmem:s16], [sflag:$0x1], $0x50, $0x38;
	[tilespmem:$0x4380] =	vst v63  }
0x20: {  	_ =	swait.ge [sflag:s15], $0x50  }
0x21: {  	[sflag:s15] =	ssyncset.done $0x0  }
0x22: {  	[sflag:s15] =	ssyncadd.s32 $0xFFFFFFB0  }
0x23: {  	[spmem:s6] =	stream.linear.scatter [tilespmem:s16], [sflag:$0x1], $0x50, $0x38;
	[tilespmem:$0x4380] =	vst v63  }
0x24: {  	_ =	swait.ge [sflag:s15], $0x50  }
0x25: {  	[sflag:s15] =	ssyncset.done $0x0  }
0x26: {  	[sflag:s15] =	ssyncadd.s32 $0xFFFFFFB0  }
0x27: {  	[spmem:s7] =	stream.linear.scatter [tilespmem:s16], [sflag:$0x1], $0x50, $0x38;
	[tilespmem:$0x4380] =	vst v63  }
0x28: {  	_ =	swait.ge [sflag:s15], $0x50  }
0x29: {  	[sflag:s15] =	ssyncset.done $0x0  }
0x2a: {  	[sflag:s15] =	ssyncadd.s32 $0xFFFFFFB0  }
0x2b: {  	[spmem:s8] =	stream.linear.scatter [tilespmem:s16], [sflag:$0x1], $0x50, $0x38;
	[tilespmem:$0x4380] =	vst v63  }
0x2c: {  	_ =	swait.ge [sflag:s15], $0x50  }
0x2d: {  	[sflag:s15] =	ssyncset.done $0x0  }
0x2e: {  	[sflag:s15] =	ssyncadd.s32 $0xFFFFFFB0  }
0x2f: {  	[spmem:s9] =	stream.linear.scatter [tilespmem:s16], [sflag:$0x1], $0x50, $0x38;
	[tilespmem:$0x4380] =	vst v63  }
0x30: {  	_ =	swait.ge [sflag:s15], $0x50  }
0x31: {  	[sflag:s15] =	ssyncset.done $0x0  }
0x32: {  	[sflag:s15] =	ssyncadd.s32 $0xFFFFFFB0  }
0x33: {  	[spmem:s10] =	stream.linear.scatter [tilespmem:s16], [sflag:$0x1], $0x50, $0x38;
	[tilespmem:$0x4380] =	vst v63  }
0x34: {  	_ =	swait.ge [sflag:s15], $0x50  }
0x35: {  	[sflag:s15] =	ssyncset.done $0x0  }
0x36: {  	[sflag:s15] =	ssyncadd.s32 $0xFFFFFFB0  }
0x37: {  	[spmem:s11] =	stream.linear.scatter [tilespmem:s16], [sflag:$0x1], $0x50, $0x38;
	[tilespmem:$0x4380] =	vst v63  }
0x38: {  	_ =	swait.ge [sflag:s15], $0x50  }
0x39: {  	[sflag:s15] =	ssyncset.done $0x0  }
0x3a: {  	[sflag:s15] =	ssyncadd.s32 $0xFFFFFFB0  }
0x3b: {  	[spmem:s12] =	stream.linear.scatter [tilespmem:s16], [sflag:$0x1], $0x50, $0x38;
	[tilespmem:$0x4380] =	vst v63  }
0x3c: {  	_ =	swait.ge [sflag:s15], $0x50  }
0x3d: {  	[sflag:s15] =	ssyncset.done $0x0  }
0x3e: {  	[sflag:s15] =	ssyncadd.s32 $0xFFFFFFB0  }
0x3f: {  	s22 =	simm.s32 $0x0;
	[bflag:$0x0] =	sbarrier.arrive $0xFFFF  }
0x40: {  	[spmem:s1] =	stream.indirect.scatter.add.f32 [tilespmem:s18], [sflag:$0x1], $0x1, s22, s17, $0xb8;
	[tilespmem:$0x4380] =	vst v63  }
0x41: {  	_ =	swait.ge [sflag:s15], $0x50  }
0x42: {  	[sflag:s15] =	ssyncset.done $0x0  }
0x43: {  	s24 =	simm.s32 $0x80;
	[sflag:s15] =	ssyncadd.s32 $0xFFFFFFB0  }
0x44: {  	[spmem:s1] =	stream.indirect.scatter.add.f32 [tilespmem:s18], [sflag:$0x1], $0x1, s24, s17, $0xb8;
	[tilespmem:$0x4380] =	vst v63  }
0x45: {  	_ =	swait.ge [sflag:s15], $0x50  }
0x46: {  	[sflag:s15] =	ssyncset.done $0x0  }
0x47: {  	s25 =	simm.s32 $0x100;
	[sflag:s15] =	ssyncadd.s32 $0xFFFFFFB0  }
0x48: {  	[spmem:s1] =	stream.indirect.scatter.add.f32 [tilespmem:s18], [sflag:$0x1], $0x1, s25, s17, $0xb8;
	[tilespmem:$0x4380] =	vst v63  }
0x49: {  	_ =	swait.ge [sflag:s15], $0x50  }
0x4a: {  	[sflag:s15] =	ssyncset.done $0x0  }
0x4b: {  	s26 =	simm.s32 $0x180;
	[sflag:s15] =	ssyncadd.s32 $0xFFFFFFB0  }
0x4c: {  	[spmem:s1] =	stream.indirect.scatter.add.f32 [tilespmem:s18], [sflag:$0x1], $0x1, s26, s17, $0xb8;
	[tilespmem:$0x4380] =	vst v63  }
0x4d: {  	_ =	swait.ge [sflag:s15], $0x50  }
0x4e: {  	[sflag:s15] =	ssyncset.done $0x0  }
0x4f: {  	s28 =	simm.s32 $0x200;
	[sflag:s15] =	ssyncadd.s32 $0xFFFFFFB0  }
0x50: {  	[spmem:s1] =	stream.indirect.scatter.add.f32 [tilespmem:s18], [sflag:$0x1], $0x1, s28, s17, $0xb8;
	[tilespmem:$0x4380] =	vst v63  }
0x51: {  	_ =	swait.ge [sflag:s15], $0x50  }
0x52: {  	[sflag:s15] =	ssyncset.done $0x0  }
0x53: {  	s29 =	simm.s32 $0x280;
	[sflag:s15] =	ssyncadd.s32 $0xFFFFFFB0  }
0x54: {  	[spmem:s1] =	stream.indirect.scatter.add.f32 [tilespmem:s18], [sflag:$0x1], $0x1, s29, s17, $0xb8;
	[tilespmem:$0x4380] =	vst v63  }
0x55: {  	_ =	swait.ge [sflag:s15], $0x50  }
0x56: {  	[sflag:s15] =	ssyncset.done $0x0  }
0x57: {  	s30 =	simm.s32 $0x300;
	[sflag:s15] =	ssyncadd.s32 $0xFFFFFFB0  }
0x58: {  	[spmem:s1] =	stream.indirect.scatter.add.f32 [tilespmem:s18], [sflag:$0x1], $0x1, s30, s17, $0xb8;
	[tilespmem:$0x4380] =	vst v63  }
0x59: {  	_ =	swait.ge [sflag:s15], $0x50  }
0x5a: {  	[sflag:s15] =	ssyncset.done $0x0  }
0x5b: {  	s31 =	simm.s32 $0x380;
	[sflag:s15] =	ssyncadd.s32 $0xFFFFFFB0  }
0x5c: {  	[spmem:s1] =	stream.indirect.scatter.add.f32 [tilespmem:s18], [sflag:$0x1], $0x1, s31, s17, $0xb8;
	[tilespmem:$0x4380] =	vst v63  }
0x5d: {  	_ =	swait.ge [sflag:s15], $0x50  }
0x5e: {  	s22 =	simm.s32 $0x1000;
	s25 =	simm.s32 $0x2000;
	[sflag:s15] =	ssyncset.done $0x0  }
.LBB2_2:
0x5f: {  	s24 =	sshra.s32 s22, $0x2  }
0x60: {  	[sflag:s15] =	ssyncadd.s32 $0xFFFFFFB0;
	s22 =	smov.u32 s25;
	s23 =	sadd.s32 $0x1000, s25  }
0x61: {  	[spmem:s1] =	stream.indirect.scatter.add.f32 [tilespmem:s18], [sflag:$0x1], $0x1, s24, s17, $0xb8;
	[tilespmem:$0x4380] =	vst v63  }
0x62: {  	p0 =	sne.s32 s25, $0xF000;
	_ =	swait.ge [sflag:s15], $0x50  }
0x63: {  	[sflag:s15] =	ssyncset.done $0x0  }
0x64: {  	s25 =	sadd.s32 $0x80, s24;
	[sflag:s15] =	ssyncadd.s32 $0xFFFFFFB0  }
0x65: {  	[spmem:s1] =	stream.indirect.scatter.add.f32 [tilespmem:s18], [sflag:$0x1], $0x1, s25, s17, $0xb8;
	[tilespmem:$0x4380] =	vst v63  }
0x66: {  	_ =	swait.ge [sflag:s15], $0x50  }
0x67: {  	[sflag:s15] =	ssyncset.done $0x0  }
0x68: {  	s25 =	sadd.s32 $0x100, s24;
	[sflag:s15] =	ssyncadd.s32 $0xFFFFFFB0  }
0x69: {  	[spmem:s1] =	stream.indirect.scatter.add.f32 [tilespmem:s18], [sflag:$0x1], $0x1, s25, s17, $0xb8;
	[tilespmem:$0x4380] =	vst v63  }
0x6a: {  	_ =	swait.ge [sflag:s15], $0x50  }
0x6b: {  	[sflag:s15] =	ssyncset.done $0x0  }
0x6c: {  	s25 =	sadd.s32 $0x180, s24;
	[sflag:s15] =	ssyncadd.s32 $0xFFFFFFB0  }
0x6d: {  	[spmem:s1] =	stream.indirect.scatter.add.f32 [tilespmem:s18], [sflag:$0x1], $0x1, s25, s17, $0xb8;
	[tilespmem:$0x4380] =	vst v63  }
0x6e: {  	_ =	swait.ge [sflag:s15], $0x50  }
0x6f: {  	[sflag:s15] =	ssyncset.done $0x0  }
0x70: {  	s25 =	sadd.s32 $0x200, s24;
	[sflag:s15] =	ssyncadd.s32 $0xFFFFFFB0  }
0x71: {  	[spmem:s1] =	stream.indirect.scatter.add.f32 [tilespmem:s18], [sflag:$0x1], $0x1, s25, s17, $0xb8;
	[tilespmem:$0x4380] =	vst v63  }
0x72: {  	_ =	swait.ge [sflag:s15], $0x50  }
0x73: {  	[sflag:s15] =	ssyncset.done $0x0  }
0x74: {  	s25 =	sadd.s32 $0x280, s24;
	[sflag:s15] =	ssyncadd.s32 $0xFFFFFFB0  }
0x75: {  	[spmem:s1] =	stream.indirect.scatter.add.f32 [tilespmem:s18], [sflag:$0x1], $0x1, s25, s17, $0xb8;
	[tilespmem:$0x4380] =	vst v63  }
0x76: {  	_ =	swait.ge [sflag:s15], $0x50  }
0x77: {  	[sflag:s15] =	ssyncset.done $0x0  }
0x78: {  	s25 =	sadd.s32 $0x300, s24;
	[sflag:s15] =	ssyncadd.s32 $0xFFFFFFB0  }
0x79: {  	[spmem:s1] =	stream.indirect.scatter.add.f32 [tilespmem:s18], [sflag:$0x1], $0x1, s25, s17, $0xb8;
	[tilespmem:$0x4380] =	vst v63  }
0x7a: {  	_ =	swait.ge [sflag:s15], $0x50  }
.Ltmp0:
0x7b: {  	[sflag:s15] =	ssyncset.done $0x0;
	(pc) =	sbr.rel @p0 .LBB2_2-.Ltmp0, $4  }
0x7c: {  	s24 =	sadd.s32 $0x380, s24;
	[sflag:s15] =	ssyncadd.s32 $0xFFFFFFB0  }
0x7d: {  	[spmem:s1] =	stream.indirect.scatter.add.f32 [tilespmem:s18], [sflag:$0x1], $0x1, s24, s17, $0xb8;
	[tilespmem:$0x4380] =	vst v63  }
0x7e: {  	_ =	swait.ge [sflag:s15], $0x50  }
0x7f: {  	s25 =	smov.u32 s23;
	[sflag:s15] =	ssyncset.done $0x0  }
0x80: {  	s22 =	sshra.s32 s22, $0x2;
	[sflag:s15] =	ssyncadd.s32 $0xFFFFFFB0  }
0x81: {  	[spmem:s1] =	stream.indirect.scatter.add.f32 [tilespmem:s18], [sflag:$0x1], $0x1, s22, s17, $0xb8;
	[tilespmem:$0x4380] =	vst v63  }
0x82: {  	_ =	swait.ge [sflag:s15], $0x50  }
0x83: {  	[sflag:s15] =	ssyncset.done $0x0  }
0x84: {  	s23 =	sadd.s32 $0x80, s22;
	[sflag:s15] =	ssyncadd.s32 $0xFFFFFFB0  }
0x85: {  	[spmem:s1] =	stream.indirect.scatter.add.f32 [tilespmem:s18], [sflag:$0x1], $0x1, s23, s17, $0xb8;
	[tilespmem:$0x4380] =	vst v63  }
0x86: {  	_ =	swait.ge [sflag:s15], $0x50  }
0x87: {  	[sflag:s15] =	ssyncset.done $0x0  }
0x88: {  	s26 =	sadd.s32 $0x100, s22;
	[sflag:s15] =	ssyncadd.s32 $0xFFFFFFB0  }
0x89: {  	[spmem:s1] =	stream.indirect.scatter.add.f32 [tilespmem:s18], [sflag:$0x1], $0x1, s26, s17, $0xb8;
	[tilespmem:$0x4380] =	vst v63  }
0x8a: {  	_ =	swait.ge [sflag:s15], $0x50  }
0x8b: {  	[sflag:s15] =	ssyncset.done $0x0  }
0x8c: {  	s28 =	sadd.s32 $0x180, s22;
	[sflag:s15] =	ssyncadd.s32 $0xFFFFFFB0  }
0x8d: {  	[spmem:s1] =	stream.indirect.scatter.add.f32 [tilespmem:s18], [sflag:$0x1], $0x1, s28, s17, $0xb8;
	[tilespmem:$0x4380] =	vst v63  }
0x8e: {  	_ =	swait.ge [sflag:s15], $0x50  }
0x8f: {  	[sflag:s15] =	ssyncset.done $0x0  }
0x90: {  	s29 =	sadd.s32 $0x200, s22;
	[sflag:s15] =	ssyncadd.s32 $0xFFFFFFB0  }
0x91: {  	[spmem:s1] =	stream.indirect.scatter.add.f32 [tilespmem:s18], [sflag:$0x1], $0x1, s29, s17, $0xb8;
	[tilespmem:$0x4380] =	vst v63  }
0x92: {  	_ =	swait.ge [sflag:s15], $0x50  }
0x93: {  	[sflag:s15] =	ssyncset.done $0x0  }
0x94: {  	s30 =	sadd.s32 $0x280, s22;
	[sflag:s15] =	ssyncadd.s32 $0xFFFFFFB0  }
0x95: {  	[spmem:s1] =	stream.indirect.scatter.add.f32 [tilespmem:s18], [sflag:$0x1], $0x1, s30, s17, $0xb8;
	[tilespmem:$0x4380] =	vst v63  }
0x96: {  	_ =	swait.ge [sflag:s15], $0x50  }
0x97: {  	[sflag:s15] =	ssyncset.done $0x0  }
0x98: {  	s31 =	sadd.s32 $0x300, s22;
	[sflag:s15] =	ssyncadd.s32 $0xFFFFFFB0  }
0x99: {  	[spmem:s1] =	stream.indirect.scatter.add.f32 [tilespmem:s18], [sflag:$0x1], $0x1, s31, s17, $0xb8;
	[tilespmem:$0x4380] =	vst v63  }
0x9a: {  	_ =	swait.ge [sflag:s15], $0x50  }
0x9b: {  	[sflag:s15] =	ssyncset.done $0x0  }
0x9c: {  	s22 =	sadd.s32 $0x380, s22;
	[sflag:s15] =	ssyncadd.s32 $0xFFFFFFB0  }
0x9d: {  	[spmem:s1] =	stream.indirect.scatter.add.f32 [tilespmem:s18], [sflag:$0x1], $0x1, s22, s17, $0xb8;
	[tilespmem:$0x4380] =	vst v63  }
0x9e: {  	_ =	swait.ge [sflag:s15], $0x50  }
0x9f: {  	s21 =	sadd.s32 $0x1, s21;
	[sflag:s15] =	ssyncset.done $0x0  }
0xa0: {  	p0 =	sne.s32 s21, s14;
	[sflag:s15] =	ssyncadd.s32 $0xFFFFFFB0  }
.Ltmp1:
0xa1: {  	[bflag:$0x0] =	sbarrier.arrive $0xFFFF;
	(pc) =	sbr.rel @p0 .LBB2_1-.Ltmp1, $4  }
0xa2: {  	[hbm:s13], [sflag:s19] =	dma.local [spmem:s20], $0x50  }
0xa3: {  	_ =	swait.ge [sflag:s15], $0x50  }
0xa4: {  	[sflag:s15] =	ssyncset.done $0x0  }
0xa5: {  	[sflag:s15] =	ssyncadd.s32 $0xFFFFFFB0  }
0xa6: {  	_ =	sfence.sel $0x180000  }
0xa7: {  	[bflag:$0x0] =	sbarrier.arrive $0xFFFF  }
0xa8: {  	p0 =	sne.s32 s2, $0x0;
	_ =	strace $0x90000047  }
0xa9: {  	s0 =	sadd.s32 @!p0 $0x100000, s0;
	[bflag:$0x2] =	sbarrier.arrive $0xFFFF  }
0xaa: {  	[sflag:s0] =	ssyncadd.tile.s32 @!p0 $0x1;
	_ =	shalt  }
.Lfunc_end2:
_tile_overlayer_lowered:
.L_overlay_start_2:
0xab: {  	(tag) =	ssettag $0x2  }
0xac: {  	s0 =	rddreg [dreg:$0x0];
	s2 =	stileid.u32  }
0xad: {  	s1 =	rddreg [dreg:$0x1];
	p0 =	sne.s32 s2, $0x0  }
0xae: {  	s3 =	rddreg [dreg:$0x2];
	[bflag:$0x3] =	sbarrier.arrive $0xFFFF;
	s2 =	simm.s32 @!p0 $0x1C01  }
0xaf: {  	[timem:s3], [sflag:s2] =	dma.local @!p0 [hbm:s0], s1  }
0xb0: {  	s0 =	simm.s32 @!p0 $0x1  }
0xb1: {  	_ =	swait.ge @!p0 [sflag:s0], s1  }
0xb2: {  	s1 =	ssub.s32 @!p0 $0x0, s1;
	[sflag:s0] =	ssyncset.done @!p0 $0x0  }
0xb3: {  	[sflag:s0] =	ssyncadd.s32 @!p0 s1  }
0xb4: {  	[bflag:$0x3] =	sbarrier.arrive $0xFFFF  }
0xb5: {  	_ =	shalt  }

</sc_bundles>
